<compile_context>
chip_gen: v7x
topology: tpu7x:2x2x1
jax: 0.10.2.dev20260603
libtpu: 0.0.44.dev20260713+nightly
codegen_flags: <defaults>
</compile_context>

<pallas_src>
import functools

import jax
import jax.numpy as jnp
from jax import lax
from jax.experimental import pallas as pl
from jax.experimental.pallas import tpu as pltpu
from jax.experimental.pallas import tpu_sc as plsc

_N = 10000
_F = 128
_E = 320000
_NC = 2
_NS = 16
_L = 16
_NW = _NC * _NS
_DPAD = 12288
_HALF = _DPAD // _NC
_RED = _HALF // _NS
_DRW = 156
_KB = 128
_NBLK = _E // _KB
_BPW = 78
_CH = 13
_NCH = _BPW // _CH
_XTRA = _NW * _BPW
_NPAD = 10240
_ROWS = _NPAD // _NS
_BMR = 256
_BMC = 10240

_sc_mesh = plsc.VectorSubcoreMesh(
    core_axis_name="c", subcore_axis_name="s", num_cores=_NC, num_subcores=_NS)


@functools.partial(
    pl.kernel,
    out_type=jax.ShapeDtypeStruct((_DPAD,), jnp.float32),
    mesh=_sc_mesh,
    scratch_types=[
        pltpu.VMEM((_DRW + 1, 1, _KB), jnp.int32),
        pltpu.VMEM((_HALF,), jnp.float32),
        pltpu.VMEM_SHARED((_NS, _HALF), jnp.float32),
        pltpu.VMEM((_NS, _RED), jnp.float32),
        pltpu.VMEM((_RED,), jnp.float32),
    ],
    compiler_params=pltpu.CompilerParams(needs_layout_passes=False),
)
def _deg_kernel(eir_hbm, zero_hbm, deg_hbm, dst_v, hist, shist, red_v, out_v):
    cid = lax.axis_index("c")
    sid = lax.axis_index("s")
    base = cid * _HALF
    pltpu.sync_copy(zero_hbm, hist)
    pltpu.sync_copy(eir_hbm.at[1, pl.ds(sid * _DRW, _DRW)],
                    dst_v.at[pl.ds(0, _DRW)])
    @pl.when(sid < 4)
    def _():
        pltpu.sync_copy(eir_hbm.at[1, pl.ds(_NS * _DRW + sid, 1)],
                        dst_v.at[pl.ds(_DRW, 1)])

    nrows = jnp.where(sid < 4, _DRW + 1, _DRW)
    ones = jnp.full((_L,), 1.0, jnp.float32)

    def step(r, carry):
        for k in range(_KB // _L):
            idx = dst_v[r, 0, pl.ds(k * _L, _L)] - base
            m = (idx >= 0) & (idx < _HALF)
            idxc = jnp.minimum(jnp.maximum(idx, 0), _HALF - 1)
            plsc.addupdate_scatter(hist, [idxc], ones, mask=m)
        return carry

    lax.fori_loop(0, nrows, step, 0)
    pltpu.sync_copy(hist, shist.at[sid])
    plsc.subcore_barrier()
    pltpu.sync_copy(shist.at[:, pl.ds(sid * _RED, _RED)], red_v)
    for j in range(_RED // _L):
        acc = red_v[0, pl.ds(j * _L, _L)]
        for i in range(1, _NS):
            acc = acc + red_v[i, pl.ds(j * _L, _L)]
        out_v[pl.ds(j * _L, _L)] = acc + 1.0
    pltpu.sync_copy(out_v, deg_hbm.at[pl.ds(base + sid * _RED, _RED)])


@functools.partial(
    pl.kernel,
    out_type=jax.ShapeDtypeStruct((_NC, _NPAD, _F), jnp.float32),
    mesh=_sc_mesh,
    scratch_types=[
        pltpu.VMEM((_CH, 1, _KB), jnp.int32),
        pltpu.VMEM((_CH, 1, _KB), jnp.int32),
        pltpu.VMEM((_KB, _F), jnp.float32),
        pltpu.VMEM((_KB, _F), jnp.float32),
        pltpu.VMEM_SHARED((_NPAD, _F), jnp.float32),
        pltpu.SemaphoreType.DMA,
        pltpu.SemaphoreType.DMA,
        pltpu.SemaphoreType.DMA,
        pltpu.SemaphoreType.DMA,
    ],
)
def _agg_kernel(eir_hbm, y_hbm, z_hbm, sidx, didx, rows_a, rows_b,
                acc, sem_ga, sem_gb, sem_sa, sem_sb):
    cid = lax.axis_index("c")
    sid = lax.axis_index("s")
    wid = cid * _NS + sid
    rbase = sid * _ROWS

    def wait(buf, sem):
        pltpu.make_async_copy(y_hbm.at[pl.ds(0, _KB)], buf, sem).wait()

    pltpu.sync_copy(y_hbm.at[pl.ds(rbase, _ROWS)], acc.at[pl.ds(rbase, _ROWS)])
    start = wid * _BPW
    pltpu.sync_copy(eir_hbm.at[0, pl.ds(start, _CH)], sidx)
    pltpu.sync_copy(eir_hbm.at[1, pl.ds(start, _CH)], didx)
    plsc.subcore_barrier()

    pltpu.async_copy(rows_b, acc.at[pl.ds(_NPAD - _KB, _KB)], sem_sb)
    pltpu.async_copy(y_hbm.at[sidx.at[0, 0]], rows_a, sem_ga)

    bufs = (rows_a, rows_b)
    gsems = (sem_ga, sem_gb)
    ssems = (sem_sa, sem_sb)

    def chunk(cq, carry):
        for t in range(_CH):
            x, o = t % 2, (t + 1) % 2
            wait(bufs[x], gsems[x])
            pltpu.async_copy(bufs[x], acc.at[didx.at[t, 0]],
                             ssems[x], add=True)
            if t < _CH - 1:
                wait(bufs[o], ssems[o])
                pltpu.async_copy(y_hbm.at[sidx.at[t + 1, 0]],
                                 bufs[o], gsems[o])

        @pl.when(cq < _NCH - 1)
        def _():
            nxt = start + (cq + 1) * _CH
            pltpu.sync_copy(eir_hbm.at[0, pl.ds(nxt, _CH)], sidx)
            pltpu.sync_copy(eir_hbm.at[1, pl.ds(nxt, _CH)], didx)
            wait(rows_a, sem_sa)
            pltpu.async_copy(y_hbm.at[sidx.at[0, 0]], rows_a, sem_ga)

        return carry

    lax.fori_loop(0, _NCH, chunk, 0)

    @pl.when(wid < 4)
    def _():
        pltpu.sync_copy(eir_hbm.at[0, pl.ds(_XTRA + wid, 1)],
                        sidx.at[pl.ds(0, 1)])
        pltpu.sync_copy(eir_hbm.at[1, pl.ds(_XTRA + wid, 1)],
                        didx.at[pl.ds(0, 1)])
        wait(rows_b, sem_sb)
        pltpu.async_copy(y_hbm.at[sidx.at[0, 0]], rows_b, sem_gb).wait()
        pltpu.sync_copy(rows_b, acc.at[didx.at[0, 0]], add=True)

    @pl.when(wid >= 4)
    def _():
        wait(rows_b, sem_sb)

    wait(rows_a, sem_sa)
    plsc.subcore_barrier()
    pltpu.sync_copy(acc.at[pl.ds(rbase, _ROWS)],
                    z_hbm.at[cid, pl.ds(rbase, _ROWS)])


def _y_body(deg_ref, x_ref, w_ref, y_ref):
    dinv = lax.rsqrt(deg_ref[...])
    y_ref[...] = dinv * jnp.dot(x_ref[...], w_ref[...],
                                preferred_element_type=jnp.float32)


def _y_call(degc, x, W):
    blk = _NPAD // 16
    return pl.pallas_call(
        _y_body,
        grid=(16,),
        in_specs=[
            pl.BlockSpec((blk, 1), lambda i: (i, 0)),
            pl.BlockSpec((blk, _F), lambda i: (i, 0)),
            pl.BlockSpec((_F, _F), lambda i: (0, 0)),
        ],
        out_specs=pl.BlockSpec((blk, _F), lambda i: (i, 0)),
        out_shape=jax.ShapeDtypeStruct((_NPAD, _F), jnp.float32),
    )(degc, x, W)


def _mm_body(z_ref, y_ref, deg_ref, b_ref, out_ref, h_ref):
    i = pl.program_id(0)

    @pl.when(i == 0)
    def _():
        for k in range(16):
            sl = pl.ds(k * (_NPAD // 16), _NPAD // 16)
            dinv = lax.rsqrt(deg_ref[sl, :])
            h_ref[sl, :] = jnp.maximum(
                (z_ref[0, sl, :] + z_ref[1, sl, :] - y_ref[sl, :]) * dinv
                + b_ref[...], 0.0)

    a = h_ref[pl.ds(i * _BMR, _BMR), :]
    out_ref[...] = lax.dot_general(a, h_ref[...], (((1,), (1,)), ((), ())),
                                   preferred_element_type=jnp.float32)


def _mm_call(z, y, degc, b2):
    return pl.pallas_call(
        _mm_body,
        grid=(_NPAD // _BMR,),
        in_specs=[
            pl.BlockSpec((_NC, _NPAD, _F), lambda i: (0, 0, 0)),
            pl.BlockSpec((_NPAD, _F), lambda i: (0, 0)),
            pl.BlockSpec((_NPAD, 1), lambda i: (0, 0)),
            pl.BlockSpec((1, _F), lambda i: (0, 0)),
        ],
        out_specs=pl.BlockSpec((_BMR, _BMC), lambda i: (i, 0)),
        out_shape=jax.ShapeDtypeStruct((_N, _N), jnp.float32),
        scratch_shapes=[pltpu.VMEM((_NPAD, _F), jnp.float32)],
    )(z, y, degc, b2)


def kernel(x, edge_index, W, b):
    ei = edge_index.astype(jnp.int32)
    eir = ei.reshape(2, _NBLK, 1, _KB)
    zeros_half = jnp.zeros((_HALF,), jnp.float32)
    deg = _deg_kernel(eir, zeros_half)
    degc = deg.reshape(_DPAD, 1)
    y = _y_call(degc, x, W)
    z = _agg_kernel(eir, y)
    return _mm_call(z, y, degc, b.reshape(1, _F))

# --- scband reference (transcript-rebuilt; emitter-appended) ---
"""Pipeline reference for scband-structure-decoder-81131932221579 (READ-ONLY COPY).

The authoritative reference and input builder live on the scoring server;
editing this copy changes nothing except your own understanding.
"""

import jax, jax.numpy as jnp
import numpy as np

N = 10000
NHID = 128
E = 320000


def setup_inputs(seed: int = 0) -> dict:
    key = jax.random.key(seed)
    k_x, k_ei, k_w, k_b = jax.random.split(key, 4)
    x = jax.random.normal(k_x, (N, NHID), dtype=jnp.float32)
    edge_index = jax.random.randint(k_ei, (2, E), 0, N, dtype=jnp.int64)
    # GCNConv linear params (glorot-ish scale) and bias
    W = jax.random.normal(k_w, (NHID, NHID), dtype=jnp.float32) * (1.0 / np.sqrt(NHID))
    b = jnp.zeros((NHID,), dtype=jnp.float32)
    return {"x": x, "edge_index": edge_index, "W": W, "b": b}


def _gcn_conv(x, edge_index, W, b):
    n = x.shape[0]
    src = edge_index[0]
    dst = edge_index[1]
    # add self loops (PyG GCNConv default add_self_loops=True)
    loop = jnp.arange(n, dtype=src.dtype)
    src = jnp.concatenate([src, loop])
    dst = jnp.concatenate([dst, loop])
    ew = jnp.ones(src.shape[0], dtype=x.dtype)  # edge_weight=None -> ones
    # symmetric normalization D^-1/2 (A+I) D^-1/2
    deg = jnp.zeros((n,), dtype=x.dtype).at[dst].add(ew)
    dinv = jnp.where(deg > 0, deg ** -0.5, 0.0)
    norm = dinv[src] * ew * dinv[dst]
    # linear transform first, then propagate (gather -> scale -> scatter-add)
    xw = x @ W
    msg = jnp.take(xw, src, axis=0) * norm[:, None]
    out = jnp.zeros((n, xw.shape[1]), dtype=x.dtype).at[dst].add(msg)
    return out + b


def reference(x, edge_index, W, b):
    h = jax.nn.relu(_gcn_conv(x, edge_index, W, b))
    # dropout is identity in eval mode (training=False)
    return h @ h.T

if __name__ == "__main__":
    import jax
    _d = setup_inputs()
    print(jax.jit(kernel)(*tuple(_d.values())))

</pallas_src>

<mosaic_0001>
#map = affine_map<(d0, d1) -> (0, 0, 0, 0)>
#map1 = affine_map<(d0, d1) -> (0)>
module attributes {stable_mosaic.version = 14 : i64} {
  func.func @_deg_kernel(%arg0: i32, %arg1: i32, %arg2: memref<2x2500x1x128xi32, #tpu.memory_space<hbm>>, %arg3: memref<6144xf32, #tpu.memory_space<hbm>>, %arg4: memref<12288xf32, #tpu.memory_space<hbm>>, %arg5: memref<157x1x128xi32, #tpu.memory_space<vmem>>, %arg6: memref<6144xf32, #tpu.memory_space<vmem>>, %arg7: memref<16x6144xf32, #tpu.memory_space<vmem_shared>>, %arg8: memref<16x384xf32, #tpu.memory_space<vmem>>, %arg9: memref<384xf32, #tpu.memory_space<vmem>>) attributes {dimension_semantics = [#tpu.dimension_semantics<core_parallel>, #tpu.dimension_semantics<subcore_parallel>], iteration_bounds = array<i64: 2, 16>, scalar_prefetch = 0 : i64, scratch_operands = 5 : i64, tpu.core_type = #tpu.core_type<sc_vector_subcore>, window_params = [{transform_indices = #map}, {transform_indices = #map1}, {transform_indices = #map1}]} {
    %mul3A = arith.constant 6144 : i32
    %mul3A_0 = arith.muli %arg0, %mul3A : i32
    "tpu.region"() ({
      %run_scoped3A_2036 = tpu.sem_alloc : memref<!tpu.dma_semaphore, #tpu.memory_space<semaphore_mem>>
      tpu.enqueue_dma source(%arg3 : memref<6144xf32, #tpu.memory_space<hbm>>) target(%arg6 : memref<6144xf32, #tpu.memory_space<vmem>>) target_semaphore(%run_scoped3A_2036 : memref<!tpu.dma_semaphore, #tpu.memory_space<semaphore_mem>>)
      tpu.wait_dma2 semaphore(%run_scoped3A_2036 : memref<!tpu.dma_semaphore, #tpu.memory_space<semaphore_mem>>) src(%arg3 : memref<6144xf32, #tpu.memory_space<hbm>>) dst(%arg6 : memref<6144xf32, #tpu.memory_space<vmem>>)
      tpu.yield
    }) : () -> ()
    %mul3A_1 = arith.constant 156 : i32
    %mul3A_2 = arith.muli %arg1, %mul3A_1 : i32
    %run_scoped3A = arith.constant 1 : i32
    "tpu.region"() ({
      %run_scoped3A_2036 = tpu.sem_alloc : memref<!tpu.dma_semaphore, #tpu.memory_space<semaphore_mem>>
      %dma_start3A = arith.constant 0 : i32
      %dma_start3A_2037 = arith.constant 0 : i32
      %dma_start3A_2038 = arith.constant 0 : i32
      %dma_start3A_2039 = tpu.memref_slice %arg5[%dma_start3A, %dma_start3A_2037, %dma_start3A_2038] : memref<157x1x128xi32, #tpu.memory_space<vmem>> -> memref<156x1x128xi32, #tpu.memory_space<vmem>>
      %dma_start3A_2040 = arith.constant 0 : i32
      %dma_start3A_2041 = arith.constant 0 : i32
      %dma_start3A_2042 = tpu.memref_slice %arg2[%run_scoped3A, %mul3A_2, %dma_start3A_2040, %dma_start3A_2041] : memref<2x2500x1x128xi32, #tpu.memory_space<hbm>> -> memref<1x156x1x128xi32, #tpu.memory_space<hbm>>
      %dma_start3A_2043 = tpu.memref_squeeze %dma_start3A_2042 : memref<1x156x1x128xi32, #tpu.memory_space<hbm>> -> memref<156x1x128xi32, #tpu.memory_space<hbm>>
      %dma_start3A_2044 = arith.constant 0 : i32
      %dma_start3A_2045 = arith.constant 0 : i32
      %dma_start3A_2046 = arith.constant 0 : i32
      %dma_start3A_2047 = tpu.memref_slice %arg5[%dma_start3A_2044, %dma_start3A_2045, %dma_start3A_2046] : memref<157x1x128xi32, #tpu.memory_space<vmem>> -> memref<156x1x128xi32, #tpu.memory_space<vmem>>
      %dma_start3A_2048 = arith.constant 0 : i32
      %dma_start3A_2049 = arith.constant 0 : i32
      %dma_start3A_2050 = tpu.memref_slice %arg2[%run_scoped3A, %mul3A_2, %dma_start3A_2048, %dma_start3A_2049] : memref<2x2500x1x128xi32, #tpu.memory_space<hbm>> -> memref<1x156x1x128xi32, #tpu.memory_space<hbm>>
      %dma_start3A_2051 = tpu.memref_squeeze %dma_start3A_2050 : memref<1x156x1x128xi32, #tpu.memory_space<hbm>> -> memref<156x1x128xi32, #tpu.memory_space<hbm>>
      tpu.enqueue_dma source(%dma_start3A_2051 : memref<156x1x128xi32, #tpu.memory_space<hbm>>) target(%dma_start3A_2047 : memref<156x1x128xi32, #tpu.memory_space<vmem>>) target_semaphore(%run_scoped3A_2036 : memref<!tpu.dma_semaphore, #tpu.memory_space<semaphore_mem>>)
      %dma_wait3A = arith.constant 0 : i32
      %dma_wait3A_2052 = arith.constant 0 : i32
      %dma_wait3A_2053 = arith.constant 0 : i32
      %dma_wait3A_2054 = tpu.memref_slice %arg5[%dma_wait3A, %dma_wait3A_2052, %dma_wait3A_2053] : memref<157x1x128xi32, #tpu.memory_space<vmem>> -> memref<156x1x128xi32, #tpu.memory_space<vmem>>
      %dma_wait3A_2055 = arith.constant 0 : i32
      %dma_wait3A_2056 = arith.constant 0 : i32
      %dma_wait3A_2057 = tpu.memref_slice %arg2[%run_scoped3A, %mul3A_2, %dma_wait3A_2055, %dma_wait3A_2056] : memref<2x2500x1x128xi32, #tpu.memory_space<hbm>> -> memref<1x156x1x128xi32, #tpu.memory_space<hbm>>
      %dma_wait3A_2058 = tpu.memref_squeeze %dma_wait3A_2057 : memref<1x156x1x128xi32, #tpu.memory_space<hbm>> -> memref<156x1x128xi32, #tpu.memory_space<hbm>>
      %dma_wait3A_2059 = arith.constant 0 : i32
      %dma_wait3A_2060 = arith.constant 0 : i32
      %dma_wait3A_2061 = arith.constant 0 : i32
      %dma_wait3A_2062 = tpu.memref_slice %arg5[%dma_wait3A_2059, %dma_wait3A_2060, %dma_wait3A_2061] : memref<157x1x128xi32, #tpu.memory_space<vmem>> -> memref<156x1x128xi32, #tpu.memory_space<vmem>>
      %dma_wait3A_2063 = arith.constant 0 : i32
      %dma_wait3A_2064 = arith.constant 0 : i32
      %dma_wait3A_2065 = tpu.memref_slice %arg2[%run_scoped3A, %mul3A_2, %dma_wait3A_2063, %dma_wait3A_2064] : memref<2x2500x1x128xi32, #tpu.memory_space<hbm>> -> memref<1x156x1x128xi32, #tpu.memory_space<hbm>>
      %dma_wait3A_2066 = tpu.memref_squeeze %dma_wait3A_2065 : memref<1x156x1x128xi32, #tpu.memory_space<hbm>> -> memref<156x1x128xi32, #tpu.memory_space<hbm>>
      tpu.wait_dma2 semaphore(%run_scoped3A_2036 : memref<!tpu.dma_semaphore, #tpu.memory_space<semaphore_mem>>) src(%dma_wait3A_2066 : memref<156x1x128xi32, #tpu.memory_space<hbm>>) dst(%dma_wait3A_2062 : memref<156x1x128xi32, #tpu.memory_space<vmem>>)
      tpu.yield
    }) : () -> ()
    %lt3A = arith.constant 4 : i32
    %lt3A_3 = arith.cmpi slt, %arg1, %lt3A : i32
    %convert_element_type3A = arith.extui %lt3A_3 : i1 to i32
    %cond3A = arith.constant 0 : i32
    %cond3A_4 = arith.cmpi ne, %convert_element_type3A, %cond3A : i32
    scf.if %cond3A_4 {
      %add3A_2036 = arith.constant 2496 : i32
      %add3A_2037 = arith.addi %add3A_2036, %arg1 : i32
      %run_scoped3A_2038 = arith.constant 1 : i32
      "tpu.region"() ({
        %run_scoped3A_2039 = tpu.sem_alloc : memref<!tpu.dma_semaphore, #tpu.memory_space<semaphore_mem>>
        %dma_start3A = arith.constant 156 : i32
        %dma_start3A_2040 = arith.constant 0 : i32
        %dma_start3A_2041 = arith.constant 0 : i32
        %dma_start3A_2042 = tpu.memref_slice %arg5[%dma_start3A, %dma_start3A_2040, %dma_start3A_2041] : memref<157x1x128xi32, #tpu.memory_space<vmem>> -> memref<1x1x128xi32, #tpu.memory_space<vmem>>
        %dma_start3A_2043 = arith.constant 0 : i32
        %dma_start3A_2044 = arith.constant 0 : i32
        %dma_start3A_2045 = tpu.memref_slice %arg2[%run_scoped3A_2038, %add3A_2037, %dma_start3A_2043, %dma_start3A_2044] : memref<2x2500x1x128xi32, #tpu.memory_space<hbm>> -> memref<1x1x1x128xi32, #tpu.memory_space<hbm>>
        %dma_start3A_2046 = tpu.memref_squeeze %dma_start3A_2045 : memref<1x1x1x128xi32, #tpu.memory_space<hbm>> -> memref<1x1x128xi32, #tpu.memory_space<hbm>>
        %dma_start3A_2047 = arith.constant 156 : i32
        %dma_start3A_2048 = arith.constant 0 : i32
        %dma_start3A_2049 = arith.constant 0 : i32
        %dma_start3A_2050 = tpu.memref_slice %arg5[%dma_start3A_2047, %dma_start3A_2048, %dma_start3A_2049] : memref<157x1x128xi32, #tpu.memory_space<vmem>> -> memref<1x1x128xi32, #tpu.memory_space<vmem>>
        %dma_start3A_2051 = arith.constant 0 : i32
        %dma_start3A_2052 = arith.constant 0 : i32
        %dma_start3A_2053 = tpu.memref_slice %arg2[%run_scoped3A_2038, %add3A_2037, %dma_start3A_2051, %dma_start3A_2052] : memref<2x2500x1x128xi32, #tpu.memory_space<hbm>> -> memref<1x1x1x128xi32, #tpu.memory_space<hbm>>
        %dma_start3A_2054 = tpu.memref_squeeze %dma_start3A_2053 : memref<1x1x1x128xi32, #tpu.memory_space<hbm>> -> memref<1x1x128xi32, #tpu.memory_space<hbm>>
        tpu.enqueue_dma source(%dma_start3A_2054 : memref<1x1x128xi32, #tpu.memory_space<hbm>>) target(%dma_start3A_2050 : memref<1x1x128xi32, #tpu.memory_space<vmem>>) target_semaphore(%run_scoped3A_2039 : memref<!tpu.dma_semaphore, #tpu.memory_space<semaphore_mem>>)
        %dma_wait3A = arith.constant 156 : i32
        %dma_wait3A_2055 = arith.constant 0 : i32
        %dma_wait3A_2056 = arith.constant 0 : i32
        %dma_wait3A_2057 = tpu.memref_slice %arg5[%dma_wait3A, %dma_wait3A_2055, %dma_wait3A_2056] : memref<157x1x128xi32, #tpu.memory_space<vmem>> -> memref<1x1x128xi32, #tpu.memory_space<vmem>>
        %dma_wait3A_2058 = arith.constant 0 : i32
        %dma_wait3A_2059 = arith.constant 0 : i32
        %dma_wait3A_2060 = tpu.memref_slice %arg2[%run_scoped3A_2038, %add3A_2037, %dma_wait3A_2058, %dma_wait3A_2059] : memref<2x2500x1x128xi32, #tpu.memory_space<hbm>> -> memref<1x1x1x128xi32, #tpu.memory_space<hbm>>
        %dma_wait3A_2061 = tpu.memref_squeeze %dma_wait3A_2060 : memref<1x1x1x128xi32, #tpu.memory_space<hbm>> -> memref<1x1x128xi32, #tpu.memory_space<hbm>>
        %dma_wait3A_2062 = arith.constant 156 : i32
        %dma_wait3A_2063 = arith.constant 0 : i32
        %dma_wait3A_2064 = arith.constant 0 : i32
        %dma_wait3A_2065 = tpu.memref_slice %arg5[%dma_wait3A_2062, %dma_wait3A_2063, %dma_wait3A_2064] : memref<157x1x128xi32, #tpu.memory_space<vmem>> -> memref<1x1x128xi32, #tpu.memory_space<vmem>>
        %dma_wait3A_2066 = arith.constant 0 : i32
        %dma_wait3A_2067 = arith.constant 0 : i32
        %dma_wait3A_2068 = tpu.memref_slice %arg2[%run_scoped3A_2038, %add3A_2037, %dma_wait3A_2066, %dma_wait3A_2067] : memref<2x2500x1x128xi32, #tpu.memory_space<hbm>> -> memref<1x1x1x128xi32, #tpu.memory_space<hbm>>
        %dma_wait3A_2069 = tpu.memref_squeeze %dma_wait3A_2068 : memref<1x1x1x128xi32, #tpu.memory_space<hbm>> -> memref<1x1x128xi32, #tpu.memory_space<hbm>>
        tpu.wait_dma2 semaphore(%run_scoped3A_2039 : memref<!tpu.dma_semaphore, #tpu.memory_space<semaphore_mem>>) src(%dma_wait3A_2069 : memref<1x1x128xi32, #tpu.memory_space<hbm>>) dst(%dma_wait3A_2065 : memref<1x1x128xi32, #tpu.memory_space<vmem>>)
        tpu.yield
      }) : () -> ()
    } else {
    }
    %lt3A_5 = arith.constant 4 : i32
    %lt3A_6 = arith.cmpi slt, %arg1, %lt3A_5 : i32
    %jit3A = arith.constant 157 : i32
    %jit3A_7 = arith.constant 156 : i32
    %select_n3A = arith.select %lt3A_6, %jit3A, %jit3A_7 : i32
    %broadcast_in_dim3A = arith.constant 1.000000e+00 : f32
    %broadcast_in_dim3A_8 = vector.broadcast %broadcast_in_dim3A : f32 to vector<16xf32>
    %while3A = arith.constant 0 : i32
    %while3A_9 = arith.constant 0 : i32
    %while3A_10 = arith.subi %select_n3A, %while3A_9 : i32
    %while3A_11 = arith.addi %while3A_9, %while3A_10 : i32
    %while3A_12 = arith.constant 1 : i32
    %while3A_13 = arith.divsi %while3A_10, %while3A_12 : i32
    %while3A_14 = arith.muli %while3A_13, %while3A_12 : i32
    %while3A_15 = arith.addi %while3A_9, %while3A_14 : i32
    %while3A_16 = arith.constant 1 : i32
    scf.for %while3A_2036 = %while3A_9 to %while3A_15 step %while3A_16  : i32 {
      %get3A_2037 = arith.constant 0 : i32
      %get3A_2038 = arith.index_cast %while3A_2036 : i32 to index
      %get3A_2039 = arith.index_cast %get3A_2037 : i32 to index
      %get3A_2040 = arith.constant 0 : index
      %get3A_2041 = tpu.vector_load %arg5[%get3A_2038, %get3A_2039, %get3A_2040] {strides = array<i32>} : memref<157x1x128xi32, #tpu.memory_space<vmem>>, vector<16xi32>,
      %sub3A = vector.broadcast %mul3A_0 : i32 to vector<16xi32>
      %sub3A_2042 = arith.subi %get3A_2041, %sub3A : vector<16xi32>
      %ge3A = arith.constant 0 : i32
      %ge3A_2043 = vector.broadcast %ge3A : i32 to vector<16xi32>
      %ge3A_2044 = arith.cmpi sge, %sub3A_2042, %ge3A_2043 : vector<16xi32>
      %lt3A_2045 = arith.constant 6144 : i32
      %lt3A_2046 = vector.broadcast %lt3A_2045 : i32 to vector<16xi32>
      %lt3A_2047 = arith.cmpi slt, %sub3A_2042, %lt3A_2046 : vector<16xi32>
      %and3A = arith.andi %ge3A_2044, %lt3A_2047 : vector<16xi1>
      %max3A = arith.constant 0 : i32
      %max3A_2048 = vector.broadcast %max3A : i32 to vector<16xi32>
      %max3A_2049 = arith.maxsi %sub3A_2042, %max3A_2048 : vector<16xi32>
      %min3A = arith.constant 6143 : i32
      %min3A_2050 = vector.broadcast %min3A : i32 to vector<16xi32>
      %min3A_2051 = arith.minsi %max3A_2049, %min3A_2050 : vector<16xi32>
      tpu.vector_store_idx %arg6[%min3A_2051], %broadcast_in_dim3A_8 masked %and3A {add = true} : memref<6144xf32, #tpu.memory_space<vmem>>[vector<16xi32>], vector<16xf32>, vector<16xi1>
      %get3A_2052 = arith.constant 0 : i32
      %get3A_2053 = arith.index_cast %while3A_2036 : i32 to index
      %get3A_2054 = arith.index_cast %get3A_2052 : i32 to index
      %get3A_2055 = arith.constant 16 : index
      %get3A_2056 = tpu.vector_load %arg5[%get3A_2053, %get3A_2054, %get3A_2055] {strides = array<i32>} : memref<157x1x128xi32, #tpu.memory_space<vmem>>, vector<16xi32>,
      %sub3A_2057 = vector.broadcast %mul3A_0 : i32 to vector<16xi32>
      %sub3A_2058 = arith.subi %get3A_2056, %sub3A_2057 : vector<16xi32>
      %ge3A_2059 = arith.constant 0 : i32
      %ge3A_2060 = vector.broadcast %ge3A_2059 : i32 to vector<16xi32>
      %ge3A_2061 = arith.cmpi sge, %sub3A_2058, %ge3A_2060 : vector<16xi32>
      %lt3A_2062 = arith.constant 6144 : i32
      %lt3A_2063 = vector.broadcast %lt3A_2062 : i32 to vector<16xi32>
      %lt3A_2064 = arith.cmpi slt, %sub3A_2058, %lt3A_2063 : vector<16xi32>
      %and3A_2065 = arith.andi %ge3A_2061, %lt3A_2064 : vector<16xi1>
      %max3A_2066 = arith.constant 0 : i32
      %max3A_2067 = vector.broadcast %max3A_2066 : i32 to vector<16xi32>
      %max3A_2068 = arith.maxsi %sub3A_2058, %max3A_2067 : vector<16xi32>
      %min3A_2069 = arith.constant 6143 : i32
      %min3A_2070 = vector.broadcast %min3A_2069 : i32 to vector<16xi32>
      %min3A_2071 = arith.minsi %max3A_2068, %min3A_2070 : vector<16xi32>
      tpu.vector_store_idx %arg6[%min3A_2071], %broadcast_in_dim3A_8 masked %and3A_2065 {add = true} : memref<6144xf32, #tpu.memory_space<vmem>>[vector<16xi32>], vector<16xf32>, vector<16xi1>
      %get3A_2072 = arith.constant 0 : i32
      %get3A_2073 = arith.index_cast %while3A_2036 : i32 to index
      %get3A_2074 = arith.index_cast %get3A_2072 : i32 to index
      %get3A_2075 = arith.constant 32 : index
      %get3A_2076 = tpu.vector_load %arg5[%get3A_2073, %get3A_2074, %get3A_2075] {strides = array<i32>} : memref<157x1x128xi32, #tpu.memory_space<vmem>>, vector<16xi32>,
      %sub3A_2077 = vector.broadcast %mul3A_0 : i32 to vector<16xi32>
      %sub3A_2078 = arith.subi %get3A_2076, %sub3A_2077 : vector<16xi32>
      %ge3A_2079 = arith.constant 0 : i32
      %ge3A_2080 = vector.broadcast %ge3A_2079 : i32 to vector<16xi32>
      %ge3A_2081 = arith.cmpi sge, %sub3A_2078, %ge3A_2080 : vector<16xi32>
      %lt3A_2082 = arith.constant 6144 : i32
      %lt3A_2083 = vector.broadcast %lt3A_2082 : i32 to vector<16xi32>
      %lt3A_2084 = arith.cmpi slt, %sub3A_2078, %lt3A_2083 : vector<16xi32>
      %and3A_2085 = arith.andi %ge3A_2081, %lt3A_2084 : vector<16xi1>
      %max3A_2086 = arith.constant 0 : i32
      %max3A_2087 = vector.broadcast %max3A_2086 : i32 to vector<16xi32>
      %max3A_2088 = arith.maxsi %sub3A_2078, %max3A_2087 : vector<16xi32>
      %min3A_2089 = arith.constant 6143 : i32
      %min3A_2090 = vector.broadcast %min3A_2089 : i32 to vector<16xi32>
      %min3A_2091 = arith.minsi %max3A_2088, %min3A_2090 : vector<16xi32>
      tpu.vector_store_idx %arg6[%min3A_2091], %broadcast_in_dim3A_8 masked %and3A_2085 {add = true} : memref<6144xf32, #tpu.memory_space<vmem>>[vector<16xi32>], vector<16xf32>, vector<16xi1>
      %get3A_2092 = arith.constant 0 : i32
      %get3A_2093 = arith.index_cast %while3A_2036 : i32 to index
      %get3A_2094 = arith.index_cast %get3A_2092 : i32 to index
      %get3A_2095 = arith.constant 48 : index
      %get3A_2096 = tpu.vector_load %arg5[%get3A_2093, %get3A_2094, %get3A_2095] {strides = array<i32>} : memref<157x1x128xi32, #tpu.memory_space<vmem>>, vector<16xi32>,
      %sub3A_2097 = vector.broadcast %mul3A_0 : i32 to vector<16xi32>
      %sub3A_2098 = arith.subi %get3A_2096, %sub3A_2097 : vector<16xi32>
      %ge3A_2099 = arith.constant 0 : i32
      %ge3A_2100 = vector.broadcast %ge3A_2099 : i32 to vector<16xi32>
      %ge3A_2101 = arith.cmpi sge, %sub3A_2098, %ge3A_2100 : vector<16xi32>
      %lt3A_2102 = arith.constant 6144 : i32
      %lt3A_2103 = vector.broadcast %lt3A_2102 : i32 to vector<16xi32>
      %lt3A_2104 = arith.cmpi slt, %sub3A_2098, %lt3A_2103 : vector<16xi32>
      %and3A_2105 = arith.andi %ge3A_2101, %lt3A_2104 : vector<16xi1>
      %max3A_2106 = arith.constant 0 : i32
      %max3A_2107 = vector.broadcast %max3A_2106 : i32 to vector<16xi32>
      %max3A_2108 = arith.maxsi %sub3A_2098, %max3A_2107 : vector<16xi32>
      %min3A_2109 = arith.constant 6143 : i32
      %min3A_2110 = vector.broadcast %min3A_2109 : i32 to vector<16xi32>
      %min3A_2111 = arith.minsi %max3A_2108, %min3A_2110 : vector<16xi32>
      tpu.vector_store_idx %arg6[%min3A_2111], %broadcast_in_dim3A_8 masked %and3A_2105 {add = true} : memref<6144xf32, #tpu.memory_space<vmem>>[vector<16xi32>], vector<16xf32>, vector<16xi1>
      %get3A_2112 = arith.constant 0 : i32
      %get3A_2113 = arith.index_cast %while3A_2036 : i32 to index
      %get3A_2114 = arith.index_cast %get3A_2112 : i32 to index
      %get3A_2115 = arith.constant 64 : index
      %get3A_2116 = tpu.vector_load %arg5[%get3A_2113, %get3A_2114, %get3A_2115] {strides = array<i32>} : memref<157x1x128xi32, #tpu.memory_space<vmem>>, vector<16xi32>,
      %sub3A_2117 = vector.broadcast %mul3A_0 : i32 to vector<16xi32>
      %sub3A_2118 = arith.subi %get3A_2116, %sub3A_2117 : vector<16xi32>
      %ge3A_2119 = arith.constant 0 : i32
      %ge3A_2120 = vector.broadcast %ge3A_2119 : i32 to vector<16xi32>
      %ge3A_2121 = arith.cmpi sge, %sub3A_2118, %ge3A_2120 : vector<16xi32>
      %lt3A_2122 = arith.constant 6144 : i32
      %lt3A_2123 = vector.broadcast %lt3A_2122 : i32 to vector<16xi32>
      %lt3A_2124 = arith.cmpi slt, %sub3A_2118, %lt3A_2123 : vector<16xi32>
      %and3A_2125 = arith.andi %ge3A_2121, %lt3A_2124 : vector<16xi1>
      %max3A_2126 = arith.constant 0 : i32
      %max3A_2127 = vector.broadcast %max3A_2126 : i32 to vector<16xi32>
      %max3A_2128 = arith.maxsi %sub3A_2118, %max3A_2127 : vector<16xi32>
      %min3A_2129 = arith.constant 6143 : i32
      %min3A_2130 = vector.broadcast %min3A_2129 : i32 to vector<16xi32>
      %min3A_2131 = arith.minsi %max3A_2128, %min3A_2130 : vector<16xi32>
      tpu.vector_store_idx %arg6[%min3A_2131], %broadcast_in_dim3A_8 masked %and3A_2125 {add = true} : memref<6144xf32, #tpu.memory_space<vmem>>[vector<16xi32>], vector<16xf32>, vector<16xi1>
      %get3A_2132 = arith.constant 0 : i32
      %get3A_2133 = arith.index_cast %while3A_2036 : i32 to index
      %get3A_2134 = arith.index_cast %get3A_2132 : i32 to index
      %get3A_2135 = arith.constant 80 : index
      %get3A_2136 = tpu.vector_load %arg5[%get3A_2133, %get3A_2134, %get3A_2135] {strides = array<i32>} : memref<157x1x128xi32, #tpu.memory_space<vmem>>, vector<16xi32>,
      %sub3A_2137 = vector.broadcast %mul3A_0 : i32 to vector<16xi32>
      %sub3A_2138 = arith.subi %get3A_2136, %sub3A_2137 : vector<16xi32>
      %ge3A_2139 = arith.constant 0 : i32
      %ge3A_2140 = vector.broadcast %ge3A_2139 : i32 to vector<16xi32>
      %ge3A_2141 = arith.cmpi sge, %sub3A_2138, %ge3A_2140 : vector<16xi32>
      %lt3A_2142 = arith.constant 6144 : i32
      %lt3A_2143 = vector.broadcast %lt3A_2142 : i32 to vector<16xi32>
      %lt3A_2144 = arith.cmpi slt, %sub3A_2138, %lt3A_2143 : vector<16xi32>
      %and3A_2145 = arith.andi %ge3A_2141, %lt3A_2144 : vector<16xi1>
      %max3A_2146 = arith.constant 0 : i32
      %max3A_2147 = vector.broadcast %max3A_2146 : i32 to vector<16xi32>
      %max3A_2148 = arith.maxsi %sub3A_2138, %max3A_2147 : vector<16xi32>
      %min3A_2149 = arith.constant 6143 : i32
      %min3A_2150 = vector.broadcast %min3A_2149 : i32 to vector<16xi32>
      %min3A_2151 = arith.minsi %max3A_2148, %min3A_2150 : vector<16xi32>
      tpu.vector_store_idx %arg6[%min3A_2151], %broadcast_in_dim3A_8 masked %and3A_2145 {add = true} : memref<6144xf32, #tpu.memory_space<vmem>>[vector<16xi32>], vector<16xf32>, vector<16xi1>
      %get3A_2152 = arith.constant 0 : i32
      %get3A_2153 = arith.index_cast %while3A_2036 : i32 to index
      %get3A_2154 = arith.index_cast %get3A_2152 : i32 to index
      %get3A_2155 = arith.constant 96 : index
      %get3A_2156 = tpu.vector_load %arg5[%get3A_2153, %get3A_2154, %get3A_2155] {strides = array<i32>} : memref<157x1x128xi32, #tpu.memory_space<vmem>>, vector<16xi32>,
      %sub3A_2157 = vector.broadcast %mul3A_0 : i32 to vector<16xi32>
      %sub3A_2158 = arith.subi %get3A_2156, %sub3A_2157 : vector<16xi32>
      %ge3A_2159 = arith.constant 0 : i32
      %ge3A_2160 = vector.broadcast %ge3A_2159 : i32 to vector<16xi32>
      %ge3A_2161 = arith.cmpi sge, %sub3A_2158, %ge3A_2160 : vector<16xi32>
      %lt3A_2162 = arith.constant 6144 : i32
      %lt3A_2163 = vector.broadcast %lt3A_2162 : i32 to vector<16xi32>
      %lt3A_2164 = arith.cmpi slt, %sub3A_2158, %lt3A_2163 : vector<16xi32>
      %and3A_2165 = arith.andi %ge3A_2161, %lt3A_2164 : vector<16xi1>
      %max3A_2166 = arith.constant 0 : i32
      %max3A_2167 = vector.broadcast %max3A_2166 : i32 to vector<16xi32>
      %max3A_2168 = arith.maxsi %sub3A_2158, %max3A_2167 : vector<16xi32>
      %min3A_2169 = arith.constant 6143 : i32
      %min3A_2170 = vector.broadcast %min3A_2169 : i32 to vector<16xi32>
      %min3A_2171 = arith.minsi %max3A_2168, %min3A_2170 : vector<16xi32>
      tpu.vector_store_idx %arg6[%min3A_2171], %broadcast_in_dim3A_8 masked %and3A_2165 {add = true} : memref<6144xf32, #tpu.memory_space<vmem>>[vector<16xi32>], vector<16xf32>, vector<16xi1>
      %get3A_2172 = arith.constant 0 : i32
      %get3A_2173 = arith.index_cast %while3A_2036 : i32 to index
      %get3A_2174 = arith.index_cast %get3A_2172 : i32 to index
      %get3A_2175 = arith.constant 112 : index
      %get3A_2176 = tpu.vector_load %arg5[%get3A_2173, %get3A_2174, %get3A_2175] {strides = array<i32>} : memref<157x1x128xi32, #tpu.memory_space<vmem>>, vector<16xi32>,
      %sub3A_2177 = vector.broadcast %mul3A_0 : i32 to vector<16xi32>
      %sub3A_2178 = arith.subi %get3A_2176, %sub3A_2177 : vector<16xi32>
      %ge3A_2179 = arith.constant 0 : i32
      %ge3A_2180 = vector.broadcast %ge3A_2179 : i32 to vector<16xi32>
      %ge3A_2181 = arith.cmpi sge, %sub3A_2178, %ge3A_2180 : vector<16xi32>
      %lt3A_2182 = arith.constant 6144 : i32
      %lt3A_2183 = vector.broadcast %lt3A_2182 : i32 to vector<16xi32>
      %lt3A_2184 = arith.cmpi slt, %sub3A_2178, %lt3A_2183 : vector<16xi32>
      %and3A_2185 = arith.andi %ge3A_2181, %lt3A_2184 : vector<16xi1>
      %max3A_2186 = arith.constant 0 : i32
      %max3A_2187 = vector.broadcast %max3A_2186 : i32 to vector<16xi32>
      %max3A_2188 = arith.maxsi %sub3A_2178, %max3A_2187 : vector<16xi32>
      %min3A_2189 = arith.constant 6143 : i32
      %min3A_2190 = vector.broadcast %min3A_2189 : i32 to vector<16xi32>
      %min3A_2191 = arith.minsi %max3A_2188, %min3A_2190 : vector<16xi32>
      tpu.vector_store_idx %arg6[%min3A_2191], %broadcast_in_dim3A_8 masked %and3A_2185 {add = true} : memref<6144xf32, #tpu.memory_space<vmem>>[vector<16xi32>], vector<16xf32>, vector<16xi1>
    }
    %while3A_17 = arith.constant 1 : i32
    scf.for %while3A_2036 = %while3A_15 to %while3A_11 step %while3A_17  : i32 {
      %get3A_2037 = arith.constant 0 : i32
      %get3A_2038 = arith.index_cast %while3A_2036 : i32 to index
      %get3A_2039 = arith.index_cast %get3A_2037 : i32 to index
      %get3A_2040 = arith.constant 0 : index
      %get3A_2041 = tpu.vector_load %arg5[%get3A_2038, %get3A_2039, %get3A_2040] {strides = array<i32>} : memref<157x1x128xi32, #tpu.memory_space<vmem>>, vector<16xi32>,
      %sub3A = vector.broadcast %mul3A_0 : i32 to vector<16xi32>
      %sub3A_2042 = arith.subi %get3A_2041, %sub3A : vector<16xi32>
      %ge3A = arith.constant 0 : i32
      %ge3A_2043 = vector.broadcast %ge3A : i32 to vector<16xi32>
      %ge3A_2044 = arith.cmpi sge, %sub3A_2042, %ge3A_2043 : vector<16xi32>
      %lt3A_2045 = arith.constant 6144 : i32
      %lt3A_2046 = vector.broadcast %lt3A_2045 : i32 to vector<16xi32>
      %lt3A_2047 = arith.cmpi slt, %sub3A_2042, %lt3A_2046 : vector<16xi32>
      %and3A = arith.andi %ge3A_2044, %lt3A_2047 : vector<16xi1>
      %max3A = arith.constant 0 : i32
      %max3A_2048 = vector.broadcast %max3A : i32 to vector<16xi32>
      %max3A_2049 = arith.maxsi %sub3A_2042, %max3A_2048 : vector<16xi32>
      %min3A = arith.constant 6143 : i32
      %min3A_2050 = vector.broadcast %min3A : i32 to vector<16xi32>
      %min3A_2051 = arith.minsi %max3A_2049, %min3A_2050 : vector<16xi32>
      tpu.vector_store_idx %arg6[%min3A_2051], %broadcast_in_dim3A_8 masked %and3A {add = true} : memref<6144xf32, #tpu.memory_space<vmem>>[vector<16xi32>], vector<16xf32>, vector<16xi1>
      %get3A_2052 = arith.constant 0 : i32
      %get3A_2053 = arith.index_cast %while3A_2036 : i32 to index
      %get3A_2054 = arith.index_cast %get3A_2052 : i32 to index
      %get3A_2055 = arith.constant 16 : index
      %get3A_2056 = tpu.vector_load %arg5[%get3A_2053, %get3A_2054, %get3A_2055] {strides = array<i32>} : memref<157x1x128xi32, #tpu.memory_space<vmem>>, vector<16xi32>,
      %sub3A_2057 = vector.broadcast %mul3A_0 : i32 to vector<16xi32>
      %sub3A_2058 = arith.subi %get3A_2056, %sub3A_2057 : vector<16xi32>
      %ge3A_2059 = arith.constant 0 : i32
      %ge3A_2060 = vector.broadcast %ge3A_2059 : i32 to vector<16xi32>
      %ge3A_2061 = arith.cmpi sge, %sub3A_2058, %ge3A_2060 : vector<16xi32>
      %lt3A_2062 = arith.constant 6144 : i32
      %lt3A_2063 = vector.broadcast %lt3A_2062 : i32 to vector<16xi32>
      %lt3A_2064 = arith.cmpi slt, %sub3A_2058, %lt3A_2063 : vector<16xi32>
      %and3A_2065 = arith.andi %ge3A_2061, %lt3A_2064 : vector<16xi1>
      %max3A_2066 = arith.constant 0 : i32
      %max3A_2067 = vector.broadcast %max3A_2066 : i32 to vector<16xi32>
      %max3A_2068 = arith.maxsi %sub3A_2058, %max3A_2067 : vector<16xi32>
      %min3A_2069 = arith.constant 6143 : i32
      %min3A_2070 = vector.broadcast %min3A_2069 : i32 to vector<16xi32>
      %min3A_2071 = arith.minsi %max3A_2068, %min3A_2070 : vector<16xi32>
      tpu.vector_store_idx %arg6[%min3A_2071], %broadcast_in_dim3A_8 masked %and3A_2065 {add = true} : memref<6144xf32, #tpu.memory_space<vmem>>[vector<16xi32>], vector<16xf32>, vector<16xi1>
      %get3A_2072 = arith.constant 0 : i32
      %get3A_2073 = arith.index_cast %while3A_2036 : i32 to index
      %get3A_2074 = arith.index_cast %get3A_2072 : i32 to index
      %get3A_2075 = arith.constant 32 : index
      %get3A_2076 = tpu.vector_load %arg5[%get3A_2073, %get3A_2074, %get3A_2075] {strides = array<i32>} : memref<157x1x128xi32, #tpu.memory_space<vmem>>, vector<16xi32>,
      %sub3A_2077 = vector.broadcast %mul3A_0 : i32 to vector<16xi32>
      %sub3A_2078 = arith.subi %get3A_2076, %sub3A_2077 : vector<16xi32>
      %ge3A_2079 = arith.constant 0 : i32
      %ge3A_2080 = vector.broadcast %ge3A_2079 : i32 to vector<16xi32>
      %ge3A_2081 = arith.cmpi sge, %sub3A_2078, %ge3A_2080 : vector<16xi32>
      %lt3A_2082 = arith.constant 6144 : i32
      %lt3A_2083 = vector.broadcast %lt3A_2082 : i32 to vector<16xi32>
      %lt3A_2084 = arith.cmpi slt, %sub3A_2078, %lt3A_2083 : vector<16xi32>
      %and3A_2085 = arith.andi %ge3A_2081, %lt3A_2084 : vector<16xi1>
      %max3A_2086 = arith.constant 0 : i32
      %max3A_2087 = vector.broadcast %max3A_2086 : i32 to vector<16xi32>
      %max3A_2088 = arith.maxsi %sub3A_2078, %max3A_2087 : vector<16xi32>
      %min3A_2089 = arith.constant 6143 : i32
      %min3A_2090 = vector.broadcast %min3A_2089 : i32 to vector<16xi32>
      %min3A_2091 = arith.minsi %max3A_2088, %min3A_2090 : vector<16xi32>
      tpu.vector_store_idx %arg6[%min3A_2091], %broadcast_in_dim3A_8 masked %and3A_2085 {add = true} : memref<6144xf32, #tpu.memory_space<vmem>>[vector<16xi32>], vector<16xf32>, vector<16xi1>
      %get3A_2092 = arith.constant 0 : i32
      %get3A_2093 = arith.index_cast %while3A_2036 : i32 to index
      %get3A_2094 = arith.index_cast %get3A_2092 : i32 to index
      %get3A_2095 = arith.constant 48 : index
      %get3A_2096 = tpu.vector_load %arg5[%get3A_2093, %get3A_2094, %get3A_2095] {strides = array<i32>} : memref<157x1x128xi32, #tpu.memory_space<vmem>>, vector<16xi32>,
      %sub3A_2097 = vector.broadcast %mul3A_0 : i32 to vector<16xi32>
      %sub3A_2098 = arith.subi %get3A_2096, %sub3A_2097 : vector<16xi32>
      %ge3A_2099 = arith.constant 0 : i32
      %ge3A_2100 = vector.broadcast %ge3A_2099 : i32 to vector<16xi32>
      %ge3A_2101 = arith.cmpi sge, %sub3A_2098, %ge3A_2100 : vector<16xi32>
      %lt3A_2102 = arith.constant 6144 : i32
      %lt3A_2103 = vector.broadcast %lt3A_2102 : i32 to vector<16xi32>
      %lt3A_2104 = arith.cmpi slt, %sub3A_2098, %lt3A_2103 : vector<16xi32>
      %and3A_2105 = arith.andi %ge3A_2101, %lt3A_2104 : vector<16xi1>
      %max3A_2106 = arith.constant 0 : i32
      %max3A_2107 = vector.broadcast %max3A_2106 : i32 to vector<16xi32>
      %max3A_2108 = arith.maxsi %sub3A_2098, %max3A_2107 : vector<16xi32>
      %min3A_2109 = arith.constant 6143 : i32
      %min3A_2110 = vector.broadcast %min3A_2109 : i32 to vector<16xi32>
      %min3A_2111 = arith.minsi %max3A_2108, %min3A_2110 : vector<16xi32>
      tpu.vector_store_idx %arg6[%min3A_2111], %broadcast_in_dim3A_8 masked %and3A_2105 {add = true} : memref<6144xf32, #tpu.memory_space<vmem>>[vector<16xi32>], vector<16xf32>, vector<16xi1>
      %get3A_2112 = arith.constant 0 : i32
      %get3A_2113 = arith.index_cast %while3A_2036 : i32 to index
      %get3A_2114 = arith.index_cast %get3A_2112 : i32 to index
      %get3A_2115 = arith.constant 64 : index
      %get3A_2116 = tpu.vector_load %arg5[%get3A_2113, %get3A_2114, %get3A_2115] {strides = array<i32>} : memref<157x1x128xi32, #tpu.memory_space<vmem>>, vector<16xi32>,
      %sub3A_2117 = vector.broadcast %mul3A_0 : i32 to vector<16xi32>
      %sub3A_2118 = arith.subi %get3A_2116, %sub3A_2117 : vector<16xi32>
      %ge3A_2119 = arith.constant 0 : i32
      %ge3A_2120 = vector.broadcast %ge3A_2119 : i32 to vector<16xi32>
      %ge3A_2121 = arith.cmpi sge, %sub3A_2118, %ge3A_2120 : vector<16xi32>
      %lt3A_2122 = arith.constant 6144 : i32
      %lt3A_2123 = vector.broadcast %lt3A_2122 : i32 to vector<16xi32>
      %lt3A_2124 = arith.cmpi slt, %sub3A_2118, %lt3A_2123 : vector<16xi32>
      %and3A_2125 = arith.andi %ge3A_2121, %lt3A_2124 : vector<16xi1>
      %max3A_2126 = arith.constant 0 : i32
      %max3A_2127 = vector.broadcast %max3A_2126 : i32 to vector<16xi32>
      %max3A_2128 = arith.maxsi %sub3A_2118, %max3A_2127 : vector<16xi32>
      %min3A_2129 = arith.constant 6143 : i32
      %min3A_2130 = vector.broadcast %min3A_2129 : i32 to vector<16xi32>
      %min3A_2131 = arith.minsi %max3A_2128, %min3A_2130 : vector<16xi32>
      tpu.vector_store_idx %arg6[%min3A_2131], %broadcast_in_dim3A_8 masked %and3A_2125 {add = true} : memref<6144xf32, #tpu.memory_space<vmem>>[vector<16xi32>], vector<16xf32>, vector<16xi1>
      %get3A_2132 = arith.constant 0 : i32
      %get3A_2133 = arith.index_cast %while3A_2036 : i32 to index
      %get3A_2134 = arith.index_cast %get3A_2132 : i32 to index
      %get3A_2135 = arith.constant 80 : index
      %get3A_2136 = tpu.vector_load %arg5[%get3A_2133, %get3A_2134, %get3A_2135] {strides = array<i32>} : memref<157x1x128xi32, #tpu.memory_space<vmem>>, vector<16xi32>,
      %sub3A_2137 = vector.broadcast %mul3A_0 : i32 to vector<16xi32>
      %sub3A_2138 = arith.subi %get3A_2136, %sub3A_2137 : vector<16xi32>
      %ge3A_2139 = arith.constant 0 : i32
      %ge3A_2140 = vector.broadcast %ge3A_2139 : i32 to vector<16xi32>
      %ge3A_2141 = arith.cmpi sge, %sub3A_2138, %ge3A_2140 : vector<16xi32>
      %lt3A_2142 = arith.constant 6144 : i32
      %lt3A_2143 = vector.broadcast %lt3A_2142 : i32 to vector<16xi32>
      %lt3A_2144 = arith.cmpi slt, %sub3A_2138, %lt3A_2143 : vector<16xi32>
      %and3A_2145 = arith.andi %ge3A_2141, %lt3A_2144 : vector<16xi1>
      %max3A_2146 = arith.constant 0 : i32
      %max3A_2147 = vector.broadcast %max3A_2146 : i32 to vector<16xi32>
      %max3A_2148 = arith.maxsi %sub3A_2138, %max3A_2147 : vector<16xi32>
      %min3A_2149 = arith.constant 6143 : i32
      %min3A_2150 = vector.broadcast %min3A_2149 : i32 to vector<16xi32>
      %min3A_2151 = arith.minsi %max3A_2148, %min3A_2150 : vector<16xi32>
      tpu.vector_store_idx %arg6[%min3A_2151], %broadcast_in_dim3A_8 masked %and3A_2145 {add = true} : memref<6144xf32, #tpu.memory_space<vmem>>[vector<16xi32>], vector<16xf32>, vector<16xi1>
      %get3A_2152 = arith.constant 0 : i32
      %get3A_2153 = arith.index_cast %while3A_2036 : i32 to index
      %get3A_2154 = arith.index_cast %get3A_2152 : i32 to index
      %get3A_2155 = arith.constant 96 : index
      %get3A_2156 = tpu.vector_load %arg5[%get3A_2153, %get3A_2154, %get3A_2155] {strides = array<i32>} : memref<157x1x128xi32, #tpu.memory_space<vmem>>, vector<16xi32>,
      %sub3A_2157 = vector.broadcast %mul3A_0 : i32 to vector<16xi32>
      %sub3A_2158 = arith.subi %get3A_2156, %sub3A_2157 : vector<16xi32>
      %ge3A_2159 = arith.constant 0 : i32
      %ge3A_2160 = vector.broadcast %ge3A_2159 : i32 to vector<16xi32>
      %ge3A_2161 = arith.cmpi sge, %sub3A_2158, %ge3A_2160 : vector<16xi32>
      %lt3A_2162 = arith.constant 6144 : i32
      %lt3A_2163 = vector.broadcast %lt3A_2162 : i32 to vector<16xi32>
      %lt3A_2164 = arith.cmpi slt, %sub3A_2158, %lt3A_2163 : vector<16xi32>
      %and3A_2165 = arith.andi %ge3A_2161, %lt3A_2164 : vector<16xi1>
      %max3A_2166 = arith.constant 0 : i32
      %max3A_2167 = vector.broadcast %max3A_2166 : i32 to vector<16xi32>
      %max3A_2168 = arith.maxsi %sub3A_2158, %max3A_2167 : vector<16xi32>
      %min3A_2169 = arith.constant 6143 : i32
      %min3A_2170 = vector.broadcast %min3A_2169 : i32 to vector<16xi32>
      %min3A_2171 = arith.minsi %max3A_2168, %min3A_2170 : vector<16xi32>
      tpu.vector_store_idx %arg6[%min3A_2171], %broadcast_in_dim3A_8 masked %and3A_2165 {add = true} : memref<6144xf32, #tpu.memory_space<vmem>>[vector<16xi32>], vector<16xf32>, vector<16xi1>
      %get3A_2172 = arith.constant 0 : i32
      %get3A_2173 = arith.index_cast %while3A_2036 : i32 to index
      %get3A_2174 = arith.index_cast %get3A_2172 : i32 to index
      %get3A_2175 = arith.constant 112 : index
      %get3A_2176 = tpu.vector_load %arg5[%get3A_2173, %get3A_2174, %get3A_2175] {strides = array<i32>} : memref<157x1x128xi32, #tpu.memory_space<vmem>>, vector<16xi32>,
      %sub3A_2177 = vector.broadcast %mul3A_0 : i32 to vector<16xi32>
      %sub3A_2178 = arith.subi %get3A_2176, %sub3A_2177 : vector<16xi32>
      %ge3A_2179 = arith.constant 0 : i32
      %ge3A_2180 = vector.broadcast %ge3A_2179 : i32 to vector<16xi32>
      %ge3A_2181 = arith.cmpi sge, %sub3A_2178, %ge3A_2180 : vector<16xi32>
      %lt3A_2182 = arith.constant 6144 : i32
      %lt3A_2183 = vector.broadcast %lt3A_2182 : i32 to vector<16xi32>
      %lt3A_2184 = arith.cmpi slt, %sub3A_2178, %lt3A_2183 : vector<16xi32>
      %and3A_2185 = arith.andi %ge3A_2181, %lt3A_2184 : vector<16xi1>
      %max3A_2186 = arith.constant 0 : i32
      %max3A_2187 = vector.broadcast %max3A_2186 : i32 to vector<16xi32>
      %max3A_2188 = arith.maxsi %sub3A_2178, %max3A_2187 : vector<16xi32>
      %min3A_2189 = arith.constant 6143 : i32
      %min3A_2190 = vector.broadcast %min3A_2189 : i32 to vector<16xi32>
      %min3A_2191 = arith.minsi %max3A_2188, %min3A_2190 : vector<16xi32>
      tpu.vector_store_idx %arg6[%min3A_2191], %broadcast_in_dim3A_8 masked %and3A_2185 {add = true} : memref<6144xf32, #tpu.memory_space<vmem>>[vector<16xi32>], vector<16xf32>, vector<16xi1>
    }
    "tpu.region"() ({
      %run_scoped3A_2036 = tpu.sem_alloc : memref<!tpu.dma_semaphore, #tpu.memory_space<semaphore_mem>>
      %dma_start3A = arith.constant 0 : i32
      %dma_start3A_2037 = tpu.memref_slice %arg7[%arg1, %dma_start3A] : memref<16x6144xf32, #tpu.memory_space<vmem_shared>> -> memref<1x6144xf32, #tpu.memory_space<vmem_shared>>
      %dma_start3A_2038 = tpu.memref_squeeze %dma_start3A_2037 : memref<1x6144xf32, #tpu.memory_space<vmem_shared>> -> memref<6144xf32, #tpu.memory_space<vmem_shared>>
      %dma_start3A_2039 = arith.constant 0 : i32
      %dma_start3A_2040 = tpu.memref_slice %arg7[%arg1, %dma_start3A_2039] : memref<16x6144xf32, #tpu.memory_space<vmem_shared>> -> memref<1x6144xf32, #tpu.memory_space<vmem_shared>>
      %dma_start3A_2041 = tpu.memref_squeeze %dma_start3A_2040 : memref<1x6144xf32, #tpu.memory_space<vmem_shared>> -> memref<6144xf32, #tpu.memory_space<vmem_shared>>
      tpu.enqueue_dma source(%arg6 : memref<6144xf32, #tpu.memory_space<vmem>>) target(%dma_start3A_2041 : memref<6144xf32, #tpu.memory_space<vmem_shared>>) target_semaphore(%run_scoped3A_2036 : memref<!tpu.dma_semaphore, #tpu.memory_space<semaphore_mem>>)
      %dma_wait3A = arith.constant 0 : i32
      %dma_wait3A_2042 = tpu.memref_slice %arg7[%arg1, %dma_wait3A] : memref<16x6144xf32, #tpu.memory_space<vmem_shared>> -> memref<1x6144xf32, #tpu.memory_space<vmem_shared>>
      %dma_wait3A_2043 = tpu.memref_squeeze %dma_wait3A_2042 : memref<1x6144xf32, #tpu.memory_space<vmem_shared>> -> memref<6144xf32, #tpu.memory_space<vmem_shared>>
      %dma_wait3A_2044 = arith.constant 0 : i32
      %dma_wait3A_2045 = tpu.memref_slice %arg7[%arg1, %dma_wait3A_2044] : memref<16x6144xf32, #tpu.memory_space<vmem_shared>> -> memref<1x6144xf32, #tpu.memory_space<vmem_shared>>
      %dma_wait3A_2046 = tpu.memref_squeeze %dma_wait3A_2045 : memref<1x6144xf32, #tpu.memory_space<vmem_shared>> -> memref<6144xf32, #tpu.memory_space<vmem_shared>>
      tpu.wait_dma2 semaphore(%run_scoped3A_2036 : memref<!tpu.dma_semaphore, #tpu.memory_space<semaphore_mem>>) src(%arg6 : memref<6144xf32, #tpu.memory_space<vmem>>) dst(%dma_wait3A_2046 : memref<6144xf32, #tpu.memory_space<vmem_shared>>)
      tpu.yield
    }) : () -> ()
    %barrier3A = arith.constant 0 : index
    tpu.barrier barrier_id(%barrier3A)
    %mul3A_18 = arith.constant 384 : i32
    %mul3A_19 = arith.muli %arg1, %mul3A_18 : i32
    "tpu.region"() ({
      %run_scoped3A_2036 = tpu.sem_alloc : memref<!tpu.dma_semaphore, #tpu.memory_space<semaphore_mem>>
      %dma_start3A = arith.constant 0 : i32
      %dma_start3A_2037 = tpu.memref_slice %arg7[%dma_start3A, %mul3A_19] : memref<16x6144xf32, #tpu.memory_space<vmem_shared>> -> memref<16x384xf32, #tpu.memory_space<vmem_shared>>
      %dma_start3A_2038 = arith.constant 0 : i32
      %dma_start3A_2039 = tpu.memref_slice %arg7[%dma_start3A_2038, %mul3A_19] : memref<16x6144xf32, #tpu.memory_space<vmem_shared>> -> memref<16x384xf32, #tpu.memory_space<vmem_shared>>
      tpu.enqueue_dma source(%dma_start3A_2039 : memref<16x384xf32, #tpu.memory_space<vmem_shared>>) target(%arg8 : memref<16x384xf32, #tpu.memory_space<vmem>>) target_semaphore(%run_scoped3A_2036 : memref<!tpu.dma_semaphore, #tpu.memory_space<semaphore_mem>>)
      %dma_wait3A = arith.constant 0 : i32
      %dma_wait3A_2040 = tpu.memref_slice %arg7[%dma_wait3A, %mul3A_19] : memref<16x6144xf32, #tpu.memory_space<vmem_shared>> -> memref<16x384xf32, #tpu.memory_space<vmem_shared>>
      %dma_wait3A_2041 = arith.constant 0 : i32
      %dma_wait3A_2042 = tpu.memref_slice %arg7[%dma_wait3A_2041, %mul3A_19] : memref<16x6144xf32, #tpu.memory_space<vmem_shared>> -> memref<16x384xf32, #tpu.memory_space<vmem_shared>>
      tpu.wait_dma2 semaphore(%run_scoped3A_2036 : memref<!tpu.dma_semaphore, #tpu.memory_space<semaphore_mem>>) src(%dma_wait3A_2042 : memref<16x384xf32, #tpu.memory_space<vmem_shared>>) dst(%arg8 : memref<16x384xf32, #tpu.memory_space<vmem>>)
      tpu.yield
    }) : () -> ()
    %get3A = arith.constant 0 : i32
    %get3A_20 = arith.index_cast %get3A : i32 to index
    %get3A_21 = arith.constant 0 : index
    %get3A_22 = tpu.vector_load %arg8[%get3A_20, %get3A_21] {strides = array<i32>} : memref<16x384xf32, #tpu.memory_space<vmem>>, vector<16xf32>,
    %get3A_23 = arith.constant 1 : i32
    %get3A_24 = arith.index_cast %get3A_23 : i32 to index
    %get3A_25 = arith.constant 0 : index
    %get3A_26 = tpu.vector_load %arg8[%get3A_24, %get3A_25] {strides = array<i32>} : memref<16x384xf32, #tpu.memory_space<vmem>>, vector<16xf32>,
    %add3A = arith.addf %get3A_22, %get3A_26 : vector<16xf32>
    %get3A_27 = arith.constant 2 : i32
    %get3A_28 = arith.index_cast %get3A_27 : i32 to index
    %get3A_29 = arith.constant 0 : index
    %get3A_30 = tpu.vector_load %arg8[%get3A_28, %get3A_29] {strides = array<i32>} : memref<16x384xf32, #tpu.memory_space<vmem>>, vector<16xf32>,
    %add3A_31 = arith.addf %add3A, %get3A_30 : vector<16xf32>
    %get3A_32 = arith.constant 3 : i32
    %get3A_33 = arith.index_cast %get3A_32 : i32 to index
    %get3A_34 = arith.constant 0 : index
    %get3A_35 = tpu.vector_load %arg8[%get3A_33, %get3A_34] {strides = array<i32>} : memref<16x384xf32, #tpu.memory_space<vmem>>, vector<16xf32>,
    %add3A_36 = arith.addf %add3A_31, %get3A_35 : vector<16xf32>
    %get3A_37 = arith.constant 4 : i32
    %get3A_38 = arith.index_cast %get3A_37 : i32 to index
    %get3A_39 = arith.constant 0 : index
    %get3A_40 = tpu.vector_load %arg8[%get3A_38, %get3A_39] {strides = array<i32>} : memref<16x384xf32, #tpu.memory_space<vmem>>, vector<16xf32>,
    %add3A_41 = arith.addf %add3A_36, %get3A_40 : vector<16xf32>
    %get3A_42 = arith.constant 5 : i32
    %get3A_43 = arith.index_cast %get3A_42 : i32 to index
    %get3A_44 = arith.constant 0 : index
    %get3A_45 = tpu.vector_load %arg8[%get3A_43, %get3A_44] {strides = array<i32>} : memref<16x384xf32, #tpu.memory_space<vmem>>, vector<16xf32>,
    %add3A_46 = arith.addf %add3A_41, %get3A_45 : vector<16xf32>
    %get3A_47 = arith.constant 6 : i32
    %get3A_48 = arith.index_cast %get3A_47 : i32 to index
    %get3A_49 = arith.constant 0 : index
    %get3A_50 = tpu.vector_load %arg8[%get3A_48, %get3A_49] {strides = array<i32>} : memref<16x384xf32, #tpu.memory_space<vmem>>, vector<16xf32>,
    %add3A_51 = arith.addf %add3A_46, %get3A_50 : vector<16xf32>
    %get3A_52 = arith.constant 7 : i32
    %get3A_53 = arith.index_cast %get3A_52 : i32 to index
    %get3A_54 = arith.constant 0 : index
    %get3A_55 = tpu.vector_load %arg8[%get3A_53, %get3A_54] {strides = array<i32>} : memref<16x384xf32, #tpu.memory_space<vmem>>, vector<16xf32>,
    %add3A_56 = arith.addf %add3A_51, %get3A_55 : vector<16xf32>
    %get3A_57 = arith.constant 8 : i32
    %get3A_58 = arith.index_cast %get3A_57 : i32 to index
    %get3A_59 = arith.constant 0 : index
    %get3A_60 = tpu.vector_load %arg8[%get3A_58, %get3A_59] {strides = array<i32>} : memref<16x384xf32, #tpu.memory_space<vmem>>, vector<16xf32>,
    %add3A_61 = arith.addf %add3A_56, %get3A_60 : vector<16xf32>
    %get3A_62 = arith.constant 9 : i32
    %get3A_63 = arith.index_cast %get3A_62 : i32 to index
    %get3A_64 = arith.constant 0 : index
    %get3A_65 = tpu.vector_load %arg8[%get3A_63, %get3A_64] {strides = array<i32>} : memref<16x384xf32, #tpu.memory_space<vmem>>, vector<16xf32>,
    %add3A_66 = arith.addf %add3A_61, %get3A_65 : vector<16xf32>
    %get3A_67 = arith.constant 10 : i32
    %get3A_68 = arith.index_cast %get3A_67 : i32 to index
    %get3A_69 = arith.constant 0 : index
    %get3A_70 = tpu.vector_load %arg8[%get3A_68, %get3A_69] {strides = array<i32>} : memref<16x384xf32, #tpu.memory_space<vmem>>, vector<16xf32>,
    %add3A_71 = arith.addf %add3A_66, %get3A_70 : vector<16xf32>
    %get3A_72 = arith.constant 11 : i32
    %get3A_73 = arith.index_cast %get3A_72 : i32 to index
    %get3A_74 = arith.constant 0 : index
    %get3A_75 = tpu.vector_load %arg8[%get3A_73, %get3A_74] {strides = array<i32>} : memref<16x384xf32, #tpu.memory_space<vmem>>, vector<16xf32>,
    %add3A_76 = arith.addf %add3A_71, %get3A_75 : vector<16xf32>
    %get3A_77 = arith.constant 12 : i32
    %get3A_78 = arith.index_cast %get3A_77 : i32 to index
    %get3A_79 = arith.constant 0 : index
    %get3A_80 = tpu.vector_load %arg8[%get3A_78, %get3A_79] {strides = array<i32>} : memref<16x384xf32, #tpu.memory_space<vmem>>, vector<16xf32>,
    %add3A_81 = arith.addf %add3A_76, %get3A_80 : vector<16xf32>
    %get3A_82 = arith.constant 13 : i32
    %get3A_83 = arith.index_cast %get3A_82 : i32 to index
    %get3A_84 = arith.constant 0 : index
    %get3A_85 = tpu.vector_load %arg8[%get3A_83, %get3A_84] {strides = array<i32>} : memref<16x384xf32, #tpu.memory_space<vmem>>, vector<16xf32>,
    %add3A_86 = arith.addf %add3A_81, %get3A_85 : vector<16xf32>
    %get3A_87 = arith.constant 14 : i32
    %get3A_88 = arith.index_cast %get3A_87 : i32 to index
    %get3A_89 = arith.constant 0 : index
    %get3A_90 = tpu.vector_load %arg8[%get3A_88, %get3A_89] {strides = array<i32>} : memref<16x384xf32, #tpu.memory_space<vmem>>, vector<16xf32>,
    %add3A_91 = arith.addf %add3A_86, %get3A_90 : vector<16xf32>
    %get3A_92 = arith.constant 15 : i32
    %get3A_93 = arith.index_cast %get3A_92 : i32 to index
    %get3A_94 = arith.constant 0 : index
    %get3A_95 = tpu.vector_load %arg8[%get3A_93, %get3A_94] {strides = array<i32>} : memref<16x384xf32, #tpu.memory_space<vmem>>, vector<16xf32>,
    %add3A_96 = arith.addf %add3A_91, %get3A_95 : vector<16xf32>
    %add3A_97 = arith.constant 1.000000e+00 : f32
    %add3A_98 = vector.broadcast %add3A_97 : f32 to vector<16xf32>
    %add3A_99 = arith.addf %add3A_96, %add3A_98 : vector<16xf32>
    %swap3A = arith.constant 0 : index
    %swap3A_100 = tpu.vector_load %arg9[%swap3A] {strides = array<i32>} : memref<384xf32, #tpu.memory_space<vmem>>, vector<16xf32>,
    tpu.vector_store %arg9[%swap3A], %add3A_99 {strides = array<i32>} : memref<384xf32, #tpu.memory_space<vmem>>, vector<16xf32>,
    %get3A_101 = arith.constant 0 : i32
    %get3A_102 = arith.index_cast %get3A_101 : i32 to index
    %get3A_103 = arith.constant 16 : index
    %get3A_104 = tpu.vector_load %arg8[%get3A_102, %get3A_103] {strides = array<i32>} : memref<16x384xf32, #tpu.memory_space<vmem>>, vector<16xf32>,
    %get3A_105 = arith.constant 1 : i32
    %get3A_106 = arith.index_cast %get3A_105 : i32 to index
    %get3A_107 = arith.constant 16 : index
    %get3A_108 = tpu.vector_load %arg8[%get3A_106, %get3A_107] {strides = array<i32>} : memref<16x384xf32, #tpu.memory_space<vmem>>, vector<16xf32>,
    %add3A_109 = arith.addf %get3A_104, %get3A_108 : vector<16xf32>
    %get3A_110 = arith.constant 2 : i32
    %get3A_111 = arith.index_cast %get3A_110 : i32 to index
    %get3A_112 = arith.constant 16 : index
    %get3A_113 = tpu.vector_load %arg8[%get3A_111, %get3A_112] {strides = array<i32>} : memref<16x384xf32, #tpu.memory_space<vmem>>, vector<16xf32>,
    %add3A_114 = arith.addf %add3A_109, %get3A_113 : vector<16xf32>
    %get3A_115 = arith.constant 3 : i32
    %get3A_116 = arith.index_cast %get3A_115 : i32 to index
    %get3A_117 = arith.constant 16 : index
    %get3A_118 = tpu.vector_load %arg8[%get3A_116, %get3A_117] {strides = array<i32>} : memref<16x384xf32, #tpu.memory_space<vmem>>, vector<16xf32>,
    %add3A_119 = arith.addf %add3A_114, %get3A_118 : vector<16xf32>
    %get3A_120 = arith.constant 4 : i32
    %get3A_121 = arith.index_cast %get3A_120 : i32 to index
    %get3A_122 = arith.constant 16 : index
    %get3A_123 = tpu.vector_load %arg8[%get3A_121, %get3A_122] {strides = array<i32>} : memref<16x384xf32, #tpu.memory_space<vmem>>, vector<16xf32>,
    %add3A_124 = arith.addf %add3A_119, %get3A_123 : vector<16xf32>
    %get3A_125 = arith.constant 5 : i32
    %get3A_126 = arith.index_cast %get3A_125 : i32 to index
    %get3A_127 = arith.constant 16 : index
    %get3A_128 = tpu.vector_load %arg8[%get3A_126, %get3A_127] {strides = array<i32>} : memref<16x384xf32, #tpu.memory_space<vmem>>, vector<16xf32>,
    %add3A_129 = arith.addf %add3A_124, %get3A_128 : vector<16xf32>
    %get3A_130 = arith.constant 6 : i32
    %get3A_131 = arith.index_cast %get3A_130 : i32 to index
    %get3A_132 = arith.constant 16 : index
    %get3A_133 = tpu.vector_load %arg8[%get3A_131, %get3A_132] {strides = array<i32>} : memref<16x384xf32, #tpu.memory_space<vmem>>, vector<16xf32>,
    %add3A_134 = arith.addf %add3A_129, %get3A_133 : vector<16xf32>
    %get3A_135 = arith.constant 7 : i32
    %get3A_136 = arith.index_cast %get3A_135 : i32 to index
    %get3A_137 = arith.constant 16 : index
    %get3A_138 = tpu.vector_load %arg8[%get3A_136, %get3A_137] {strides = array<i32>} : memref<16x384xf32, #tpu.memory_space<vmem>>, vector<16xf32>,
    %add3A_139 = arith.addf %add3A_134, %get3A_138 : vector<16xf32>
    %get3A_140 = arith.constant 8 : i32
    %get3A_141 = arith.index_cast %get3A_140 : i32 to index
    %get3A_142 = arith.constant 16 : index
    %get3A_143 = tpu.vector_load %arg8[%get3A_141, %get3A_142] {strides = array<i32>} : memref<16x384xf32, #tpu.memory_space<vmem>>, vector<16xf32>,
    %add3A_144 = arith.addf %add3A_139, %get3A_143 : vector<16xf32>
    %get3A_145 = arith.constant 9 : i32
    %get3A_146 = arith.index_cast %get3A_145 : i32 to index
    %get3A_147 = arith.constant 16 : index
    %get3A_148 = tpu.vector_load %arg8[%get3A_146, %get3A_147] {strides = array<i32>} : memref<16x384xf32, #tpu.memory_space<vmem>>, vector<16xf32>,
    %add3A_149 = arith.addf %add3A_144, %get3A_148 : vector<16xf32>
    %get3A_150 = arith.constant 10 : i32
    %get3A_151 = arith.index_cast %get3A_150 : i32 to index
    %get3A_152 = arith.constant 16 : index
    %get3A_153 = tpu.vector_load %arg8[%get3A_151, %get3A_152] {strides = array<i32>} : memref<16x384xf32, #tpu.memory_space<vmem>>, vector<16xf32>,
    %add3A_154 = arith.addf %add3A_149, %get3A_153 : vector<16xf32>
    %get3A_155 = arith.constant 11 : i32
    %get3A_156 = arith.index_cast %get3A_155 : i32 to index
    %get3A_157 = arith.constant 16 : index
    %get3A_158 = tpu.vector_load %arg8[%get3A_156, %get3A_157] {strides = array<i32>} : memref<16x384xf32, #tpu.memory_space<vmem>>, vector<16xf32>,
    %add3A_159 = arith.addf %add3A_154, %get3A_158 : vector<16xf32>
    %get3A_160 = arith.constant 12 : i32
    %get3A_161 = arith.index_cast %get3A_160 : i32 to index
    %get3A_162 = arith.constant 16 : index
    %get3A_163 = tpu.vector_load %arg8[%get3A_161, %get3A_162] {strides = array<i32>} : memref<16x384xf32, #tpu.memory_space<vmem>>, vector<16xf32>,
    %add3A_164 = arith.addf %add3A_159, %get3A_163 : vector<16xf32>
    %get3A_165 = arith.constant 13 : i32
    %get3A_166 = arith.index_cast %get3A_165 : i32 to index
    %get3A_167 = arith.constant 16 : index
    %get3A_168 = tpu.vector_load %arg8[%get3A_166, %get3A_167] {strides = array<i32>} : memref<16x384xf32, #tpu.memory_space<vmem>>, vector<16xf32>,
    %add3A_169 = arith.addf %add3A_164, %get3A_168 : vector<16xf32>
    %get3A_170 = arith.constant 14 : i32
    %get3A_171 = arith.index_cast %get3A_170 : i32 to index
    %get3A_172 = arith.constant 16 : index
    %get3A_173 = tpu.vector_load %arg8[%get3A_171, %get3A_172] {strides = array<i32>} : memref<16x384xf32, #tpu.memory_space<vmem>>, vector<16xf32>,
    %add3A_174 = arith.addf %add3A_169, %get3A_173 : vector<16xf32>
    %get3A_175 = arith.constant 15 : i32
    %get3A_176 = arith.index_cast %get3A_175 : i32 to index
    %get3A_177 = arith.constant 16 : index
    %get3A_178 = tpu.vector_load %arg8[%get3A_176, %get3A_177] {strides = array<i32>} : memref<16x384xf32, #tpu.memory_space<vmem>>, vector<16xf32>,
    %add3A_179 = arith.addf %add3A_174, %get3A_178 : vector<16xf32>
    %add3A_180 = arith.constant 1.000000e+00 : f32
    %add3A_181 = vector.broadcast %add3A_180 : f32 to vector<16xf32>
    %add3A_182 = arith.addf %add3A_179, %add3A_181 : vector<16xf32>
    %swap3A_183 = arith.constant 16 : index
    %swap3A_184 = tpu.vector_load %arg9[%swap3A_183] {strides = array<i32>} : memref<384xf32, #tpu.memory_space<vmem>>, vector<16xf32>,
    tpu.vector_store %arg9[%swap3A_183], %add3A_182 {strides = array<i32>} : memref<384xf32, #tpu.memory_space<vmem>>, vector<16xf32>,
    %get3A_185 = arith.constant 0 : i32
    %get3A_186 = arith.index_cast %get3A_185 : i32 to index
    %get3A_187 = arith.constant 32 : index
    %get3A_188 = tpu.vector_load %arg8[%get3A_186, %get3A_187] {strides = array<i32>} : memref<16x384xf32, #tpu.memory_space<vmem>>, vector<16xf32>,
    %get3A_189 = arith.constant 1 : i32
    %get3A_190 = arith.index_cast %get3A_189 : i32 to index
    %get3A_191 = arith.constant 32 : index
    %get3A_192 = tpu.vector_load %arg8[%get3A_190, %get3A_191] {strides = array<i32>} : memref<16x384xf32, #tpu.memory_space<vmem>>, vector<16xf32>,
    %add3A_193 = arith.addf %get3A_188, %get3A_192 : vector<16xf32>
    %get3A_194 = arith.constant 2 : i32
    %get3A_195 = arith.index_cast %get3A_194 : i32 to index
    %get3A_196 = arith.constant 32 : index
    %get3A_197 = tpu.vector_load %arg8[%get3A_195, %get3A_196] {strides = array<i32>} : memref<16x384xf32, #tpu.memory_space<vmem>>, vector<16xf32>,
    %add3A_198 = arith.addf %add3A_193, %get3A_197 : vector<16xf32>
    %get3A_199 = arith.constant 3 : i32
    %get3A_200 = arith.index_cast %get3A_199 : i32 to index
    %get3A_201 = arith.constant 32 : index
    %get3A_202 = tpu.vector_load %arg8[%get3A_200, %get3A_201] {strides = array<i32>} : memref<16x384xf32, #tpu.memory_space<vmem>>, vector<16xf32>,
    %add3A_203 = arith.addf %add3A_198, %get3A_202 : vector<16xf32>
    %get3A_204 = arith.constant 4 : i32
    %get3A_205 = arith.index_cast %get3A_204 : i32 to index
    %get3A_206 = arith.constant 32 : index
    %get3A_207 = tpu.vector_load %arg8[%get3A_205, %get3A_206] {strides = array<i32>} : memref<16x384xf32, #tpu.memory_space<vmem>>, vector<16xf32>,
    %add3A_208 = arith.addf %add3A_203, %get3A_207 : vector<16xf32>
    %get3A_209 = arith.constant 5 : i32
    %get3A_210 = arith.index_cast %get3A_209 : i32 to index
    %get3A_211 = arith.constant 32 : index
    %get3A_212 = tpu.vector_load %arg8[%get3A_210, %get3A_211] {strides = array<i32>} : memref<16x384xf32, #tpu.memory_space<vmem>>, vector<16xf32>,
    %add3A_213 = arith.addf %add3A_208, %get3A_212 : vector<16xf32>
    %get3A_214 = arith.constant 6 : i32
    %get3A_215 = arith.index_cast %get3A_214 : i32 to index
    %get3A_216 = arith.constant 32 : index
    %get3A_217 = tpu.vector_load %arg8[%get3A_215, %get3A_216] {strides = array<i32>} : memref<16x384xf32, #tpu.memory_space<vmem>>, vector<16xf32>,
    %add3A_218 = arith.addf %add3A_213, %get3A_217 : vector<16xf32>
    %get3A_219 = arith.constant 7 : i32
    %get3A_220 = arith.index_cast %get3A_219 : i32 to index
    %get3A_221 = arith.constant 32 : index
    %get3A_222 = tpu.vector_load %arg8[%get3A_220, %get3A_221] {strides = array<i32>} : memref<16x384xf32, #tpu.memory_space<vmem>>, vector<16xf32>,
    %add3A_223 = arith.addf %add3A_218, %get3A_222 : vector<16xf32>
    %get3A_224 = arith.constant 8 : i32
    %get3A_225 = arith.index_cast %get3A_224 : i32 to index
    %get3A_226 = arith.constant 32 : index
    %get3A_227 = tpu.vector_load %arg8[%get3A_225, %get3A_226] {strides = array<i32>} : memref<16x384xf32, #tpu.memory_space<vmem>>, vector<16xf32>,
    %add3A_228 = arith.addf %add3A_223, %get3A_227 : vector<16xf32>
    %get3A_229 = arith.constant 9 : i32
    %get3A_230 = arith.index_cast %get3A_229 : i32 to index
    %get3A_231 = arith.constant 32 : index
    %get3A_232 = tpu.vector_load %arg8[%get3A_230, %get3A_231] {strides = array<i32>} : memref<16x384xf32, #tpu.memory_space<vmem>>, vector<16xf32>,
    %add3A_233 = arith.addf %add3A_228, %get3A_232 : vector<16xf32>
    %get3A_234 = arith.constant 10 : i32
    %get3A_235 = arith.index_cast %get3A_234 : i32 to index
    %get3A_236 = arith.constant 32 : index
    %get3A_237 = tpu.vector_load %arg8[%get3A_235, %get3A_236] {strides = array<i32>} : memref<16x384xf32, #tpu.memory_space<vmem>>, vector<16xf32>,
    %add3A_238 = arith.addf %add3A_233, %get3A_237 : vector<16xf32>
    %get3A_239 = arith.constant 11 : i32
    %get3A_240 = arith.index_cast %get3A_239 : i32 to index
    %get3A_241 = arith.constant 32 : index
    %get3A_242 = tpu.vector_load %arg8[%get3A_240, %get3A_241] {strides = array<i32>} : memref<16x384xf32, #tpu.memory_space<vmem>>, vector<16xf32>,
    %add3A_243 = arith.addf %add3A_238, %get3A_242 : vector<16xf32>
    %get3A_244 = arith.constant 12 : i32
    %get3A_245 = arith.index_cast %get3A_244 : i32 to index
    %get3A_246 = arith.constant 32 : index
    %get3A_247 = tpu.vector_load %arg8[%get3A_245, %get3A_246] {strides = array<i32>} : memref<16x384xf32, #tpu.memory_space<vmem>>, vector<16xf32>,
    %add3A_248 = arith.addf %add3A_243, %get3A_247 : vector<16xf32>
    %get3A_249 = arith.constant 13 : i32
    %get3A_250 = arith.index_cast %get3A_249 : i32 to index
    %get3A_251 = arith.constant 32 : index
    %get3A_252 = tpu.vector_load %arg8[%get3A_250, %get3A_251] {strides = array<i32>} : memref<16x384xf32, #tpu.memory_space<vmem>>, vector<16xf32>,
    %add3A_253 = arith.addf %add3A_248, %get3A_252 : vector<16xf32>
    %get3A_254 = arith.constant 14 : i32
    %get3A_255 = arith.index_cast %get3A_254 : i32 to index
    %get3A_256 = arith.constant 32 : index
    %get3A_257 = tpu.vector_load %arg8[%get3A_255, %get3A_256] {strides = array<i32>} : memref<16x384xf32, #tpu.memory_space<vmem>>, vector<16xf32>,
    %add3A_258 = arith.addf %add3A_253, %get3A_257 : vector<16xf32>
    %get3A_259 = arith.constant 15 : i32
    %get3A_260 = arith.index_cast %get3A_259 : i32 to index
    %get3A_261 = arith.constant 32 : index
    %get3A_262 = tpu.vector_load %arg8[%get3A_260, %get3A_261] {strides = array<i32>} : memref<16x384xf32, #tpu.memory_space<vmem>>, vector<16xf32>,
    %add3A_263 = arith.addf %add3A_258, %get3A_262 : vector<16xf32>
    %add3A_264 = arith.constant 1.000000e+00 : f32
    %add3A_265 = vector.broadcast %add3A_264 : f32 to vector<16xf32>
    %add3A_266 = arith.addf %add3A_263, %add3A_265 : vector<16xf32>
    %swap3A_267 = arith.constant 32 : index
    %swap3A_268 = tpu.vector_load %arg9[%swap3A_267] {strides = array<i32>} : memref<384xf32, #tpu.memory_space<vmem>>, vector<16xf32>,
    tpu.vector_store %arg9[%swap3A_267], %add3A_266 {strides = array<i32>} : memref<384xf32, #tpu.memory_space<vmem>>, vector<16xf32>,
    %get3A_269 = arith.constant 0 : i32
    %get3A_270 = arith.index_cast %get3A_269 : i32 to index
    %get3A_271 = arith.constant 48 : index
    %get3A_272 = tpu.vector_load %arg8[%get3A_270, %get3A_271] {strides = array<i32>} : memref<16x384xf32, #tpu.memory_space<vmem>>, vector<16xf32>,
    %get3A_273 = arith.constant 1 : i32
    %get3A_274 = arith.index_cast %get3A_273 : i32 to index
    %get3A_275 = arith.constant 48 : index
    %get3A_276 = tpu.vector_load %arg8[%get3A_274, %get3A_275] {strides = array<i32>} : memref<16x384xf32, #tpu.memory_space<vmem>>, vector<16xf32>,
    %add3A_277 = arith.addf %get3A_272, %get3A_276 : vector<16xf32>
    %get3A_278 = arith.constant 2 : i32
    %get3A_279 = arith.index_cast %get3A_278 : i32 to index
    %get3A_280 = arith.constant 48 : index
    %get3A_281 = tpu.vector_load %arg8[%get3A_279, %get3A_280] {strides = array<i32>} : memref<16x384xf32, #tpu.memory_space<vmem>>, vector<16xf32>,
    %add3A_282 = arith.addf %add3A_277, %get3A_281 : vector<16xf32>
    %get3A_283 = arith.constant 3 : i32
    %get3A_284 = arith.index_cast %get3A_283 : i32 to index
    %get3A_285 = arith.constant 48 : index
    %get3A_286 = tpu.vector_load %arg8[%get3A_284, %get3A_285] {strides = array<i32>} : memref<16x384xf32, #tpu.memory_space<vmem>>, vector<16xf32>,
    %add3A_287 = arith.addf %add3A_282, %get3A_286 : vector<16xf32>
    %get3A_288 = arith.constant 4 : i32
    %get3A_289 = arith.index_cast %get3A_288 : i32 to index
    %get3A_290 = arith.constant 48 : index
    %get3A_291 = tpu.vector_load %arg8[%get3A_289, %get3A_290] {strides = array<i32>} : memref<16x384xf32, #tpu.memory_space<vmem>>, vector<16xf32>,
    %add3A_292 = arith.addf %add3A_287, %get3A_291 : vector<16xf32>
    %get3A_293 = arith.constant 5 : i32
    %get3A_294 = arith.index_cast %get3A_293 : i32 to index
    %get3A_295 = arith.constant 48 : index
    %get3A_296 = tpu.vector_load %arg8[%get3A_294, %get3A_295] {strides = array<i32>} : memref<16x384xf32, #tpu.memory_space<vmem>>, vector<16xf32>,
    %add3A_297 = arith.addf %add3A_292, %get3A_296 : vector<16xf32>
    %get3A_298 = arith.constant 6 : i32
    %get3A_299 = arith.index_cast %get3A_298 : i32 to index
    %get3A_300 = arith.constant 48 : index
    %get3A_301 = tpu.vector_load %arg8[%get3A_299, %get3A_300] {strides = array<i32>} : memref<16x384xf32, #tpu.memory_space<vmem>>, vector<16xf32>,
    %add3A_302 = arith.addf %add3A_297, %get3A_301 : vector<16xf32>
    %get3A_303 = arith.constant 7 : i32
    %get3A_304 = arith.index_cast %get3A_303 : i32 to index
    %get3A_305 = arith.constant 48 : index
    %get3A_306 = tpu.vector_load %arg8[%get3A_304, %get3A_305] {strides = array<i32>} : memref<16x384xf32, #tpu.memory_space<vmem>>, vector<16xf32>,
    %add3A_307 = arith.addf %add3A_302, %get3A_306 : vector<16xf32>
    %get3A_308 = arith.constant 8 : i32
    %get3A_309 = arith.index_cast %get3A_308 : i32 to index
    %get3A_310 = arith.constant 48 : index
    %get3A_311 = tpu.vector_load %arg8[%get3A_309, %get3A_310] {strides = array<i32>} : memref<16x384xf32, #tpu.memory_space<vmem>>, vector<16xf32>,
    %add3A_312 = arith.addf %add3A_307, %get3A_311 : vector<16xf32>
    %get3A_313 = arith.constant 9 : i32
    %get3A_314 = arith.index_cast %get3A_313 : i32 to index
    %get3A_315 = arith.constant 48 : index
    %get3A_316 = tpu.vector_load %arg8[%get3A_314, %get3A_315] {strides = array<i32>} : memref<16x384xf32, #tpu.memory_space<vmem>>, vector<16xf32>,
    %add3A_317 = arith.addf %add3A_312, %get3A_316 : vector<16xf32>
    %get3A_318 = arith.constant 10 : i32
    %get3A_319 = arith.index_cast %get3A_318 : i32 to index
    %get3A_320 = arith.constant 48 : index
    %get3A_321 = tpu.vector_load %arg8[%get3A_319, %get3A_320] {strides = array<i32>} : memref<16x384xf32, #tpu.memory_space<vmem>>, vector<16xf32>,
    %add3A_322 = arith.addf %add3A_317, %get3A_321 : vector<16xf32>
    %get3A_323 = arith.constant 11 : i32
    %get3A_324 = arith.index_cast %get3A_323 : i32 to index
    %get3A_325 = arith.constant 48 : index
    %get3A_326 = tpu.vector_load %arg8[%get3A_324, %get3A_325] {strides = array<i32>} : memref<16x384xf32, #tpu.memory_space<vmem>>, vector<16xf32>,
    %add3A_327 = arith.addf %add3A_322, %get3A_326 : vector<16xf32>
    %get3A_328 = arith.constant 12 : i32
    %get3A_329 = arith.index_cast %get3A_328 : i32 to index
    %get3A_330 = arith.constant 48 : index
    %get3A_331 = tpu.vector_load %arg8[%get3A_329, %get3A_330] {strides = array<i32>} : memref<16x384xf32, #tpu.memory_space<vmem>>, vector<16xf32>,
    %add3A_332 = arith.addf %add3A_327, %get3A_331 : vector<16xf32>
    %get3A_333 = arith.constant 13 : i32
    %get3A_334 = arith.index_cast %get3A_333 : i32 to index
    %get3A_335 = arith.constant 48 : index
    %get3A_336 = tpu.vector_load %arg8[%get3A_334, %get3A_335] {strides = array<i32>} : memref<16x384xf32, #tpu.memory_space<vmem>>, vector<16xf32>,
    %add3A_337 = arith.addf %add3A_332, %get3A_336 : vector<16xf32>
    %get3A_338 = arith.constant 14 : i32
    %get3A_339 = arith.index_cast %get3A_338 : i32 to index
    %get3A_340 = arith.constant 48 : index
    %get3A_341 = tpu.vector_load %arg8[%get3A_339, %get3A_340] {strides = array<i32>} : memref<16x384xf32, #tpu.memory_space<vmem>>, vector<16xf32>,
    %add3A_342 = arith.addf %add3A_337, %get3A_341 : vector<16xf32>
    %get3A_343 = arith.constant 15 : i32
    %get3A_344 = arith.index_cast %get3A_343 : i32 to index
    %get3A_345 = arith.constant 48 : index
    %get3A_346 = tpu.vector_load %arg8[%get3A_344, %get3A_345] {strides = array<i32>} : memref<16x384xf32, #tpu.memory_space<vmem>>, vector<16xf32>,
    %add3A_347 = arith.addf %add3A_342, %get3A_346 : vector<16xf32>
    %add3A_348 = arith.constant 1.000000e+00 : f32
    %add3A_349 = vector.broadcast %add3A_348 : f32 to vector<16xf32>
    %add3A_350 = arith.addf %add3A_347, %add3A_349 : vector<16xf32>
    %swap3A_351 = arith.constant 48 : index
    %swap3A_352 = tpu.vector_load %arg9[%swap3A_351] {strides = array<i32>} : memref<384xf32, #tpu.memory_space<vmem>>, vector<16xf32>,
    tpu.vector_store %arg9[%swap3A_351], %add3A_350 {strides = array<i32>} : memref<384xf32, #tpu.memory_space<vmem>>, vector<16xf32>,
    %get3A_353 = arith.constant 0 : i32
    %get3A_354 = arith.index_cast %get3A_353 : i32 to index
    %get3A_355 = arith.constant 64 : index
    %get3A_356 = tpu.vector_load %arg8[%get3A_354, %get3A_355] {strides = array<i32>} : memref<16x384xf32, #tpu.memory_space<vmem>>, vector<16xf32>,
    %get3A_357 = arith.constant 1 : i32
    %get3A_358 = arith.index_cast %get3A_357 : i32 to index
    %get3A_359 = arith.constant 64 : index
    %get3A_360 = tpu.vector_load %arg8[%get3A_358, %get3A_359] {strides = array<i32>} : memref<16x384xf32, #tpu.memory_space<vmem>>, vector<16xf32>,
    %add3A_361 = arith.addf %get3A_356, %get3A_360 : vector<16xf32>
    %get3A_362 = arith.constant 2 : i32
    %get3A_363 = arith.index_cast %get3A_362 : i32 to index
    %get3A_364 = arith.constant 64 : index
    %get3A_365 = tpu.vector_load %arg8[%get3A_363, %get3A_364] {strides = array<i32>} : memref<16x384xf32, #tpu.memory_space<vmem>>, vector<16xf32>,
    %add3A_366 = arith.addf %add3A_361, %get3A_365 : vector<16xf32>
    %get3A_367 = arith.constant 3 : i32
    %get3A_368 = arith.index_cast %get3A_367 : i32 to index
    %get3A_369 = arith.constant 64 : index
    %get3A_370 = tpu.vector_load %arg8[%get3A_368, %get3A_369] {strides = array<i32>} : memref<16x384xf32, #tpu.memory_space<vmem>>, vector<16xf32>,
    %add3A_371 = arith.addf %add3A_366, %get3A_370 : vector<16xf32>
    %get3A_372 = arith.constant 4 : i32
    %get3A_373 = arith.index_cast %get3A_372 : i32 to index
    %get3A_374 = arith.constant 64 : index
    %get3A_375 = tpu.vector_load %arg8[%get3A_373, %get3A_374] {strides = array<i32>} : memref<16x384xf32, #tpu.memory_space<vmem>>, vector<16xf32>,
    %add3A_376 = arith.addf %add3A_371, %get3A_375 : vector<16xf32>
    %get3A_377 = arith.constant 5 : i32
    %get3A_378 = arith.index_cast %get3A_377 : i32 to index
    %get3A_379 = arith.constant 64 : index
    %get3A_380 = tpu.vector_load %arg8[%get3A_378, %get3A_379] {strides = array<i32>} : memref<16x384xf32, #tpu.memory_space<vmem>>, vector<16xf32>,
    %add3A_381 = arith.addf %add3A_376, %get3A_380 : vector<16xf32>
    %get3A_382 = arith.constant 6 : i32
    %get3A_383 = arith.index_cast %get3A_382 : i32 to index
    %get3A_384 = arith.constant 64 : index
    %get3A_385 = tpu.vector_load %arg8[%get3A_383, %get3A_384] {strides = array<i32>} : memref<16x384xf32, #tpu.memory_space<vmem>>, vector<16xf32>,
    %add3A_386 = arith.addf %add3A_381, %get3A_385 : vector<16xf32>
    %get3A_387 = arith.constant 7 : i32
    %get3A_388 = arith.index_cast %get3A_387 : i32 to index
    %get3A_389 = arith.constant 64 : index
    %get3A_390 = tpu.vector_load %arg8[%get3A_388, %get3A_389] {strides = array<i32>} : memref<16x384xf32, #tpu.memory_space<vmem>>, vector<16xf32>,
    %add3A_391 = arith.addf %add3A_386, %get3A_390 : vector<16xf32>
    %get3A_392 = arith.constant 8 : i32
    %get3A_393 = arith.index_cast %get3A_392 : i32 to index
    %get3A_394 = arith.constant 64 : index
    %get3A_395 = tpu.vector_load %arg8[%get3A_393, %get3A_394] {strides = array<i32>} : memref<16x384xf32, #tpu.memory_space<vmem>>, vector<16xf32>,
    %add3A_396 = arith.addf %add3A_391, %get3A_395 : vector<16xf32>
    %get3A_397 = arith.constant 9 : i32
    %get3A_398 = arith.index_cast %get3A_397 : i32 to index
    %get3A_399 = arith.constant 64 : index
    %get3A_400 = tpu.vector_load %arg8[%get3A_398, %get3A_399] {strides = array<i32>} : memref<16x384xf32, #tpu.memory_space<vmem>>, vector<16xf32>,
    %add3A_401 = arith.addf %add3A_396, %get3A_400 : vector<16xf32>
    %get3A_402 = arith.constant 10 : i32
    %get3A_403 = arith.index_cast %get3A_402 : i32 to index
    %get3A_404 = arith.constant 64 : index
    %get3A_405 = tpu.vector_load %arg8[%get3A_403, %get3A_404] {strides = array<i32>} : memref<16x384xf32, #tpu.memory_space<vmem>>, vector<16xf32>,
    %add3A_406 = arith.addf %add3A_401, %get3A_405 : vector<16xf32>
    %get3A_407 = arith.constant 11 : i32
    %get3A_408 = arith.index_cast %get3A_407 : i32 to index
    %get3A_409 = arith.constant 64 : index
    %get3A_410 = tpu.vector_load %arg8[%get3A_408, %get3A_409] {strides = array<i32>} : memref<16x384xf32, #tpu.memory_space<vmem>>, vector<16xf32>,
    %add3A_411 = arith.addf %add3A_406, %get3A_410 : vector<16xf32>
    %get3A_412 = arith.constant 12 : i32
    %get3A_413 = arith.index_cast %get3A_412 : i32 to index
    %get3A_414 = arith.constant 64 : index
    %get3A_415 = tpu.vector_load %arg8[%get3A_413, %get3A_414] {strides = array<i32>} : memref<16x384xf32, #tpu.memory_space<vmem>>, vector<16xf32>,
    %add3A_416 = arith.addf %add3A_411, %get3A_415 : vector<16xf32>
    %get3A_417 = arith.constant 13 : i32
    %get3A_418 = arith.index_cast %get3A_417 : i32 to index
    %get3A_419 = arith.constant 64 : index
    %get3A_420 = tpu.vector_load %arg8[%get3A_418, %get3A_419] {strides = array<i32>} : memref<16x384xf32, #tpu.memory_space<vmem>>, vector<16xf32>,
    %add3A_421 = arith.addf %add3A_416, %get3A_420 : vector<16xf32>
    %get3A_422 = arith.constant 14 : i32
    %get3A_423 = arith.index_cast %get3A_422 : i32 to index
    %get3A_424 = arith.constant 64 : index
    %get3A_425 = tpu.vector_load %arg8[%get3A_423, %get3A_424] {strides = array<i32>} : memref<16x384xf32, #tpu.memory_space<vmem>>, vector<16xf32>,
    %add3A_426 = arith.addf %add3A_421, %get3A_425 : vector<16xf32>
    %get3A_427 = arith.constant 15 : i32
    %get3A_428 = arith.index_cast %get3A_427 : i32 to index
    %get3A_429 = arith.constant 64 : index
    %get3A_430 = tpu.vector_load %arg8[%get3A_428, %get3A_429] {strides = array<i32>} : memref<16x384xf32, #tpu.memory_space<vmem>>, vector<16xf32>,
    %add3A_431 = arith.addf %add3A_426, %get3A_430 : vector<16xf32>
    %add3A_432 = arith.constant 1.000000e+00 : f32
    %add3A_433 = vector.broadcast %add3A_432 : f32 to vector<16xf32>
    %add3A_434 = arith.addf %add3A_431, %add3A_433 : vector<16xf32>
    %swap3A_435 = arith.constant 64 : index
    %swap3A_436 = tpu.vector_load %arg9[%swap3A_435] {strides = array<i32>} : memref<384xf32, #tpu.memory_space<vmem>>, vector<16xf32>,
    tpu.vector_store %arg9[%swap3A_435], %add3A_434 {strides = array<i32>} : memref<384xf32, #tpu.memory_space<vmem>>, vector<16xf32>,
    %get3A_437 = arith.constant 0 : i32
    %get3A_438 = arith.index_cast %get3A_437 : i32 to index
    %get3A_439 = arith.constant 80 : index
    %get3A_440 = tpu.vector_load %arg8[%get3A_438, %get3A_439] {strides = array<i32>} : memref<16x384xf32, #tpu.memory_space<vmem>>, vector<16xf32>,
    %get3A_441 = arith.constant 1 : i32
    %get3A_442 = arith.index_cast %get3A_441 : i32 to index
    %get3A_443 = arith.constant 80 : index
    %get3A_444 = tpu.vector_load %arg8[%get3A_442, %get3A_443] {strides = array<i32>} : memref<16x384xf32, #tpu.memory_space<vmem>>, vector<16xf32>,
    %add3A_445 = arith.addf %get3A_440, %get3A_444 : vector<16xf32>
    %get3A_446 = arith.constant 2 : i32
    %get3A_447 = arith.index_cast %get3A_446 : i32 to index
    %get3A_448 = arith.constant 80 : index
    %get3A_449 = tpu.vector_load %arg8[%get3A_447, %get3A_448] {strides = array<i32>} : memref<16x384xf32, #tpu.memory_space<vmem>>, vector<16xf32>,
    %add3A_450 = arith.addf %add3A_445, %get3A_449 : vector<16xf32>
    %get3A_451 = arith.constant 3 : i32
    %get3A_452 = arith.index_cast %get3A_451 : i32 to index
    %get3A_453 = arith.constant 80 : index
    %get3A_454 = tpu.vector_load %arg8[%get3A_452, %get3A_453] {strides = array<i32>} : memref<16x384xf32, #tpu.memory_space<vmem>>, vector<16xf32>,
    %add3A_455 = arith.addf %add3A_450, %get3A_454 : vector<16xf32>
    %get3A_456 = arith.constant 4 : i32
    %get3A_457 = arith.index_cast %get3A_456 : i32 to index
    %get3A_458 = arith.constant 80 : index
    %get3A_459 = tpu.vector_load %arg8[%get3A_457, %get3A_458] {strides = array<i32>} : memref<16x384xf32, #tpu.memory_space<vmem>>, vector<16xf32>,
    %add3A_460 = arith.addf %add3A_455, %get3A_459 : vector<16xf32>
    %get3A_461 = arith.constant 5 : i32
    %get3A_462 = arith.index_cast %get3A_461 : i32 to index
    %get3A_463 = arith.constant 80 : index
    %get3A_464 = tpu.vector_load %arg8[%get3A_462, %get3A_463] {strides = array<i32>} : memref<16x384xf32, #tpu.memory_space<vmem>>, vector<16xf32>,
    %add3A_465 = arith.addf %add3A_460, %get3A_464 : vector<16xf32>
    %get3A_466 = arith.constant 6 : i32
    %get3A_467 = arith.index_cast %get3A_466 : i32 to index
    %get3A_468 = arith.constant 80 : index
    %get3A_469 = tpu.vector_load %arg8[%get3A_467, %get3A_468] {strides = array<i32>} : memref<16x384xf32, #tpu.memory_space<vmem>>, vector<16xf32>,
    %add3A_470 = arith.addf %add3A_465, %get3A_469 : vector<16xf32>
    %get3A_471 = arith.constant 7 : i32
    %get3A_472 = arith.index_cast %get3A_471 : i32 to index
    %get3A_473 = arith.constant 80 : index
    %get3A_474 = tpu.vector_load %arg8[%get3A_472, %get3A_473] {strides = array<i32>} : memref<16x384xf32, #tpu.memory_space<vmem>>, vector<16xf32>,
    %add3A_475 = arith.addf %add3A_470, %get3A_474 : vector<16xf32>
    %get3A_476 = arith.constant 8 : i32
    %get3A_477 = arith.index_cast %get3A_476 : i32 to index
    %get3A_478 = arith.constant 80 : index
    %get3A_479 = tpu.vector_load %arg8[%get3A_477, %get3A_478] {strides = array<i32>} : memref<16x384xf32, #tpu.memory_space<vmem>>, vector<16xf32>,
    %add3A_480 = arith.addf %add3A_475, %get3A_479 : vector<16xf32>
    %get3A_481 = arith.constant 9 : i32
    %get3A_482 = arith.index_cast %get3A_481 : i32 to index
    %get3A_483 = arith.constant 80 : index
    %get3A_484 = tpu.vector_load %arg8[%get3A_482, %get3A_483] {strides = array<i32>} : memref<16x384xf32, #tpu.memory_space<vmem>>, vector<16xf32>,
    %add3A_485 = arith.addf %add3A_480, %get3A_484 : vector<16xf32>
    %get3A_486 = arith.constant 10 : i32
    %get3A_487 = arith.index_cast %get3A_486 : i32 to index
    %get3A_488 = arith.constant 80 : index
    %get3A_489 = tpu.vector_load %arg8[%get3A_487, %get3A_488] {strides = array<i32>} : memref<16x384xf32, #tpu.memory_space<vmem>>, vector<16xf32>,
    %add3A_490 = arith.addf %add3A_485, %get3A_489 : vector<16xf32>
    %get3A_491 = arith.constant 11 : i32
    %get3A_492 = arith.index_cast %get3A_491 : i32 to index
    %get3A_493 = arith.constant 80 : index
    %get3A_494 = tpu.vector_load %arg8[%get3A_492, %get3A_493] {strides = array<i32>} : memref<16x384xf32, #tpu.memory_space<vmem>>, vector<16xf32>,
    %add3A_495 = arith.addf %add3A_490, %get3A_494 : vector<16xf32>
    %get3A_496 = arith.constant 12 : i32
    %get3A_497 = arith.index_cast %get3A_496 : i32 to index
    %get3A_498 = arith.constant 80 : index
    %get3A_499 = tpu.vector_load %arg8[%get3A_497, %get3A_498] {strides = array<i32>} : memref<16x384xf32, #tpu.memory_space<vmem>>, vector<16xf32>,
    %add3A_500 = arith.addf %add3A_495, %get3A_499 : vector<16xf32>
    %get3A_501 = arith.constant 13 : i32
    %get3A_502 = arith.index_cast %get3A_501 : i32 to index
    %get3A_503 = arith.constant 80 : index
    %get3A_504 = tpu.vector_load %arg8[%get3A_502, %get3A_503] {strides = array<i32>} : memref<16x384xf32, #tpu.memory_space<vmem>>, vector<16xf32>,
    %add3A_505 = arith.addf %add3A_500, %get3A_504 : vector<16xf32>
    %get3A_506 = arith.constant 14 : i32
    %get3A_507 = arith.index_cast %get3A_506 : i32 to index
    %get3A_508 = arith.constant 80 : index
    %get3A_509 = tpu.vector_load %arg8[%get3A_507, %get3A_508] {strides = array<i32>} : memref<16x384xf32, #tpu.memory_space<vmem>>, vector<16xf32>,
    %add3A_510 = arith.addf %add3A_505, %get3A_509 : vector<16xf32>
    %get3A_511 = arith.constant 15 : i32
    %get3A_512 = arith.index_cast %get3A_511 : i32 to index
    %get3A_513 = arith.constant 80 : index
    %get3A_514 = tpu.vector_load %arg8[%get3A_512, %get3A_513] {strides = array<i32>} : memref<16x384xf32, #tpu.memory_space<vmem>>, vector<16xf32>,
    %add3A_515 = arith.addf %add3A_510, %get3A_514 : vector<16xf32>
    %add3A_516 = arith.constant 1.000000e+00 : f32
    %add3A_517 = vector.broadcast %add3A_516 : f32 to vector<16xf32>
    %add3A_518 = arith.addf %add3A_515, %add3A_517 : vector<16xf32>
    %swap3A_519 = arith.constant 80 : index
    %swap3A_520 = tpu.vector_load %arg9[%swap3A_519] {strides = array<i32>} : memref<384xf32, #tpu.memory_space<vmem>>, vector<16xf32>,
    tpu.vector_store %arg9[%swap3A_519], %add3A_518 {strides = array<i32>} : memref<384xf32, #tpu.memory_space<vmem>>, vector<16xf32>,
    %get3A_521 = arith.constant 0 : i32
    %get3A_522 = arith.index_cast %get3A_521 : i32 to index
    %get3A_523 = arith.constant 96 : index
    %get3A_524 = tpu.vector_load %arg8[%get3A_522, %get3A_523] {strides = array<i32>} : memref<16x384xf32, #tpu.memory_space<vmem>>, vector<16xf32>,
    %get3A_525 = arith.constant 1 : i32
    %get3A_526 = arith.index_cast %get3A_525 : i32 to index
    %get3A_527 = arith.constant 96 : index
    %get3A_528 = tpu.vector_load %arg8[%get3A_526, %get3A_527] {strides = array<i32>} : memref<16x384xf32, #tpu.memory_space<vmem>>, vector<16xf32>,
    %add3A_529 = arith.addf %get3A_524, %get3A_528 : vector<16xf32>
    %get3A_530 = arith.constant 2 : i32
    %get3A_531 = arith.index_cast %get3A_530 : i32 to index
    %get3A_532 = arith.constant 96 : index
    %get3A_533 = tpu.vector_load %arg8[%get3A_531, %get3A_532] {strides = array<i32>} : memref<16x384xf32, #tpu.memory_space<vmem>>, vector<16xf32>,
    %add3A_534 = arith.addf %add3A_529, %get3A_533 : vector<16xf32>
    %get3A_535 = arith.constant 3 : i32
    %get3A_536 = arith.index_cast %get3A_535 : i32 to index
    %get3A_537 = arith.constant 96 : index
    %get3A_538 = tpu.vector_load %arg8[%get3A_536, %get3A_537] {strides = array<i32>} : memref<16x384xf32, #tpu.memory_space<vmem>>, vector<16xf32>,
    %add3A_539 = arith.addf %add3A_534, %get3A_538 : vector<16xf32>
    %get3A_540 = arith.constant 4 : i32
    %get3A_541 = arith.index_cast %get3A_540 : i32 to index
    %get3A_542 = arith.constant 96 : index
    %get3A_543 = tpu.vector_load %arg8[%get3A_541, %get3A_542] {strides = array<i32>} : memref<16x384xf32, #tpu.memory_space<vmem>>, vector<16xf32>,
    %add3A_544 = arith.addf %add3A_539, %get3A_543 : vector<16xf32>
    %get3A_545 = arith.constant 5 : i32
    %get3A_546 = arith.index_cast %get3A_545 : i32 to index
    %get3A_547 = arith.constant 96 : index
    %get3A_548 = tpu.vector_load %arg8[%get3A_546, %get3A_547] {strides = array<i32>} : memref<16x384xf32, #tpu.memory_space<vmem>>, vector<16xf32>,
    %add3A_549 = arith.addf %add3A_544, %get3A_548 : vector<16xf32>
    %get3A_550 = arith.constant 6 : i32
    %get3A_551 = arith.index_cast %get3A_550 : i32 to index
    %get3A_552 = arith.constant 96 : index
    %get3A_553 = tpu.vector_load %arg8[%get3A_551, %get3A_552] {strides = array<i32>} : memref<16x384xf32, #tpu.memory_space<vmem>>, vector<16xf32>,
    %add3A_554 = arith.addf %add3A_549, %get3A_553 : vector<16xf32>
    %get3A_555 = arith.constant 7 : i32
    %get3A_556 = arith.index_cast %get3A_555 : i32 to index
    %get3A_557 = arith.constant 96 : index
    %get3A_558 = tpu.vector_load %arg8[%get3A_556, %get3A_557] {strides = array<i32>} : memref<16x384xf32, #tpu.memory_space<vmem>>, vector<16xf32>,
    %add3A_559 = arith.addf %add3A_554, %get3A_558 : vector<16xf32>
    %get3A_560 = arith.constant 8 : i32
    %get3A_561 = arith.index_cast %get3A_560 : i32 to index
    %get3A_562 = arith.constant 96 : index
    %get3A_563 = tpu.vector_load %arg8[%get3A_561, %get3A_562] {strides = array<i32>} : memref<16x384xf32, #tpu.memory_space<vmem>>, vector<16xf32>,
    %add3A_564 = arith.addf %add3A_559, %get3A_563 : vector<16xf32>
    %get3A_565 = arith.constant 9 : i32
    %get3A_566 = arith.index_cast %get3A_565 : i32 to index
    %get3A_567 = arith.constant 96 : index
    %get3A_568 = tpu.vector_load %arg8[%get3A_566, %get3A_567] {strides = array<i32>} : memref<16x384xf32, #tpu.memory_space<vmem>>, vector<16xf32>,
    %add3A_569 = arith.addf %add3A_564, %get3A_568 : vector<16xf32>
    %get3A_570 = arith.constant 10 : i32
    %get3A_571 = arith.index_cast %get3A_570 : i32 to index
    %get3A_572 = arith.constant 96 : index
    %get3A_573 = tpu.vector_load %arg8[%get3A_571, %get3A_572] {strides = array<i32>} : memref<16x384xf32, #tpu.memory_space<vmem>>, vector<16xf32>,
    %add3A_574 = arith.addf %add3A_569, %get3A_573 : vector<16xf32>
    %get3A_575 = arith.constant 11 : i32
    %get3A_576 = arith.index_cast %get3A_575 : i32 to index
    %get3A_577 = arith.constant 96 : index
    %get3A_578 = tpu.vector_load %arg8[%get3A_576, %get3A_577] {strides = array<i32>} : memref<16x384xf32, #tpu.memory_space<vmem>>, vector<16xf32>,
    %add3A_579 = arith.addf %add3A_574, %get3A_578 : vector<16xf32>
    %get3A_580 = arith.constant 12 : i32
    %get3A_581 = arith.index_cast %get3A_580 : i32 to index
    %get3A_582 = arith.constant 96 : index
    %get3A_583 = tpu.vector_load %arg8[%get3A_581, %get3A_582] {strides = array<i32>} : memref<16x384xf32, #tpu.memory_space<vmem>>, vector<16xf32>,
    %add3A_584 = arith.addf %add3A_579, %get3A_583 : vector<16xf32>
    %get3A_585 = arith.constant 13 : i32
    %get3A_586 = arith.index_cast %get3A_585 : i32 to index
    %get3A_587 = arith.constant 96 : index
    %get3A_588 = tpu.vector_load %arg8[%get3A_586, %get3A_587] {strides = array<i32>} : memref<16x384xf32, #tpu.memory_space<vmem>>, vector<16xf32>,
    %add3A_589 = arith.addf %add3A_584, %get3A_588 : vector<16xf32>
    %get3A_590 = arith.constant 14 : i32
    %get3A_591 = arith.index_cast %get3A_590 : i32 to index
    %get3A_592 = arith.constant 96 : index
    %get3A_593 = tpu.vector_load %arg8[%get3A_591, %get3A_592] {strides = array<i32>} : memref<16x384xf32, #tpu.memory_space<vmem>>, vector<16xf32>,
    %add3A_594 = arith.addf %add3A_589, %get3A_593 : vector<16xf32>
    %get3A_595 = arith.constant 15 : i32
    %get3A_596 = arith.index_cast %get3A_595 : i32 to index
    %get3A_597 = arith.constant 96 : index
    %get3A_598 = tpu.vector_load %arg8[%get3A_596, %get3A_597] {strides = array<i32>} : memref<16x384xf32, #tpu.memory_space<vmem>>, vector<16xf32>,
    %add3A_599 = arith.addf %add3A_594, %get3A_598 : vector<16xf32>
    %add3A_600 = arith.constant 1.000000e+00 : f32
    %add3A_601 = vector.broadcast %add3A_600 : f32 to vector<16xf32>
    %add3A_602 = arith.addf %add3A_599, %add3A_601 : vector<16xf32>
    %swap3A_603 = arith.constant 96 : index
    %swap3A_604 = tpu.vector_load %arg9[%swap3A_603] {strides = array<i32>} : memref<384xf32, #tpu.memory_space<vmem>>, vector<16xf32>,
    tpu.vector_store %arg9[%swap3A_603], %add3A_602 {strides = array<i32>} : memref<384xf32, #tpu.memory_space<vmem>>, vector<16xf32>,
    %get3A_605 = arith.constant 0 : i32
    %get3A_606 = arith.index_cast %get3A_605 : i32 to index
    %get3A_607 = arith.constant 112 : index
    %get3A_608 = tpu.vector_load %arg8[%get3A_606, %get3A_607] {strides = array<i32>} : memref<16x384xf32, #tpu.memory_space<vmem>>, vector<16xf32>,
    %get3A_609 = arith.constant 1 : i32
    %get3A_610 = arith.index_cast %get3A_609 : i32 to index
    %get3A_611 = arith.constant 112 : index
    %get3A_612 = tpu.vector_load %arg8[%get3A_610, %get3A_611] {strides = array<i32>} : memref<16x384xf32, #tpu.memory_space<vmem>>, vector<16xf32>,
    %add3A_613 = arith.addf %get3A_608, %get3A_612 : vector<16xf32>
    %get3A_614 = arith.constant 2 : i32
    %get3A_615 = arith.index_cast %get3A_614 : i32 to index
    %get3A_616 = arith.constant 112 : index
    %get3A_617 = tpu.vector_load %arg8[%get3A_615, %get3A_616] {strides = array<i32>} : memref<16x384xf32, #tpu.memory_space<vmem>>, vector<16xf32>,
    %add3A_618 = arith.addf %add3A_613, %get3A_617 : vector<16xf32>
    %get3A_619 = arith.constant 3 : i32
    %get3A_620 = arith.index_cast %get3A_619 : i32 to index
    %get3A_621 = arith.constant 112 : index
    %get3A_622 = tpu.vector_load %arg8[%get3A_620, %get3A_621] {strides = array<i32>} : memref<16x384xf32, #tpu.memory_space<vmem>>, vector<16xf32>,
    %add3A_623 = arith.addf %add3A_618, %get3A_622 : vector<16xf32>
    %get3A_624 = arith.constant 4 : i32
    %get3A_625 = arith.index_cast %get3A_624 : i32 to index
    %get3A_626 = arith.constant 112 : index
    %get3A_627 = tpu.vector_load %arg8[%get3A_625, %get3A_626] {strides = array<i32>} : memref<16x384xf32, #tpu.memory_space<vmem>>, vector<16xf32>,
    %add3A_628 = arith.addf %add3A_623, %get3A_627 : vector<16xf32>
    %get3A_629 = arith.constant 5 : i32
    %get3A_630 = arith.index_cast %get3A_629 : i32 to index
    %get3A_631 = arith.constant 112 : index
    %get3A_632 = tpu.vector_load %arg8[%get3A_630, %get3A_631] {strides = array<i32>} : memref<16x384xf32, #tpu.memory_space<vmem>>, vector<16xf32>,
    %add3A_633 = arith.addf %add3A_628, %get3A_632 : vector<16xf32>
    %get3A_634 = arith.constant 6 : i32
    %get3A_635 = arith.index_cast %get3A_634 : i32 to index
    %get3A_636 = arith.constant 112 : index
    %get3A_637 = tpu.vector_load %arg8[%get3A_635, %get3A_636] {strides = array<i32>} : memref<16x384xf32, #tpu.memory_space<vmem>>, vector<16xf32>,
    %add3A_638 = arith.addf %add3A_633, %get3A_637 : vector<16xf32>
    %get3A_639 = arith.constant 7 : i32
    %get3A_640 = arith.index_cast %get3A_639 : i32 to index
    %get3A_641 = arith.constant 112 : index
    %get3A_642 = tpu.vector_load %arg8[%get3A_640, %get3A_641] {strides = array<i32>} : memref<16x384xf32, #tpu.memory_space<vmem>>, vector<16xf32>,
    %add3A_643 = arith.addf %add3A_638, %get3A_642 : vector<16xf32>
    %get3A_644 = arith.constant 8 : i32
    %get3A_645 = arith.index_cast %get3A_644 : i32 to index
    %get3A_646 = arith.constant 112 : index
    %get3A_647 = tpu.vector_load %arg8[%get3A_645, %get3A_646] {strides = array<i32>} : memref<16x384xf32, #tpu.memory_space<vmem>>, vector<16xf32>,
    %add3A_648 = arith.addf %add3A_643, %get3A_647 : vector<16xf32>
    %get3A_649 = arith.constant 9 : i32
    %get3A_650 = arith.index_cast %get3A_649 : i32 to index
    %get3A_651 = arith.constant 112 : index
    %get3A_652 = tpu.vector_load %arg8[%get3A_650, %get3A_651] {strides = array<i32>} : memref<16x384xf32, #tpu.memory_space<vmem>>, vector<16xf32>,
    %add3A_653 = arith.addf %add3A_648, %get3A_652 : vector<16xf32>
    %get3A_654 = arith.constant 10 : i32
    %get3A_655 = arith.index_cast %get3A_654 : i32 to index
    %get3A_656 = arith.constant 112 : index
    %get3A_657 = tpu.vector_load %arg8[%get3A_655, %get3A_656] {strides = array<i32>} : memref<16x384xf32, #tpu.memory_space<vmem>>, vector<16xf32>,
    %add3A_658 = arith.addf %add3A_653, %get3A_657 : vector<16xf32>
    %get3A_659 = arith.constant 11 : i32
    %get3A_660 = arith.index_cast %get3A_659 : i32 to index
    %get3A_661 = arith.constant 112 : index
    %get3A_662 = tpu.vector_load %arg8[%get3A_660, %get3A_661] {strides = array<i32>} : memref<16x384xf32, #tpu.memory_space<vmem>>, vector<16xf32>,
    %add3A_663 = arith.addf %add3A_658, %get3A_662 : vector<16xf32>
    %get3A_664 = arith.constant 12 : i32
    %get3A_665 = arith.index_cast %get3A_664 : i32 to index
    %get3A_666 = arith.constant 112 : index
    %get3A_667 = tpu.vector_load %arg8[%get3A_665, %get3A_666] {strides = array<i32>} : memref<16x384xf32, #tpu.memory_space<vmem>>, vector<16xf32>,
    %add3A_668 = arith.addf %add3A_663, %get3A_667 : vector<16xf32>
    %get3A_669 = arith.constant 13 : i32
    %get3A_670 = arith.index_cast %get3A_669 : i32 to index
    %get3A_671 = arith.constant 112 : index
    %get3A_672 = tpu.vector_load %arg8[%get3A_670, %get3A_671] {strides = array<i32>} : memref<16x384xf32, #tpu.memory_space<vmem>>, vector<16xf32>,
    %add3A_673 = arith.addf %add3A_668, %get3A_672 : vector<16xf32>
    %get3A_674 = arith.constant 14 : i32
    %get3A_675 = arith.index_cast %get3A_674 : i32 to index
    %get3A_676 = arith.constant 112 : index
    %get3A_677 = tpu.vector_load %arg8[%get3A_675, %get3A_676] {strides = array<i32>} : memref<16x384xf32, #tpu.memory_space<vmem>>, vector<16xf32>,
    %add3A_678 = arith.addf %add3A_673, %get3A_677 : vector<16xf32>
    %get3A_679 = arith.constant 15 : i32
    %get3A_680 = arith.index_cast %get3A_679 : i32 to index
    %get3A_681 = arith.constant 112 : index
    %get3A_682 = tpu.vector_load %arg8[%get3A_680, %get3A_681] {strides = array<i32>} : memref<16x384xf32, #tpu.memory_space<vmem>>, vector<16xf32>,
    %add3A_683 = arith.addf %add3A_678, %get3A_682 : vector<16xf32>
    %add3A_684 = arith.constant 1.000000e+00 : f32
    %add3A_685 = vector.broadcast %add3A_684 : f32 to vector<16xf32>
    %add3A_686 = arith.addf %add3A_683, %add3A_685 : vector<16xf32>
    %swap3A_687 = arith.constant 112 : index
    %swap3A_688 = tpu.vector_load %arg9[%swap3A_687] {strides = array<i32>} : memref<384xf32, #tpu.memory_space<vmem>>, vector<16xf32>,
    tpu.vector_store %arg9[%swap3A_687], %add3A_686 {strides = array<i32>} : memref<384xf32, #tpu.memory_space<vmem>>, vector<16xf32>,
    %get3A_689 = arith.constant 0 : i32
    %get3A_690 = arith.index_cast %get3A_689 : i32 to index
    %get3A_691 = arith.constant 128 : index
    %get3A_692 = tpu.vector_load %arg8[%get3A_690, %get3A_691] {strides = array<i32>} : memref<16x384xf32, #tpu.memory_space<vmem>>, vector<16xf32>,
    %get3A_693 = arith.constant 1 : i32
    %get3A_694 = arith.index_cast %get3A_693 : i32 to index
    %get3A_695 = arith.constant 128 : index
    %get3A_696 = tpu.vector_load %arg8[%get3A_694, %get3A_695] {strides = array<i32>} : memref<16x384xf32, #tpu.memory_space<vmem>>, vector<16xf32>,
    %add3A_697 = arith.addf %get3A_692, %get3A_696 : vector<16xf32>
    %get3A_698 = arith.constant 2 : i32
    %get3A_699 = arith.index_cast %get3A_698 : i32 to index
    %get3A_700 = arith.constant 128 : index
    %get3A_701 = tpu.vector_load %arg8[%get3A_699, %get3A_700] {strides = array<i32>} : memref<16x384xf32, #tpu.memory_space<vmem>>, vector<16xf32>,
    %add3A_702 = arith.addf %add3A_697, %get3A_701 : vector<16xf32>
    %get3A_703 = arith.constant 3 : i32
    %get3A_704 = arith.index_cast %get3A_703 : i32 to index
    %get3A_705 = arith.constant 128 : index
    %get3A_706 = tpu.vector_load %arg8[%get3A_704, %get3A_705] {strides = array<i32>} : memref<16x384xf32, #tpu.memory_space<vmem>>, vector<16xf32>,
    %add3A_707 = arith.addf %add3A_702, %get3A_706 : vector<16xf32>
    %get3A_708 = arith.constant 4 : i32
    %get3A_709 = arith.index_cast %get3A_708 : i32 to index
    %get3A_710 = arith.constant 128 : index
    %get3A_711 = tpu.vector_load %arg8[%get3A_709, %get3A_710] {strides = array<i32>} : memref<16x384xf32, #tpu.memory_space<vmem>>, vector<16xf32>,
    %add3A_712 = arith.addf %add3A_707, %get3A_711 : vector<16xf32>
    %get3A_713 = arith.constant 5 : i32
    %get3A_714 = arith.index_cast %get3A_713 : i32 to index
    %get3A_715 = arith.constant 128 : index
    %get3A_716 = tpu.vector_load %arg8[%get3A_714, %get3A_715] {strides = array<i32>} : memref<16x384xf32, #tpu.memory_space<vmem>>, vector<16xf32>,
    %add3A_717 = arith.addf %add3A_712, %get3A_716 : vector<16xf32>
    %get3A_718 = arith.constant 6 : i32
    %get3A_719 = arith.index_cast %get3A_718 : i32 to index
    %get3A_720 = arith.constant 128 : index
    %get3A_721 = tpu.vector_load %arg8[%get3A_719, %get3A_720] {strides = array<i32>} : memref<16x384xf32, #tpu.memory_space<vmem>>, vector<16xf32>,
    %add3A_722 = arith.addf %add3A_717, %get3A_721 : vector<16xf32>
    %get3A_723 = arith.constant 7 : i32
    %get3A_724 = arith.index_cast %get3A_723 : i32 to index
    %get3A_725 = arith.constant 128 : index
    %get3A_726 = tpu.vector_load %arg8[%get3A_724, %get3A_725] {strides = array<i32>} : memref<16x384xf32, #tpu.memory_space<vmem>>, vector<16xf32>,
    %add3A_727 = arith.addf %add3A_722, %get3A_726 : vector<16xf32>
    %get3A_728 = arith.constant 8 : i32
    %get3A_729 = arith.index_cast %get3A_728 : i32 to index
    %get3A_730 = arith.constant 128 : index
    %get3A_731 = tpu.vector_load %arg8[%get3A_729, %get3A_730] {strides = array<i32>} : memref<16x384xf32, #tpu.memory_space<vmem>>, vector<16xf32>,
    %add3A_732 = arith.addf %add3A_727, %get3A_731 : vector<16xf32>
    %get3A_733 = arith.constant 9 : i32
    %get3A_734 = arith.index_cast %get3A_733 : i32 to index
    %get3A_735 = arith.constant 128 : index
    %get3A_736 = tpu.vector_load %arg8[%get3A_734, %get3A_735] {strides = array<i32>} : memref<16x384xf32, #tpu.memory_space<vmem>>, vector<16xf32>,
    %add3A_737 = arith.addf %add3A_732, %get3A_736 : vector<16xf32>
    %get3A_738 = arith.constant 10 : i32
    %get3A_739 = arith.index_cast %get3A_738 : i32 to index
    %get3A_740 = arith.constant 128 : index
    %get3A_741 = tpu.vector_load %arg8[%get3A_739, %get3A_740] {strides = array<i32>} : memref<16x384xf32, #tpu.memory_space<vmem>>, vector<16xf32>,
    %add3A_742 = arith.addf %add3A_737, %get3A_741 : vector<16xf32>
    %get3A_743 = arith.constant 11 : i32
    %get3A_744 = arith.index_cast %get3A_743 : i32 to index
    %get3A_745 = arith.constant 128 : index
    %get3A_746 = tpu.vector_load %arg8[%get3A_744, %get3A_745] {strides = array<i32>} : memref<16x384xf32, #tpu.memory_space<vmem>>, vector<16xf32>,
    %add3A_747 = arith.addf %add3A_742, %get3A_746 : vector<16xf32>
    %get3A_748 = arith.constant 12 : i32
    %get3A_749 = arith.index_cast %get3A_748 : i32 to index
    %get3A_750 = arith.constant 128 : index
    %get3A_751 = tpu.vector_load %arg8[%get3A_749, %get3A_750] {strides = array<i32>} : memref<16x384xf32, #tpu.memory_space<vmem>>, vector<16xf32>,
    %add3A_752 = arith.addf %add3A_747, %get3A_751 : vector<16xf32>
    %get3A_753 = arith.constant 13 : i32
    %get3A_754 = arith.index_cast %get3A_753 : i32 to index
    %get3A_755 = arith.constant 128 : index
    %get3A_756 = tpu.vector_load %arg8[%get3A_754, %get3A_755] {strides = array<i32>} : memref<16x384xf32, #tpu.memory_space<vmem>>, vector<16xf32>,
    %add3A_757 = arith.addf %add3A_752, %get3A_756 : vector<16xf32>
    %get3A_758 = arith.constant 14 : i32
    %get3A_759 = arith.index_cast %get3A_758 : i32 to index
    %get3A_760 = arith.constant 128 : index
    %get3A_761 = tpu.vector_load %arg8[%get3A_759, %get3A_760] {strides = array<i32>} : memref<16x384xf32, #tpu.memory_space<vmem>>, vector<16xf32>,
    %add3A_762 = arith.addf %add3A_757, %get3A_761 : vector<16xf32>
    %get3A_763 = arith.constant 15 : i32
    %get3A_764 = arith.index_cast %get3A_763 : i32 to index
    %get3A_765 = arith.constant 128 : index
    %get3A_766 = tpu.vector_load %arg8[%get3A_764, %get3A_765] {strides = array<i32>} : memref<16x384xf32, #tpu.memory_space<vmem>>, vector<16xf32>,
    %add3A_767 = arith.addf %add3A_762, %get3A_766 : vector<16xf32>
    %add3A_768 = arith.constant 1.000000e+00 : f32
    %add3A_769 = vector.broadcast %add3A_768 : f32 to vector<16xf32>
    %add3A_770 = arith.addf %add3A_767, %add3A_769 : vector<16xf32>
    %swap3A_771 = arith.constant 128 : index
    %swap3A_772 = tpu.vector_load %arg9[%swap3A_771] {strides = array<i32>} : memref<384xf32, #tpu.memory_space<vmem>>, vector<16xf32>,
    tpu.vector_store %arg9[%swap3A_771], %add3A_770 {strides = array<i32>} : memref<384xf32, #tpu.memory_space<vmem>>, vector<16xf32>,
    %get3A_773 = arith.constant 0 : i32
    %get3A_774 = arith.index_cast %get3A_773 : i32 to index
    %get3A_775 = arith.constant 144 : index
    %get3A_776 = tpu.vector_load %arg8[%get3A_774, %get3A_775] {strides = array<i32>} : memref<16x384xf32, #tpu.memory_space<vmem>>, vector<16xf32>,
    %get3A_777 = arith.constant 1 : i32
    %get3A_778 = arith.index_cast %get3A_777 : i32 to index
    %get3A_779 = arith.constant 144 : index
    %get3A_780 = tpu.vector_load %arg8[%get3A_778, %get3A_779] {strides = array<i32>} : memref<16x384xf32, #tpu.memory_space<vmem>>, vector<16xf32>,
    %add3A_781 = arith.addf %get3A_776, %get3A_780 : vector<16xf32>
    %get3A_782 = arith.constant 2 : i32
    %get3A_783 = arith.index_cast %get3A_782 : i32 to index
    %get3A_784 = arith.constant 144 : index
    %get3A_785 = tpu.vector_load %arg8[%get3A_783, %get3A_784] {strides = array<i32>} : memref<16x384xf32, #tpu.memory_space<vmem>>, vector<16xf32>,
    %add3A_786 = arith.addf %add3A_781, %get3A_785 : vector<16xf32>
    %get3A_787 = arith.constant 3 : i32
    %get3A_788 = arith.index_cast %get3A_787 : i32 to index
    %get3A_789 = arith.constant 144 : index
    %get3A_790 = tpu.vector_load %arg8[%get3A_788, %get3A_789] {strides = array<i32>} : memref<16x384xf32, #tpu.memory_space<vmem>>, vector<16xf32>,
    %add3A_791 = arith.addf %add3A_786, %get3A_790 : vector<16xf32>
    %get3A_792 = arith.constant 4 : i32
    %get3A_793 = arith.index_cast %get3A_792 : i32 to index
    %get3A_794 = arith.constant 144 : index
    %get3A_795 = tpu.vector_load %arg8[%get3A_793, %get3A_794] {strides = array<i32>} : memref<16x384xf32, #tpu.memory_space<vmem>>, vector<16xf32>,
    %add3A_796 = arith.addf %add3A_791, %get3A_795 : vector<16xf32>
    %get3A_797 = arith.constant 5 : i32
    %get3A_798 = arith.index_cast %get3A_797 : i32 to index
    %get3A_799 = arith.constant 144 : index
    %get3A_800 = tpu.vector_load %arg8[%get3A_798, %get3A_799] {strides = array<i32>} : memref<16x384xf32, #tpu.memory_space<vmem>>, vector<16xf32>,
    %add3A_801 = arith.addf %add3A_796, %get3A_800 : vector<16xf32>
    %get3A_802 = arith.constant 6 : i32
    %get3A_803 = arith.index_cast %get3A_802 : i32 to index
    %get3A_804 = arith.constant 144 : index
    %get3A_805 = tpu.vector_load %arg8[%get3A_803, %get3A_804] {strides = array<i32>} : memref<16x384xf32, #tpu.memory_space<vmem>>, vector<16xf32>,
    %add3A_806 = arith.addf %add3A_801, %get3A_805 : vector<16xf32>
    %get3A_807 = arith.constant 7 : i32
    %get3A_808 = arith.index_cast %get3A_807 : i32 to index
    %get3A_809 = arith.constant 144 : index
    %get3A_810 = tpu.vector_load %arg8[%get3A_808, %get3A_809] {strides = array<i32>} : memref<16x384xf32, #tpu.memory_space<vmem>>, vector<16xf32>,
    %add3A_811 = arith.addf %add3A_806, %get3A_810 : vector<16xf32>
    %get3A_812 = arith.constant 8 : i32
    %get3A_813 = arith.index_cast %get3A_812 : i32 to index
    %get3A_814 = arith.constant 144 : index
    %get3A_815 = tpu.vector_load %arg8[%get3A_813, %get3A_814] {strides = array<i32>} : memref<16x384xf32, #tpu.memory_space<vmem>>, vector<16xf32>,
    %add3A_816 = arith.addf %add3A_811, %get3A_815 : vector<16xf32>
    %get3A_817 = arith.constant 9 : i32
    %get3A_818 = arith.index_cast %get3A_817 : i32 to index
    %get3A_819 = arith.constant 144 : index
    %get3A_820 = tpu.vector_load %arg8[%get3A_818, %get3A_819] {strides = array<i32>} : memref<16x384xf32, #tpu.memory_space<vmem>>, vector<16xf32>,
    %add3A_821 = arith.addf %add3A_816, %get3A_820 : vector<16xf32>
    %get3A_822 = arith.constant 10 : i32
    %get3A_823 = arith.index_cast %get3A_822 : i32 to index
    %get3A_824 = arith.constant 144 : index
    %get3A_825 = tpu.vector_load %arg8[%get3A_823, %get3A_824] {strides = array<i32>} : memref<16x384xf32, #tpu.memory_space<vmem>>, vector<16xf32>,
    %add3A_826 = arith.addf %add3A_821, %get3A_825 : vector<16xf32>
    %get3A_827 = arith.constant 11 : i32
    %get3A_828 = arith.index_cast %get3A_827 : i32 to index
    %get3A_829 = arith.constant 144 : index
    %get3A_830 = tpu.vector_load %arg8[%get3A_828, %get3A_829] {strides = array<i32>} : memref<16x384xf32, #tpu.memory_space<vmem>>, vector<16xf32>,
    %add3A_831 = arith.addf %add3A_826, %get3A_830 : vector<16xf32>
    %get3A_832 = arith.constant 12 : i32
    %get3A_833 = arith.index_cast %get3A_832 : i32 to index
    %get3A_834 = arith.constant 144 : index
    %get3A_835 = tpu.vector_load %arg8[%get3A_833, %get3A_834] {strides = array<i32>} : memref<16x384xf32, #tpu.memory_space<vmem>>, vector<16xf32>,
    %add3A_836 = arith.addf %add3A_831, %get3A_835 : vector<16xf32>
    %get3A_837 = arith.constant 13 : i32
    %get3A_838 = arith.index_cast %get3A_837 : i32 to index
    %get3A_839 = arith.constant 144 : index
    %get3A_840 = tpu.vector_load %arg8[%get3A_838, %get3A_839] {strides = array<i32>} : memref<16x384xf32, #tpu.memory_space<vmem>>, vector<16xf32>,
    %add3A_841 = arith.addf %add3A_836, %get3A_840 : vector<16xf32>
    %get3A_842 = arith.constant 14 : i32
    %get3A_843 = arith.index_cast %get3A_842 : i32 to index
    %get3A_844 = arith.constant 144 : index
    %get3A_845 = tpu.vector_load %arg8[%get3A_843, %get3A_844] {strides = array<i32>} : memref<16x384xf32, #tpu.memory_space<vmem>>, vector<16xf32>,
    %add3A_846 = arith.addf %add3A_841, %get3A_845 : vector<16xf32>
    %get3A_847 = arith.constant 15 : i32
    %get3A_848 = arith.index_cast %get3A_847 : i32 to index
    %get3A_849 = arith.constant 144 : index
    %get3A_850 = tpu.vector_load %arg8[%get3A_848, %get3A_849] {strides = array<i32>} : memref<16x384xf32, #tpu.memory_space<vmem>>, vector<16xf32>,
    %add3A_851 = arith.addf %add3A_846, %get3A_850 : vector<16xf32>
    %add3A_852 = arith.constant 1.000000e+00 : f32
    %add3A_853 = vector.broadcast %add3A_852 : f32 to vector<16xf32>
    %add3A_854 = arith.addf %add3A_851, %add3A_853 : vector<16xf32>
    %swap3A_855 = arith.constant 144 : index
    %swap3A_856 = tpu.vector_load %arg9[%swap3A_855] {strides = array<i32>} : memref<384xf32, #tpu.memory_space<vmem>>, vector<16xf32>,
    tpu.vector_store %arg9[%swap3A_855], %add3A_854 {strides = array<i32>} : memref<384xf32, #tpu.memory_space<vmem>>, vector<16xf32>,
    %get3A_857 = arith.constant 0 : i32
    %get3A_858 = arith.index_cast %get3A_857 : i32 to index
    %get3A_859 = arith.constant 160 : index
    %get3A_860 = tpu.vector_load %arg8[%get3A_858, %get3A_859] {strides = array<i32>} : memref<16x384xf32, #tpu.memory_space<vmem>>, vector<16xf32>,
    %get3A_861 = arith.constant 1 : i32
    %get3A_862 = arith.index_cast %get3A_861 : i32 to index
    %get3A_863 = arith.constant 160 : index
    %get3A_864 = tpu.vector_load %arg8[%get3A_862, %get3A_863] {strides = array<i32>} : memref<16x384xf32, #tpu.memory_space<vmem>>, vector<16xf32>,
    %add3A_865 = arith.addf %get3A_860, %get3A_864 : vector<16xf32>
    %get3A_866 = arith.constant 2 : i32
    %get3A_867 = arith.index_cast %get3A_866 : i32 to index
    %get3A_868 = arith.constant 160 : index
    %get3A_869 = tpu.vector_load %arg8[%get3A_867, %get3A_868] {strides = array<i32>} : memref<16x384xf32, #tpu.memory_space<vmem>>, vector<16xf32>,
    %add3A_870 = arith.addf %add3A_865, %get3A_869 : vector<16xf32>
    %get3A_871 = arith.constant 3 : i32
    %get3A_872 = arith.index_cast %get3A_871 : i32 to index
    %get3A_873 = arith.constant 160 : index
    %get3A_874 = tpu.vector_load %arg8[%get3A_872, %get3A_873] {strides = array<i32>} : memref<16x384xf32, #tpu.memory_space<vmem>>, vector<16xf32>,
    %add3A_875 = arith.addf %add3A_870, %get3A_874 : vector<16xf32>
    %get3A_876 = arith.constant 4 : i32
    %get3A_877 = arith.index_cast %get3A_876 : i32 to index
    %get3A_878 = arith.constant 160 : index
    %get3A_879 = tpu.vector_load %arg8[%get3A_877, %get3A_878] {strides = array<i32>} : memref<16x384xf32, #tpu.memory_space<vmem>>, vector<16xf32>,
    %add3A_880 = arith.addf %add3A_875, %get3A_879 : vector<16xf32>
    %get3A_881 = arith.constant 5 : i32
    %get3A_882 = arith.index_cast %get3A_881 : i32 to index
    %get3A_883 = arith.constant 160 : index
    %get3A_884 = tpu.vector_load %arg8[%get3A_882, %get3A_883] {strides = array<i32>} : memref<16x384xf32, #tpu.memory_space<vmem>>, vector<16xf32>,
    %add3A_885 = arith.addf %add3A_880, %get3A_884 : vector<16xf32>
    %get3A_886 = arith.constant 6 : i32
    %get3A_887 = arith.index_cast %get3A_886 : i32 to index
    %get3A_888 = arith.constant 160 : index
    %get3A_889 = tpu.vector_load %arg8[%get3A_887, %get3A_888] {strides = array<i32>} : memref<16x384xf32, #tpu.memory_space<vmem>>, vector<16xf32>,
    %add3A_890 = arith.addf %add3A_885, %get3A_889 : vector<16xf32>
    %get3A_891 = arith.constant 7 : i32
    %get3A_892 = arith.index_cast %get3A_891 : i32 to index
    %get3A_893 = arith.constant 160 : index
    %get3A_894 = tpu.vector_load %arg8[%get3A_892, %get3A_893] {strides = array<i32>} : memref<16x384xf32, #tpu.memory_space<vmem>>, vector<16xf32>,
    %add3A_895 = arith.addf %add3A_890, %get3A_894 : vector<16xf32>
    %get3A_896 = arith.constant 8 : i32
    %get3A_897 = arith.index_cast %get3A_896 : i32 to index
    %get3A_898 = arith.constant 160 : index
    %get3A_899 = tpu.vector_load %arg8[%get3A_897, %get3A_898] {strides = array<i32>} : memref<16x384xf32, #tpu.memory_space<vmem>>, vector<16xf32>,
    %add3A_900 = arith.addf %add3A_895, %get3A_899 : vector<16xf32>
    %get3A_901 = arith.constant 9 : i32
    %get3A_902 = arith.index_cast %get3A_901 : i32 to index
    %get3A_903 = arith.constant 160 : index
    %get3A_904 = tpu.vector_load %arg8[%get3A_902, %get3A_903] {strides = array<i32>} : memref<16x384xf32, #tpu.memory_space<vmem>>, vector<16xf32>,
    %add3A_905 = arith.addf %add3A_900, %get3A_904 : vector<16xf32>
    %get3A_906 = arith.constant 10 : i32
    %get3A_907 = arith.index_cast %get3A_906 : i32 to index
    %get3A_908 = arith.constant 160 : index
    %get3A_909 = tpu.vector_load %arg8[%get3A_907, %get3A_908] {strides = array<i32>} : memref<16x384xf32, #tpu.memory_space<vmem>>, vector<16xf32>,
    %add3A_910 = arith.addf %add3A_905, %get3A_909 : vector<16xf32>
    %get3A_911 = arith.constant 11 : i32
    %get3A_912 = arith.index_cast %get3A_911 : i32 to index
    %get3A_913 = arith.constant 160 : index
    %get3A_914 = tpu.vector_load %arg8[%get3A_912, %get3A_913] {strides = array<i32>} : memref<16x384xf32, #tpu.memory_space<vmem>>, vector<16xf32>,
    %add3A_915 = arith.addf %add3A_910, %get3A_914 : vector<16xf32>
    %get3A_916 = arith.constant 12 : i32
    %get3A_917 = arith.index_cast %get3A_916 : i32 to index
    %get3A_918 = arith.constant 160 : index
    %get3A_919 = tpu.vector_load %arg8[%get3A_917, %get3A_918] {strides = array<i32>} : memref<16x384xf32, #tpu.memory_space<vmem>>, vector<16xf32>,
    %add3A_920 = arith.addf %add3A_915, %get3A_919 : vector<16xf32>
    %get3A_921 = arith.constant 13 : i32
    %get3A_922 = arith.index_cast %get3A_921 : i32 to index
    %get3A_923 = arith.constant 160 : index
    %get3A_924 = tpu.vector_load %arg8[%get3A_922, %get3A_923] {strides = array<i32>} : memref<16x384xf32, #tpu.memory_space<vmem>>, vector<16xf32>,
    %add3A_925 = arith.addf %add3A_920, %get3A_924 : vector<16xf32>
    %get3A_926 = arith.constant 14 : i32
    %get3A_927 = arith.index_cast %get3A_926 : i32 to index
    %get3A_928 = arith.constant 160 : index
    %get3A_929 = tpu.vector_load %arg8[%get3A_927, %get3A_928] {strides = array<i32>} : memref<16x384xf32, #tpu.memory_space<vmem>>, vector<16xf32>,
    %add3A_930 = arith.addf %add3A_925, %get3A_929 : vector<16xf32>
    %get3A_931 = arith.constant 15 : i32
    %get3A_932 = arith.index_cast %get3A_931 : i32 to index
    %get3A_933 = arith.constant 160 : index
    %get3A_934 = tpu.vector_load %arg8[%get3A_932, %get3A_933] {strides = array<i32>} : memref<16x384xf32, #tpu.memory_space<vmem>>, vector<16xf32>,
    %add3A_935 = arith.addf %add3A_930, %get3A_934 : vector<16xf32>
    %add3A_936 = arith.constant 1.000000e+00 : f32
    %add3A_937 = vector.broadcast %add3A_936 : f32 to vector<16xf32>
    %add3A_938 = arith.addf %add3A_935, %add3A_937 : vector<16xf32>
    %swap3A_939 = arith.constant 160 : index
    %swap3A_940 = tpu.vector_load %arg9[%swap3A_939] {strides = array<i32>} : memref<384xf32, #tpu.memory_space<vmem>>, vector<16xf32>,
    tpu.vector_store %arg9[%swap3A_939], %add3A_938 {strides = array<i32>} : memref<384xf32, #tpu.memory_space<vmem>>, vector<16xf32>,
    %get3A_941 = arith.constant 0 : i32
    %get3A_942 = arith.index_cast %get3A_941 : i32 to index
    %get3A_943 = arith.constant 176 : index
    %get3A_944 = tpu.vector_load %arg8[%get3A_942, %get3A_943] {strides = array<i32>} : memref<16x384xf32, #tpu.memory_space<vmem>>, vector<16xf32>,
    %get3A_945 = arith.constant 1 : i32
    %get3A_946 = arith.index_cast %get3A_945 : i32 to index
    %get3A_947 = arith.constant 176 : index
    %get3A_948 = tpu.vector_load %arg8[%get3A_946, %get3A_947] {strides = array<i32>} : memref<16x384xf32, #tpu.memory_space<vmem>>, vector<16xf32>,
    %add3A_949 = arith.addf %get3A_944, %get3A_948 : vector<16xf32>
    %get3A_950 = arith.constant 2 : i32
    %get3A_951 = arith.index_cast %get3A_950 : i32 to index
    %get3A_952 = arith.constant 176 : index
    %get3A_953 = tpu.vector_load %arg8[%get3A_951, %get3A_952] {strides = array<i32>} : memref<16x384xf32, #tpu.memory_space<vmem>>, vector<16xf32>,
    %add3A_954 = arith.addf %add3A_949, %get3A_953 : vector<16xf32>
    %get3A_955 = arith.constant 3 : i32
    %get3A_956 = arith.index_cast %get3A_955 : i32 to index
    %get3A_957 = arith.constant 176 : index
    %get3A_958 = tpu.vector_load %arg8[%get3A_956, %get3A_957] {strides = array<i32>} : memref<16x384xf32, #tpu.memory_space<vmem>>, vector<16xf32>,
    %add3A_959 = arith.addf %add3A_954, %get3A_958 : vector<16xf32>
    %get3A_960 = arith.constant 4 : i32
    %get3A_961 = arith.index_cast %get3A_960 : i32 to index
    %get3A_962 = arith.constant 176 : index
    %get3A_963 = tpu.vector_load %arg8[%get3A_961, %get3A_962] {strides = array<i32>} : memref<16x384xf32, #tpu.memory_space<vmem>>, vector<16xf32>,
    %add3A_964 = arith.addf %add3A_959, %get3A_963 : vector<16xf32>
    %get3A_965 = arith.constant 5 : i32
    %get3A_966 = arith.index_cast %get3A_965 : i32 to index
    %get3A_967 = arith.constant 176 : index
    %get3A_968 = tpu.vector_load %arg8[%get3A_966, %get3A_967] {strides = array<i32>} : memref<16x384xf32, #tpu.memory_space<vmem>>, vector<16xf32>,
    %add3A_969 = arith.addf %add3A_964, %get3A_968 : vector<16xf32>
    %get3A_970 = arith.constant 6 : i32
    %get3A_971 = arith.index_cast %get3A_970 : i32 to index
    %get3A_972 = arith.constant 176 : index
    %get3A_973 = tpu.vector_load %arg8[%get3A_971, %get3A_972] {strides = array<i32>} : memref<16x384xf32, #tpu.memory_space<vmem>>, vector<16xf32>,
    %add3A_974 = arith.addf %add3A_969, %get3A_973 : vector<16xf32>
    %get3A_975 = arith.constant 7 : i32
    %get3A_976 = arith.index_cast %get3A_975 : i32 to index
    %get3A_977 = arith.constant 176 : index
    %get3A_978 = tpu.vector_load %arg8[%get3A_976, %get3A_977] {strides = array<i32>} : memref<16x384xf32, #tpu.memory_space<vmem>>, vector<16xf32>,
    %add3A_979 = arith.addf %add3A_974, %get3A_978 : vector<16xf32>
    %get3A_980 = arith.constant 8 : i32
    %get3A_981 = arith.index_cast %get3A_980 : i32 to index
    %get3A_982 = arith.constant 176 : index
    %get3A_983 = tpu.vector_load %arg8[%get3A_981, %get3A_982] {strides = array<i32>} : memref<16x384xf32, #tpu.memory_space<vmem>>, vector<16xf32>,
    %add3A_984 = arith.addf %add3A_979, %get3A_983 : vector<16xf32>
    %get3A_985 = arith.constant 9 : i32
    %get3A_986 = arith.index_cast %get3A_985 : i32 to index
    %get3A_987 = arith.constant 176 : index
    %get3A_988 = tpu.vector_load %arg8[%get3A_986, %get3A_987] {strides = array<i32>} : memref<16x384xf32, #tpu.memory_space<vmem>>, vector<16xf32>,
    %add3A_989 = arith.addf %add3A_984, %get3A_988 : vector<16xf32>
    %get3A_990 = arith.constant 10 : i32
    %get3A_991 = arith.index_cast %get3A_990 : i32 to index
    %get3A_992 = arith.constant 176 : index
    %get3A_993 = tpu.vector_load %arg8[%get3A_991, %get3A_992] {strides = array<i32>} : memref<16x384xf32, #tpu.memory_space<vmem>>, vector<16xf32>,
    %add3A_994 = arith.addf %add3A_989, %get3A_993 : vector<16xf32>
    %get3A_995 = arith.constant 11 : i32
    %get3A_996 = arith.index_cast %get3A_995 : i32 to index
    %get3A_997 = arith.constant 176 : index
    %get3A_998 = tpu.vector_load %arg8[%get3A_996, %get3A_997] {strides = array<i32>} : memref<16x384xf32, #tpu.memory_space<vmem>>, vector<16xf32>,
    %add3A_999 = arith.addf %add3A_994, %get3A_998 : vector<16xf32>
    %get3A_1000 = arith.constant 12 : i32
    %get3A_1001 = arith.index_cast %get3A_1000 : i32 to index
    %get3A_1002 = arith.constant 176 : index
    %get3A_1003 = tpu.vector_load %arg8[%get3A_1001, %get3A_1002] {strides = array<i32>} : memref<16x384xf32, #tpu.memory_space<vmem>>, vector<16xf32>,
    %add3A_1004 = arith.addf %add3A_999, %get3A_1003 : vector<16xf32>
    %get3A_1005 = arith.constant 13 : i32
    %get3A_1006 = arith.index_cast %get3A_1005 : i32 to index
    %get3A_1007 = arith.constant 176 : index
    %get3A_1008 = tpu.vector_load %arg8[%get3A_1006, %get3A_1007] {strides = array<i32>} : memref<16x384xf32, #tpu.memory_space<vmem>>, vector<16xf32>,
    %add3A_1009 = arith.addf %add3A_1004, %get3A_1008 : vector<16xf32>
    %get3A_1010 = arith.constant 14 : i32
    %get3A_1011 = arith.index_cast %get3A_1010 : i32 to index
    %get3A_1012 = arith.constant 176 : index
    %get3A_1013 = tpu.vector_load %arg8[%get3A_1011, %get3A_1012] {strides = array<i32>} : memref<16x384xf32, #tpu.memory_space<vmem>>, vector<16xf32>,
    %add3A_1014 = arith.addf %add3A_1009, %get3A_1013 : vector<16xf32>
    %get3A_1015 = arith.constant 15 : i32
    %get3A_1016 = arith.index_cast %get3A_1015 : i32 to index
    %get3A_1017 = arith.constant 176 : index
    %get3A_1018 = tpu.vector_load %arg8[%get3A_1016, %get3A_1017] {strides = array<i32>} : memref<16x384xf32, #tpu.memory_space<vmem>>, vector<16xf32>,
    %add3A_1019 = arith.addf %add3A_1014, %get3A_1018 : vector<16xf32>
    %add3A_1020 = arith.constant 1.000000e+00 : f32
    %add3A_1021 = vector.broadcast %add3A_1020 : f32 to vector<16xf32>
    %add3A_1022 = arith.addf %add3A_1019, %add3A_1021 : vector<16xf32>
    %swap3A_1023 = arith.constant 176 : index
    %swap3A_1024 = tpu.vector_load %arg9[%swap3A_1023] {strides = array<i32>} : memref<384xf32, #tpu.memory_space<vmem>>, vector<16xf32>,
    tpu.vector_store %arg9[%swap3A_1023], %add3A_1022 {strides = array<i32>} : memref<384xf32, #tpu.memory_space<vmem>>, vector<16xf32>,
    %get3A_1025 = arith.constant 0 : i32
    %get3A_1026 = arith.index_cast %get3A_1025 : i32 to index
    %get3A_1027 = arith.constant 192 : index
    %get3A_1028 = tpu.vector_load %arg8[%get3A_1026, %get3A_1027] {strides = array<i32>} : memref<16x384xf32, #tpu.memory_space<vmem>>, vector<16xf32>,
    %get3A_1029 = arith.constant 1 : i32
    %get3A_1030 = arith.index_cast %get3A_1029 : i32 to index
    %get3A_1031 = arith.constant 192 : index
    %get3A_1032 = tpu.vector_load %arg8[%get3A_1030, %get3A_1031] {strides = array<i32>} : memref<16x384xf32, #tpu.memory_space<vmem>>, vector<16xf32>,
    %add3A_1033 = arith.addf %get3A_1028, %get3A_1032 : vector<16xf32>
    %get3A_1034 = arith.constant 2 : i32
    %get3A_1035 = arith.index_cast %get3A_1034 : i32 to index
    %get3A_1036 = arith.constant 192 : index
    %get3A_1037 = tpu.vector_load %arg8[%get3A_1035, %get3A_1036] {strides = array<i32>} : memref<16x384xf32, #tpu.memory_space<vmem>>, vector<16xf32>,
    %add3A_1038 = arith.addf %add3A_1033, %get3A_1037 : vector<16xf32>
    %get3A_1039 = arith.constant 3 : i32
    %get3A_1040 = arith.index_cast %get3A_1039 : i32 to index
    %get3A_1041 = arith.constant 192 : index
    %get3A_1042 = tpu.vector_load %arg8[%get3A_1040, %get3A_1041] {strides = array<i32>} : memref<16x384xf32, #tpu.memory_space<vmem>>, vector<16xf32>,
    %add3A_1043 = arith.addf %add3A_1038, %get3A_1042 : vector<16xf32>
    %get3A_1044 = arith.constant 4 : i32
    %get3A_1045 = arith.index_cast %get3A_1044 : i32 to index
    %get3A_1046 = arith.constant 192 : index
    %get3A_1047 = tpu.vector_load %arg8[%get3A_1045, %get3A_1046] {strides = array<i32>} : memref<16x384xf32, #tpu.memory_space<vmem>>, vector<16xf32>,
    %add3A_1048 = arith.addf %add3A_1043, %get3A_1047 : vector<16xf32>
    %get3A_1049 = arith.constant 5 : i32
    %get3A_1050 = arith.index_cast %get3A_1049 : i32 to index
    %get3A_1051 = arith.constant 192 : index
    %get3A_1052 = tpu.vector_load %arg8[%get3A_1050, %get3A_1051] {strides = array<i32>} : memref<16x384xf32, #tpu.memory_space<vmem>>, vector<16xf32>,
    %add3A_1053 = arith.addf %add3A_1048, %get3A_1052 : vector<16xf32>
    %get3A_1054 = arith.constant 6 : i32
    %get3A_1055 = arith.index_cast %get3A_1054 : i32 to index
    %get3A_1056 = arith.constant 192 : index
    %get3A_1057 = tpu.vector_load %arg8[%get3A_1055, %get3A_1056] {strides = array<i32>} : memref<16x384xf32, #tpu.memory_space<vmem>>, vector<16xf32>,
    %add3A_1058 = arith.addf %add3A_1053, %get3A_1057 : vector<16xf32>
    %get3A_1059 = arith.constant 7 : i32
    %get3A_1060 = arith.index_cast %get3A_1059 : i32 to index
    %get3A_1061 = arith.constant 192 : index
    %get3A_1062 = tpu.vector_load %arg8[%get3A_1060, %get3A_1061] {strides = array<i32>} : memref<16x384xf32, #tpu.memory_space<vmem>>, vector<16xf32>,
    %add3A_1063 = arith.addf %add3A_1058, %get3A_1062 : vector<16xf32>
    %get3A_1064 = arith.constant 8 : i32
    %get3A_1065 = arith.index_cast %get3A_1064 : i32 to index
    %get3A_1066 = arith.constant 192 : index
    %get3A_1067 = tpu.vector_load %arg8[%get3A_1065, %get3A_1066] {strides = array<i32>} : memref<16x384xf32, #tpu.memory_space<vmem>>, vector<16xf32>,
    %add3A_1068 = arith.addf %add3A_1063, %get3A_1067 : vector<16xf32>
    %get3A_1069 = arith.constant 9 : i32
    %get3A_1070 = arith.index_cast %get3A_1069 : i32 to index
    %get3A_1071 = arith.constant 192 : index
    %get3A_1072 = tpu.vector_load %arg8[%get3A_1070, %get3A_1071] {strides = array<i32>} : memref<16x384xf32, #tpu.memory_space<vmem>>, vector<16xf32>,
    %add3A_1073 = arith.addf %add3A_1068, %get3A_1072 : vector<16xf32>
    %get3A_1074 = arith.constant 10 : i32
    %get3A_1075 = arith.index_cast %get3A_1074 : i32 to index
    %get3A_1076 = arith.constant 192 : index
    %get3A_1077 = tpu.vector_load %arg8[%get3A_1075, %get3A_1076] {strides = array<i32>} : memref<16x384xf32, #tpu.memory_space<vmem>>, vector<16xf32>,
    %add3A_1078 = arith.addf %add3A_1073, %get3A_1077 : vector<16xf32>
    %get3A_1079 = arith.constant 11 : i32
    %get3A_1080 = arith.index_cast %get3A_1079 : i32 to index
    %get3A_1081 = arith.constant 192 : index
    %get3A_1082 = tpu.vector_load %arg8[%get3A_1080, %get3A_1081] {strides = array<i32>} : memref<16x384xf32, #tpu.memory_space<vmem>>, vector<16xf32>,
    %add3A_1083 = arith.addf %add3A_1078, %get3A_1082 : vector<16xf32>
    %get3A_1084 = arith.constant 12 : i32
    %get3A_1085 = arith.index_cast %get3A_1084 : i32 to index
    %get3A_1086 = arith.constant 192 : index
    %get3A_1087 = tpu.vector_load %arg8[%get3A_1085, %get3A_1086] {strides = array<i32>} : memref<16x384xf32, #tpu.memory_space<vmem>>, vector<16xf32>,
    %add3A_1088 = arith.addf %add3A_1083, %get3A_1087 : vector<16xf32>
    %get3A_1089 = arith.constant 13 : i32
    %get3A_1090 = arith.index_cast %get3A_1089 : i32 to index
    %get3A_1091 = arith.constant 192 : index
    %get3A_1092 = tpu.vector_load %arg8[%get3A_1090, %get3A_1091] {strides = array<i32>} : memref<16x384xf32, #tpu.memory_space<vmem>>, vector<16xf32>,
    %add3A_1093 = arith.addf %add3A_1088, %get3A_1092 : vector<16xf32>
    %get3A_1094 = arith.constant 14 : i32
    %get3A_1095 = arith.index_cast %get3A_1094 : i32 to index
    %get3A_1096 = arith.constant 192 : index
    %get3A_1097 = tpu.vector_load %arg8[%get3A_1095, %get3A_1096] {strides = array<i32>} : memref<16x384xf32, #tpu.memory_space<vmem>>, vector<16xf32>,
    %add3A_1098 = arith.addf %add3A_1093, %get3A_1097 : vector<16xf32>
    %get3A_1099 = arith.constant 15 : i32
    %get3A_1100 = arith.index_cast %get3A_1099 : i32 to index
    %get3A_1101 = arith.constant 192 : index
    %get3A_1102 = tpu.vector_load %arg8[%get3A_1100, %get3A_1101] {strides = array<i32>} : memref<16x384xf32, #tpu.memory_space<vmem>>, vector<16xf32>,
    %add3A_1103 = arith.addf %add3A_1098, %get3A_1102 : vector<16xf32>
    %add3A_1104 = arith.constant 1.000000e+00 : f32
    %add3A_1105 = vector.broadcast %add3A_1104 : f32 to vector<16xf32>
    %add3A_1106 = arith.addf %add3A_1103, %add3A_1105 : vector<16xf32>
    %swap3A_1107 = arith.constant 192 : index
    %swap3A_1108 = tpu.vector_load %arg9[%swap3A_1107] {strides = array<i32>} : memref<384xf32, #tpu.memory_space<vmem>>, vector<16xf32>,
    tpu.vector_store %arg9[%swap3A_1107], %add3A_1106 {strides = array<i32>} : memref<384xf32, #tpu.memory_space<vmem>>, vector<16xf32>,
    %get3A_1109 = arith.constant 0 : i32
    %get3A_1110 = arith.index_cast %get3A_1109 : i32 to index
    %get3A_1111 = arith.constant 208 : index
    %get3A_1112 = tpu.vector_load %arg8[%get3A_1110, %get3A_1111] {strides = array<i32>} : memref<16x384xf32, #tpu.memory_space<vmem>>, vector<16xf32>,
    %get3A_1113 = arith.constant 1 : i32
    %get3A_1114 = arith.index_cast %get3A_1113 : i32 to index
    %get3A_1115 = arith.constant 208 : index
    %get3A_1116 = tpu.vector_load %arg8[%get3A_1114, %get3A_1115] {strides = array<i32>} : memref<16x384xf32, #tpu.memory_space<vmem>>, vector<16xf32>,
    %add3A_1117 = arith.addf %get3A_1112, %get3A_1116 : vector<16xf32>
    %get3A_1118 = arith.constant 2 : i32
    %get3A_1119 = arith.index_cast %get3A_1118 : i32 to index
    %get3A_1120 = arith.constant 208 : index
    %get3A_1121 = tpu.vector_load %arg8[%get3A_1119, %get3A_1120] {strides = array<i32>} : memref<16x384xf32, #tpu.memory_space<vmem>>, vector<16xf32>,
    %add3A_1122 = arith.addf %add3A_1117, %get3A_1121 : vector<16xf32>
    %get3A_1123 = arith.constant 3 : i32
    %get3A_1124 = arith.index_cast %get3A_1123 : i32 to index
    %get3A_1125 = arith.constant 208 : index
    %get3A_1126 = tpu.vector_load %arg8[%get3A_1124, %get3A_1125] {strides = array<i32>} : memref<16x384xf32, #tpu.memory_space<vmem>>, vector<16xf32>,
    %add3A_1127 = arith.addf %add3A_1122, %get3A_1126 : vector<16xf32>
    %get3A_1128 = arith.constant 4 : i32
    %get3A_1129 = arith.index_cast %get3A_1128 : i32 to index
    %get3A_1130 = arith.constant 208 : index
    %get3A_1131 = tpu.vector_load %arg8[%get3A_1129, %get3A_1130] {strides = array<i32>} : memref<16x384xf32, #tpu.memory_space<vmem>>, vector<16xf32>,
    %add3A_1132 = arith.addf %add3A_1127, %get3A_1131 : vector<16xf32>
    %get3A_1133 = arith.constant 5 : i32
    %get3A_1134 = arith.index_cast %get3A_1133 : i32 to index
    %get3A_1135 = arith.constant 208 : index
    %get3A_1136 = tpu.vector_load %arg8[%get3A_1134, %get3A_1135] {strides = array<i32>} : memref<16x384xf32, #tpu.memory_space<vmem>>, vector<16xf32>,
    %add3A_1137 = arith.addf %add3A_1132, %get3A_1136 : vector<16xf32>
    %get3A_1138 = arith.constant 6 : i32
    %get3A_1139 = arith.index_cast %get3A_1138 : i32 to index
    %get3A_1140 = arith.constant 208 : index
    %get3A_1141 = tpu.vector_load %arg8[%get3A_1139, %get3A_1140] {strides = array<i32>} : memref<16x384xf32, #tpu.memory_space<vmem>>, vector<16xf32>,
    %add3A_1142 = arith.addf %add3A_1137, %get3A_1141 : vector<16xf32>
    %get3A_1143 = arith.constant 7 : i32
    %get3A_1144 = arith.index_cast %get3A_1143 : i32 to index
    %get3A_1145 = arith.constant 208 : index
    %get3A_1146 = tpu.vector_load %arg8[%get3A_1144, %get3A_1145] {strides = array<i32>} : memref<16x384xf32, #tpu.memory_space<vmem>>, vector<16xf32>,
    %add3A_1147 = arith.addf %add3A_1142, %get3A_1146 : vector<16xf32>
    %get3A_1148 = arith.constant 8 : i32
    %get3A_1149 = arith.index_cast %get3A_1148 : i32 to index
    %get3A_1150 = arith.constant 208 : index
    %get3A_1151 = tpu.vector_load %arg8[%get3A_1149, %get3A_1150] {strides = array<i32>} : memref<16x384xf32, #tpu.memory_space<vmem>>, vector<16xf32>,
    %add3A_1152 = arith.addf %add3A_1147, %get3A_1151 : vector<16xf32>
    %get3A_1153 = arith.constant 9 : i32
    %get3A_1154 = arith.index_cast %get3A_1153 : i32 to index
    %get3A_1155 = arith.constant 208 : index
    %get3A_1156 = tpu.vector_load %arg8[%get3A_1154, %get3A_1155] {strides = array<i32>} : memref<16x384xf32, #tpu.memory_space<vmem>>, vector<16xf32>,
    %add3A_1157 = arith.addf %add3A_1152, %get3A_1156 : vector<16xf32>
    %get3A_1158 = arith.constant 10 : i32
    %get3A_1159 = arith.index_cast %get3A_1158 : i32 to index
    %get3A_1160 = arith.constant 208 : index
    %get3A_1161 = tpu.vector_load %arg8[%get3A_1159, %get3A_1160] {strides = array<i32>} : memref<16x384xf32, #tpu.memory_space<vmem>>, vector<16xf32>,
    %add3A_1162 = arith.addf %add3A_1157, %get3A_1161 : vector<16xf32>
    %get3A_1163 = arith.constant 11 : i32
    %get3A_1164 = arith.index_cast %get3A_1163 : i32 to index
    %get3A_1165 = arith.constant 208 : index
    %get3A_1166 = tpu.vector_load %arg8[%get3A_1164, %get3A_1165] {strides = array<i32>} : memref<16x384xf32, #tpu.memory_space<vmem>>, vector<16xf32>,
    %add3A_1167 = arith.addf %add3A_1162, %get3A_1166 : vector<16xf32>
    %get3A_1168 = arith.constant 12 : i32
    %get3A_1169 = arith.index_cast %get3A_1168 : i32 to index
    %get3A_1170 = arith.constant 208 : index
    %get3A_1171 = tpu.vector_load %arg8[%get3A_1169, %get3A_1170] {strides = array<i32>} : memref<16x384xf32, #tpu.memory_space<vmem>>, vector<16xf32>,
    %add3A_1172 = arith.addf %add3A_1167, %get3A_1171 : vector<16xf32>
    %get3A_1173 = arith.constant 13 : i32
    %get3A_1174 = arith.index_cast %get3A_1173 : i32 to index
    %get3A_1175 = arith.constant 208 : index
    %get3A_1176 = tpu.vector_load %arg8[%get3A_1174, %get3A_1175] {strides = array<i32>} : memref<16x384xf32, #tpu.memory_space<vmem>>, vector<16xf32>,
    %add3A_1177 = arith.addf %add3A_1172, %get3A_1176 : vector<16xf32>
    %get3A_1178 = arith.constant 14 : i32
    %get3A_1179 = arith.index_cast %get3A_1178 : i32 to index
    %get3A_1180 = arith.constant 208 : index
    %get3A_1181 = tpu.vector_load %arg8[%get3A_1179, %get3A_1180] {strides = array<i32>} : memref<16x384xf32, #tpu.memory_space<vmem>>, vector<16xf32>,
    %add3A_1182 = arith.addf %add3A_1177, %get3A_1181 : vector<16xf32>
    %get3A_1183 = arith.constant 15 : i32
    %get3A_1184 = arith.index_cast %get3A_1183 : i32 to index
    %get3A_1185 = arith.constant 208 : index
    %get3A_1186 = tpu.vector_load %arg8[%get3A_1184, %get3A_1185] {strides = array<i32>} : memref<16x384xf32, #tpu.memory_space<vmem>>, vector<16xf32>,
    %add3A_1187 = arith.addf %add3A_1182, %get3A_1186 : vector<16xf32>
    %add3A_1188 = arith.constant 1.000000e+00 : f32
    %add3A_1189 = vector.broadcast %add3A_1188 : f32 to vector<16xf32>
    %add3A_1190 = arith.addf %add3A_1187, %add3A_1189 : vector<16xf32>
    %swap3A_1191 = arith.constant 208 : index
    %swap3A_1192 = tpu.vector_load %arg9[%swap3A_1191] {strides = array<i32>} : memref<384xf32, #tpu.memory_space<vmem>>, vector<16xf32>,
    tpu.vector_store %arg9[%swap3A_1191], %add3A_1190 {strides = array<i32>} : memref<384xf32, #tpu.memory_space<vmem>>, vector<16xf32>,
    %get3A_1193 = arith.constant 0 : i32
    %get3A_1194 = arith.index_cast %get3A_1193 : i32 to index
    %get3A_1195 = arith.constant 224 : index
    %get3A_1196 = tpu.vector_load %arg8[%get3A_1194, %get3A_1195] {strides = array<i32>} : memref<16x384xf32, #tpu.memory_space<vmem>>, vector<16xf32>,
    %get3A_1197 = arith.constant 1 : i32
    %get3A_1198 = arith.index_cast %get3A_1197 : i32 to index
    %get3A_1199 = arith.constant 224 : index
    %get3A_1200 = tpu.vector_load %arg8[%get3A_1198, %get3A_1199] {strides = array<i32>} : memref<16x384xf32, #tpu.memory_space<vmem>>, vector<16xf32>,
    %add3A_1201 = arith.addf %get3A_1196, %get3A_1200 : vector<16xf32>
    %get3A_1202 = arith.constant 2 : i32
    %get3A_1203 = arith.index_cast %get3A_1202 : i32 to index
    %get3A_1204 = arith.constant 224 : index
    %get3A_1205 = tpu.vector_load %arg8[%get3A_1203, %get3A_1204] {strides = array<i32>} : memref<16x384xf32, #tpu.memory_space<vmem>>, vector<16xf32>,
    %add3A_1206 = arith.addf %add3A_1201, %get3A_1205 : vector<16xf32>
    %get3A_1207 = arith.constant 3 : i32
    %get3A_1208 = arith.index_cast %get3A_1207 : i32 to index
    %get3A_1209 = arith.constant 224 : index
    %get3A_1210 = tpu.vector_load %arg8[%get3A_1208, %get3A_1209] {strides = array<i32>} : memref<16x384xf32, #tpu.memory_space<vmem>>, vector<16xf32>,
    %add3A_1211 = arith.addf %add3A_1206, %get3A_1210 : vector<16xf32>
    %get3A_1212 = arith.constant 4 : i32
    %get3A_1213 = arith.index_cast %get3A_1212 : i32 to index
    %get3A_1214 = arith.constant 224 : index
    %get3A_1215 = tpu.vector_load %arg8[%get3A_1213, %get3A_1214] {strides = array<i32>} : memref<16x384xf32, #tpu.memory_space<vmem>>, vector<16xf32>,
    %add3A_1216 = arith.addf %add3A_1211, %get3A_1215 : vector<16xf32>
    %get3A_1217 = arith.constant 5 : i32
    %get3A_1218 = arith.index_cast %get3A_1217 : i32 to index
    %get3A_1219 = arith.constant 224 : index
    %get3A_1220 = tpu.vector_load %arg8[%get3A_1218, %get3A_1219] {strides = array<i32>} : memref<16x384xf32, #tpu.memory_space<vmem>>, vector<16xf32>,
    %add3A_1221 = arith.addf %add3A_1216, %get3A_1220 : vector<16xf32>
    %get3A_1222 = arith.constant 6 : i32
    %get3A_1223 = arith.index_cast %get3A_1222 : i32 to index
    %get3A_1224 = arith.constant 224 : index
    %get3A_1225 = tpu.vector_load %arg8[%get3A_1223, %get3A_1224] {strides = array<i32>} : memref<16x384xf32, #tpu.memory_space<vmem>>, vector<16xf32>,
    %add3A_1226 = arith.addf %add3A_1221, %get3A_1225 : vector<16xf32>
    %get3A_1227 = arith.constant 7 : i32
    %get3A_1228 = arith.index_cast %get3A_1227 : i32 to index
    %get3A_1229 = arith.constant 224 : index
    %get3A_1230 = tpu.vector_load %arg8[%get3A_1228, %get3A_1229] {strides = array<i32>} : memref<16x384xf32, #tpu.memory_space<vmem>>, vector<16xf32>,
    %add3A_1231 = arith.addf %add3A_1226, %get3A_1230 : vector<16xf32>
    %get3A_1232 = arith.constant 8 : i32
    %get3A_1233 = arith.index_cast %get3A_1232 : i32 to index
    %get3A_1234 = arith.constant 224 : index
    %get3A_1235 = tpu.vector_load %arg8[%get3A_1233, %get3A_1234] {strides = array<i32>} : memref<16x384xf32, #tpu.memory_space<vmem>>, vector<16xf32>,
    %add3A_1236 = arith.addf %add3A_1231, %get3A_1235 : vector<16xf32>
    %get3A_1237 = arith.constant 9 : i32
    %get3A_1238 = arith.index_cast %get3A_1237 : i32 to index
    %get3A_1239 = arith.constant 224 : index
    %get3A_1240 = tpu.vector_load %arg8[%get3A_1238, %get3A_1239] {strides = array<i32>} : memref<16x384xf32, #tpu.memory_space<vmem>>, vector<16xf32>,
    %add3A_1241 = arith.addf %add3A_1236, %get3A_1240 : vector<16xf32>
    %get3A_1242 = arith.constant 10 : i32
    %get3A_1243 = arith.index_cast %get3A_1242 : i32 to index
    %get3A_1244 = arith.constant 224 : index
    %get3A_1245 = tpu.vector_load %arg8[%get3A_1243, %get3A_1244] {strides = array<i32>} : memref<16x384xf32, #tpu.memory_space<vmem>>, vector<16xf32>,
    %add3A_1246 = arith.addf %add3A_1241, %get3A_1245 : vector<16xf32>
    %get3A_1247 = arith.constant 11 : i32
    %get3A_1248 = arith.index_cast %get3A_1247 : i32 to index
    %get3A_1249 = arith.constant 224 : index
    %get3A_1250 = tpu.vector_load %arg8[%get3A_1248, %get3A_1249] {strides = array<i32>} : memref<16x384xf32, #tpu.memory_space<vmem>>, vector<16xf32>,
    %add3A_1251 = arith.addf %add3A_1246, %get3A_1250 : vector<16xf32>
    %get3A_1252 = arith.constant 12 : i32
    %get3A_1253 = arith.index_cast %get3A_1252 : i32 to index
    %get3A_1254 = arith.constant 224 : index
    %get3A_1255 = tpu.vector_load %arg8[%get3A_1253, %get3A_1254] {strides = array<i32>} : memref<16x384xf32, #tpu.memory_space<vmem>>, vector<16xf32>,
    %add3A_1256 = arith.addf %add3A_1251, %get3A_1255 : vector<16xf32>
    %get3A_1257 = arith.constant 13 : i32
    %get3A_1258 = arith.index_cast %get3A_1257 : i32 to index
    %get3A_1259 = arith.constant 224 : index
    %get3A_1260 = tpu.vector_load %arg8[%get3A_1258, %get3A_1259] {strides = array<i32>} : memref<16x384xf32, #tpu.memory_space<vmem>>, vector<16xf32>,
    %add3A_1261 = arith.addf %add3A_1256, %get3A_1260 : vector<16xf32>
    %get3A_1262 = arith.constant 14 : i32
    %get3A_1263 = arith.index_cast %get3A_1262 : i32 to index
    %get3A_1264 = arith.constant 224 : index
    %get3A_1265 = tpu.vector_load %arg8[%get3A_1263, %get3A_1264] {strides = array<i32>} : memref<16x384xf32, #tpu.memory_space<vmem>>, vector<16xf32>,
    %add3A_1266 = arith.addf %add3A_1261, %get3A_1265 : vector<16xf32>
    %get3A_1267 = arith.constant 15 : i32
    %get3A_1268 = arith.index_cast %get3A_1267 : i32 to index
    %get3A_1269 = arith.constant 224 : index
    %get3A_1270 = tpu.vector_load %arg8[%get3A_1268, %get3A_1269] {strides = array<i32>} : memref<16x384xf32, #tpu.memory_space<vmem>>, vector<16xf32>,
    %add3A_1271 = arith.addf %add3A_1266, %get3A_1270 : vector<16xf32>
    %add3A_1272 = arith.constant 1.000000e+00 : f32
    %add3A_1273 = vector.broadcast %add3A_1272 : f32 to vector<16xf32>
    %add3A_1274 = arith.addf %add3A_1271, %add3A_1273 : vector<16xf32>
    %swap3A_1275 = arith.constant 224 : index
    %swap3A_1276 = tpu.vector_load %arg9[%swap3A_1275] {strides = array<i32>} : memref<384xf32, #tpu.memory_space<vmem>>, vector<16xf32>,
    tpu.vector_store %arg9[%swap3A_1275], %add3A_1274 {strides = array<i32>} : memref<384xf32, #tpu.memory_space<vmem>>, vector<16xf32>,
    %get3A_1277 = arith.constant 0 : i32
    %get3A_1278 = arith.index_cast %get3A_1277 : i32 to index
    %get3A_1279 = arith.constant 240 : index
    %get3A_1280 = tpu.vector_load %arg8[%get3A_1278, %get3A_1279] {strides = array<i32>} : memref<16x384xf32, #tpu.memory_space<vmem>>, vector<16xf32>,
    %get3A_1281 = arith.constant 1 : i32
    %get3A_1282 = arith.index_cast %get3A_1281 : i32 to index
    %get3A_1283 = arith.constant 240 : index
    %get3A_1284 = tpu.vector_load %arg8[%get3A_1282, %get3A_1283] {strides = array<i32>} : memref<16x384xf32, #tpu.memory_space<vmem>>, vector<16xf32>,
    %add3A_1285 = arith.addf %get3A_1280, %get3A_1284 : vector<16xf32>
    %get3A_1286 = arith.constant 2 : i32
    %get3A_1287 = arith.index_cast %get3A_1286 : i32 to index
    %get3A_1288 = arith.constant 240 : index
    %get3A_1289 = tpu.vector_load %arg8[%get3A_1287, %get3A_1288] {strides = array<i32>} : memref<16x384xf32, #tpu.memory_space<vmem>>, vector<16xf32>,
    %add3A_1290 = arith.addf %add3A_1285, %get3A_1289 : vector<16xf32>
    %get3A_1291 = arith.constant 3 : i32
    %get3A_1292 = arith.index_cast %get3A_1291 : i32 to index
    %get3A_1293 = arith.constant 240 : index
    %get3A_1294 = tpu.vector_load %arg8[%get3A_1292, %get3A_1293] {strides = array<i32>} : memref<16x384xf32, #tpu.memory_space<vmem>>, vector<16xf32>,
    %add3A_1295 = arith.addf %add3A_1290, %get3A_1294 : vector<16xf32>
    %get3A_1296 = arith.constant 4 : i32
    %get3A_1297 = arith.index_cast %get3A_1296 : i32 to index
    %get3A_1298 = arith.constant 240 : index
    %get3A_1299 = tpu.vector_load %arg8[%get3A_1297, %get3A_1298] {strides = array<i32>} : memref<16x384xf32, #tpu.memory_space<vmem>>, vector<16xf32>,
    %add3A_1300 = arith.addf %add3A_1295, %get3A_1299 : vector<16xf32>
    %get3A_1301 = arith.constant 5 : i32
    %get3A_1302 = arith.index_cast %get3A_1301 : i32 to index
    %get3A_1303 = arith.constant 240 : index
    %get3A_1304 = tpu.vector_load %arg8[%get3A_1302, %get3A_1303] {strides = array<i32>} : memref<16x384xf32, #tpu.memory_space<vmem>>, vector<16xf32>,
    %add3A_1305 = arith.addf %add3A_1300, %get3A_1304 : vector<16xf32>
    %get3A_1306 = arith.constant 6 : i32
    %get3A_1307 = arith.index_cast %get3A_1306 : i32 to index
    %get3A_1308 = arith.constant 240 : index
    %get3A_1309 = tpu.vector_load %arg8[%get3A_1307, %get3A_1308] {strides = array<i32>} : memref<16x384xf32, #tpu.memory_space<vmem>>, vector<16xf32>,
    %add3A_1310 = arith.addf %add3A_1305, %get3A_1309 : vector<16xf32>
    %get3A_1311 = arith.constant 7 : i32
    %get3A_1312 = arith.index_cast %get3A_1311 : i32 to index
    %get3A_1313 = arith.constant 240 : index
    %get3A_1314 = tpu.vector_load %arg8[%get3A_1312, %get3A_1313] {strides = array<i32>} : memref<16x384xf32, #tpu.memory_space<vmem>>, vector<16xf32>,
    %add3A_1315 = arith.addf %add3A_1310, %get3A_1314 : vector<16xf32>
    %get3A_1316 = arith.constant 8 : i32
    %get3A_1317 = arith.index_cast %get3A_1316 : i32 to index
    %get3A_1318 = arith.constant 240 : index
    %get3A_1319 = tpu.vector_load %arg8[%get3A_1317, %get3A_1318] {strides = array<i32>} : memref<16x384xf32, #tpu.memory_space<vmem>>, vector<16xf32>,
    %add3A_1320 = arith.addf %add3A_1315, %get3A_1319 : vector<16xf32>
    %get3A_1321 = arith.constant 9 : i32
    %get3A_1322 = arith.index_cast %get3A_1321 : i32 to index
    %get3A_1323 = arith.constant 240 : index
    %get3A_1324 = tpu.vector_load %arg8[%get3A_1322, %get3A_1323] {strides = array<i32>} : memref<16x384xf32, #tpu.memory_space<vmem>>, vector<16xf32>,
    %add3A_1325 = arith.addf %add3A_1320, %get3A_1324 : vector<16xf32>
    %get3A_1326 = arith.constant 10 : i32
    %get3A_1327 = arith.index_cast %get3A_1326 : i32 to index
    %get3A_1328 = arith.constant 240 : index
    %get3A_1329 = tpu.vector_load %arg8[%get3A_1327, %get3A_1328] {strides = array<i32>} : memref<16x384xf32, #tpu.memory_space<vmem>>, vector<16xf32>,
    %add3A_1330 = arith.addf %add3A_1325, %get3A_1329 : vector<16xf32>
    %get3A_1331 = arith.constant 11 : i32
    %get3A_1332 = arith.index_cast %get3A_1331 : i32 to index
    %get3A_1333 = arith.constant 240 : index
    %get3A_1334 = tpu.vector_load %arg8[%get3A_1332, %get3A_1333] {strides = array<i32>} : memref<16x384xf32, #tpu.memory_space<vmem>>, vector<16xf32>,
    %add3A_1335 = arith.addf %add3A_1330, %get3A_1334 : vector<16xf32>
    %get3A_1336 = arith.constant 12 : i32
    %get3A_1337 = arith.index_cast %get3A_1336 : i32 to index
    %get3A_1338 = arith.constant 240 : index
    %get3A_1339 = tpu.vector_load %arg8[%get3A_1337, %get3A_1338] {strides = array<i32>} : memref<16x384xf32, #tpu.memory_space<vmem>>, vector<16xf32>,
    %add3A_1340 = arith.addf %add3A_1335, %get3A_1339 : vector<16xf32>
    %get3A_1341 = arith.constant 13 : i32
    %get3A_1342 = arith.index_cast %get3A_1341 : i32 to index
    %get3A_1343 = arith.constant 240 : index
    %get3A_1344 = tpu.vector_load %arg8[%get3A_1342, %get3A_1343] {strides = array<i32>} : memref<16x384xf32, #tpu.memory_space<vmem>>, vector<16xf32>,
    %add3A_1345 = arith.addf %add3A_1340, %get3A_1344 : vector<16xf32>
    %get3A_1346 = arith.constant 14 : i32
    %get3A_1347 = arith.index_cast %get3A_1346 : i32 to index
    %get3A_1348 = arith.constant 240 : index
    %get3A_1349 = tpu.vector_load %arg8[%get3A_1347, %get3A_1348] {strides = array<i32>} : memref<16x384xf32, #tpu.memory_space<vmem>>, vector<16xf32>,
    %add3A_1350 = arith.addf %add3A_1345, %get3A_1349 : vector<16xf32>
    %get3A_1351 = arith.constant 15 : i32
    %get3A_1352 = arith.index_cast %get3A_1351 : i32 to index
    %get3A_1353 = arith.constant 240 : index
    %get3A_1354 = tpu.vector_load %arg8[%get3A_1352, %get3A_1353] {strides = array<i32>} : memref<16x384xf32, #tpu.memory_space<vmem>>, vector<16xf32>,
    %add3A_1355 = arith.addf %add3A_1350, %get3A_1354 : vector<16xf32>
    %add3A_1356 = arith.constant 1.000000e+00 : f32
    %add3A_1357 = vector.broadcast %add3A_1356 : f32 to vector<16xf32>
    %add3A_1358 = arith.addf %add3A_1355, %add3A_1357 : vector<16xf32>
    %swap3A_1359 = arith.constant 240 : index
    %swap3A_1360 = tpu.vector_load %arg9[%swap3A_1359] {strides = array<i32>} : memref<384xf32, #tpu.memory_space<vmem>>, vector<16xf32>,
    tpu.vector_store %arg9[%swap3A_1359], %add3A_1358 {strides = array<i32>} : memref<384xf32, #tpu.memory_space<vmem>>, vector<16xf32>,
    %get3A_1361 = arith.constant 0 : i32
    %get3A_1362 = arith.index_cast %get3A_1361 : i32 to index
    %get3A_1363 = arith.constant 256 : index
    %get3A_1364 = tpu.vector_load %arg8[%get3A_1362, %get3A_1363] {strides = array<i32>} : memref<16x384xf32, #tpu.memory_space<vmem>>, vector<16xf32>,
    %get3A_1365 = arith.constant 1 : i32
    %get3A_1366 = arith.index_cast %get3A_1365 : i32 to index
    %get3A_1367 = arith.constant 256 : index
    %get3A_1368 = tpu.vector_load %arg8[%get3A_1366, %get3A_1367] {strides = array<i32>} : memref<16x384xf32, #tpu.memory_space<vmem>>, vector<16xf32>,
    %add3A_1369 = arith.addf %get3A_1364, %get3A_1368 : vector<16xf32>
    %get3A_1370 = arith.constant 2 : i32
    %get3A_1371 = arith.index_cast %get3A_1370 : i32 to index
    %get3A_1372 = arith.constant 256 : index
    %get3A_1373 = tpu.vector_load %arg8[%get3A_1371, %get3A_1372] {strides = array<i32>} : memref<16x384xf32, #tpu.memory_space<vmem>>, vector<16xf32>,
    %add3A_1374 = arith.addf %add3A_1369, %get3A_1373 : vector<16xf32>
    %get3A_1375 = arith.constant 3 : i32
    %get3A_1376 = arith.index_cast %get3A_1375 : i32 to index
    %get3A_1377 = arith.constant 256 : index
    %get3A_1378 = tpu.vector_load %arg8[%get3A_1376, %get3A_1377] {strides = array<i32>} : memref<16x384xf32, #tpu.memory_space<vmem>>, vector<16xf32>,
    %add3A_1379 = arith.addf %add3A_1374, %get3A_1378 : vector<16xf32>
    %get3A_1380 = arith.constant 4 : i32
    %get3A_1381 = arith.index_cast %get3A_1380 : i32 to index
    %get3A_1382 = arith.constant 256 : index
    %get3A_1383 = tpu.vector_load %arg8[%get3A_1381, %get3A_1382] {strides = array<i32>} : memref<16x384xf32, #tpu.memory_space<vmem>>, vector<16xf32>,
    %add3A_1384 = arith.addf %add3A_1379, %get3A_1383 : vector<16xf32>
    %get3A_1385 = arith.constant 5 : i32
    %get3A_1386 = arith.index_cast %get3A_1385 : i32 to index
    %get3A_1387 = arith.constant 256 : index
    %get3A_1388 = tpu.vector_load %arg8[%get3A_1386, %get3A_1387] {strides = array<i32>} : memref<16x384xf32, #tpu.memory_space<vmem>>, vector<16xf32>,
    %add3A_1389 = arith.addf %add3A_1384, %get3A_1388 : vector<16xf32>
    %get3A_1390 = arith.constant 6 : i32
    %get3A_1391 = arith.index_cast %get3A_1390 : i32 to index
    %get3A_1392 = arith.constant 256 : index
    %get3A_1393 = tpu.vector_load %arg8[%get3A_1391, %get3A_1392] {strides = array<i32>} : memref<16x384xf32, #tpu.memory_space<vmem>>, vector<16xf32>,
    %add3A_1394 = arith.addf %add3A_1389, %get3A_1393 : vector<16xf32>
    %get3A_1395 = arith.constant 7 : i32
    %get3A_1396 = arith.index_cast %get3A_1395 : i32 to index
    %get3A_1397 = arith.constant 256 : index
    %get3A_1398 = tpu.vector_load %arg8[%get3A_1396, %get3A_1397] {strides = array<i32>} : memref<16x384xf32, #tpu.memory_space<vmem>>, vector<16xf32>,
    %add3A_1399 = arith.addf %add3A_1394, %get3A_1398 : vector<16xf32>
    %get3A_1400 = arith.constant 8 : i32
    %get3A_1401 = arith.index_cast %get3A_1400 : i32 to index
    %get3A_1402 = arith.constant 256 : index
    %get3A_1403 = tpu.vector_load %arg8[%get3A_1401, %get3A_1402] {strides = array<i32>} : memref<16x384xf32, #tpu.memory_space<vmem>>, vector<16xf32>,
    %add3A_1404 = arith.addf %add3A_1399, %get3A_1403 : vector<16xf32>
    %get3A_1405 = arith.constant 9 : i32
    %get3A_1406 = arith.index_cast %get3A_1405 : i32 to index
    %get3A_1407 = arith.constant 256 : index
    %get3A_1408 = tpu.vector_load %arg8[%get3A_1406, %get3A_1407] {strides = array<i32>} : memref<16x384xf32, #tpu.memory_space<vmem>>, vector<16xf32>,
    %add3A_1409 = arith.addf %add3A_1404, %get3A_1408 : vector<16xf32>
    %get3A_1410 = arith.constant 10 : i32
    %get3A_1411 = arith.index_cast %get3A_1410 : i32 to index
    %get3A_1412 = arith.constant 256 : index
    %get3A_1413 = tpu.vector_load %arg8[%get3A_1411, %get3A_1412] {strides = array<i32>} : memref<16x384xf32, #tpu.memory_space<vmem>>, vector<16xf32>,
    %add3A_1414 = arith.addf %add3A_1409, %get3A_1413 : vector<16xf32>
    %get3A_1415 = arith.constant 11 : i32
    %get3A_1416 = arith.index_cast %get3A_1415 : i32 to index
    %get3A_1417 = arith.constant 256 : index
    %get3A_1418 = tpu.vector_load %arg8[%get3A_1416, %get3A_1417] {strides = array<i32>} : memref<16x384xf32, #tpu.memory_space<vmem>>, vector<16xf32>,
    %add3A_1419 = arith.addf %add3A_1414, %get3A_1418 : vector<16xf32>
    %get3A_1420 = arith.constant 12 : i32
    %get3A_1421 = arith.index_cast %get3A_1420 : i32 to index
    %get3A_1422 = arith.constant 256 : index
    %get3A_1423 = tpu.vector_load %arg8[%get3A_1421, %get3A_1422] {strides = array<i32>} : memref<16x384xf32, #tpu.memory_space<vmem>>, vector<16xf32>,
    %add3A_1424 = arith.addf %add3A_1419, %get3A_1423 : vector<16xf32>
    %get3A_1425 = arith.constant 13 : i32
    %get3A_1426 = arith.index_cast %get3A_1425 : i32 to index
    %get3A_1427 = arith.constant 256 : index
    %get3A_1428 = tpu.vector_load %arg8[%get3A_1426, %get3A_1427] {strides = array<i32>} : memref<16x384xf32, #tpu.memory_space<vmem>>, vector<16xf32>,
    %add3A_1429 = arith.addf %add3A_1424, %get3A_1428 : vector<16xf32>
    %get3A_1430 = arith.constant 14 : i32
    %get3A_1431 = arith.index_cast %get3A_1430 : i32 to index
    %get3A_1432 = arith.constant 256 : index
    %get3A_1433 = tpu.vector_load %arg8[%get3A_1431, %get3A_1432] {strides = array<i32>} : memref<16x384xf32, #tpu.memory_space<vmem>>, vector<16xf32>,
    %add3A_1434 = arith.addf %add3A_1429, %get3A_1433 : vector<16xf32>
    %get3A_1435 = arith.constant 15 : i32
    %get3A_1436 = arith.index_cast %get3A_1435 : i32 to index
    %get3A_1437 = arith.constant 256 : index
    %get3A_1438 = tpu.vector_load %arg8[%get3A_1436, %get3A_1437] {strides = array<i32>} : memref<16x384xf32, #tpu.memory_space<vmem>>, vector<16xf32>,
    %add3A_1439 = arith.addf %add3A_1434, %get3A_1438 : vector<16xf32>
    %add3A_1440 = arith.constant 1.000000e+00 : f32
    %add3A_1441 = vector.broadcast %add3A_1440 : f32 to vector<16xf32>
    %add3A_1442 = arith.addf %add3A_1439, %add3A_1441 : vector<16xf32>
    %swap3A_1443 = arith.constant 256 : index
    %swap3A_1444 = tpu.vector_load %arg9[%swap3A_1443] {strides = array<i32>} : memref<384xf32, #tpu.memory_space<vmem>>, vector<16xf32>,
    tpu.vector_store %arg9[%swap3A_1443], %add3A_1442 {strides = array<i32>} : memref<384xf32, #tpu.memory_space<vmem>>, vector<16xf32>,
    %get3A_1445 = arith.constant 0 : i32
    %get3A_1446 = arith.index_cast %get3A_1445 : i32 to index
    %get3A_1447 = arith.constant 272 : index
    %get3A_1448 = tpu.vector_load %arg8[%get3A_1446, %get3A_1447] {strides = array<i32>} : memref<16x384xf32, #tpu.memory_space<vmem>>, vector<16xf32>,
    %get3A_1449 = arith.constant 1 : i32
    %get3A_1450 = arith.index_cast %get3A_1449 : i32 to index
    %get3A_1451 = arith.constant 272 : index
    %get3A_1452 = tpu.vector_load %arg8[%get3A_1450, %get3A_1451] {strides = array<i32>} : memref<16x384xf32, #tpu.memory_space<vmem>>, vector<16xf32>,
    %add3A_1453 = arith.addf %get3A_1448, %get3A_1452 : vector<16xf32>
    %get3A_1454 = arith.constant 2 : i32
    %get3A_1455 = arith.index_cast %get3A_1454 : i32 to index
    %get3A_1456 = arith.constant 272 : index
    %get3A_1457 = tpu.vector_load %arg8[%get3A_1455, %get3A_1456] {strides = array<i32>} : memref<16x384xf32, #tpu.memory_space<vmem>>, vector<16xf32>,
    %add3A_1458 = arith.addf %add3A_1453, %get3A_1457 : vector<16xf32>
    %get3A_1459 = arith.constant 3 : i32
    %get3A_1460 = arith.index_cast %get3A_1459 : i32 to index
    %get3A_1461 = arith.constant 272 : index
    %get3A_1462 = tpu.vector_load %arg8[%get3A_1460, %get3A_1461] {strides = array<i32>} : memref<16x384xf32, #tpu.memory_space<vmem>>, vector<16xf32>,
    %add3A_1463 = arith.addf %add3A_1458, %get3A_1462 : vector<16xf32>
    %get3A_1464 = arith.constant 4 : i32
    %get3A_1465 = arith.index_cast %get3A_1464 : i32 to index
    %get3A_1466 = arith.constant 272 : index
    %get3A_1467 = tpu.vector_load %arg8[%get3A_1465, %get3A_1466] {strides = array<i32>} : memref<16x384xf32, #tpu.memory_space<vmem>>, vector<16xf32>,
    %add3A_1468 = arith.addf %add3A_1463, %get3A_1467 : vector<16xf32>
    %get3A_1469 = arith.constant 5 : i32
    %get3A_1470 = arith.index_cast %get3A_1469 : i32 to index
    %get3A_1471 = arith.constant 272 : index
    %get3A_1472 = tpu.vector_load %arg8[%get3A_1470, %get3A_1471] {strides = array<i32>} : memref<16x384xf32, #tpu.memory_space<vmem>>, vector<16xf32>,
    %add3A_1473 = arith.addf %add3A_1468, %get3A_1472 : vector<16xf32>
    %get3A_1474 = arith.constant 6 : i32
    %get3A_1475 = arith.index_cast %get3A_1474 : i32 to index
    %get3A_1476 = arith.constant 272 : index
    %get3A_1477 = tpu.vector_load %arg8[%get3A_1475, %get3A_1476] {strides = array<i32>} : memref<16x384xf32, #tpu.memory_space<vmem>>, vector<16xf32>,
    %add3A_1478 = arith.addf %add3A_1473, %get3A_1477 : vector<16xf32>
    %get3A_1479 = arith.constant 7 : i32
    %get3A_1480 = arith.index_cast %get3A_1479 : i32 to index
    %get3A_1481 = arith.constant 272 : index
    %get3A_1482 = tpu.vector_load %arg8[%get3A_1480, %get3A_1481] {strides = array<i32>} : memref<16x384xf32, #tpu.memory_space<vmem>>, vector<16xf32>,
    %add3A_1483 = arith.addf %add3A_1478, %get3A_1482 : vector<16xf32>
    %get3A_1484 = arith.constant 8 : i32
    %get3A_1485 = arith.index_cast %get3A_1484 : i32 to index
    %get3A_1486 = arith.constant 272 : index
    %get3A_1487 = tpu.vector_load %arg8[%get3A_1485, %get3A_1486] {strides = array<i32>} : memref<16x384xf32, #tpu.memory_space<vmem>>, vector<16xf32>,
    %add3A_1488 = arith.addf %add3A_1483, %get3A_1487 : vector<16xf32>
    %get3A_1489 = arith.constant 9 : i32
    %get3A_1490 = arith.index_cast %get3A_1489 : i32 to index
    %get3A_1491 = arith.constant 272 : index
    %get3A_1492 = tpu.vector_load %arg8[%get3A_1490, %get3A_1491] {strides = array<i32>} : memref<16x384xf32, #tpu.memory_space<vmem>>, vector<16xf32>,
    %add3A_1493 = arith.addf %add3A_1488, %get3A_1492 : vector<16xf32>
    %get3A_1494 = arith.constant 10 : i32
    %get3A_1495 = arith.index_cast %get3A_1494 : i32 to index
    %get3A_1496 = arith.constant 272 : index
    %get3A_1497 = tpu.vector_load %arg8[%get3A_1495, %get3A_1496] {strides = array<i32>} : memref<16x384xf32, #tpu.memory_space<vmem>>, vector<16xf32>,
    %add3A_1498 = arith.addf %add3A_1493, %get3A_1497 : vector<16xf32>
    %get3A_1499 = arith.constant 11 : i32
    %get3A_1500 = arith.index_cast %get3A_1499 : i32 to index
    %get3A_1501 = arith.constant 272 : index
    %get3A_1502 = tpu.vector_load %arg8[%get3A_1500, %get3A_1501] {strides = array<i32>} : memref<16x384xf32, #tpu.memory_space<vmem>>, vector<16xf32>,
    %add3A_1503 = arith.addf %add3A_1498, %get3A_1502 : vector<16xf32>
    %get3A_1504 = arith.constant 12 : i32
    %get3A_1505 = arith.index_cast %get3A_1504 : i32 to index
    %get3A_1506 = arith.constant 272 : index
    %get3A_1507 = tpu.vector_load %arg8[%get3A_1505, %get3A_1506] {strides = array<i32>} : memref<16x384xf32, #tpu.memory_space<vmem>>, vector<16xf32>,
    %add3A_1508 = arith.addf %add3A_1503, %get3A_1507 : vector<16xf32>
    %get3A_1509 = arith.constant 13 : i32
    %get3A_1510 = arith.index_cast %get3A_1509 : i32 to index
    %get3A_1511 = arith.constant 272 : index
    %get3A_1512 = tpu.vector_load %arg8[%get3A_1510, %get3A_1511] {strides = array<i32>} : memref<16x384xf32, #tpu.memory_space<vmem>>, vector<16xf32>,
    %add3A_1513 = arith.addf %add3A_1508, %get3A_1512 : vector<16xf32>
    %get3A_1514 = arith.constant 14 : i32
    %get3A_1515 = arith.index_cast %get3A_1514 : i32 to index
    %get3A_1516 = arith.constant 272 : index
    %get3A_1517 = tpu.vector_load %arg8[%get3A_1515, %get3A_1516] {strides = array<i32>} : memref<16x384xf32, #tpu.memory_space<vmem>>, vector<16xf32>,
    %add3A_1518 = arith.addf %add3A_1513, %get3A_1517 : vector<16xf32>
    %get3A_1519 = arith.constant 15 : i32
    %get3A_1520 = arith.index_cast %get3A_1519 : i32 to index
    %get3A_1521 = arith.constant 272 : index
    %get3A_1522 = tpu.vector_load %arg8[%get3A_1520, %get3A_1521] {strides = array<i32>} : memref<16x384xf32, #tpu.memory_space<vmem>>, vector<16xf32>,
    %add3A_1523 = arith.addf %add3A_1518, %get3A_1522 : vector<16xf32>
    %add3A_1524 = arith.constant 1.000000e+00 : f32
    %add3A_1525 = vector.broadcast %add3A_1524 : f32 to vector<16xf32>
    %add3A_1526 = arith.addf %add3A_1523, %add3A_1525 : vector<16xf32>
    %swap3A_1527 = arith.constant 272 : index
    %swap3A_1528 = tpu.vector_load %arg9[%swap3A_1527] {strides = array<i32>} : memref<384xf32, #tpu.memory_space<vmem>>, vector<16xf32>,
    tpu.vector_store %arg9[%swap3A_1527], %add3A_1526 {strides = array<i32>} : memref<384xf32, #tpu.memory_space<vmem>>, vector<16xf32>,
    %get3A_1529 = arith.constant 0 : i32
    %get3A_1530 = arith.index_cast %get3A_1529 : i32 to index
    %get3A_1531 = arith.constant 288 : index
    %get3A_1532 = tpu.vector_load %arg8[%get3A_1530, %get3A_1531] {strides = array<i32>} : memref<16x384xf32, #tpu.memory_space<vmem>>, vector<16xf32>,
    %get3A_1533 = arith.constant 1 : i32
    %get3A_1534 = arith.index_cast %get3A_1533 : i32 to index
    %get3A_1535 = arith.constant 288 : index
    %get3A_1536 = tpu.vector_load %arg8[%get3A_1534, %get3A_1535] {strides = array<i32>} : memref<16x384xf32, #tpu.memory_space<vmem>>, vector<16xf32>,
    %add3A_1537 = arith.addf %get3A_1532, %get3A_1536 : vector<16xf32>
    %get3A_1538 = arith.constant 2 : i32
    %get3A_1539 = arith.index_cast %get3A_1538 : i32 to index
    %get3A_1540 = arith.constant 288 : index
    %get3A_1541 = tpu.vector_load %arg8[%get3A_1539, %get3A_1540] {strides = array<i32>} : memref<16x384xf32, #tpu.memory_space<vmem>>, vector<16xf32>,
    %add3A_1542 = arith.addf %add3A_1537, %get3A_1541 : vector<16xf32>
    %get3A_1543 = arith.constant 3 : i32
    %get3A_1544 = arith.index_cast %get3A_1543 : i32 to index
    %get3A_1545 = arith.constant 288 : index
    %get3A_1546 = tpu.vector_load %arg8[%get3A_1544, %get3A_1545] {strides = array<i32>} : memref<16x384xf32, #tpu.memory_space<vmem>>, vector<16xf32>,
    %add3A_1547 = arith.addf %add3A_1542, %get3A_1546 : vector<16xf32>
    %get3A_1548 = arith.constant 4 : i32
    %get3A_1549 = arith.index_cast %get3A_1548 : i32 to index
    %get3A_1550 = arith.constant 288 : index
    %get3A_1551 = tpu.vector_load %arg8[%get3A_1549, %get3A_1550] {strides = array<i32>} : memref<16x384xf32, #tpu.memory_space<vmem>>, vector<16xf32>,
    %add3A_1552 = arith.addf %add3A_1547, %get3A_1551 : vector<16xf32>
    %get3A_1553 = arith.constant 5 : i32
    %get3A_1554 = arith.index_cast %get3A_1553 : i32 to index
    %get3A_1555 = arith.constant 288 : index
    %get3A_1556 = tpu.vector_load %arg8[%get3A_1554, %get3A_1555] {strides = array<i32>} : memref<16x384xf32, #tpu.memory_space<vmem>>, vector<16xf32>,
    %add3A_1557 = arith.addf %add3A_1552, %get3A_1556 : vector<16xf32>
    %get3A_1558 = arith.constant 6 : i32
    %get3A_1559 = arith.index_cast %get3A_1558 : i32 to index
    %get3A_1560 = arith.constant 288 : index
    %get3A_1561 = tpu.vector_load %arg8[%get3A_1559, %get3A_1560] {strides = array<i32>} : memref<16x384xf32, #tpu.memory_space<vmem>>, vector<16xf32>,
    %add3A_1562 = arith.addf %add3A_1557, %get3A_1561 : vector<16xf32>
    %get3A_1563 = arith.constant 7 : i32
    %get3A_1564 = arith.index_cast %get3A_1563 : i32 to index
    %get3A_1565 = arith.constant 288 : index
    %get3A_1566 = tpu.vector_load %arg8[%get3A_1564, %get3A_1565] {strides = array<i32>} : memref<16x384xf32, #tpu.memory_space<vmem>>, vector<16xf32>,
    %add3A_1567 = arith.addf %add3A_1562, %get3A_1566 : vector<16xf32>
    %get3A_1568 = arith.constant 8 : i32
    %get3A_1569 = arith.index_cast %get3A_1568 : i32 to index
    %get3A_1570 = arith.constant 288 : index
    %get3A_1571 = tpu.vector_load %arg8[%get3A_1569, %get3A_1570] {strides = array<i32>} : memref<16x384xf32, #tpu.memory_space<vmem>>, vector<16xf32>,
    %add3A_1572 = arith.addf %add3A_1567, %get3A_1571 : vector<16xf32>
    %get3A_1573 = arith.constant 9 : i32
    %get3A_1574 = arith.index_cast %get3A_1573 : i32 to index
    %get3A_1575 = arith.constant 288 : index
    %get3A_1576 = tpu.vector_load %arg8[%get3A_1574, %get3A_1575] {strides = array<i32>} : memref<16x384xf32, #tpu.memory_space<vmem>>, vector<16xf32>,
    %add3A_1577 = arith.addf %add3A_1572, %get3A_1576 : vector<16xf32>
    %get3A_1578 = arith.constant 10 : i32
    %get3A_1579 = arith.index_cast %get3A_1578 : i32 to index
    %get3A_1580 = arith.constant 288 : index
    %get3A_1581 = tpu.vector_load %arg8[%get3A_1579, %get3A_1580] {strides = array<i32>} : memref<16x384xf32, #tpu.memory_space<vmem>>, vector<16xf32>,
    %add3A_1582 = arith.addf %add3A_1577, %get3A_1581 : vector<16xf32>
    %get3A_1583 = arith.constant 11 : i32
    %get3A_1584 = arith.index_cast %get3A_1583 : i32 to index
    %get3A_1585 = arith.constant 288 : index
    %get3A_1586 = tpu.vector_load %arg8[%get3A_1584, %get3A_1585] {strides = array<i32>} : memref<16x384xf32, #tpu.memory_space<vmem>>, vector<16xf32>,
    %add3A_1587 = arith.addf %add3A_1582, %get3A_1586 : vector<16xf32>
    %get3A_1588 = arith.constant 12 : i32
    %get3A_1589 = arith.index_cast %get3A_1588 : i32 to index
    %get3A_1590 = arith.constant 288 : index
    %get3A_1591 = tpu.vector_load %arg8[%get3A_1589, %get3A_1590] {strides = array<i32>} : memref<16x384xf32, #tpu.memory_space<vmem>>, vector<16xf32>,
    %add3A_1592 = arith.addf %add3A_1587, %get3A_1591 : vector<16xf32>
    %get3A_1593 = arith.constant 13 : i32
    %get3A_1594 = arith.index_cast %get3A_1593 : i32 to index
    %get3A_1595 = arith.constant 288 : index
    %get3A_1596 = tpu.vector_load %arg8[%get3A_1594, %get3A_1595] {strides = array<i32>} : memref<16x384xf32, #tpu.memory_space<vmem>>, vector<16xf32>,
    %add3A_1597 = arith.addf %add3A_1592, %get3A_1596 : vector<16xf32>
    %get3A_1598 = arith.constant 14 : i32
    %get3A_1599 = arith.index_cast %get3A_1598 : i32 to index
    %get3A_1600 = arith.constant 288 : index
    %get3A_1601 = tpu.vector_load %arg8[%get3A_1599, %get3A_1600] {strides = array<i32>} : memref<16x384xf32, #tpu.memory_space<vmem>>, vector<16xf32>,
    %add3A_1602 = arith.addf %add3A_1597, %get3A_1601 : vector<16xf32>
    %get3A_1603 = arith.constant 15 : i32
    %get3A_1604 = arith.index_cast %get3A_1603 : i32 to index
    %get3A_1605 = arith.constant 288 : index
    %get3A_1606 = tpu.vector_load %arg8[%get3A_1604, %get3A_1605] {strides = array<i32>} : memref<16x384xf32, #tpu.memory_space<vmem>>, vector<16xf32>,
    %add3A_1607 = arith.addf %add3A_1602, %get3A_1606 : vector<16xf32>
    %add3A_1608 = arith.constant 1.000000e+00 : f32
    %add3A_1609 = vector.broadcast %add3A_1608 : f32 to vector<16xf32>
    %add3A_1610 = arith.addf %add3A_1607, %add3A_1609 : vector<16xf32>
    %swap3A_1611 = arith.constant 288 : index
    %swap3A_1612 = tpu.vector_load %arg9[%swap3A_1611] {strides = array<i32>} : memref<384xf32, #tpu.memory_space<vmem>>, vector<16xf32>,
    tpu.vector_store %arg9[%swap3A_1611], %add3A_1610 {strides = array<i32>} : memref<384xf32, #tpu.memory_space<vmem>>, vector<16xf32>,
    %get3A_1613 = arith.constant 0 : i32
    %get3A_1614 = arith.index_cast %get3A_1613 : i32 to index
    %get3A_1615 = arith.constant 304 : index
    %get3A_1616 = tpu.vector_load %arg8[%get3A_1614, %get3A_1615] {strides = array<i32>} : memref<16x384xf32, #tpu.memory_space<vmem>>, vector<16xf32>,
    %get3A_1617 = arith.constant 1 : i32
    %get3A_1618 = arith.index_cast %get3A_1617 : i32 to index
    %get3A_1619 = arith.constant 304 : index
    %get3A_1620 = tpu.vector_load %arg8[%get3A_1618, %get3A_1619] {strides = array<i32>} : memref<16x384xf32, #tpu.memory_space<vmem>>, vector<16xf32>,
    %add3A_1621 = arith.addf %get3A_1616, %get3A_1620 : vector<16xf32>
    %get3A_1622 = arith.constant 2 : i32
    %get3A_1623 = arith.index_cast %get3A_1622 : i32 to index
    %get3A_1624 = arith.constant 304 : index
    %get3A_1625 = tpu.vector_load %arg8[%get3A_1623, %get3A_1624] {strides = array<i32>} : memref<16x384xf32, #tpu.memory_space<vmem>>, vector<16xf32>,
    %add3A_1626 = arith.addf %add3A_1621, %get3A_1625 : vector<16xf32>
    %get3A_1627 = arith.constant 3 : i32
    %get3A_1628 = arith.index_cast %get3A_1627 : i32 to index
    %get3A_1629 = arith.constant 304 : index
    %get3A_1630 = tpu.vector_load %arg8[%get3A_1628, %get3A_1629] {strides = array<i32>} : memref<16x384xf32, #tpu.memory_space<vmem>>, vector<16xf32>,
    %add3A_1631 = arith.addf %add3A_1626, %get3A_1630 : vector<16xf32>
    %get3A_1632 = arith.constant 4 : i32
    %get3A_1633 = arith.index_cast %get3A_1632 : i32 to index
    %get3A_1634 = arith.constant 304 : index
    %get3A_1635 = tpu.vector_load %arg8[%get3A_1633, %get3A_1634] {strides = array<i32>} : memref<16x384xf32, #tpu.memory_space<vmem>>, vector<16xf32>,
    %add3A_1636 = arith.addf %add3A_1631, %get3A_1635 : vector<16xf32>
    %get3A_1637 = arith.constant 5 : i32
    %get3A_1638 = arith.index_cast %get3A_1637 : i32 to index
    %get3A_1639 = arith.constant 304 : index
    %get3A_1640 = tpu.vector_load %arg8[%get3A_1638, %get3A_1639] {strides = array<i32>} : memref<16x384xf32, #tpu.memory_space<vmem>>, vector<16xf32>,
    %add3A_1641 = arith.addf %add3A_1636, %get3A_1640 : vector<16xf32>
    %get3A_1642 = arith.constant 6 : i32
    %get3A_1643 = arith.index_cast %get3A_1642 : i32 to index
    %get3A_1644 = arith.constant 304 : index
    %get3A_1645 = tpu.vector_load %arg8[%get3A_1643, %get3A_1644] {strides = array<i32>} : memref<16x384xf32, #tpu.memory_space<vmem>>, vector<16xf32>,
    %add3A_1646 = arith.addf %add3A_1641, %get3A_1645 : vector<16xf32>
    %get3A_1647 = arith.constant 7 : i32
    %get3A_1648 = arith.index_cast %get3A_1647 : i32 to index
    %get3A_1649 = arith.constant 304 : index
    %get3A_1650 = tpu.vector_load %arg8[%get3A_1648, %get3A_1649] {strides = array<i32>} : memref<16x384xf32, #tpu.memory_space<vmem>>, vector<16xf32>,
    %add3A_1651 = arith.addf %add3A_1646, %get3A_1650 : vector<16xf32>
    %get3A_1652 = arith.constant 8 : i32
    %get3A_1653 = arith.index_cast %get3A_1652 : i32 to index
    %get3A_1654 = arith.constant 304 : index
    %get3A_1655 = tpu.vector_load %arg8[%get3A_1653, %get3A_1654] {strides = array<i32>} : memref<16x384xf32, #tpu.memory_space<vmem>>, vector<16xf32>,
    %add3A_1656 = arith.addf %add3A_1651, %get3A_1655 : vector<16xf32>
    %get3A_1657 = arith.constant 9 : i32
    %get3A_1658 = arith.index_cast %get3A_1657 : i32 to index
    %get3A_1659 = arith.constant 304 : index
    %get3A_1660 = tpu.vector_load %arg8[%get3A_1658, %get3A_1659] {strides = array<i32>} : memref<16x384xf32, #tpu.memory_space<vmem>>, vector<16xf32>,
    %add3A_1661 = arith.addf %add3A_1656, %get3A_1660 : vector<16xf32>
    %get3A_1662 = arith.constant 10 : i32
    %get3A_1663 = arith.index_cast %get3A_1662 : i32 to index
    %get3A_1664 = arith.constant 304 : index
    %get3A_1665 = tpu.vector_load %arg8[%get3A_1663, %get3A_1664] {strides = array<i32>} : memref<16x384xf32, #tpu.memory_space<vmem>>, vector<16xf32>,
    %add3A_1666 = arith.addf %add3A_1661, %get3A_1665 : vector<16xf32>
    %get3A_1667 = arith.constant 11 : i32
    %get3A_1668 = arith.index_cast %get3A_1667 : i32 to index
    %get3A_1669 = arith.constant 304 : index
    %get3A_1670 = tpu.vector_load %arg8[%get3A_1668, %get3A_1669] {strides = array<i32>} : memref<16x384xf32, #tpu.memory_space<vmem>>, vector<16xf32>,
    %add3A_1671 = arith.addf %add3A_1666, %get3A_1670 : vector<16xf32>
    %get3A_1672 = arith.constant 12 : i32
    %get3A_1673 = arith.index_cast %get3A_1672 : i32 to index
    %get3A_1674 = arith.constant 304 : index
    %get3A_1675 = tpu.vector_load %arg8[%get3A_1673, %get3A_1674] {strides = array<i32>} : memref<16x384xf32, #tpu.memory_space<vmem>>, vector<16xf32>,
    %add3A_1676 = arith.addf %add3A_1671, %get3A_1675 : vector<16xf32>
    %get3A_1677 = arith.constant 13 : i32
    %get3A_1678 = arith.index_cast %get3A_1677 : i32 to index
    %get3A_1679 = arith.constant 304 : index
    %get3A_1680 = tpu.vector_load %arg8[%get3A_1678, %get3A_1679] {strides = array<i32>} : memref<16x384xf32, #tpu.memory_space<vmem>>, vector<16xf32>,
    %add3A_1681 = arith.addf %add3A_1676, %get3A_1680 : vector<16xf32>
    %get3A_1682 = arith.constant 14 : i32
    %get3A_1683 = arith.index_cast %get3A_1682 : i32 to index
    %get3A_1684 = arith.constant 304 : index
    %get3A_1685 = tpu.vector_load %arg8[%get3A_1683, %get3A_1684] {strides = array<i32>} : memref<16x384xf32, #tpu.memory_space<vmem>>, vector<16xf32>,
    %add3A_1686 = arith.addf %add3A_1681, %get3A_1685 : vector<16xf32>
    %get3A_1687 = arith.constant 15 : i32
    %get3A_1688 = arith.index_cast %get3A_1687 : i32 to index
    %get3A_1689 = arith.constant 304 : index
    %get3A_1690 = tpu.vector_load %arg8[%get3A_1688, %get3A_1689] {strides = array<i32>} : memref<16x384xf32, #tpu.memory_space<vmem>>, vector<16xf32>,
    %add3A_1691 = arith.addf %add3A_1686, %get3A_1690 : vector<16xf32>
    %add3A_1692 = arith.constant 1.000000e+00 : f32
    %add3A_1693 = vector.broadcast %add3A_1692 : f32 to vector<16xf32>
    %add3A_1694 = arith.addf %add3A_1691, %add3A_1693 : vector<16xf32>
    %swap3A_1695 = arith.constant 304 : index
    %swap3A_1696 = tpu.vector_load %arg9[%swap3A_1695] {strides = array<i32>} : memref<384xf32, #tpu.memory_space<vmem>>, vector<16xf32>,
    tpu.vector_store %arg9[%swap3A_1695], %add3A_1694 {strides = array<i32>} : memref<384xf32, #tpu.memory_space<vmem>>, vector<16xf32>,
    %get3A_1697 = arith.constant 0 : i32
    %get3A_1698 = arith.index_cast %get3A_1697 : i32 to index
    %get3A_1699 = arith.constant 320 : index
    %get3A_1700 = tpu.vector_load %arg8[%get3A_1698, %get3A_1699] {strides = array<i32>} : memref<16x384xf32, #tpu.memory_space<vmem>>, vector<16xf32>,
    %get3A_1701 = arith.constant 1 : i32
    %get3A_1702 = arith.index_cast %get3A_1701 : i32 to index
    %get3A_1703 = arith.constant 320 : index
    %get3A_1704 = tpu.vector_load %arg8[%get3A_1702, %get3A_1703] {strides = array<i32>} : memref<16x384xf32, #tpu.memory_space<vmem>>, vector<16xf32>,
    %add3A_1705 = arith.addf %get3A_1700, %get3A_1704 : vector<16xf32>
    %get3A_1706 = arith.constant 2 : i32
    %get3A_1707 = arith.index_cast %get3A_1706 : i32 to index
    %get3A_1708 = arith.constant 320 : index
    %get3A_1709 = tpu.vector_load %arg8[%get3A_1707, %get3A_1708] {strides = array<i32>} : memref<16x384xf32, #tpu.memory_space<vmem>>, vector<16xf32>,
    %add3A_1710 = arith.addf %add3A_1705, %get3A_1709 : vector<16xf32>
    %get3A_1711 = arith.constant 3 : i32
    %get3A_1712 = arith.index_cast %get3A_1711 : i32 to index
    %get3A_1713 = arith.constant 320 : index
    %get3A_1714 = tpu.vector_load %arg8[%get3A_1712, %get3A_1713] {strides = array<i32>} : memref<16x384xf32, #tpu.memory_space<vmem>>, vector<16xf32>,
    %add3A_1715 = arith.addf %add3A_1710, %get3A_1714 : vector<16xf32>
    %get3A_1716 = arith.constant 4 : i32
    %get3A_1717 = arith.index_cast %get3A_1716 : i32 to index
    %get3A_1718 = arith.constant 320 : index
    %get3A_1719 = tpu.vector_load %arg8[%get3A_1717, %get3A_1718] {strides = array<i32>} : memref<16x384xf32, #tpu.memory_space<vmem>>, vector<16xf32>,
    %add3A_1720 = arith.addf %add3A_1715, %get3A_1719 : vector<16xf32>
    %get3A_1721 = arith.constant 5 : i32
    %get3A_1722 = arith.index_cast %get3A_1721 : i32 to index
    %get3A_1723 = arith.constant 320 : index
    %get3A_1724 = tpu.vector_load %arg8[%get3A_1722, %get3A_1723] {strides = array<i32>} : memref<16x384xf32, #tpu.memory_space<vmem>>, vector<16xf32>,
    %add3A_1725 = arith.addf %add3A_1720, %get3A_1724 : vector<16xf32>
    %get3A_1726 = arith.constant 6 : i32
    %get3A_1727 = arith.index_cast %get3A_1726 : i32 to index
    %get3A_1728 = arith.constant 320 : index
    %get3A_1729 = tpu.vector_load %arg8[%get3A_1727, %get3A_1728] {strides = array<i32>} : memref<16x384xf32, #tpu.memory_space<vmem>>, vector<16xf32>,
    %add3A_1730 = arith.addf %add3A_1725, %get3A_1729 : vector<16xf32>
    %get3A_1731 = arith.constant 7 : i32
    %get3A_1732 = arith.index_cast %get3A_1731 : i32 to index
    %get3A_1733 = arith.constant 320 : index
    %get3A_1734 = tpu.vector_load %arg8[%get3A_1732, %get3A_1733] {strides = array<i32>} : memref<16x384xf32, #tpu.memory_space<vmem>>, vector<16xf32>,
    %add3A_1735 = arith.addf %add3A_1730, %get3A_1734 : vector<16xf32>
    %get3A_1736 = arith.constant 8 : i32
    %get3A_1737 = arith.index_cast %get3A_1736 : i32 to index
    %get3A_1738 = arith.constant 320 : index
    %get3A_1739 = tpu.vector_load %arg8[%get3A_1737, %get3A_1738] {strides = array<i32>} : memref<16x384xf32, #tpu.memory_space<vmem>>, vector<16xf32>,
    %add3A_1740 = arith.addf %add3A_1735, %get3A_1739 : vector<16xf32>
    %get3A_1741 = arith.constant 9 : i32
    %get3A_1742 = arith.index_cast %get3A_1741 : i32 to index
    %get3A_1743 = arith.constant 320 : index
    %get3A_1744 = tpu.vector_load %arg8[%get3A_1742, %get3A_1743] {strides = array<i32>} : memref<16x384xf32, #tpu.memory_space<vmem>>, vector<16xf32>,
    %add3A_1745 = arith.addf %add3A_1740, %get3A_1744 : vector<16xf32>
    %get3A_1746 = arith.constant 10 : i32
    %get3A_1747 = arith.index_cast %get3A_1746 : i32 to index
    %get3A_1748 = arith.constant 320 : index
    %get3A_1749 = tpu.vector_load %arg8[%get3A_1747, %get3A_1748] {strides = array<i32>} : memref<16x384xf32, #tpu.memory_space<vmem>>, vector<16xf32>,
    %add3A_1750 = arith.addf %add3A_1745, %get3A_1749 : vector<16xf32>
    %get3A_1751 = arith.constant 11 : i32
    %get3A_1752 = arith.index_cast %get3A_1751 : i32 to index
    %get3A_1753 = arith.constant 320 : index
    %get3A_1754 = tpu.vector_load %arg8[%get3A_1752, %get3A_1753] {strides = array<i32>} : memref<16x384xf32, #tpu.memory_space<vmem>>, vector<16xf32>,
    %add3A_1755 = arith.addf %add3A_1750, %get3A_1754 : vector<16xf32>
    %get3A_1756 = arith.constant 12 : i32
    %get3A_1757 = arith.index_cast %get3A_1756 : i32 to index
    %get3A_1758 = arith.constant 320 : index
    %get3A_1759 = tpu.vector_load %arg8[%get3A_1757, %get3A_1758] {strides = array<i32>} : memref<16x384xf32, #tpu.memory_space<vmem>>, vector<16xf32>,
    %add3A_1760 = arith.addf %add3A_1755, %get3A_1759 : vector<16xf32>
    %get3A_1761 = arith.constant 13 : i32
    %get3A_1762 = arith.index_cast %get3A_1761 : i32 to index
    %get3A_1763 = arith.constant 320 : index
    %get3A_1764 = tpu.vector_load %arg8[%get3A_1762, %get3A_1763] {strides = array<i32>} : memref<16x384xf32, #tpu.memory_space<vmem>>, vector<16xf32>,
    %add3A_1765 = arith.addf %add3A_1760, %get3A_1764 : vector<16xf32>
    %get3A_1766 = arith.constant 14 : i32
    %get3A_1767 = arith.index_cast %get3A_1766 : i32 to index
    %get3A_1768 = arith.constant 320 : index
    %get3A_1769 = tpu.vector_load %arg8[%get3A_1767, %get3A_1768] {strides = array<i32>} : memref<16x384xf32, #tpu.memory_space<vmem>>, vector<16xf32>,
    %add3A_1770 = arith.addf %add3A_1765, %get3A_1769 : vector<16xf32>
    %get3A_1771 = arith.constant 15 : i32
    %get3A_1772 = arith.index_cast %get3A_1771 : i32 to index
    %get3A_1773 = arith.constant 320 : index
    %get3A_1774 = tpu.vector_load %arg8[%get3A_1772, %get3A_1773] {strides = array<i32>} : memref<16x384xf32, #tpu.memory_space<vmem>>, vector<16xf32>,
    %add3A_1775 = arith.addf %add3A_1770, %get3A_1774 : vector<16xf32>
    %add3A_1776 = arith.constant 1.000000e+00 : f32
    %add3A_1777 = vector.broadcast %add3A_1776 : f32 to vector<16xf32>
    %add3A_1778 = arith.addf %add3A_1775, %add3A_1777 : vector<16xf32>
    %swap3A_1779 = arith.constant 320 : index
    %swap3A_1780 = tpu.vector_load %arg9[%swap3A_1779] {strides = array<i32>} : memref<384xf32, #tpu.memory_space<vmem>>, vector<16xf32>,
    tpu.vector_store %arg9[%swap3A_1779], %add3A_1778 {strides = array<i32>} : memref<384xf32, #tpu.memory_space<vmem>>, vector<16xf32>,
    %get3A_1781 = arith.constant 0 : i32
    %get3A_1782 = arith.index_cast %get3A_1781 : i32 to index
    %get3A_1783 = arith.constant 336 : index
    %get3A_1784 = tpu.vector_load %arg8[%get3A_1782, %get3A_1783] {strides = array<i32>} : memref<16x384xf32, #tpu.memory_space<vmem>>, vector<16xf32>,
    %get3A_1785 = arith.constant 1 : i32
    %get3A_1786 = arith.index_cast %get3A_1785 : i32 to index
    %get3A_1787 = arith.constant 336 : index
    %get3A_1788 = tpu.vector_load %arg8[%get3A_1786, %get3A_1787] {strides = array<i32>} : memref<16x384xf32, #tpu.memory_space<vmem>>, vector<16xf32>,
    %add3A_1789 = arith.addf %get3A_1784, %get3A_1788 : vector<16xf32>
    %get3A_1790 = arith.constant 2 : i32
    %get3A_1791 = arith.index_cast %get3A_1790 : i32 to index
    %get3A_1792 = arith.constant 336 : index
    %get3A_1793 = tpu.vector_load %arg8[%get3A_1791, %get3A_1792] {strides = array<i32>} : memref<16x384xf32, #tpu.memory_space<vmem>>, vector<16xf32>,
    %add3A_1794 = arith.addf %add3A_1789, %get3A_1793 : vector<16xf32>
    %get3A_1795 = arith.constant 3 : i32
    %get3A_1796 = arith.index_cast %get3A_1795 : i32 to index
    %get3A_1797 = arith.constant 336 : index
    %get3A_1798 = tpu.vector_load %arg8[%get3A_1796, %get3A_1797] {strides = array<i32>} : memref<16x384xf32, #tpu.memory_space<vmem>>, vector<16xf32>,
    %add3A_1799 = arith.addf %add3A_1794, %get3A_1798 : vector<16xf32>
    %get3A_1800 = arith.constant 4 : i32
    %get3A_1801 = arith.index_cast %get3A_1800 : i32 to index
    %get3A_1802 = arith.constant 336 : index
    %get3A_1803 = tpu.vector_load %arg8[%get3A_1801, %get3A_1802] {strides = array<i32>} : memref<16x384xf32, #tpu.memory_space<vmem>>, vector<16xf32>,
    %add3A_1804 = arith.addf %add3A_1799, %get3A_1803 : vector<16xf32>
    %get3A_1805 = arith.constant 5 : i32
    %get3A_1806 = arith.index_cast %get3A_1805 : i32 to index
    %get3A_1807 = arith.constant 336 : index
    %get3A_1808 = tpu.vector_load %arg8[%get3A_1806, %get3A_1807] {strides = array<i32>} : memref<16x384xf32, #tpu.memory_space<vmem>>, vector<16xf32>,
    %add3A_1809 = arith.addf %add3A_1804, %get3A_1808 : vector<16xf32>
    %get3A_1810 = arith.constant 6 : i32
    %get3A_1811 = arith.index_cast %get3A_1810 : i32 to index
    %get3A_1812 = arith.constant 336 : index
    %get3A_1813 = tpu.vector_load %arg8[%get3A_1811, %get3A_1812] {strides = array<i32>} : memref<16x384xf32, #tpu.memory_space<vmem>>, vector<16xf32>,
    %add3A_1814 = arith.addf %add3A_1809, %get3A_1813 : vector<16xf32>
    %get3A_1815 = arith.constant 7 : i32
    %get3A_1816 = arith.index_cast %get3A_1815 : i32 to index
    %get3A_1817 = arith.constant 336 : index
    %get3A_1818 = tpu.vector_load %arg8[%get3A_1816, %get3A_1817] {strides = array<i32>} : memref<16x384xf32, #tpu.memory_space<vmem>>, vector<16xf32>,
    %add3A_1819 = arith.addf %add3A_1814, %get3A_1818 : vector<16xf32>
    %get3A_1820 = arith.constant 8 : i32
    %get3A_1821 = arith.index_cast %get3A_1820 : i32 to index
    %get3A_1822 = arith.constant 336 : index
    %get3A_1823 = tpu.vector_load %arg8[%get3A_1821, %get3A_1822] {strides = array<i32>} : memref<16x384xf32, #tpu.memory_space<vmem>>, vector<16xf32>,
    %add3A_1824 = arith.addf %add3A_1819, %get3A_1823 : vector<16xf32>
    %get3A_1825 = arith.constant 9 : i32
    %get3A_1826 = arith.index_cast %get3A_1825 : i32 to index
    %get3A_1827 = arith.constant 336 : index
    %get3A_1828 = tpu.vector_load %arg8[%get3A_1826, %get3A_1827] {strides = array<i32>} : memref<16x384xf32, #tpu.memory_space<vmem>>, vector<16xf32>,
    %add3A_1829 = arith.addf %add3A_1824, %get3A_1828 : vector<16xf32>
    %get3A_1830 = arith.constant 10 : i32
    %get3A_1831 = arith.index_cast %get3A_1830 : i32 to index
    %get3A_1832 = arith.constant 336 : index
    %get3A_1833 = tpu.vector_load %arg8[%get3A_1831, %get3A_1832] {strides = array<i32>} : memref<16x384xf32, #tpu.memory_space<vmem>>, vector<16xf32>,
    %add3A_1834 = arith.addf %add3A_1829, %get3A_1833 : vector<16xf32>
    %get3A_1835 = arith.constant 11 : i32
    %get3A_1836 = arith.index_cast %get3A_1835 : i32 to index
    %get3A_1837 = arith.constant 336 : index
    %get3A_1838 = tpu.vector_load %arg8[%get3A_1836, %get3A_1837] {strides = array<i32>} : memref<16x384xf32, #tpu.memory_space<vmem>>, vector<16xf32>,
    %add3A_1839 = arith.addf %add3A_1834, %get3A_1838 : vector<16xf32>
    %get3A_1840 = arith.constant 12 : i32
    %get3A_1841 = arith.index_cast %get3A_1840 : i32 to index
    %get3A_1842 = arith.constant 336 : index
    %get3A_1843 = tpu.vector_load %arg8[%get3A_1841, %get3A_1842] {strides = array<i32>} : memref<16x384xf32, #tpu.memory_space<vmem>>, vector<16xf32>,
    %add3A_1844 = arith.addf %add3A_1839, %get3A_1843 : vector<16xf32>
    %get3A_1845 = arith.constant 13 : i32
    %get3A_1846 = arith.index_cast %get3A_1845 : i32 to index
    %get3A_1847 = arith.constant 336 : index
    %get3A_1848 = tpu.vector_load %arg8[%get3A_1846, %get3A_1847] {strides = array<i32>} : memref<16x384xf32, #tpu.memory_space<vmem>>, vector<16xf32>,
    %add3A_1849 = arith.addf %add3A_1844, %get3A_1848 : vector<16xf32>
    %get3A_1850 = arith.constant 14 : i32
    %get3A_1851 = arith.index_cast %get3A_1850 : i32 to index
    %get3A_1852 = arith.constant 336 : index
    %get3A_1853 = tpu.vector_load %arg8[%get3A_1851, %get3A_1852] {strides = array<i32>} : memref<16x384xf32, #tpu.memory_space<vmem>>, vector<16xf32>,
    %add3A_1854 = arith.addf %add3A_1849, %get3A_1853 : vector<16xf32>
    %get3A_1855 = arith.constant 15 : i32
    %get3A_1856 = arith.index_cast %get3A_1855 : i32 to index
    %get3A_1857 = arith.constant 336 : index
    %get3A_1858 = tpu.vector_load %arg8[%get3A_1856, %get3A_1857] {strides = array<i32>} : memref<16x384xf32, #tpu.memory_space<vmem>>, vector<16xf32>,
    %add3A_1859 = arith.addf %add3A_1854, %get3A_1858 : vector<16xf32>
    %add3A_1860 = arith.constant 1.000000e+00 : f32
    %add3A_1861 = vector.broadcast %add3A_1860 : f32 to vector<16xf32>
    %add3A_1862 = arith.addf %add3A_1859, %add3A_1861 : vector<16xf32>
    %swap3A_1863 = arith.constant 336 : index
    %swap3A_1864 = tpu.vector_load %arg9[%swap3A_1863] {strides = array<i32>} : memref<384xf32, #tpu.memory_space<vmem>>, vector<16xf32>,
    tpu.vector_store %arg9[%swap3A_1863], %add3A_1862 {strides = array<i32>} : memref<384xf32, #tpu.memory_space<vmem>>, vector<16xf32>,
    %get3A_1865 = arith.constant 0 : i32
    %get3A_1866 = arith.index_cast %get3A_1865 : i32 to index
    %get3A_1867 = arith.constant 352 : index
    %get3A_1868 = tpu.vector_load %arg8[%get3A_1866, %get3A_1867] {strides = array<i32>} : memref<16x384xf32, #tpu.memory_space<vmem>>, vector<16xf32>,
    %get3A_1869 = arith.constant 1 : i32
    %get3A_1870 = arith.index_cast %get3A_1869 : i32 to index
    %get3A_1871 = arith.constant 352 : index
    %get3A_1872 = tpu.vector_load %arg8[%get3A_1870, %get3A_1871] {strides = array<i32>} : memref<16x384xf32, #tpu.memory_space<vmem>>, vector<16xf32>,
    %add3A_1873 = arith.addf %get3A_1868, %get3A_1872 : vector<16xf32>
    %get3A_1874 = arith.constant 2 : i32
    %get3A_1875 = arith.index_cast %get3A_1874 : i32 to index
    %get3A_1876 = arith.constant 352 : index
    %get3A_1877 = tpu.vector_load %arg8[%get3A_1875, %get3A_1876] {strides = array<i32>} : memref<16x384xf32, #tpu.memory_space<vmem>>, vector<16xf32>,
    %add3A_1878 = arith.addf %add3A_1873, %get3A_1877 : vector<16xf32>
    %get3A_1879 = arith.constant 3 : i32
    %get3A_1880 = arith.index_cast %get3A_1879 : i32 to index
    %get3A_1881 = arith.constant 352 : index
    %get3A_1882 = tpu.vector_load %arg8[%get3A_1880, %get3A_1881] {strides = array<i32>} : memref<16x384xf32, #tpu.memory_space<vmem>>, vector<16xf32>,
    %add3A_1883 = arith.addf %add3A_1878, %get3A_1882 : vector<16xf32>
    %get3A_1884 = arith.constant 4 : i32
    %get3A_1885 = arith.index_cast %get3A_1884 : i32 to index
    %get3A_1886 = arith.constant 352 : index
    %get3A_1887 = tpu.vector_load %arg8[%get3A_1885, %get3A_1886] {strides = array<i32>} : memref<16x384xf32, #tpu.memory_space<vmem>>, vector<16xf32>,
    %add3A_1888 = arith.addf %add3A_1883, %get3A_1887 : vector<16xf32>
    %get3A_1889 = arith.constant 5 : i32
    %get3A_1890 = arith.index_cast %get3A_1889 : i32 to index
    %get3A_1891 = arith.constant 352 : index
    %get3A_1892 = tpu.vector_load %arg8[%get3A_1890, %get3A_1891] {strides = array<i32>} : memref<16x384xf32, #tpu.memory_space<vmem>>, vector<16xf32>,
    %add3A_1893 = arith.addf %add3A_1888, %get3A_1892 : vector<16xf32>
    %get3A_1894 = arith.constant 6 : i32
    %get3A_1895 = arith.index_cast %get3A_1894 : i32 to index
    %get3A_1896 = arith.constant 352 : index
    %get3A_1897 = tpu.vector_load %arg8[%get3A_1895, %get3A_1896] {strides = array<i32>} : memref<16x384xf32, #tpu.memory_space<vmem>>, vector<16xf32>,
    %add3A_1898 = arith.addf %add3A_1893, %get3A_1897 : vector<16xf32>
    %get3A_1899 = arith.constant 7 : i32
    %get3A_1900 = arith.index_cast %get3A_1899 : i32 to index
    %get3A_1901 = arith.constant 352 : index
    %get3A_1902 = tpu.vector_load %arg8[%get3A_1900, %get3A_1901] {strides = array<i32>} : memref<16x384xf32, #tpu.memory_space<vmem>>, vector<16xf32>,
    %add3A_1903 = arith.addf %add3A_1898, %get3A_1902 : vector<16xf32>
    %get3A_1904 = arith.constant 8 : i32
    %get3A_1905 = arith.index_cast %get3A_1904 : i32 to index
    %get3A_1906 = arith.constant 352 : index
    %get3A_1907 = tpu.vector_load %arg8[%get3A_1905, %get3A_1906] {strides = array<i32>} : memref<16x384xf32, #tpu.memory_space<vmem>>, vector<16xf32>,
    %add3A_1908 = arith.addf %add3A_1903, %get3A_1907 : vector<16xf32>
    %get3A_1909 = arith.constant 9 : i32
    %get3A_1910 = arith.index_cast %get3A_1909 : i32 to index
    %get3A_1911 = arith.constant 352 : index
    %get3A_1912 = tpu.vector_load %arg8[%get3A_1910, %get3A_1911] {strides = array<i32>} : memref<16x384xf32, #tpu.memory_space<vmem>>, vector<16xf32>,
    %add3A_1913 = arith.addf %add3A_1908, %get3A_1912 : vector<16xf32>
    %get3A_1914 = arith.constant 10 : i32
    %get3A_1915 = arith.index_cast %get3A_1914 : i32 to index
    %get3A_1916 = arith.constant 352 : index
    %get3A_1917 = tpu.vector_load %arg8[%get3A_1915, %get3A_1916] {strides = array<i32>} : memref<16x384xf32, #tpu.memory_space<vmem>>, vector<16xf32>,
    %add3A_1918 = arith.addf %add3A_1913, %get3A_1917 : vector<16xf32>
    %get3A_1919 = arith.constant 11 : i32
    %get3A_1920 = arith.index_cast %get3A_1919 : i32 to index
    %get3A_1921 = arith.constant 352 : index
    %get3A_1922 = tpu.vector_load %arg8[%get3A_1920, %get3A_1921] {strides = array<i32>} : memref<16x384xf32, #tpu.memory_space<vmem>>, vector<16xf32>,
    %add3A_1923 = arith.addf %add3A_1918, %get3A_1922 : vector<16xf32>
    %get3A_1924 = arith.constant 12 : i32
    %get3A_1925 = arith.index_cast %get3A_1924 : i32 to index
    %get3A_1926 = arith.constant 352 : index
    %get3A_1927 = tpu.vector_load %arg8[%get3A_1925, %get3A_1926] {strides = array<i32>} : memref<16x384xf32, #tpu.memory_space<vmem>>, vector<16xf32>,
    %add3A_1928 = arith.addf %add3A_1923, %get3A_1927 : vector<16xf32>
    %get3A_1929 = arith.constant 13 : i32
    %get3A_1930 = arith.index_cast %get3A_1929 : i32 to index
    %get3A_1931 = arith.constant 352 : index
    %get3A_1932 = tpu.vector_load %arg8[%get3A_1930, %get3A_1931] {strides = array<i32>} : memref<16x384xf32, #tpu.memory_space<vmem>>, vector<16xf32>,
    %add3A_1933 = arith.addf %add3A_1928, %get3A_1932 : vector<16xf32>
    %get3A_1934 = arith.constant 14 : i32
    %get3A_1935 = arith.index_cast %get3A_1934 : i32 to index
    %get3A_1936 = arith.constant 352 : index
    %get3A_1937 = tpu.vector_load %arg8[%get3A_1935, %get3A_1936] {strides = array<i32>} : memref<16x384xf32, #tpu.memory_space<vmem>>, vector<16xf32>,
    %add3A_1938 = arith.addf %add3A_1933, %get3A_1937 : vector<16xf32>
    %get3A_1939 = arith.constant 15 : i32
    %get3A_1940 = arith.index_cast %get3A_1939 : i32 to index
    %get3A_1941 = arith.constant 352 : index
    %get3A_1942 = tpu.vector_load %arg8[%get3A_1940, %get3A_1941] {strides = array<i32>} : memref<16x384xf32, #tpu.memory_space<vmem>>, vector<16xf32>,
    %add3A_1943 = arith.addf %add3A_1938, %get3A_1942 : vector<16xf32>
    %add3A_1944 = arith.constant 1.000000e+00 : f32
    %add3A_1945 = vector.broadcast %add3A_1944 : f32 to vector<16xf32>
    %add3A_1946 = arith.addf %add3A_1943, %add3A_1945 : vector<16xf32>
    %swap3A_1947 = arith.constant 352 : index
    %swap3A_1948 = tpu.vector_load %arg9[%swap3A_1947] {strides = array<i32>} : memref<384xf32, #tpu.memory_space<vmem>>, vector<16xf32>,
    tpu.vector_store %arg9[%swap3A_1947], %add3A_1946 {strides = array<i32>} : memref<384xf32, #tpu.memory_space<vmem>>, vector<16xf32>,
    %get3A_1949 = arith.constant 0 : i32
    %get3A_1950 = arith.index_cast %get3A_1949 : i32 to index
    %get3A_1951 = arith.constant 368 : index
    %get3A_1952 = tpu.vector_load %arg8[%get3A_1950, %get3A_1951] {strides = array<i32>} : memref<16x384xf32, #tpu.memory_space<vmem>>, vector<16xf32>,
    %get3A_1953 = arith.constant 1 : i32
    %get3A_1954 = arith.index_cast %get3A_1953 : i32 to index
    %get3A_1955 = arith.constant 368 : index
    %get3A_1956 = tpu.vector_load %arg8[%get3A_1954, %get3A_1955] {strides = array<i32>} : memref<16x384xf32, #tpu.memory_space<vmem>>, vector<16xf32>,
    %add3A_1957 = arith.addf %get3A_1952, %get3A_1956 : vector<16xf32>
    %get3A_1958 = arith.constant 2 : i32
    %get3A_1959 = arith.index_cast %get3A_1958 : i32 to index
    %get3A_1960 = arith.constant 368 : index
    %get3A_1961 = tpu.vector_load %arg8[%get3A_1959, %get3A_1960] {strides = array<i32>} : memref<16x384xf32, #tpu.memory_space<vmem>>, vector<16xf32>,
    %add3A_1962 = arith.addf %add3A_1957, %get3A_1961 : vector<16xf32>
    %get3A_1963 = arith.constant 3 : i32
    %get3A_1964 = arith.index_cast %get3A_1963 : i32 to index
    %get3A_1965 = arith.constant 368 : index
    %get3A_1966 = tpu.vector_load %arg8[%get3A_1964, %get3A_1965] {strides = array<i32>} : memref<16x384xf32, #tpu.memory_space<vmem>>, vector<16xf32>,
    %add3A_1967 = arith.addf %add3A_1962, %get3A_1966 : vector<16xf32>
    %get3A_1968 = arith.constant 4 : i32
    %get3A_1969 = arith.index_cast %get3A_1968 : i32 to index
    %get3A_1970 = arith.constant 368 : index
    %get3A_1971 = tpu.vector_load %arg8[%get3A_1969, %get3A_1970] {strides = array<i32>} : memref<16x384xf32, #tpu.memory_space<vmem>>, vector<16xf32>,
    %add3A_1972 = arith.addf %add3A_1967, %get3A_1971 : vector<16xf32>
    %get3A_1973 = arith.constant 5 : i32
    %get3A_1974 = arith.index_cast %get3A_1973 : i32 to index
    %get3A_1975 = arith.constant 368 : index
    %get3A_1976 = tpu.vector_load %arg8[%get3A_1974, %get3A_1975] {strides = array<i32>} : memref<16x384xf32, #tpu.memory_space<vmem>>, vector<16xf32>,
    %add3A_1977 = arith.addf %add3A_1972, %get3A_1976 : vector<16xf32>
    %get3A_1978 = arith.constant 6 : i32
    %get3A_1979 = arith.index_cast %get3A_1978 : i32 to index
    %get3A_1980 = arith.constant 368 : index
    %get3A_1981 = tpu.vector_load %arg8[%get3A_1979, %get3A_1980] {strides = array<i32>} : memref<16x384xf32, #tpu.memory_space<vmem>>, vector<16xf32>,
    %add3A_1982 = arith.addf %add3A_1977, %get3A_1981 : vector<16xf32>
    %get3A_1983 = arith.constant 7 : i32
    %get3A_1984 = arith.index_cast %get3A_1983 : i32 to index
    %get3A_1985 = arith.constant 368 : index
    %get3A_1986 = tpu.vector_load %arg8[%get3A_1984, %get3A_1985] {strides = array<i32>} : memref<16x384xf32, #tpu.memory_space<vmem>>, vector<16xf32>,
    %add3A_1987 = arith.addf %add3A_1982, %get3A_1986 : vector<16xf32>
    %get3A_1988 = arith.constant 8 : i32
    %get3A_1989 = arith.index_cast %get3A_1988 : i32 to index
    %get3A_1990 = arith.constant 368 : index
    %get3A_1991 = tpu.vector_load %arg8[%get3A_1989, %get3A_1990] {strides = array<i32>} : memref<16x384xf32, #tpu.memory_space<vmem>>, vector<16xf32>,
    %add3A_1992 = arith.addf %add3A_1987, %get3A_1991 : vector<16xf32>
    %get3A_1993 = arith.constant 9 : i32
    %get3A_1994 = arith.index_cast %get3A_1993 : i32 to index
    %get3A_1995 = arith.constant 368 : index
    %get3A_1996 = tpu.vector_load %arg8[%get3A_1994, %get3A_1995] {strides = array<i32>} : memref<16x384xf32, #tpu.memory_space<vmem>>, vector<16xf32>,
    %add3A_1997 = arith.addf %add3A_1992, %get3A_1996 : vector<16xf32>
    %get3A_1998 = arith.constant 10 : i32
    %get3A_1999 = arith.index_cast %get3A_1998 : i32 to index
    %get3A_2000 = arith.constant 368 : index
    %get3A_2001 = tpu.vector_load %arg8[%get3A_1999, %get3A_2000] {strides = array<i32>} : memref<16x384xf32, #tpu.memory_space<vmem>>, vector<16xf32>,
    %add3A_2002 = arith.addf %add3A_1997, %get3A_2001 : vector<16xf32>
    %get3A_2003 = arith.constant 11 : i32
    %get3A_2004 = arith.index_cast %get3A_2003 : i32 to index
    %get3A_2005 = arith.constant 368 : index
    %get3A_2006 = tpu.vector_load %arg8[%get3A_2004, %get3A_2005] {strides = array<i32>} : memref<16x384xf32, #tpu.memory_space<vmem>>, vector<16xf32>,
    %add3A_2007 = arith.addf %add3A_2002, %get3A_2006 : vector<16xf32>
    %get3A_2008 = arith.constant 12 : i32
    %get3A_2009 = arith.index_cast %get3A_2008 : i32 to index
    %get3A_2010 = arith.constant 368 : index
    %get3A_2011 = tpu.vector_load %arg8[%get3A_2009, %get3A_2010] {strides = array<i32>} : memref<16x384xf32, #tpu.memory_space<vmem>>, vector<16xf32>,
    %add3A_2012 = arith.addf %add3A_2007, %get3A_2011 : vector<16xf32>
    %get3A_2013 = arith.constant 13 : i32
    %get3A_2014 = arith.index_cast %get3A_2013 : i32 to index
    %get3A_2015 = arith.constant 368 : index
    %get3A_2016 = tpu.vector_load %arg8[%get3A_2014, %get3A_2015] {strides = array<i32>} : memref<16x384xf32, #tpu.memory_space<vmem>>, vector<16xf32>,
    %add3A_2017 = arith.addf %add3A_2012, %get3A_2016 : vector<16xf32>
    %get3A_2018 = arith.constant 14 : i32
    %get3A_2019 = arith.index_cast %get3A_2018 : i32 to index
    %get3A_2020 = arith.constant 368 : index
    %get3A_2021 = tpu.vector_load %arg8[%get3A_2019, %get3A_2020] {strides = array<i32>} : memref<16x384xf32, #tpu.memory_space<vmem>>, vector<16xf32>,
    %add3A_2022 = arith.addf %add3A_2017, %get3A_2021 : vector<16xf32>
    %get3A_2023 = arith.constant 15 : i32
    %get3A_2024 = arith.index_cast %get3A_2023 : i32 to index
    %get3A_2025 = arith.constant 368 : index
    %get3A_2026 = tpu.vector_load %arg8[%get3A_2024, %get3A_2025] {strides = array<i32>} : memref<16x384xf32, #tpu.memory_space<vmem>>, vector<16xf32>,
    %add3A_2027 = arith.addf %add3A_2022, %get3A_2026 : vector<16xf32>
    %add3A_2028 = arith.constant 1.000000e+00 : f32
    %add3A_2029 = vector.broadcast %add3A_2028 : f32 to vector<16xf32>
    %add3A_2030 = arith.addf %add3A_2027, %add3A_2029 : vector<16xf32>
    %swap3A_2031 = arith.constant 368 : index
    %swap3A_2032 = tpu.vector_load %arg9[%swap3A_2031] {strides = array<i32>} : memref<384xf32, #tpu.memory_space<vmem>>, vector<16xf32>,
    tpu.vector_store %arg9[%swap3A_2031], %add3A_2030 {strides = array<i32>} : memref<384xf32, #tpu.memory_space<vmem>>, vector<16xf32>,
    %mul3A_2033 = arith.constant 384 : i32
    %mul3A_2034 = arith.muli %arg1, %mul3A_2033 : i32
    %add3A_2035 = arith.addi %mul3A_0, %mul3A_2034 : i32
    "tpu.region"() ({
      %run_scoped3A_2036 = tpu.sem_alloc : memref<!tpu.dma_semaphore, #tpu.memory_space<semaphore_mem>>
      %dma_start3A = tpu.memref_slice %arg4[%add3A_2035] : memref<12288xf32, #tpu.memory_space<hbm>> -> memref<384xf32, #tpu.memory_space<hbm>>
      %dma_start3A_2037 = tpu.memref_slice %arg4[%add3A_2035] : memref<12288xf32, #tpu.memory_space<hbm>> -> memref<384xf32, #tpu.memory_space<hbm>>
      tpu.enqueue_dma source(%arg9 : memref<384xf32, #tpu.memory_space<vmem>>) target(%dma_start3A_2037 : memref<384xf32, #tpu.memory_space<hbm>>) target_semaphore(%run_scoped3A_2036 : memref<!tpu.dma_semaphore, #tpu.memory_space<semaphore_mem>>)
      %dma_wait3A = tpu.memref_slice %arg4[%add3A_2035] : memref<12288xf32, #tpu.memory_space<hbm>> -> memref<384xf32, #tpu.memory_space<hbm>>
      %dma_wait3A_2038 = tpu.memref_slice %arg4[%add3A_2035] : memref<12288xf32, #tpu.memory_space<hbm>> -> memref<384xf32, #tpu.memory_space<hbm>>
      tpu.wait_dma2 semaphore(%run_scoped3A_2036 : memref<!tpu.dma_semaphore, #tpu.memory_space<semaphore_mem>>) src(%arg9 : memref<384xf32, #tpu.memory_space<vmem>>) dst(%dma_wait3A_2038 : memref<384xf32, #tpu.memory_space<hbm>>)
      tpu.yield
    }) : () -> ()
    return
  }
}

#map = affine_map<(d0, d1) -> (0, 0, 0, 0)>
#map1 = affine_map<(d0, d1) -> (0, 0)>
#map2 = affine_map<(d0, d1) -> (0, 0, 0)>
module attributes {stable_mosaic.version = 14 : i64} {
  func.func @_agg_kernel(%arg0: i32, %arg1: i32, %arg2: memref<2x2500x1x128xi32, #tpu.memory_space<hbm>>, %arg3: memref<10240x128xf32, #tpu.memory_space<hbm>>, %arg4: memref<2x10240x128xf32, #tpu.memory_space<hbm>>, %arg5: memref<13x1x128xi32, #tpu.memory_space<vmem>>, %arg6: memref<13x1x128xi32, #tpu.memory_space<vmem>>, %arg7: memref<128x128xf32, #tpu.memory_space<vmem>>, %arg8: memref<128x128xf32, #tpu.memory_space<vmem>>, %arg9: memref<10240x128xf32, #tpu.memory_space<vmem_shared>>, %arg10: memref<!tpu.dma_semaphore, #tpu.memory_space<semaphore_mem>>, %arg11: memref<!tpu.dma_semaphore, #tpu.memory_space<semaphore_mem>>, %arg12: memref<!tpu.dma_semaphore, #tpu.memory_space<semaphore_mem>>, %arg13: memref<!tpu.dma_semaphore, #tpu.memory_space<semaphore_mem>>) attributes {dimension_semantics = [#tpu.dimension_semantics<core_parallel>, #tpu.dimension_semantics<subcore_parallel>], iteration_bounds = array<i64: 2, 16>, scalar_prefetch = 0 : i64, scratch_operands = 9 : i64, tpu.core_type = #tpu.core_type<sc_vector_subcore>, window_params = [{transform_indices = #map}, {transform_indices = #map1}, {transform_indices = #map2}]} {
    %mul3A = arith.constant 16 : i32
    %mul3A_0 = arith.muli %arg0, %mul3A : i32
    %add3A = arith.addi %mul3A_0, %arg1 : i32
    %mul3A_1 = arith.constant 640 : i32
    %mul3A_2 = arith.muli %arg1, %mul3A_1 : i32
    "tpu.region"() ({
      %run_scoped3A_36 = tpu.sem_alloc : memref<!tpu.dma_semaphore, #tpu.memory_space<semaphore_mem>>
      %dma_start3A_37 = arith.constant 0 : i32
      %dma_start3A_38 = tpu.memref_slice %arg9[%mul3A_2, %dma_start3A_37] : memref<10240x128xf32, #tpu.memory_space<vmem_shared>> -> memref<640x128xf32, #tpu.memory_space<vmem_shared>>
      %dma_start3A_39 = arith.constant 0 : i32
      %dma_start3A_40 = tpu.memref_slice %arg3[%mul3A_2, %dma_start3A_39] : memref<10240x128xf32, #tpu.memory_space<hbm>> -> memref<640x128xf32, #tpu.memory_space<hbm>>
      tpu.enqueue_dma source(%dma_start3A_40 : memref<640x128xf32, #tpu.memory_space<hbm>>) target(%dma_start3A_38 : memref<640x128xf32, #tpu.memory_space<vmem_shared>>) target_semaphore(%run_scoped3A_36 : memref<!tpu.dma_semaphore, #tpu.memory_space<semaphore_mem>>)
      %dma_wait3A_41 = arith.constant 0 : i32
      %dma_wait3A_42 = tpu.memref_slice %arg9[%mul3A_2, %dma_wait3A_41] : memref<10240x128xf32, #tpu.memory_space<vmem_shared>> -> memref<640x128xf32, #tpu.memory_space<vmem_shared>>
      %dma_wait3A_43 = arith.constant 0 : i32
      %dma_wait3A_44 = tpu.memref_slice %arg3[%mul3A_2, %dma_wait3A_43] : memref<10240x128xf32, #tpu.memory_space<hbm>> -> memref<640x128xf32, #tpu.memory_space<hbm>>
      tpu.wait_dma2 semaphore(%run_scoped3A_36 : memref<!tpu.dma_semaphore, #tpu.memory_space<semaphore_mem>>) src(%dma_wait3A_44 : memref<640x128xf32, #tpu.memory_space<hbm>>) dst(%dma_wait3A_42 : memref<640x128xf32, #tpu.memory_space<vmem_shared>>)
      tpu.yield
    }) : () -> ()
    %mul3A_3 = arith.constant 78 : i32
    %mul3A_4 = arith.muli %add3A, %mul3A_3 : i32
    %run_scoped3A = arith.constant 0 : i32
    "tpu.region"() ({
      %run_scoped3A_36 = tpu.sem_alloc : memref<!tpu.dma_semaphore, #tpu.memory_space<semaphore_mem>>
      %dma_start3A_37 = arith.constant 0 : i32
      %dma_start3A_38 = arith.constant 0 : i32
      %dma_start3A_39 = tpu.memref_slice %arg2[%run_scoped3A, %mul3A_4, %dma_start3A_37, %dma_start3A_38] : memref<2x2500x1x128xi32, #tpu.memory_space<hbm>> -> memref<1x13x1x128xi32, #tpu.memory_space<hbm>>
      %dma_start3A_40 = tpu.memref_squeeze %dma_start3A_39 : memref<1x13x1x128xi32, #tpu.memory_space<hbm>> -> memref<13x1x128xi32, #tpu.memory_space<hbm>>
      %dma_start3A_41 = arith.constant 0 : i32
      %dma_start3A_42 = arith.constant 0 : i32
      %dma_start3A_43 = tpu.memref_slice %arg2[%run_scoped3A, %mul3A_4, %dma_start3A_41, %dma_start3A_42] : memref<2x2500x1x128xi32, #tpu.memory_space<hbm>> -> memref<1x13x1x128xi32, #tpu.memory_space<hbm>>
      %dma_start3A_44 = tpu.memref_squeeze %dma_start3A_43 : memref<1x13x1x128xi32, #tpu.memory_space<hbm>> -> memref<13x1x128xi32, #tpu.memory_space<hbm>>
      tpu.enqueue_dma source(%dma_start3A_44 : memref<13x1x128xi32, #tpu.memory_space<hbm>>) target(%arg5 : memref<13x1x128xi32, #tpu.memory_space<vmem>>) target_semaphore(%run_scoped3A_36 : memref<!tpu.dma_semaphore, #tpu.memory_space<semaphore_mem>>)
      %dma_wait3A_45 = arith.constant 0 : i32
      %dma_wait3A_46 = arith.constant 0 : i32
      %dma_wait3A_47 = tpu.memref_slice %arg2[%run_scoped3A, %mul3A_4, %dma_wait3A_45, %dma_wait3A_46] : memref<2x2500x1x128xi32, #tpu.memory_space<hbm>> -> memref<1x13x1x128xi32, #tpu.memory_space<hbm>>
      %dma_wait3A_48 = tpu.memref_squeeze %dma_wait3A_47 : memref<1x13x1x128xi32, #tpu.memory_space<hbm>> -> memref<13x1x128xi32, #tpu.memory_space<hbm>>
      %dma_wait3A_49 = arith.constant 0 : i32
      %dma_wait3A_50 = arith.constant 0 : i32
      %dma_wait3A_51 = tpu.memref_slice %arg2[%run_scoped3A, %mul3A_4, %dma_wait3A_49, %dma_wait3A_50] : memref<2x2500x1x128xi32, #tpu.memory_space<hbm>> -> memref<1x13x1x128xi32, #tpu.memory_space<hbm>>
      %dma_wait3A_52 = tpu.memref_squeeze %dma_wait3A_51 : memref<1x13x1x128xi32, #tpu.memory_space<hbm>> -> memref<13x1x128xi32, #tpu.memory_space<hbm>>
      tpu.wait_dma2 semaphore(%run_scoped3A_36 : memref<!tpu.dma_semaphore, #tpu.memory_space<semaphore_mem>>) src(%dma_wait3A_52 : memref<13x1x128xi32, #tpu.memory_space<hbm>>) dst(%arg5 : memref<13x1x128xi32, #tpu.memory_space<vmem>>)
      tpu.yield
    }) : () -> ()
    %run_scoped3A_5 = arith.constant 1 : i32
    "tpu.region"() ({
      %run_scoped3A_36 = tpu.sem_alloc : memref<!tpu.dma_semaphore, #tpu.memory_space<semaphore_mem>>
      %dma_start3A_37 = arith.constant 0 : i32
      %dma_start3A_38 = arith.constant 0 : i32
      %dma_start3A_39 = tpu.memref_slice %arg2[%run_scoped3A_5, %mul3A_4, %dma_start3A_37, %dma_start3A_38] : memref<2x2500x1x128xi32, #tpu.memory_space<hbm>> -> memref<1x13x1x128xi32, #tpu.memory_space<hbm>>
      %dma_start3A_40 = tpu.memref_squeeze %dma_start3A_39 : memref<1x13x1x128xi32, #tpu.memory_space<hbm>> -> memref<13x1x128xi32, #tpu.memory_space<hbm>>
      %dma_start3A_41 = arith.constant 0 : i32
      %dma_start3A_42 = arith.constant 0 : i32
      %dma_start3A_43 = tpu.memref_slice %arg2[%run_scoped3A_5, %mul3A_4, %dma_start3A_41, %dma_start3A_42] : memref<2x2500x1x128xi32, #tpu.memory_space<hbm>> -> memref<1x13x1x128xi32, #tpu.memory_space<hbm>>
      %dma_start3A_44 = tpu.memref_squeeze %dma_start3A_43 : memref<1x13x1x128xi32, #tpu.memory_space<hbm>> -> memref<13x1x128xi32, #tpu.memory_space<hbm>>
      tpu.enqueue_dma source(%dma_start3A_44 : memref<13x1x128xi32, #tpu.memory_space<hbm>>) target(%arg6 : memref<13x1x128xi32, #tpu.memory_space<vmem>>) target_semaphore(%run_scoped3A_36 : memref<!tpu.dma_semaphore, #tpu.memory_space<semaphore_mem>>)
      %dma_wait3A_45 = arith.constant 0 : i32
      %dma_wait3A_46 = arith.constant 0 : i32
      %dma_wait3A_47 = tpu.memref_slice %arg2[%run_scoped3A_5, %mul3A_4, %dma_wait3A_45, %dma_wait3A_46] : memref<2x2500x1x128xi32, #tpu.memory_space<hbm>> -> memref<1x13x1x128xi32, #tpu.memory_space<hbm>>
      %dma_wait3A_48 = tpu.memref_squeeze %dma_wait3A_47 : memref<1x13x1x128xi32, #tpu.memory_space<hbm>> -> memref<13x1x128xi32, #tpu.memory_space<hbm>>
      %dma_wait3A_49 = arith.constant 0 : i32
      %dma_wait3A_50 = arith.constant 0 : i32
      %dma_wait3A_51 = tpu.memref_slice %arg2[%run_scoped3A_5, %mul3A_4, %dma_wait3A_49, %dma_wait3A_50] : memref<2x2500x1x128xi32, #tpu.memory_space<hbm>> -> memref<1x13x1x128xi32, #tpu.memory_space<hbm>>
      %dma_wait3A_52 = tpu.memref_squeeze %dma_wait3A_51 : memref<1x13x1x128xi32, #tpu.memory_space<hbm>> -> memref<13x1x128xi32, #tpu.memory_space<hbm>>
      tpu.wait_dma2 semaphore(%run_scoped3A_36 : memref<!tpu.dma_semaphore, #tpu.memory_space<semaphore_mem>>) src(%dma_wait3A_52 : memref<13x1x128xi32, #tpu.memory_space<hbm>>) dst(%arg6 : memref<13x1x128xi32, #tpu.memory_space<vmem>>)
      tpu.yield
    }) : () -> ()
    %barrier3A = arith.constant 0 : index
    tpu.barrier barrier_id(%barrier3A)
    %dma_start3A = arith.constant 10112 : i32
    %dma_start3A_6 = arith.constant 0 : i32
    %dma_start3A_7 = tpu.memref_slice %arg9[%dma_start3A, %dma_start3A_6] : memref<10240x128xf32, #tpu.memory_space<vmem_shared>> -> memref<128x128xf32, #tpu.memory_space<vmem_shared>>
    %dma_start3A_8 = arith.constant 10112 : i32
    %dma_start3A_9 = arith.constant 0 : i32
    %dma_start3A_10 = tpu.memref_slice %arg9[%dma_start3A_8, %dma_start3A_9] : memref<10240x128xf32, #tpu.memory_space<vmem_shared>> -> memref<128x128xf32, #tpu.memory_space<vmem_shared>>
    tpu.enqueue_dma source(%arg8 : memref<128x128xf32, #tpu.memory_space<vmem>>) target(%dma_start3A_10 : memref<128x128xf32, #tpu.memory_space<vmem_shared>>) target_semaphore(%arg13 : memref<!tpu.dma_semaphore, #tpu.memory_space<semaphore_mem>>)
    %dma_start3A_11 = arith.constant 0 : i32
    %dma_start3A_12 = arith.constant 0 : i32
    %dma_start3A_13 = arith.constant 0 : i32
    %dma_start3A_14 = tpu.memref_slice %arg5[%dma_start3A_11, %dma_start3A_12, %dma_start3A_13] : memref<13x1x128xi32, #tpu.memory_space<vmem>> -> memref<1x1x128xi32, #tpu.memory_space<vmem>>
    %dma_start3A_15 = tpu.memref_squeeze %dma_start3A_14 : memref<1x1x128xi32, #tpu.memory_space<vmem>> -> memref<128xi32, #tpu.memory_space<vmem>>
    %dma_start3A_16 = arith.constant 0 : i32
    %dma_start3A_17 = arith.constant 0 : i32
    %dma_start3A_18 = tpu.memref_slice %arg3[%dma_start3A_16, %dma_start3A_17] : memref<10240x128xf32, #tpu.memory_space<hbm>> -> memref<10240x128xf32, #tpu.memory_space<hbm>>
    tpu.enqueue_indirect_dma source(%dma_start3A_18 : memref<10240x128xf32, #tpu.memory_space<hbm>>) target(%arg7 : memref<128x128xf32, #tpu.memory_space<vmem>>) offsets(%dma_start3A_15 : memref<128xi32, #tpu.memory_space<vmem>>) semaphore(%arg10 : memref<!tpu.dma_semaphore, #tpu.memory_space<semaphore_mem>>)
    %scan3A = arith.constant 0 : i32
    %scan3A_19 = arith.constant 0 : i32
    %scan3A_20 = arith.constant 6 : i32
    %scan3A_21 = arith.addi %scan3A_19, %scan3A_20 : i32
    %scan3A_22 = arith.constant 1 : i32
    scf.for %scan3A_36 = %scan3A_19 to %scan3A_21 step %scan3A_22  : i32 {
      %dma_wait3A_37 = arith.constant 0 : i32
      %dma_wait3A_38 = arith.constant 0 : i32
      %dma_wait3A_39 = tpu.memref_slice %arg3[%dma_wait3A_37, %dma_wait3A_38] : memref<10240x128xf32, #tpu.memory_space<hbm>> -> memref<128x128xf32, #tpu.memory_space<hbm>>
      %dma_wait3A_40 = arith.constant 0 : i32
      %dma_wait3A_41 = arith.constant 0 : i32
      %dma_wait3A_42 = tpu.memref_slice %arg3[%dma_wait3A_40, %dma_wait3A_41] : memref<10240x128xf32, #tpu.memory_space<hbm>> -> memref<128x128xf32, #tpu.memory_space<hbm>>
      tpu.wait_dma2 semaphore(%arg10 : memref<!tpu.dma_semaphore, #tpu.memory_space<semaphore_mem>>) src(%dma_wait3A_42 : memref<128x128xf32, #tpu.memory_space<hbm>>) dst(%arg7 : memref<128x128xf32, #tpu.memory_space<vmem>>)
      %dma_start3A_43 = arith.constant 0 : i32
      %dma_start3A_44 = arith.constant 0 : i32
      %dma_start3A_45 = arith.constant 0 : i32
      %dma_start3A_46 = tpu.memref_slice %arg6[%dma_start3A_43, %dma_start3A_44, %dma_start3A_45] : memref<13x1x128xi32, #tpu.memory_space<vmem>> -> memref<1x1x128xi32, #tpu.memory_space<vmem>>
      %dma_start3A_47 = tpu.memref_squeeze %dma_start3A_46 : memref<1x1x128xi32, #tpu.memory_space<vmem>> -> memref<128xi32, #tpu.memory_space<vmem>>
      %dma_start3A_48 = arith.constant 0 : i32
      %dma_start3A_49 = arith.constant 0 : i32
      %dma_start3A_50 = tpu.memref_slice %arg9[%dma_start3A_48, %dma_start3A_49] : memref<10240x128xf32, #tpu.memory_space<vmem_shared>> -> memref<10240x128xf32, #tpu.memory_space<vmem_shared>>
      tpu.enqueue_indirect_dma source(%arg7 : memref<128x128xf32, #tpu.memory_space<vmem>>) target(%dma_start3A_50 : memref<10240x128xf32, #tpu.memory_space<vmem_shared>>) offsets(%dma_start3A_47 : memref<128xi32, #tpu.memory_space<vmem>>) semaphore(%arg12 : memref<!tpu.dma_semaphore, #tpu.memory_space<semaphore_mem>>) {add = true}
      %dma_wait3A_51 = arith.constant 0 : i32
      %dma_wait3A_52 = arith.constant 0 : i32
      %dma_wait3A_53 = tpu.memref_slice %arg3[%dma_wait3A_51, %dma_wait3A_52] : memref<10240x128xf32, #tpu.memory_space<hbm>> -> memref<128x128xf32, #tpu.memory_space<hbm>>
      %dma_wait3A_54 = arith.constant 0 : i32
      %dma_wait3A_55 = arith.constant 0 : i32
      %dma_wait3A_56 = tpu.memref_slice %arg3[%dma_wait3A_54, %dma_wait3A_55] : memref<10240x128xf32, #tpu.memory_space<hbm>> -> memref<128x128xf32, #tpu.memory_space<hbm>>
      tpu.wait_dma2 semaphore(%arg13 : memref<!tpu.dma_semaphore, #tpu.memory_space<semaphore_mem>>) src(%dma_wait3A_56 : memref<128x128xf32, #tpu.memory_space<hbm>>) dst(%arg8 : memref<128x128xf32, #tpu.memory_space<vmem>>)
      %dma_start3A_57 = arith.constant 1 : i32
      %dma_start3A_58 = arith.constant 0 : i32
      %dma_start3A_59 = arith.constant 0 : i32
      %dma_start3A_60 = tpu.memref_slice %arg5[%dma_start3A_57, %dma_start3A_58, %dma_start3A_59] : memref<13x1x128xi32, #tpu.memory_space<vmem>> -> memref<1x1x128xi32, #tpu.memory_space<vmem>>
      %dma_start3A_61 = tpu.memref_squeeze %dma_start3A_60 : memref<1x1x128xi32, #tpu.memory_space<vmem>> -> memref<128xi32, #tpu.memory_space<vmem>>
      %dma_start3A_62 = arith.constant 0 : i32
      %dma_start3A_63 = arith.constant 0 : i32
      %dma_start3A_64 = tpu.memref_slice %arg3[%dma_start3A_62, %dma_start3A_63] : memref<10240x128xf32, #tpu.memory_space<hbm>> -> memref<10240x128xf32, #tpu.memory_space<hbm>>
      tpu.enqueue_indirect_dma source(%dma_start3A_64 : memref<10240x128xf32, #tpu.memory_space<hbm>>) target(%arg8 : memref<128x128xf32, #tpu.memory_space<vmem>>) offsets(%dma_start3A_61 : memref<128xi32, #tpu.memory_space<vmem>>) semaphore(%arg11 : memref<!tpu.dma_semaphore, #tpu.memory_space<semaphore_mem>>)
      %dma_wait3A_65 = arith.constant 0 : i32
      %dma_wait3A_66 = arith.constant 0 : i32
      %dma_wait3A_67 = tpu.memref_slice %arg3[%dma_wait3A_65, %dma_wait3A_66] : memref<10240x128xf32, #tpu.memory_space<hbm>> -> memref<128x128xf32, #tpu.memory_space<hbm>>
      %dma_wait3A_68 = arith.constant 0 : i32
      %dma_wait3A_69 = arith.constant 0 : i32
      %dma_wait3A_70 = tpu.memref_slice %arg3[%dma_wait3A_68, %dma_wait3A_69] : memref<10240x128xf32, #tpu.memory_space<hbm>> -> memref<128x128xf32, #tpu.memory_space<hbm>>
      tpu.wait_dma2 semaphore(%arg11 : memref<!tpu.dma_semaphore, #tpu.memory_space<semaphore_mem>>) src(%dma_wait3A_70 : memref<128x128xf32, #tpu.memory_space<hbm>>) dst(%arg8 : memref<128x128xf32, #tpu.memory_space<vmem>>)
      %dma_start3A_71 = arith.constant 1 : i32
      %dma_start3A_72 = arith.constant 0 : i32
      %dma_start3A_73 = arith.constant 0 : i32
      %dma_start3A_74 = tpu.memref_slice %arg6[%dma_start3A_71, %dma_start3A_72, %dma_start3A_73] : memref<13x1x128xi32, #tpu.memory_space<vmem>> -> memref<1x1x128xi32, #tpu.memory_space<vmem>>
      %dma_start3A_75 = tpu.memref_squeeze %dma_start3A_74 : memref<1x1x128xi32, #tpu.memory_space<vmem>> -> memref<128xi32, #tpu.memory_space<vmem>>
      %dma_start3A_76 = arith.constant 0 : i32
      %dma_start3A_77 = arith.constant 0 : i32
      %dma_start3A_78 = tpu.memref_slice %arg9[%dma_start3A_76, %dma_start3A_77] : memref<10240x128xf32, #tpu.memory_space<vmem_shared>> -> memref<10240x128xf32, #tpu.memory_space<vmem_shared>>
      tpu.enqueue_indirect_dma source(%arg8 : memref<128x128xf32, #tpu.memory_space<vmem>>) target(%dma_start3A_78 : memref<10240x128xf32, #tpu.memory_space<vmem_shared>>) offsets(%dma_start3A_75 : memref<128xi32, #tpu.memory_space<vmem>>) semaphore(%arg13 : memref<!tpu.dma_semaphore, #tpu.memory_space<semaphore_mem>>) {add = true}
      %dma_wait3A_79 = arith.constant 0 : i32
      %dma_wait3A_80 = arith.constant 0 : i32
      %dma_wait3A_81 = tpu.memref_slice %arg3[%dma_wait3A_79, %dma_wait3A_80] : memref<10240x128xf32, #tpu.memory_space<hbm>> -> memref<128x128xf32, #tpu.memory_space<hbm>>
      %dma_wait3A_82 = arith.constant 0 : i32
      %dma_wait3A_83 = arith.constant 0 : i32
      %dma_wait3A_84 = tpu.memref_slice %arg3[%dma_wait3A_82, %dma_wait3A_83] : memref<10240x128xf32, #tpu.memory_space<hbm>> -> memref<128x128xf32, #tpu.memory_space<hbm>>
      tpu.wait_dma2 semaphore(%arg12 : memref<!tpu.dma_semaphore, #tpu.memory_space<semaphore_mem>>) src(%dma_wait3A_84 : memref<128x128xf32, #tpu.memory_space<hbm>>) dst(%arg7 : memref<128x128xf32, #tpu.memory_space<vmem>>)
      %dma_start3A_85 = arith.constant 2 : i32
      %dma_start3A_86 = arith.constant 0 : i32
      %dma_start3A_87 = arith.constant 0 : i32
      %dma_start3A_88 = tpu.memref_slice %arg5[%dma_start3A_85, %dma_start3A_86, %dma_start3A_87] : memref<13x1x128xi32, #tpu.memory_space<vmem>> -> memref<1x1x128xi32, #tpu.memory_space<vmem>>
      %dma_start3A_89 = tpu.memref_squeeze %dma_start3A_88 : memref<1x1x128xi32, #tpu.memory_space<vmem>> -> memref<128xi32, #tpu.memory_space<vmem>>
      %dma_start3A_90 = arith.constant 0 : i32
      %dma_start3A_91 = arith.constant 0 : i32
      %dma_start3A_92 = tpu.memref_slice %arg3[%dma_start3A_90, %dma_start3A_91] : memref<10240x128xf32, #tpu.memory_space<hbm>> -> memref<10240x128xf32, #tpu.memory_space<hbm>>
      tpu.enqueue_indirect_dma source(%dma_start3A_92 : memref<10240x128xf32, #tpu.memory_space<hbm>>) target(%arg7 : memref<128x128xf32, #tpu.memory_space<vmem>>) offsets(%dma_start3A_89 : memref<128xi32, #tpu.memory_space<vmem>>) semaphore(%arg10 : memref<!tpu.dma_semaphore, #tpu.memory_space<semaphore_mem>>)
      %dma_wait3A_93 = arith.constant 0 : i32
      %dma_wait3A_94 = arith.constant 0 : i32
      %dma_wait3A_95 = tpu.memref_slice %arg3[%dma_wait3A_93, %dma_wait3A_94] : memref<10240x128xf32, #tpu.memory_space<hbm>> -> memref<128x128xf32, #tpu.memory_space<hbm>>
      %dma_wait3A_96 = arith.constant 0 : i32
      %dma_wait3A_97 = arith.constant 0 : i32
      %dma_wait3A_98 = tpu.memref_slice %arg3[%dma_wait3A_96, %dma_wait3A_97] : memref<10240x128xf32, #tpu.memory_space<hbm>> -> memref<128x128xf32, #tpu.memory_space<hbm>>
      tpu.wait_dma2 semaphore(%arg10 : memref<!tpu.dma_semaphore, #tpu.memory_space<semaphore_mem>>) src(%dma_wait3A_98 : memref<128x128xf32, #tpu.memory_space<hbm>>) dst(%arg7 : memref<128x128xf32, #tpu.memory_space<vmem>>)
      %dma_start3A_99 = arith.constant 2 : i32
      %dma_start3A_100 = arith.constant 0 : i32
      %dma_start3A_101 = arith.constant 0 : i32
      %dma_start3A_102 = tpu.memref_slice %arg6[%dma_start3A_99, %dma_start3A_100, %dma_start3A_101] : memref<13x1x128xi32, #tpu.memory_space<vmem>> -> memref<1x1x128xi32, #tpu.memory_space<vmem>>
      %dma_start3A_103 = tpu.memref_squeeze %dma_start3A_102 : memref<1x1x128xi32, #tpu.memory_space<vmem>> -> memref<128xi32, #tpu.memory_space<vmem>>
      %dma_start3A_104 = arith.constant 0 : i32
      %dma_start3A_105 = arith.constant 0 : i32
      %dma_start3A_106 = tpu.memref_slice %arg9[%dma_start3A_104, %dma_start3A_105] : memref<10240x128xf32, #tpu.memory_space<vmem_shared>> -> memref<10240x128xf32, #tpu.memory_space<vmem_shared>>
      tpu.enqueue_indirect_dma source(%arg7 : memref<128x128xf32, #tpu.memory_space<vmem>>) target(%dma_start3A_106 : memref<10240x128xf32, #tpu.memory_space<vmem_shared>>) offsets(%dma_start3A_103 : memref<128xi32, #tpu.memory_space<vmem>>) semaphore(%arg12 : memref<!tpu.dma_semaphore, #tpu.memory_space<semaphore_mem>>) {add = true}
      %dma_wait3A_107 = arith.constant 0 : i32
      %dma_wait3A_108 = arith.constant 0 : i32
      %dma_wait3A_109 = tpu.memref_slice %arg3[%dma_wait3A_107, %dma_wait3A_108] : memref<10240x128xf32, #tpu.memory_space<hbm>> -> memref<128x128xf32, #tpu.memory_space<hbm>>
      %dma_wait3A_110 = arith.constant 0 : i32
      %dma_wait3A_111 = arith.constant 0 : i32
      %dma_wait3A_112 = tpu.memref_slice %arg3[%dma_wait3A_110, %dma_wait3A_111] : memref<10240x128xf32, #tpu.memory_space<hbm>> -> memref<128x128xf32, #tpu.memory_space<hbm>>
      tpu.wait_dma2 semaphore(%arg13 : memref<!tpu.dma_semaphore, #tpu.memory_space<semaphore_mem>>) src(%dma_wait3A_112 : memref<128x128xf32, #tpu.memory_space<hbm>>) dst(%arg8 : memref<128x128xf32, #tpu.memory_space<vmem>>)
      %dma_start3A_113 = arith.constant 3 : i32
      %dma_start3A_114 = arith.constant 0 : i32
      %dma_start3A_115 = arith.constant 0 : i32
      %dma_start3A_116 = tpu.memref_slice %arg5[%dma_start3A_113, %dma_start3A_114, %dma_start3A_115] : memref<13x1x128xi32, #tpu.memory_space<vmem>> -> memref<1x1x128xi32, #tpu.memory_space<vmem>>
      %dma_start3A_117 = tpu.memref_squeeze %dma_start3A_116 : memref<1x1x128xi32, #tpu.memory_space<vmem>> -> memref<128xi32, #tpu.memory_space<vmem>>
      %dma_start3A_118 = arith.constant 0 : i32
      %dma_start3A_119 = arith.constant 0 : i32
      %dma_start3A_120 = tpu.memref_slice %arg3[%dma_start3A_118, %dma_start3A_119] : memref<10240x128xf32, #tpu.memory_space<hbm>> -> memref<10240x128xf32, #tpu.memory_space<hbm>>
      tpu.enqueue_indirect_dma source(%dma_start3A_120 : memref<10240x128xf32, #tpu.memory_space<hbm>>) target(%arg8 : memref<128x128xf32, #tpu.memory_space<vmem>>) offsets(%dma_start3A_117 : memref<128xi32, #tpu.memory_space<vmem>>) semaphore(%arg11 : memref<!tpu.dma_semaphore, #tpu.memory_space<semaphore_mem>>)
      %dma_wait3A_121 = arith.constant 0 : i32
      %dma_wait3A_122 = arith.constant 0 : i32
      %dma_wait3A_123 = tpu.memref_slice %arg3[%dma_wait3A_121, %dma_wait3A_122] : memref<10240x128xf32, #tpu.memory_space<hbm>> -> memref<128x128xf32, #tpu.memory_space<hbm>>
      %dma_wait3A_124 = arith.constant 0 : i32
      %dma_wait3A_125 = arith.constant 0 : i32
      %dma_wait3A_126 = tpu.memref_slice %arg3[%dma_wait3A_124, %dma_wait3A_125] : memref<10240x128xf32, #tpu.memory_space<hbm>> -> memref<128x128xf32, #tpu.memory_space<hbm>>
      tpu.wait_dma2 semaphore(%arg11 : memref<!tpu.dma_semaphore, #tpu.memory_space<semaphore_mem>>) src(%dma_wait3A_126 : memref<128x128xf32, #tpu.memory_space<hbm>>) dst(%arg8 : memref<128x128xf32, #tpu.memory_space<vmem>>)
      %dma_start3A_127 = arith.constant 3 : i32
      %dma_start3A_128 = arith.constant 0 : i32
      %dma_start3A_129 = arith.constant 0 : i32
      %dma_start3A_130 = tpu.memref_slice %arg6[%dma_start3A_127, %dma_start3A_128, %dma_start3A_129] : memref<13x1x128xi32, #tpu.memory_space<vmem>> -> memref<1x1x128xi32, #tpu.memory_space<vmem>>
      %dma_start3A_131 = tpu.memref_squeeze %dma_start3A_130 : memref<1x1x128xi32, #tpu.memory_space<vmem>> -> memref<128xi32, #tpu.memory_space<vmem>>
      %dma_start3A_132 = arith.constant 0 : i32
      %dma_start3A_133 = arith.constant 0 : i32
      %dma_start3A_134 = tpu.memref_slice %arg9[%dma_start3A_132, %dma_start3A_133] : memref<10240x128xf32, #tpu.memory_space<vmem_shared>> -> memref<10240x128xf32, #tpu.memory_space<vmem_shared>>
      tpu.enqueue_indirect_dma source(%arg8 : memref<128x128xf32, #tpu.memory_space<vmem>>) target(%dma_start3A_134 : memref<10240x128xf32, #tpu.memory_space<vmem_shared>>) offsets(%dma_start3A_131 : memref<128xi32, #tpu.memory_space<vmem>>) semaphore(%arg13 : memref<!tpu.dma_semaphore, #tpu.memory_space<semaphore_mem>>) {add = true}
      %dma_wait3A_135 = arith.constant 0 : i32
      %dma_wait3A_136 = arith.constant 0 : i32
      %dma_wait3A_137 = tpu.memref_slice %arg3[%dma_wait3A_135, %dma_wait3A_136] : memref<10240x128xf32, #tpu.memory_space<hbm>> -> memref<128x128xf32, #tpu.memory_space<hbm>>
      %dma_wait3A_138 = arith.constant 0 : i32
      %dma_wait3A_139 = arith.constant 0 : i32
      %dma_wait3A_140 = tpu.memref_slice %arg3[%dma_wait3A_138, %dma_wait3A_139] : memref<10240x128xf32, #tpu.memory_space<hbm>> -> memref<128x128xf32, #tpu.memory_space<hbm>>
      tpu.wait_dma2 semaphore(%arg12 : memref<!tpu.dma_semaphore, #tpu.memory_space<semaphore_mem>>) src(%dma_wait3A_140 : memref<128x128xf32, #tpu.memory_space<hbm>>) dst(%arg7 : memref<128x128xf32, #tpu.memory_space<vmem>>)
      %dma_start3A_141 = arith.constant 4 : i32
      %dma_start3A_142 = arith.constant 0 : i32
      %dma_start3A_143 = arith.constant 0 : i32
      %dma_start3A_144 = tpu.memref_slice %arg5[%dma_start3A_141, %dma_start3A_142, %dma_start3A_143] : memref<13x1x128xi32, #tpu.memory_space<vmem>> -> memref<1x1x128xi32, #tpu.memory_space<vmem>>
      %dma_start3A_145 = tpu.memref_squeeze %dma_start3A_144 : memref<1x1x128xi32, #tpu.memory_space<vmem>> -> memref<128xi32, #tpu.memory_space<vmem>>
      %dma_start3A_146 = arith.constant 0 : i32
      %dma_start3A_147 = arith.constant 0 : i32
      %dma_start3A_148 = tpu.memref_slice %arg3[%dma_start3A_146, %dma_start3A_147] : memref<10240x128xf32, #tpu.memory_space<hbm>> -> memref<10240x128xf32, #tpu.memory_space<hbm>>
      tpu.enqueue_indirect_dma source(%dma_start3A_148 : memref<10240x128xf32, #tpu.memory_space<hbm>>) target(%arg7 : memref<128x128xf32, #tpu.memory_space<vmem>>) offsets(%dma_start3A_145 : memref<128xi32, #tpu.memory_space<vmem>>) semaphore(%arg10 : memref<!tpu.dma_semaphore, #tpu.memory_space<semaphore_mem>>)
      %dma_wait3A_149 = arith.constant 0 : i32
      %dma_wait3A_150 = arith.constant 0 : i32
      %dma_wait3A_151 = tpu.memref_slice %arg3[%dma_wait3A_149, %dma_wait3A_150] : memref<10240x128xf32, #tpu.memory_space<hbm>> -> memref<128x128xf32, #tpu.memory_space<hbm>>
      %dma_wait3A_152 = arith.constant 0 : i32
      %dma_wait3A_153 = arith.constant 0 : i32
      %dma_wait3A_154 = tpu.memref_slice %arg3[%dma_wait3A_152, %dma_wait3A_153] : memref<10240x128xf32, #tpu.memory_space<hbm>> -> memref<128x128xf32, #tpu.memory_space<hbm>>
      tpu.wait_dma2 semaphore(%arg10 : memref<!tpu.dma_semaphore, #tpu.memory_space<semaphore_mem>>) src(%dma_wait3A_154 : memref<128x128xf32, #tpu.memory_space<hbm>>) dst(%arg7 : memref<128x128xf32, #tpu.memory_space<vmem>>)
      %dma_start3A_155 = arith.constant 4 : i32
      %dma_start3A_156 = arith.constant 0 : i32
      %dma_start3A_157 = arith.constant 0 : i32
      %dma_start3A_158 = tpu.memref_slice %arg6[%dma_start3A_155, %dma_start3A_156, %dma_start3A_157] : memref<13x1x128xi32, #tpu.memory_space<vmem>> -> memref<1x1x128xi32, #tpu.memory_space<vmem>>
      %dma_start3A_159 = tpu.memref_squeeze %dma_start3A_158 : memref<1x1x128xi32, #tpu.memory_space<vmem>> -> memref<128xi32, #tpu.memory_space<vmem>>
      %dma_start3A_160 = arith.constant 0 : i32
      %dma_start3A_161 = arith.constant 0 : i32
      %dma_start3A_162 = tpu.memref_slice %arg9[%dma_start3A_160, %dma_start3A_161] : memref<10240x128xf32, #tpu.memory_space<vmem_shared>> -> memref<10240x128xf32, #tpu.memory_space<vmem_shared>>
      tpu.enqueue_indirect_dma source(%arg7 : memref<128x128xf32, #tpu.memory_space<vmem>>) target(%dma_start3A_162 : memref<10240x128xf32, #tpu.memory_space<vmem_shared>>) offsets(%dma_start3A_159 : memref<128xi32, #tpu.memory_space<vmem>>) semaphore(%arg12 : memref<!tpu.dma_semaphore, #tpu.memory_space<semaphore_mem>>) {add = true}
      %dma_wait3A_163 = arith.constant 0 : i32
      %dma_wait3A_164 = arith.constant 0 : i32
      %dma_wait3A_165 = tpu.memref_slice %arg3[%dma_wait3A_163, %dma_wait3A_164] : memref<10240x128xf32, #tpu.memory_space<hbm>> -> memref<128x128xf32, #tpu.memory_space<hbm>>
      %dma_wait3A_166 = arith.constant 0 : i32
      %dma_wait3A_167 = arith.constant 0 : i32
      %dma_wait3A_168 = tpu.memref_slice %arg3[%dma_wait3A_166, %dma_wait3A_167] : memref<10240x128xf32, #tpu.memory_space<hbm>> -> memref<128x128xf32, #tpu.memory_space<hbm>>
      tpu.wait_dma2 semaphore(%arg13 : memref<!tpu.dma_semaphore, #tpu.memory_space<semaphore_mem>>) src(%dma_wait3A_168 : memref<128x128xf32, #tpu.memory_space<hbm>>) dst(%arg8 : memref<128x128xf32, #tpu.memory_space<vmem>>)
      %dma_start3A_169 = arith.constant 5 : i32
      %dma_start3A_170 = arith.constant 0 : i32
      %dma_start3A_171 = arith.constant 0 : i32
      %dma_start3A_172 = tpu.memref_slice %arg5[%dma_start3A_169, %dma_start3A_170, %dma_start3A_171] : memref<13x1x128xi32, #tpu.memory_space<vmem>> -> memref<1x1x128xi32, #tpu.memory_space<vmem>>
      %dma_start3A_173 = tpu.memref_squeeze %dma_start3A_172 : memref<1x1x128xi32, #tpu.memory_space<vmem>> -> memref<128xi32, #tpu.memory_space<vmem>>
      %dma_start3A_174 = arith.constant 0 : i32
      %dma_start3A_175 = arith.constant 0 : i32
      %dma_start3A_176 = tpu.memref_slice %arg3[%dma_start3A_174, %dma_start3A_175] : memref<10240x128xf32, #tpu.memory_space<hbm>> -> memref<10240x128xf32, #tpu.memory_space<hbm>>
      tpu.enqueue_indirect_dma source(%dma_start3A_176 : memref<10240x128xf32, #tpu.memory_space<hbm>>) target(%arg8 : memref<128x128xf32, #tpu.memory_space<vmem>>) offsets(%dma_start3A_173 : memref<128xi32, #tpu.memory_space<vmem>>) semaphore(%arg11 : memref<!tpu.dma_semaphore, #tpu.memory_space<semaphore_mem>>)
      %dma_wait3A_177 = arith.constant 0 : i32
      %dma_wait3A_178 = arith.constant 0 : i32
      %dma_wait3A_179 = tpu.memref_slice %arg3[%dma_wait3A_177, %dma_wait3A_178] : memref<10240x128xf32, #tpu.memory_space<hbm>> -> memref<128x128xf32, #tpu.memory_space<hbm>>
      %dma_wait3A_180 = arith.constant 0 : i32
      %dma_wait3A_181 = arith.constant 0 : i32
      %dma_wait3A_182 = tpu.memref_slice %arg3[%dma_wait3A_180, %dma_wait3A_181] : memref<10240x128xf32, #tpu.memory_space<hbm>> -> memref<128x128xf32, #tpu.memory_space<hbm>>
      tpu.wait_dma2 semaphore(%arg11 : memref<!tpu.dma_semaphore, #tpu.memory_space<semaphore_mem>>) src(%dma_wait3A_182 : memref<128x128xf32, #tpu.memory_space<hbm>>) dst(%arg8 : memref<128x128xf32, #tpu.memory_space<vmem>>)
      %dma_start3A_183 = arith.constant 5 : i32
      %dma_start3A_184 = arith.constant 0 : i32
      %dma_start3A_185 = arith.constant 0 : i32
      %dma_start3A_186 = tpu.memref_slice %arg6[%dma_start3A_183, %dma_start3A_184, %dma_start3A_185] : memref<13x1x128xi32, #tpu.memory_space<vmem>> -> memref<1x1x128xi32, #tpu.memory_space<vmem>>
      %dma_start3A_187 = tpu.memref_squeeze %dma_start3A_186 : memref<1x1x128xi32, #tpu.memory_space<vmem>> -> memref<128xi32, #tpu.memory_space<vmem>>
      %dma_start3A_188 = arith.constant 0 : i32
      %dma_start3A_189 = arith.constant 0 : i32
      %dma_start3A_190 = tpu.memref_slice %arg9[%dma_start3A_188, %dma_start3A_189] : memref<10240x128xf32, #tpu.memory_space<vmem_shared>> -> memref<10240x128xf32, #tpu.memory_space<vmem_shared>>
      tpu.enqueue_indirect_dma source(%arg8 : memref<128x128xf32, #tpu.memory_space<vmem>>) target(%dma_start3A_190 : memref<10240x128xf32, #tpu.memory_space<vmem_shared>>) offsets(%dma_start3A_187 : memref<128xi32, #tpu.memory_space<vmem>>) semaphore(%arg13 : memref<!tpu.dma_semaphore, #tpu.memory_space<semaphore_mem>>) {add = true}
      %dma_wait3A_191 = arith.constant 0 : i32
      %dma_wait3A_192 = arith.constant 0 : i32
      %dma_wait3A_193 = tpu.memref_slice %arg3[%dma_wait3A_191, %dma_wait3A_192] : memref<10240x128xf32, #tpu.memory_space<hbm>> -> memref<128x128xf32, #tpu.memory_space<hbm>>
      %dma_wait3A_194 = arith.constant 0 : i32
      %dma_wait3A_195 = arith.constant 0 : i32
      %dma_wait3A_196 = tpu.memref_slice %arg3[%dma_wait3A_194, %dma_wait3A_195] : memref<10240x128xf32, #tpu.memory_space<hbm>> -> memref<128x128xf32, #tpu.memory_space<hbm>>
      tpu.wait_dma2 semaphore(%arg12 : memref<!tpu.dma_semaphore, #tpu.memory_space<semaphore_mem>>) src(%dma_wait3A_196 : memref<128x128xf32, #tpu.memory_space<hbm>>) dst(%arg7 : memref<128x128xf32, #tpu.memory_space<vmem>>)
      %dma_start3A_197 = arith.constant 6 : i32
      %dma_start3A_198 = arith.constant 0 : i32
      %dma_start3A_199 = arith.constant 0 : i32
      %dma_start3A_200 = tpu.memref_slice %arg5[%dma_start3A_197, %dma_start3A_198, %dma_start3A_199] : memref<13x1x128xi32, #tpu.memory_space<vmem>> -> memref<1x1x128xi32, #tpu.memory_space<vmem>>
      %dma_start3A_201 = tpu.memref_squeeze %dma_start3A_200 : memref<1x1x128xi32, #tpu.memory_space<vmem>> -> memref<128xi32, #tpu.memory_space<vmem>>
      %dma_start3A_202 = arith.constant 0 : i32
      %dma_start3A_203 = arith.constant 0 : i32
      %dma_start3A_204 = tpu.memref_slice %arg3[%dma_start3A_202, %dma_start3A_203] : memref<10240x128xf32, #tpu.memory_space<hbm>> -> memref<10240x128xf32, #tpu.memory_space<hbm>>
      tpu.enqueue_indirect_dma source(%dma_start3A_204 : memref<10240x128xf32, #tpu.memory_space<hbm>>) target(%arg7 : memref<128x128xf32, #tpu.memory_space<vmem>>) offsets(%dma_start3A_201 : memref<128xi32, #tpu.memory_space<vmem>>) semaphore(%arg10 : memref<!tpu.dma_semaphore, #tpu.memory_space<semaphore_mem>>)
      %dma_wait3A_205 = arith.constant 0 : i32
      %dma_wait3A_206 = arith.constant 0 : i32
      %dma_wait3A_207 = tpu.memref_slice %arg3[%dma_wait3A_205, %dma_wait3A_206] : memref<10240x128xf32, #tpu.memory_space<hbm>> -> memref<128x128xf32, #tpu.memory_space<hbm>>
      %dma_wait3A_208 = arith.constant 0 : i32
      %dma_wait3A_209 = arith.constant 0 : i32
      %dma_wait3A_210 = tpu.memref_slice %arg3[%dma_wait3A_208, %dma_wait3A_209] : memref<10240x128xf32, #tpu.memory_space<hbm>> -> memref<128x128xf32, #tpu.memory_space<hbm>>
      tpu.wait_dma2 semaphore(%arg10 : memref<!tpu.dma_semaphore, #tpu.memory_space<semaphore_mem>>) src(%dma_wait3A_210 : memref<128x128xf32, #tpu.memory_space<hbm>>) dst(%arg7 : memref<128x128xf32, #tpu.memory_space<vmem>>)
      %dma_start3A_211 = arith.constant 6 : i32
      %dma_start3A_212 = arith.constant 0 : i32
      %dma_start3A_213 = arith.constant 0 : i32
      %dma_start3A_214 = tpu.memref_slice %arg6[%dma_start3A_211, %dma_start3A_212, %dma_start3A_213] : memref<13x1x128xi32, #tpu.memory_space<vmem>> -> memref<1x1x128xi32, #tpu.memory_space<vmem>>
      %dma_start3A_215 = tpu.memref_squeeze %dma_start3A_214 : memref<1x1x128xi32, #tpu.memory_space<vmem>> -> memref<128xi32, #tpu.memory_space<vmem>>
      %dma_start3A_216 = arith.constant 0 : i32
      %dma_start3A_217 = arith.constant 0 : i32
      %dma_start3A_218 = tpu.memref_slice %arg9[%dma_start3A_216, %dma_start3A_217] : memref<10240x128xf32, #tpu.memory_space<vmem_shared>> -> memref<10240x128xf32, #tpu.memory_space<vmem_shared>>
      tpu.enqueue_indirect_dma source(%arg7 : memref<128x128xf32, #tpu.memory_space<vmem>>) target(%dma_start3A_218 : memref<10240x128xf32, #tpu.memory_space<vmem_shared>>) offsets(%dma_start3A_215 : memref<128xi32, #tpu.memory_space<vmem>>) semaphore(%arg12 : memref<!tpu.dma_semaphore, #tpu.memory_space<semaphore_mem>>) {add = true}
      %dma_wait3A_219 = arith.constant 0 : i32
      %dma_wait3A_220 = arith.constant 0 : i32
      %dma_wait3A_221 = tpu.memref_slice %arg3[%dma_wait3A_219, %dma_wait3A_220] : memref<10240x128xf32, #tpu.memory_space<hbm>> -> memref<128x128xf32, #tpu.memory_space<hbm>>
      %dma_wait3A_222 = arith.constant 0 : i32
      %dma_wait3A_223 = arith.constant 0 : i32
      %dma_wait3A_224 = tpu.memref_slice %arg3[%dma_wait3A_222, %dma_wait3A_223] : memref<10240x128xf32, #tpu.memory_space<hbm>> -> memref<128x128xf32, #tpu.memory_space<hbm>>
      tpu.wait_dma2 semaphore(%arg13 : memref<!tpu.dma_semaphore, #tpu.memory_space<semaphore_mem>>) src(%dma_wait3A_224 : memref<128x128xf32, #tpu.memory_space<hbm>>) dst(%arg8 : memref<128x128xf32, #tpu.memory_space<vmem>>)
      %dma_start3A_225 = arith.constant 7 : i32
      %dma_start3A_226 = arith.constant 0 : i32
      %dma_start3A_227 = arith.constant 0 : i32
      %dma_start3A_228 = tpu.memref_slice %arg5[%dma_start3A_225, %dma_start3A_226, %dma_start3A_227] : memref<13x1x128xi32, #tpu.memory_space<vmem>> -> memref<1x1x128xi32, #tpu.memory_space<vmem>>
      %dma_start3A_229 = tpu.memref_squeeze %dma_start3A_228 : memref<1x1x128xi32, #tpu.memory_space<vmem>> -> memref<128xi32, #tpu.memory_space<vmem>>
      %dma_start3A_230 = arith.constant 0 : i32
      %dma_start3A_231 = arith.constant 0 : i32
      %dma_start3A_232 = tpu.memref_slice %arg3[%dma_start3A_230, %dma_start3A_231] : memref<10240x128xf32, #tpu.memory_space<hbm>> -> memref<10240x128xf32, #tpu.memory_space<hbm>>
      tpu.enqueue_indirect_dma source(%dma_start3A_232 : memref<10240x128xf32, #tpu.memory_space<hbm>>) target(%arg8 : memref<128x128xf32, #tpu.memory_space<vmem>>) offsets(%dma_start3A_229 : memref<128xi32, #tpu.memory_space<vmem>>) semaphore(%arg11 : memref<!tpu.dma_semaphore, #tpu.memory_space<semaphore_mem>>)
      %dma_wait3A_233 = arith.constant 0 : i32
      %dma_wait3A_234 = arith.constant 0 : i32
      %dma_wait3A_235 = tpu.memref_slice %arg3[%dma_wait3A_233, %dma_wait3A_234] : memref<10240x128xf32, #tpu.memory_space<hbm>> -> memref<128x128xf32, #tpu.memory_space<hbm>>
      %dma_wait3A_236 = arith.constant 0 : i32
      %dma_wait3A_237 = arith.constant 0 : i32
      %dma_wait3A_238 = tpu.memref_slice %arg3[%dma_wait3A_236, %dma_wait3A_237] : memref<10240x128xf32, #tpu.memory_space<hbm>> -> memref<128x128xf32, #tpu.memory_space<hbm>>
      tpu.wait_dma2 semaphore(%arg11 : memref<!tpu.dma_semaphore, #tpu.memory_space<semaphore_mem>>) src(%dma_wait3A_238 : memref<128x128xf32, #tpu.memory_space<hbm>>) dst(%arg8 : memref<128x128xf32, #tpu.memory_space<vmem>>)
      %dma_start3A_239 = arith.constant 7 : i32
      %dma_start3A_240 = arith.constant 0 : i32
      %dma_start3A_241 = arith.constant 0 : i32
      %dma_start3A_242 = tpu.memref_slice %arg6[%dma_start3A_239, %dma_start3A_240, %dma_start3A_241] : memref<13x1x128xi32, #tpu.memory_space<vmem>> -> memref<1x1x128xi32, #tpu.memory_space<vmem>>
      %dma_start3A_243 = tpu.memref_squeeze %dma_start3A_242 : memref<1x1x128xi32, #tpu.memory_space<vmem>> -> memref<128xi32, #tpu.memory_space<vmem>>
      %dma_start3A_244 = arith.constant 0 : i32
      %dma_start3A_245 = arith.constant 0 : i32
      %dma_start3A_246 = tpu.memref_slice %arg9[%dma_start3A_244, %dma_start3A_245] : memref<10240x128xf32, #tpu.memory_space<vmem_shared>> -> memref<10240x128xf32, #tpu.memory_space<vmem_shared>>
      tpu.enqueue_indirect_dma source(%arg8 : memref<128x128xf32, #tpu.memory_space<vmem>>) target(%dma_start3A_246 : memref<10240x128xf32, #tpu.memory_space<vmem_shared>>) offsets(%dma_start3A_243 : memref<128xi32, #tpu.memory_space<vmem>>) semaphore(%arg13 : memref<!tpu.dma_semaphore, #tpu.memory_space<semaphore_mem>>) {add = true}
      %dma_wait3A_247 = arith.constant 0 : i32
      %dma_wait3A_248 = arith.constant 0 : i32
      %dma_wait3A_249 = tpu.memref_slice %arg3[%dma_wait3A_247, %dma_wait3A_248] : memref<10240x128xf32, #tpu.memory_space<hbm>> -> memref<128x128xf32, #tpu.memory_space<hbm>>
      %dma_wait3A_250 = arith.constant 0 : i32
      %dma_wait3A_251 = arith.constant 0 : i32
      %dma_wait3A_252 = tpu.memref_slice %arg3[%dma_wait3A_250, %dma_wait3A_251] : memref<10240x128xf32, #tpu.memory_space<hbm>> -> memref<128x128xf32, #tpu.memory_space<hbm>>
      tpu.wait_dma2 semaphore(%arg12 : memref<!tpu.dma_semaphore, #tpu.memory_space<semaphore_mem>>) src(%dma_wait3A_252 : memref<128x128xf32, #tpu.memory_space<hbm>>) dst(%arg7 : memref<128x128xf32, #tpu.memory_space<vmem>>)
      %dma_start3A_253 = arith.constant 8 : i32
      %dma_start3A_254 = arith.constant 0 : i32
      %dma_start3A_255 = arith.constant 0 : i32
      %dma_start3A_256 = tpu.memref_slice %arg5[%dma_start3A_253, %dma_start3A_254, %dma_start3A_255] : memref<13x1x128xi32, #tpu.memory_space<vmem>> -> memref<1x1x128xi32, #tpu.memory_space<vmem>>
      %dma_start3A_257 = tpu.memref_squeeze %dma_start3A_256 : memref<1x1x128xi32, #tpu.memory_space<vmem>> -> memref<128xi32, #tpu.memory_space<vmem>>
      %dma_start3A_258 = arith.constant 0 : i32
      %dma_start3A_259 = arith.constant 0 : i32
      %dma_start3A_260 = tpu.memref_slice %arg3[%dma_start3A_258, %dma_start3A_259] : memref<10240x128xf32, #tpu.memory_space<hbm>> -> memref<10240x128xf32, #tpu.memory_space<hbm>>
      tpu.enqueue_indirect_dma source(%dma_start3A_260 : memref<10240x128xf32, #tpu.memory_space<hbm>>) target(%arg7 : memref<128x128xf32, #tpu.memory_space<vmem>>) offsets(%dma_start3A_257 : memref<128xi32, #tpu.memory_space<vmem>>) semaphore(%arg10 : memref<!tpu.dma_semaphore, #tpu.memory_space<semaphore_mem>>)
      %dma_wait3A_261 = arith.constant 0 : i32
      %dma_wait3A_262 = arith.constant 0 : i32
      %dma_wait3A_263 = tpu.memref_slice %arg3[%dma_wait3A_261, %dma_wait3A_262] : memref<10240x128xf32, #tpu.memory_space<hbm>> -> memref<128x128xf32, #tpu.memory_space<hbm>>
      %dma_wait3A_264 = arith.constant 0 : i32
      %dma_wait3A_265 = arith.constant 0 : i32
      %dma_wait3A_266 = tpu.memref_slice %arg3[%dma_wait3A_264, %dma_wait3A_265] : memref<10240x128xf32, #tpu.memory_space<hbm>> -> memref<128x128xf32, #tpu.memory_space<hbm>>
      tpu.wait_dma2 semaphore(%arg10 : memref<!tpu.dma_semaphore, #tpu.memory_space<semaphore_mem>>) src(%dma_wait3A_266 : memref<128x128xf32, #tpu.memory_space<hbm>>) dst(%arg7 : memref<128x128xf32, #tpu.memory_space<vmem>>)
      %dma_start3A_267 = arith.constant 8 : i32
      %dma_start3A_268 = arith.constant 0 : i32
      %dma_start3A_269 = arith.constant 0 : i32
      %dma_start3A_270 = tpu.memref_slice %arg6[%dma_start3A_267, %dma_start3A_268, %dma_start3A_269] : memref<13x1x128xi32, #tpu.memory_space<vmem>> -> memref<1x1x128xi32, #tpu.memory_space<vmem>>
      %dma_start3A_271 = tpu.memref_squeeze %dma_start3A_270 : memref<1x1x128xi32, #tpu.memory_space<vmem>> -> memref<128xi32, #tpu.memory_space<vmem>>
      %dma_start3A_272 = arith.constant 0 : i32
      %dma_start3A_273 = arith.constant 0 : i32
      %dma_start3A_274 = tpu.memref_slice %arg9[%dma_start3A_272, %dma_start3A_273] : memref<10240x128xf32, #tpu.memory_space<vmem_shared>> -> memref<10240x128xf32, #tpu.memory_space<vmem_shared>>
      tpu.enqueue_indirect_dma source(%arg7 : memref<128x128xf32, #tpu.memory_space<vmem>>) target(%dma_start3A_274 : memref<10240x128xf32, #tpu.memory_space<vmem_shared>>) offsets(%dma_start3A_271 : memref<128xi32, #tpu.memory_space<vmem>>) semaphore(%arg12 : memref<!tpu.dma_semaphore, #tpu.memory_space<semaphore_mem>>) {add = true}
      %dma_wait3A_275 = arith.constant 0 : i32
      %dma_wait3A_276 = arith.constant 0 : i32
      %dma_wait3A_277 = tpu.memref_slice %arg3[%dma_wait3A_275, %dma_wait3A_276] : memref<10240x128xf32, #tpu.memory_space<hbm>> -> memref<128x128xf32, #tpu.memory_space<hbm>>
      %dma_wait3A_278 = arith.constant 0 : i32
      %dma_wait3A_279 = arith.constant 0 : i32
      %dma_wait3A_280 = tpu.memref_slice %arg3[%dma_wait3A_278, %dma_wait3A_279] : memref<10240x128xf32, #tpu.memory_space<hbm>> -> memref<128x128xf32, #tpu.memory_space<hbm>>
      tpu.wait_dma2 semaphore(%arg13 : memref<!tpu.dma_semaphore, #tpu.memory_space<semaphore_mem>>) src(%dma_wait3A_280 : memref<128x128xf32, #tpu.memory_space<hbm>>) dst(%arg8 : memref<128x128xf32, #tpu.memory_space<vmem>>)
      %dma_start3A_281 = arith.constant 9 : i32
      %dma_start3A_282 = arith.constant 0 : i32
      %dma_start3A_283 = arith.constant 0 : i32
      %dma_start3A_284 = tpu.memref_slice %arg5[%dma_start3A_281, %dma_start3A_282, %dma_start3A_283] : memref<13x1x128xi32, #tpu.memory_space<vmem>> -> memref<1x1x128xi32, #tpu.memory_space<vmem>>
      %dma_start3A_285 = tpu.memref_squeeze %dma_start3A_284 : memref<1x1x128xi32, #tpu.memory_space<vmem>> -> memref<128xi32, #tpu.memory_space<vmem>>
      %dma_start3A_286 = arith.constant 0 : i32
      %dma_start3A_287 = arith.constant 0 : i32
      %dma_start3A_288 = tpu.memref_slice %arg3[%dma_start3A_286, %dma_start3A_287] : memref<10240x128xf32, #tpu.memory_space<hbm>> -> memref<10240x128xf32, #tpu.memory_space<hbm>>
      tpu.enqueue_indirect_dma source(%dma_start3A_288 : memref<10240x128xf32, #tpu.memory_space<hbm>>) target(%arg8 : memref<128x128xf32, #tpu.memory_space<vmem>>) offsets(%dma_start3A_285 : memref<128xi32, #tpu.memory_space<vmem>>) semaphore(%arg11 : memref<!tpu.dma_semaphore, #tpu.memory_space<semaphore_mem>>)
      %dma_wait3A_289 = arith.constant 0 : i32
      %dma_wait3A_290 = arith.constant 0 : i32
      %dma_wait3A_291 = tpu.memref_slice %arg3[%dma_wait3A_289, %dma_wait3A_290] : memref<10240x128xf32, #tpu.memory_space<hbm>> -> memref<128x128xf32, #tpu.memory_space<hbm>>
      %dma_wait3A_292 = arith.constant 0 : i32
      %dma_wait3A_293 = arith.constant 0 : i32
      %dma_wait3A_294 = tpu.memref_slice %arg3[%dma_wait3A_292, %dma_wait3A_293] : memref<10240x128xf32, #tpu.memory_space<hbm>> -> memref<128x128xf32, #tpu.memory_space<hbm>>
      tpu.wait_dma2 semaphore(%arg11 : memref<!tpu.dma_semaphore, #tpu.memory_space<semaphore_mem>>) src(%dma_wait3A_294 : memref<128x128xf32, #tpu.memory_space<hbm>>) dst(%arg8 : memref<128x128xf32, #tpu.memory_space<vmem>>)
      %dma_start3A_295 = arith.constant 9 : i32
      %dma_start3A_296 = arith.constant 0 : i32
      %dma_start3A_297 = arith.constant 0 : i32
      %dma_start3A_298 = tpu.memref_slice %arg6[%dma_start3A_295, %dma_start3A_296, %dma_start3A_297] : memref<13x1x128xi32, #tpu.memory_space<vmem>> -> memref<1x1x128xi32, #tpu.memory_space<vmem>>
      %dma_start3A_299 = tpu.memref_squeeze %dma_start3A_298 : memref<1x1x128xi32, #tpu.memory_space<vmem>> -> memref<128xi32, #tpu.memory_space<vmem>>
      %dma_start3A_300 = arith.constant 0 : i32
      %dma_start3A_301 = arith.constant 0 : i32
      %dma_start3A_302 = tpu.memref_slice %arg9[%dma_start3A_300, %dma_start3A_301] : memref<10240x128xf32, #tpu.memory_space<vmem_shared>> -> memref<10240x128xf32, #tpu.memory_space<vmem_shared>>
      tpu.enqueue_indirect_dma source(%arg8 : memref<128x128xf32, #tpu.memory_space<vmem>>) target(%dma_start3A_302 : memref<10240x128xf32, #tpu.memory_space<vmem_shared>>) offsets(%dma_start3A_299 : memref<128xi32, #tpu.memory_space<vmem>>) semaphore(%arg13 : memref<!tpu.dma_semaphore, #tpu.memory_space<semaphore_mem>>) {add = true}
      %dma_wait3A_303 = arith.constant 0 : i32
      %dma_wait3A_304 = arith.constant 0 : i32
      %dma_wait3A_305 = tpu.memref_slice %arg3[%dma_wait3A_303, %dma_wait3A_304] : memref<10240x128xf32, #tpu.memory_space<hbm>> -> memref<128x128xf32, #tpu.memory_space<hbm>>
      %dma_wait3A_306 = arith.constant 0 : i32
      %dma_wait3A_307 = arith.constant 0 : i32
      %dma_wait3A_308 = tpu.memref_slice %arg3[%dma_wait3A_306, %dma_wait3A_307] : memref<10240x128xf32, #tpu.memory_space<hbm>> -> memref<128x128xf32, #tpu.memory_space<hbm>>
      tpu.wait_dma2 semaphore(%arg12 : memref<!tpu.dma_semaphore, #tpu.memory_space<semaphore_mem>>) src(%dma_wait3A_308 : memref<128x128xf32, #tpu.memory_space<hbm>>) dst(%arg7 : memref<128x128xf32, #tpu.memory_space<vmem>>)
      %dma_start3A_309 = arith.constant 10 : i32
      %dma_start3A_310 = arith.constant 0 : i32
      %dma_start3A_311 = arith.constant 0 : i32
      %dma_start3A_312 = tpu.memref_slice %arg5[%dma_start3A_309, %dma_start3A_310, %dma_start3A_311] : memref<13x1x128xi32, #tpu.memory_space<vmem>> -> memref<1x1x128xi32, #tpu.memory_space<vmem>>
      %dma_start3A_313 = tpu.memref_squeeze %dma_start3A_312 : memref<1x1x128xi32, #tpu.memory_space<vmem>> -> memref<128xi32, #tpu.memory_space<vmem>>
      %dma_start3A_314 = arith.constant 0 : i32
      %dma_start3A_315 = arith.constant 0 : i32
      %dma_start3A_316 = tpu.memref_slice %arg3[%dma_start3A_314, %dma_start3A_315] : memref<10240x128xf32, #tpu.memory_space<hbm>> -> memref<10240x128xf32, #tpu.memory_space<hbm>>
      tpu.enqueue_indirect_dma source(%dma_start3A_316 : memref<10240x128xf32, #tpu.memory_space<hbm>>) target(%arg7 : memref<128x128xf32, #tpu.memory_space<vmem>>) offsets(%dma_start3A_313 : memref<128xi32, #tpu.memory_space<vmem>>) semaphore(%arg10 : memref<!tpu.dma_semaphore, #tpu.memory_space<semaphore_mem>>)
      %dma_wait3A_317 = arith.constant 0 : i32
      %dma_wait3A_318 = arith.constant 0 : i32
      %dma_wait3A_319 = tpu.memref_slice %arg3[%dma_wait3A_317, %dma_wait3A_318] : memref<10240x128xf32, #tpu.memory_space<hbm>> -> memref<128x128xf32, #tpu.memory_space<hbm>>
      %dma_wait3A_320 = arith.constant 0 : i32
      %dma_wait3A_321 = arith.constant 0 : i32
      %dma_wait3A_322 = tpu.memref_slice %arg3[%dma_wait3A_320, %dma_wait3A_321] : memref<10240x128xf32, #tpu.memory_space<hbm>> -> memref<128x128xf32, #tpu.memory_space<hbm>>
      tpu.wait_dma2 semaphore(%arg10 : memref<!tpu.dma_semaphore, #tpu.memory_space<semaphore_mem>>) src(%dma_wait3A_322 : memref<128x128xf32, #tpu.memory_space<hbm>>) dst(%arg7 : memref<128x128xf32, #tpu.memory_space<vmem>>)
      %dma_start3A_323 = arith.constant 10 : i32
      %dma_start3A_324 = arith.constant 0 : i32
      %dma_start3A_325 = arith.constant 0 : i32
      %dma_start3A_326 = tpu.memref_slice %arg6[%dma_start3A_323, %dma_start3A_324, %dma_start3A_325] : memref<13x1x128xi32, #tpu.memory_space<vmem>> -> memref<1x1x128xi32, #tpu.memory_space<vmem>>
      %dma_start3A_327 = tpu.memref_squeeze %dma_start3A_326 : memref<1x1x128xi32, #tpu.memory_space<vmem>> -> memref<128xi32, #tpu.memory_space<vmem>>
      %dma_start3A_328 = arith.constant 0 : i32
      %dma_start3A_329 = arith.constant 0 : i32
      %dma_start3A_330 = tpu.memref_slice %arg9[%dma_start3A_328, %dma_start3A_329] : memref<10240x128xf32, #tpu.memory_space<vmem_shared>> -> memref<10240x128xf32, #tpu.memory_space<vmem_shared>>
      tpu.enqueue_indirect_dma source(%arg7 : memref<128x128xf32, #tpu.memory_space<vmem>>) target(%dma_start3A_330 : memref<10240x128xf32, #tpu.memory_space<vmem_shared>>) offsets(%dma_start3A_327 : memref<128xi32, #tpu.memory_space<vmem>>) semaphore(%arg12 : memref<!tpu.dma_semaphore, #tpu.memory_space<semaphore_mem>>) {add = true}
      %dma_wait3A_331 = arith.constant 0 : i32
      %dma_wait3A_332 = arith.constant 0 : i32
      %dma_wait3A_333 = tpu.memref_slice %arg3[%dma_wait3A_331, %dma_wait3A_332] : memref<10240x128xf32, #tpu.memory_space<hbm>> -> memref<128x128xf32, #tpu.memory_space<hbm>>
      %dma_wait3A_334 = arith.constant 0 : i32
      %dma_wait3A_335 = arith.constant 0 : i32
      %dma_wait3A_336 = tpu.memref_slice %arg3[%dma_wait3A_334, %dma_wait3A_335] : memref<10240x128xf32, #tpu.memory_space<hbm>> -> memref<128x128xf32, #tpu.memory_space<hbm>>
      tpu.wait_dma2 semaphore(%arg13 : memref<!tpu.dma_semaphore, #tpu.memory_space<semaphore_mem>>) src(%dma_wait3A_336 : memref<128x128xf32, #tpu.memory_space<hbm>>) dst(%arg8 : memref<128x128xf32, #tpu.memory_space<vmem>>)
      %dma_start3A_337 = arith.constant 11 : i32
      %dma_start3A_338 = arith.constant 0 : i32
      %dma_start3A_339 = arith.constant 0 : i32
      %dma_start3A_340 = tpu.memref_slice %arg5[%dma_start3A_337, %dma_start3A_338, %dma_start3A_339] : memref<13x1x128xi32, #tpu.memory_space<vmem>> -> memref<1x1x128xi32, #tpu.memory_space<vmem>>
      %dma_start3A_341 = tpu.memref_squeeze %dma_start3A_340 : memref<1x1x128xi32, #tpu.memory_space<vmem>> -> memref<128xi32, #tpu.memory_space<vmem>>
      %dma_start3A_342 = arith.constant 0 : i32
      %dma_start3A_343 = arith.constant 0 : i32
      %dma_start3A_344 = tpu.memref_slice %arg3[%dma_start3A_342, %dma_start3A_343] : memref<10240x128xf32, #tpu.memory_space<hbm>> -> memref<10240x128xf32, #tpu.memory_space<hbm>>
      tpu.enqueue_indirect_dma source(%dma_start3A_344 : memref<10240x128xf32, #tpu.memory_space<hbm>>) target(%arg8 : memref<128x128xf32, #tpu.memory_space<vmem>>) offsets(%dma_start3A_341 : memref<128xi32, #tpu.memory_space<vmem>>) semaphore(%arg11 : memref<!tpu.dma_semaphore, #tpu.memory_space<semaphore_mem>>)
      %dma_wait3A_345 = arith.constant 0 : i32
      %dma_wait3A_346 = arith.constant 0 : i32
      %dma_wait3A_347 = tpu.memref_slice %arg3[%dma_wait3A_345, %dma_wait3A_346] : memref<10240x128xf32, #tpu.memory_space<hbm>> -> memref<128x128xf32, #tpu.memory_space<hbm>>
      %dma_wait3A_348 = arith.constant 0 : i32
      %dma_wait3A_349 = arith.constant 0 : i32
      %dma_wait3A_350 = tpu.memref_slice %arg3[%dma_wait3A_348, %dma_wait3A_349] : memref<10240x128xf32, #tpu.memory_space<hbm>> -> memref<128x128xf32, #tpu.memory_space<hbm>>
      tpu.wait_dma2 semaphore(%arg11 : memref<!tpu.dma_semaphore, #tpu.memory_space<semaphore_mem>>) src(%dma_wait3A_350 : memref<128x128xf32, #tpu.memory_space<hbm>>) dst(%arg8 : memref<128x128xf32, #tpu.memory_space<vmem>>)
      %dma_start3A_351 = arith.constant 11 : i32
      %dma_start3A_352 = arith.constant 0 : i32
      %dma_start3A_353 = arith.constant 0 : i32
      %dma_start3A_354 = tpu.memref_slice %arg6[%dma_start3A_351, %dma_start3A_352, %dma_start3A_353] : memref<13x1x128xi32, #tpu.memory_space<vmem>> -> memref<1x1x128xi32, #tpu.memory_space<vmem>>
      %dma_start3A_355 = tpu.memref_squeeze %dma_start3A_354 : memref<1x1x128xi32, #tpu.memory_space<vmem>> -> memref<128xi32, #tpu.memory_space<vmem>>
      %dma_start3A_356 = arith.constant 0 : i32
      %dma_start3A_357 = arith.constant 0 : i32
      %dma_start3A_358 = tpu.memref_slice %arg9[%dma_start3A_356, %dma_start3A_357] : memref<10240x128xf32, #tpu.memory_space<vmem_shared>> -> memref<10240x128xf32, #tpu.memory_space<vmem_shared>>
      tpu.enqueue_indirect_dma source(%arg8 : memref<128x128xf32, #tpu.memory_space<vmem>>) target(%dma_start3A_358 : memref<10240x128xf32, #tpu.memory_space<vmem_shared>>) offsets(%dma_start3A_355 : memref<128xi32, #tpu.memory_space<vmem>>) semaphore(%arg13 : memref<!tpu.dma_semaphore, #tpu.memory_space<semaphore_mem>>) {add = true}
      %dma_wait3A_359 = arith.constant 0 : i32
      %dma_wait3A_360 = arith.constant 0 : i32
      %dma_wait3A_361 = tpu.memref_slice %arg3[%dma_wait3A_359, %dma_wait3A_360] : memref<10240x128xf32, #tpu.memory_space<hbm>> -> memref<128x128xf32, #tpu.memory_space<hbm>>
      %dma_wait3A_362 = arith.constant 0 : i32
      %dma_wait3A_363 = arith.constant 0 : i32
      %dma_wait3A_364 = tpu.memref_slice %arg3[%dma_wait3A_362, %dma_wait3A_363] : memref<10240x128xf32, #tpu.memory_space<hbm>> -> memref<128x128xf32, #tpu.memory_space<hbm>>
      tpu.wait_dma2 semaphore(%arg12 : memref<!tpu.dma_semaphore, #tpu.memory_space<semaphore_mem>>) src(%dma_wait3A_364 : memref<128x128xf32, #tpu.memory_space<hbm>>) dst(%arg7 : memref<128x128xf32, #tpu.memory_space<vmem>>)
      %dma_start3A_365 = arith.constant 12 : i32
      %dma_start3A_366 = arith.constant 0 : i32
      %dma_start3A_367 = arith.constant 0 : i32
      %dma_start3A_368 = tpu.memref_slice %arg5[%dma_start3A_365, %dma_start3A_366, %dma_start3A_367] : memref<13x1x128xi32, #tpu.memory_space<vmem>> -> memref<1x1x128xi32, #tpu.memory_space<vmem>>
      %dma_start3A_369 = tpu.memref_squeeze %dma_start3A_368 : memref<1x1x128xi32, #tpu.memory_space<vmem>> -> memref<128xi32, #tpu.memory_space<vmem>>
      %dma_start3A_370 = arith.constant 0 : i32
      %dma_start3A_371 = arith.constant 0 : i32
      %dma_start3A_372 = tpu.memref_slice %arg3[%dma_start3A_370, %dma_start3A_371] : memref<10240x128xf32, #tpu.memory_space<hbm>> -> memref<10240x128xf32, #tpu.memory_space<hbm>>
      tpu.enqueue_indirect_dma source(%dma_start3A_372 : memref<10240x128xf32, #tpu.memory_space<hbm>>) target(%arg7 : memref<128x128xf32, #tpu.memory_space<vmem>>) offsets(%dma_start3A_369 : memref<128xi32, #tpu.memory_space<vmem>>) semaphore(%arg10 : memref<!tpu.dma_semaphore, #tpu.memory_space<semaphore_mem>>)
      %dma_wait3A_373 = arith.constant 0 : i32
      %dma_wait3A_374 = arith.constant 0 : i32
      %dma_wait3A_375 = tpu.memref_slice %arg3[%dma_wait3A_373, %dma_wait3A_374] : memref<10240x128xf32, #tpu.memory_space<hbm>> -> memref<128x128xf32, #tpu.memory_space<hbm>>
      %dma_wait3A_376 = arith.constant 0 : i32
      %dma_wait3A_377 = arith.constant 0 : i32
      %dma_wait3A_378 = tpu.memref_slice %arg3[%dma_wait3A_376, %dma_wait3A_377] : memref<10240x128xf32, #tpu.memory_space<hbm>> -> memref<128x128xf32, #tpu.memory_space<hbm>>
      tpu.wait_dma2 semaphore(%arg10 : memref<!tpu.dma_semaphore, #tpu.memory_space<semaphore_mem>>) src(%dma_wait3A_378 : memref<128x128xf32, #tpu.memory_space<hbm>>) dst(%arg7 : memref<128x128xf32, #tpu.memory_space<vmem>>)
      %dma_start3A_379 = arith.constant 12 : i32
      %dma_start3A_380 = arith.constant 0 : i32
      %dma_start3A_381 = arith.constant 0 : i32
      %dma_start3A_382 = tpu.memref_slice %arg6[%dma_start3A_379, %dma_start3A_380, %dma_start3A_381] : memref<13x1x128xi32, #tpu.memory_space<vmem>> -> memref<1x1x128xi32, #tpu.memory_space<vmem>>
      %dma_start3A_383 = tpu.memref_squeeze %dma_start3A_382 : memref<1x1x128xi32, #tpu.memory_space<vmem>> -> memref<128xi32, #tpu.memory_space<vmem>>
      %dma_start3A_384 = arith.constant 0 : i32
      %dma_start3A_385 = arith.constant 0 : i32
      %dma_start3A_386 = tpu.memref_slice %arg9[%dma_start3A_384, %dma_start3A_385] : memref<10240x128xf32, #tpu.memory_space<vmem_shared>> -> memref<10240x128xf32, #tpu.memory_space<vmem_shared>>
      tpu.enqueue_indirect_dma source(%arg7 : memref<128x128xf32, #tpu.memory_space<vmem>>) target(%dma_start3A_386 : memref<10240x128xf32, #tpu.memory_space<vmem_shared>>) offsets(%dma_start3A_383 : memref<128xi32, #tpu.memory_space<vmem>>) semaphore(%arg12 : memref<!tpu.dma_semaphore, #tpu.memory_space<semaphore_mem>>) {add = true}
      %lt3A_387 = arith.constant 5 : i32
      %lt3A_388 = arith.cmpi slt, %scan3A_36, %lt3A_387 : i32
      %convert_element_type3A_389 = arith.extui %lt3A_388 : i1 to i32
      %cond3A_390 = arith.constant 0 : i32
      %cond3A_391 = arith.cmpi ne, %convert_element_type3A_389, %cond3A_390 : i32
      scf.if %cond3A_391 {
        %add3A_392 = arith.constant 1 : i32
        %add3A_393 = arith.addi %scan3A_36, %add3A_392 : i32
        %mul3A_394 = arith.constant 13 : i32
        %mul3A_395 = arith.muli %add3A_393, %mul3A_394 : i32
        %add3A_396 = arith.addi %mul3A_4, %mul3A_395 : i32
        %run_scoped3A_397 = arith.constant 0 : i32
        "tpu.region"() ({
          %run_scoped3A_413 = tpu.sem_alloc : memref<!tpu.dma_semaphore, #tpu.memory_space<semaphore_mem>>
          %dma_start3A_414 = arith.constant 0 : i32
          %dma_start3A_415 = arith.constant 0 : i32
          %dma_start3A_416 = tpu.memref_slice %arg2[%run_scoped3A_397, %add3A_396, %dma_start3A_414, %dma_start3A_415] : memref<2x2500x1x128xi32, #tpu.memory_space<hbm>> -> memref<1x13x1x128xi32, #tpu.memory_space<hbm>>
          %dma_start3A_417 = tpu.memref_squeeze %dma_start3A_416 : memref<1x13x1x128xi32, #tpu.memory_space<hbm>> -> memref<13x1x128xi32, #tpu.memory_space<hbm>>
          %dma_start3A_418 = arith.constant 0 : i32
          %dma_start3A_419 = arith.constant 0 : i32
          %dma_start3A_420 = tpu.memref_slice %arg2[%run_scoped3A_397, %add3A_396, %dma_start3A_418, %dma_start3A_419] : memref<2x2500x1x128xi32, #tpu.memory_space<hbm>> -> memref<1x13x1x128xi32, #tpu.memory_space<hbm>>
          %dma_start3A_421 = tpu.memref_squeeze %dma_start3A_420 : memref<1x13x1x128xi32, #tpu.memory_space<hbm>> -> memref<13x1x128xi32, #tpu.memory_space<hbm>>
          tpu.enqueue_dma source(%dma_start3A_421 : memref<13x1x128xi32, #tpu.memory_space<hbm>>) target(%arg5 : memref<13x1x128xi32, #tpu.memory_space<vmem>>) target_semaphore(%run_scoped3A_413 : memref<!tpu.dma_semaphore, #tpu.memory_space<semaphore_mem>>)
          %dma_wait3A_422 = arith.constant 0 : i32
          %dma_wait3A_423 = arith.constant 0 : i32
          %dma_wait3A_424 = tpu.memref_slice %arg2[%run_scoped3A_397, %add3A_396, %dma_wait3A_422, %dma_wait3A_423] : memref<2x2500x1x128xi32, #tpu.memory_space<hbm>> -> memref<1x13x1x128xi32, #tpu.memory_space<hbm>>
          %dma_wait3A_425 = tpu.memref_squeeze %dma_wait3A_424 : memref<1x13x1x128xi32, #tpu.memory_space<hbm>> -> memref<13x1x128xi32, #tpu.memory_space<hbm>>
          %dma_wait3A_426 = arith.constant 0 : i32
          %dma_wait3A_427 = arith.constant 0 : i32
          %dma_wait3A_428 = tpu.memref_slice %arg2[%run_scoped3A_397, %add3A_396, %dma_wait3A_426, %dma_wait3A_427] : memref<2x2500x1x128xi32, #tpu.memory_space<hbm>> -> memref<1x13x1x128xi32, #tpu.memory_space<hbm>>
          %dma_wait3A_429 = tpu.memref_squeeze %dma_wait3A_428 : memref<1x13x1x128xi32, #tpu.memory_space<hbm>> -> memref<13x1x128xi32, #tpu.memory_space<hbm>>
          tpu.wait_dma2 semaphore(%run_scoped3A_413 : memref<!tpu.dma_semaphore, #tpu.memory_space<semaphore_mem>>) src(%dma_wait3A_429 : memref<13x1x128xi32, #tpu.memory_space<hbm>>) dst(%arg5 : memref<13x1x128xi32, #tpu.memory_space<vmem>>)
          tpu.yield
        }) : () -> ()
        %run_scoped3A_398 = arith.constant 1 : i32
        "tpu.region"() ({
          %run_scoped3A_413 = tpu.sem_alloc : memref<!tpu.dma_semaphore, #tpu.memory_space<semaphore_mem>>
          %dma_start3A_414 = arith.constant 0 : i32
          %dma_start3A_415 = arith.constant 0 : i32
          %dma_start3A_416 = tpu.memref_slice %arg2[%run_scoped3A_398, %add3A_396, %dma_start3A_414, %dma_start3A_415] : memref<2x2500x1x128xi32, #tpu.memory_space<hbm>> -> memref<1x13x1x128xi32, #tpu.memory_space<hbm>>
          %dma_start3A_417 = tpu.memref_squeeze %dma_start3A_416 : memref<1x13x1x128xi32, #tpu.memory_space<hbm>> -> memref<13x1x128xi32, #tpu.memory_space<hbm>>
          %dma_start3A_418 = arith.constant 0 : i32
          %dma_start3A_419 = arith.constant 0 : i32
          %dma_start3A_420 = tpu.memref_slice %arg2[%run_scoped3A_398, %add3A_396, %dma_start3A_418, %dma_start3A_419] : memref<2x2500x1x128xi32, #tpu.memory_space<hbm>> -> memref<1x13x1x128xi32, #tpu.memory_space<hbm>>
          %dma_start3A_421 = tpu.memref_squeeze %dma_start3A_420 : memref<1x13x1x128xi32, #tpu.memory_space<hbm>> -> memref<13x1x128xi32, #tpu.memory_space<hbm>>
          tpu.enqueue_dma source(%dma_start3A_421 : memref<13x1x128xi32, #tpu.memory_space<hbm>>) target(%arg6 : memref<13x1x128xi32, #tpu.memory_space<vmem>>) target_semaphore(%run_scoped3A_413 : memref<!tpu.dma_semaphore, #tpu.memory_space<semaphore_mem>>)
          %dma_wait3A_422 = arith.constant 0 : i32
          %dma_wait3A_423 = arith.constant 0 : i32
          %dma_wait3A_424 = tpu.memref_slice %arg2[%run_scoped3A_398, %add3A_396, %dma_wait3A_422, %dma_wait3A_423] : memref<2x2500x1x128xi32, #tpu.memory_space<hbm>> -> memref<1x13x1x128xi32, #tpu.memory_space<hbm>>
          %dma_wait3A_425 = tpu.memref_squeeze %dma_wait3A_424 : memref<1x13x1x128xi32, #tpu.memory_space<hbm>> -> memref<13x1x128xi32, #tpu.memory_space<hbm>>
          %dma_wait3A_426 = arith.constant 0 : i32
          %dma_wait3A_427 = arith.constant 0 : i32
          %dma_wait3A_428 = tpu.memref_slice %arg2[%run_scoped3A_398, %add3A_396, %dma_wait3A_426, %dma_wait3A_427] : memref<2x2500x1x128xi32, #tpu.memory_space<hbm>> -> memref<1x13x1x128xi32, #tpu.memory_space<hbm>>
          %dma_wait3A_429 = tpu.memref_squeeze %dma_wait3A_428 : memref<1x13x1x128xi32, #tpu.memory_space<hbm>> -> memref<13x1x128xi32, #tpu.memory_space<hbm>>
          tpu.wait_dma2 semaphore(%run_scoped3A_413 : memref<!tpu.dma_semaphore, #tpu.memory_space<semaphore_mem>>) src(%dma_wait3A_429 : memref<13x1x128xi32, #tpu.memory_space<hbm>>) dst(%arg6 : memref<13x1x128xi32, #tpu.memory_space<vmem>>)
          tpu.yield
        }) : () -> ()
        %dma_wait3A_399 = arith.constant 0 : i32
        %dma_wait3A_400 = arith.constant 0 : i32
        %dma_wait3A_401 = tpu.memref_slice %arg3[%dma_wait3A_399, %dma_wait3A_400] : memref<10240x128xf32, #tpu.memory_space<hbm>> -> memref<128x128xf32, #tpu.memory_space<hbm>>
        %dma_wait3A_402 = arith.constant 0 : i32
        %dma_wait3A_403 = arith.constant 0 : i32
        %dma_wait3A_404 = tpu.memref_slice %arg3[%dma_wait3A_402, %dma_wait3A_403] : memref<10240x128xf32, #tpu.memory_space<hbm>> -> memref<128x128xf32, #tpu.memory_space<hbm>>
        tpu.wait_dma2 semaphore(%arg12 : memref<!tpu.dma_semaphore, #tpu.memory_space<semaphore_mem>>) src(%dma_wait3A_404 : memref<128x128xf32, #tpu.memory_space<hbm>>) dst(%arg7 : memref<128x128xf32, #tpu.memory_space<vmem>>)
        %dma_start3A_405 = arith.constant 0 : i32
        %dma_start3A_406 = arith.constant 0 : i32
        %dma_start3A_407 = arith.constant 0 : i32
        %dma_start3A_408 = tpu.memref_slice %arg5[%dma_start3A_405, %dma_start3A_406, %dma_start3A_407] : memref<13x1x128xi32, #tpu.memory_space<vmem>> -> memref<1x1x128xi32, #tpu.memory_space<vmem>>
        %dma_start3A_409 = tpu.memref_squeeze %dma_start3A_408 : memref<1x1x128xi32, #tpu.memory_space<vmem>> -> memref<128xi32, #tpu.memory_space<vmem>>
        %dma_start3A_410 = arith.constant 0 : i32
        %dma_start3A_411 = arith.constant 0 : i32
        %dma_start3A_412 = tpu.memref_slice %arg3[%dma_start3A_410, %dma_start3A_411] : memref<10240x128xf32, #tpu.memory_space<hbm>> -> memref<10240x128xf32, #tpu.memory_space<hbm>>
        tpu.enqueue_indirect_dma source(%dma_start3A_412 : memref<10240x128xf32, #tpu.memory_space<hbm>>) target(%arg7 : memref<128x128xf32, #tpu.memory_space<vmem>>) offsets(%dma_start3A_409 : memref<128xi32, #tpu.memory_space<vmem>>) semaphore(%arg10 : memref<!tpu.dma_semaphore, #tpu.memory_space<semaphore_mem>>)
      } else {
      }
    }
    %scan3A_23 = arith.constant 6 : i32
    %lt3A = arith.constant 4 : i32
    %lt3A_24 = arith.cmpi slt, %add3A, %lt3A : i32
    %convert_element_type3A = arith.extui %lt3A_24 : i1 to i32
    %cond3A = arith.constant 0 : i32
    %cond3A_25 = arith.cmpi ne, %convert_element_type3A, %cond3A : i32
    scf.if %cond3A_25 {
      %add3A_36 = arith.constant 2496 : i32
      %add3A_37 = arith.addi %add3A_36, %add3A : i32
      %run_scoped3A_38 = arith.constant 0 : i32
      "tpu.region"() ({
        %run_scoped3A_66 = tpu.sem_alloc : memref<!tpu.dma_semaphore, #tpu.memory_space<semaphore_mem>>
        %dma_start3A_67 = arith.constant 0 : i32
        %dma_start3A_68 = arith.constant 0 : i32
        %dma_start3A_69 = arith.constant 0 : i32
        %dma_start3A_70 = tpu.memref_slice %arg5[%dma_start3A_67, %dma_start3A_68, %dma_start3A_69] : memref<13x1x128xi32, #tpu.memory_space<vmem>> -> memref<1x1x128xi32, #tpu.memory_space<vmem>>
        %dma_start3A_71 = arith.constant 0 : i32
        %dma_start3A_72 = arith.constant 0 : i32
        %dma_start3A_73 = tpu.memref_slice %arg2[%run_scoped3A_38, %add3A_37, %dma_start3A_71, %dma_start3A_72] : memref<2x2500x1x128xi32, #tpu.memory_space<hbm>> -> memref<1x1x1x128xi32, #tpu.memory_space<hbm>>
        %dma_start3A_74 = tpu.memref_squeeze %dma_start3A_73 : memref<1x1x1x128xi32, #tpu.memory_space<hbm>> -> memref<1x1x128xi32, #tpu.memory_space<hbm>>
        %dma_start3A_75 = arith.constant 0 : i32
        %dma_start3A_76 = arith.constant 0 : i32
        %dma_start3A_77 = arith.constant 0 : i32
        %dma_start3A_78 = tpu.memref_slice %arg5[%dma_start3A_75, %dma_start3A_76, %dma_start3A_77] : memref<13x1x128xi32, #tpu.memory_space<vmem>> -> memref<1x1x128xi32, #tpu.memory_space<vmem>>
        %dma_start3A_79 = arith.constant 0 : i32
        %dma_start3A_80 = arith.constant 0 : i32
        %dma_start3A_81 = tpu.memref_slice %arg2[%run_scoped3A_38, %add3A_37, %dma_start3A_79, %dma_start3A_80] : memref<2x2500x1x128xi32, #tpu.memory_space<hbm>> -> memref<1x1x1x128xi32, #tpu.memory_space<hbm>>
        %dma_start3A_82 = tpu.memref_squeeze %dma_start3A_81 : memref<1x1x1x128xi32, #tpu.memory_space<hbm>> -> memref<1x1x128xi32, #tpu.memory_space<hbm>>
        tpu.enqueue_dma source(%dma_start3A_82 : memref<1x1x128xi32, #tpu.memory_space<hbm>>) target(%dma_start3A_78 : memref<1x1x128xi32, #tpu.memory_space<vmem>>) target_semaphore(%run_scoped3A_66 : memref<!tpu.dma_semaphore, #tpu.memory_space<semaphore_mem>>)
        %dma_wait3A_83 = arith.constant 0 : i32
        %dma_wait3A_84 = arith.constant 0 : i32
        %dma_wait3A_85 = arith.constant 0 : i32
        %dma_wait3A_86 = tpu.memref_slice %arg5[%dma_wait3A_83, %dma_wait3A_84, %dma_wait3A_85] : memref<13x1x128xi32, #tpu.memory_space<vmem>> -> memref<1x1x128xi32, #tpu.memory_space<vmem>>
        %dma_wait3A_87 = arith.constant 0 : i32
        %dma_wait3A_88 = arith.constant 0 : i32
        %dma_wait3A_89 = tpu.memref_slice %arg2[%run_scoped3A_38, %add3A_37, %dma_wait3A_87, %dma_wait3A_88] : memref<2x2500x1x128xi32, #tpu.memory_space<hbm>> -> memref<1x1x1x128xi32, #tpu.memory_space<hbm>>
        %dma_wait3A_90 = tpu.memref_squeeze %dma_wait3A_89 : memref<1x1x1x128xi32, #tpu.memory_space<hbm>> -> memref<1x1x128xi32, #tpu.memory_space<hbm>>
        %dma_wait3A_91 = arith.constant 0 : i32
        %dma_wait3A_92 = arith.constant 0 : i32
        %dma_wait3A_93 = arith.constant 0 : i32
        %dma_wait3A_94 = tpu.memref_slice %arg5[%dma_wait3A_91, %dma_wait3A_92, %dma_wait3A_93] : memref<13x1x128xi32, #tpu.memory_space<vmem>> -> memref<1x1x128xi32, #tpu.memory_space<vmem>>
        %dma_wait3A_95 = arith.constant 0 : i32
        %dma_wait3A_96 = arith.constant 0 : i32
        %dma_wait3A_97 = tpu.memref_slice %arg2[%run_scoped3A_38, %add3A_37, %dma_wait3A_95, %dma_wait3A_96] : memref<2x2500x1x128xi32, #tpu.memory_space<hbm>> -> memref<1x1x1x128xi32, #tpu.memory_space<hbm>>
        %dma_wait3A_98 = tpu.memref_squeeze %dma_wait3A_97 : memref<1x1x1x128xi32, #tpu.memory_space<hbm>> -> memref<1x1x128xi32, #tpu.memory_space<hbm>>
        tpu.wait_dma2 semaphore(%run_scoped3A_66 : memref<!tpu.dma_semaphore, #tpu.memory_space<semaphore_mem>>) src(%dma_wait3A_98 : memref<1x1x128xi32, #tpu.memory_space<hbm>>) dst(%dma_wait3A_94 : memref<1x1x128xi32, #tpu.memory_space<vmem>>)
        tpu.yield
      }) : () -> ()
      %add3A_39 = arith.constant 2496 : i32
      %add3A_40 = arith.addi %add3A_39, %add3A : i32
      %run_scoped3A_41 = arith.constant 1 : i32
      "tpu.region"() ({
        %run_scoped3A_66 = tpu.sem_alloc : memref<!tpu.dma_semaphore, #tpu.memory_space<semaphore_mem>>
        %dma_start3A_67 = arith.constant 0 : i32
        %dma_start3A_68 = arith.constant 0 : i32
        %dma_start3A_69 = arith.constant 0 : i32
        %dma_start3A_70 = tpu.memref_slice %arg6[%dma_start3A_67, %dma_start3A_68, %dma_start3A_69] : memref<13x1x128xi32, #tpu.memory_space<vmem>> -> memref<1x1x128xi32, #tpu.memory_space<vmem>>
        %dma_start3A_71 = arith.constant 0 : i32
        %dma_start3A_72 = arith.constant 0 : i32
        %dma_start3A_73 = tpu.memref_slice %arg2[%run_scoped3A_41, %add3A_40, %dma_start3A_71, %dma_start3A_72] : memref<2x2500x1x128xi32, #tpu.memory_space<hbm>> -> memref<1x1x1x128xi32, #tpu.memory_space<hbm>>
        %dma_start3A_74 = tpu.memref_squeeze %dma_start3A_73 : memref<1x1x1x128xi32, #tpu.memory_space<hbm>> -> memref<1x1x128xi32, #tpu.memory_space<hbm>>
        %dma_start3A_75 = arith.constant 0 : i32
        %dma_start3A_76 = arith.constant 0 : i32
        %dma_start3A_77 = arith.constant 0 : i32
        %dma_start3A_78 = tpu.memref_slice %arg6[%dma_start3A_75, %dma_start3A_76, %dma_start3A_77] : memref<13x1x128xi32, #tpu.memory_space<vmem>> -> memref<1x1x128xi32, #tpu.memory_space<vmem>>
        %dma_start3A_79 = arith.constant 0 : i32
        %dma_start3A_80 = arith.constant 0 : i32
        %dma_start3A_81 = tpu.memref_slice %arg2[%run_scoped3A_41, %add3A_40, %dma_start3A_79, %dma_start3A_80] : memref<2x2500x1x128xi32, #tpu.memory_space<hbm>> -> memref<1x1x1x128xi32, #tpu.memory_space<hbm>>
        %dma_start3A_82 = tpu.memref_squeeze %dma_start3A_81 : memref<1x1x1x128xi32, #tpu.memory_space<hbm>> -> memref<1x1x128xi32, #tpu.memory_space<hbm>>
        tpu.enqueue_dma source(%dma_start3A_82 : memref<1x1x128xi32, #tpu.memory_space<hbm>>) target(%dma_start3A_78 : memref<1x1x128xi32, #tpu.memory_space<vmem>>) target_semaphore(%run_scoped3A_66 : memref<!tpu.dma_semaphore, #tpu.memory_space<semaphore_mem>>)
        %dma_wait3A_83 = arith.constant 0 : i32
        %dma_wait3A_84 = arith.constant 0 : i32
        %dma_wait3A_85 = arith.constant 0 : i32
        %dma_wait3A_86 = tpu.memref_slice %arg6[%dma_wait3A_83, %dma_wait3A_84, %dma_wait3A_85] : memref<13x1x128xi32, #tpu.memory_space<vmem>> -> memref<1x1x128xi32, #tpu.memory_space<vmem>>
        %dma_wait3A_87 = arith.constant 0 : i32
        %dma_wait3A_88 = arith.constant 0 : i32
        %dma_wait3A_89 = tpu.memref_slice %arg2[%run_scoped3A_41, %add3A_40, %dma_wait3A_87, %dma_wait3A_88] : memref<2x2500x1x128xi32, #tpu.memory_space<hbm>> -> memref<1x1x1x128xi32, #tpu.memory_space<hbm>>
        %dma_wait3A_90 = tpu.memref_squeeze %dma_wait3A_89 : memref<1x1x1x128xi32, #tpu.memory_space<hbm>> -> memref<1x1x128xi32, #tpu.memory_space<hbm>>
        %dma_wait3A_91 = arith.constant 0 : i32
        %dma_wait3A_92 = arith.constant 0 : i32
        %dma_wait3A_93 = arith.constant 0 : i32
        %dma_wait3A_94 = tpu.memref_slice %arg6[%dma_wait3A_91, %dma_wait3A_92, %dma_wait3A_93] : memref<13x1x128xi32, #tpu.memory_space<vmem>> -> memref<1x1x128xi32, #tpu.memory_space<vmem>>
        %dma_wait3A_95 = arith.constant 0 : i32
        %dma_wait3A_96 = arith.constant 0 : i32
        %dma_wait3A_97 = tpu.memref_slice %arg2[%run_scoped3A_41, %add3A_40, %dma_wait3A_95, %dma_wait3A_96] : memref<2x2500x1x128xi32, #tpu.memory_space<hbm>> -> memref<1x1x1x128xi32, #tpu.memory_space<hbm>>
        %dma_wait3A_98 = tpu.memref_squeeze %dma_wait3A_97 : memref<1x1x1x128xi32, #tpu.memory_space<hbm>> -> memref<1x1x128xi32, #tpu.memory_space<hbm>>
        tpu.wait_dma2 semaphore(%run_scoped3A_66 : memref<!tpu.dma_semaphore, #tpu.memory_space<semaphore_mem>>) src(%dma_wait3A_98 : memref<1x1x128xi32, #tpu.memory_space<hbm>>) dst(%dma_wait3A_94 : memref<1x1x128xi32, #tpu.memory_space<vmem>>)
        tpu.yield
      }) : () -> ()
      %dma_wait3A_42 = arith.constant 0 : i32
      %dma_wait3A_43 = arith.constant 0 : i32
      %dma_wait3A_44 = tpu.memref_slice %arg3[%dma_wait3A_42, %dma_wait3A_43] : memref<10240x128xf32, #tpu.memory_space<hbm>> -> memref<128x128xf32, #tpu.memory_space<hbm>>
      %dma_wait3A_45 = arith.constant 0 : i32
      %dma_wait3A_46 = arith.constant 0 : i32
      %dma_wait3A_47 = tpu.memref_slice %arg3[%dma_wait3A_45, %dma_wait3A_46] : memref<10240x128xf32, #tpu.memory_space<hbm>> -> memref<128x128xf32, #tpu.memory_space<hbm>>
      tpu.wait_dma2 semaphore(%arg13 : memref<!tpu.dma_semaphore, #tpu.memory_space<semaphore_mem>>) src(%dma_wait3A_47 : memref<128x128xf32, #tpu.memory_space<hbm>>) dst(%arg8 : memref<128x128xf32, #tpu.memory_space<vmem>>)
      %dma_start3A_48 = arith.constant 0 : i32
      %dma_start3A_49 = arith.constant 0 : i32
      %dma_start3A_50 = arith.constant 0 : i32
      %dma_start3A_51 = tpu.memref_slice %arg5[%dma_start3A_48, %dma_start3A_49, %dma_start3A_50] : memref<13x1x128xi32, #tpu.memory_space<vmem>> -> memref<1x1x128xi32, #tpu.memory_space<vmem>>
      %dma_start3A_52 = tpu.memref_squeeze %dma_start3A_51 : memref<1x1x128xi32, #tpu.memory_space<vmem>> -> memref<128xi32, #tpu.memory_space<vmem>>
      %dma_start3A_53 = arith.constant 0 : i32
      %dma_start3A_54 = arith.constant 0 : i32
      %dma_start3A_55 = tpu.memref_slice %arg3[%dma_start3A_53, %dma_start3A_54] : memref<10240x128xf32, #tpu.memory_space<hbm>> -> memref<10240x128xf32, #tpu.memory_space<hbm>>
      tpu.enqueue_indirect_dma source(%dma_start3A_55 : memref<10240x128xf32, #tpu.memory_space<hbm>>) target(%arg8 : memref<128x128xf32, #tpu.memory_space<vmem>>) offsets(%dma_start3A_52 : memref<128xi32, #tpu.memory_space<vmem>>) semaphore(%arg11 : memref<!tpu.dma_semaphore, #tpu.memory_space<semaphore_mem>>)
      %dma_wait3A_56 = arith.constant 0 : i32
      %dma_wait3A_57 = arith.constant 0 : i32
      %dma_wait3A_58 = arith.constant 0 : i32
      %dma_wait3A_59 = tpu.memref_slice %arg5[%dma_wait3A_56, %dma_wait3A_57, %dma_wait3A_58] : memref<13x1x128xi32, #tpu.memory_space<vmem>> -> memref<1x1x128xi32, #tpu.memory_space<vmem>>
      %dma_wait3A_60 = tpu.memref_squeeze %dma_wait3A_59 : memref<1x1x128xi32, #tpu.memory_space<vmem>> -> memref<128xi32, #tpu.memory_space<vmem>>
      %dma_wait3A_61 = arith.constant 0 : i32
      %dma_wait3A_62 = arith.constant 0 : i32
      %dma_wait3A_63 = tpu.memref_slice %arg3[%dma_wait3A_61, %dma_wait3A_62] : memref<10240x128xf32, #tpu.memory_space<hbm>> -> memref<10240x128xf32, #tpu.memory_space<hbm>>
      tpu.wait_indirect_dma semaphore(%arg11 : memref<!tpu.dma_semaphore, #tpu.memory_space<semaphore_mem>>) src(%dma_wait3A_63 : memref<10240x128xf32, #tpu.memory_space<hbm>>) dst(%arg8 : memref<128x128xf32, #tpu.memory_space<vmem>>)
      %run_scoped3A_64 = arith.constant 0 : i32
      %run_scoped3A_65 = arith.constant 0 : i32
      "tpu.region"() ({
        %run_scoped3A_66 = tpu.sem_alloc : memref<!tpu.dma_semaphore, #tpu.memory_space<semaphore_mem>>
        %dma_start3A_67 = arith.constant 0 : i32
        %dma_start3A_68 = tpu.memref_slice %arg6[%run_scoped3A_64, %run_scoped3A_65, %dma_start3A_67] : memref<13x1x128xi32, #tpu.memory_space<vmem>> -> memref<1x1x128xi32, #tpu.memory_space<vmem>>
        %dma_start3A_69 = tpu.memref_squeeze %dma_start3A_68 : memref<1x1x128xi32, #tpu.memory_space<vmem>> -> memref<128xi32, #tpu.memory_space<vmem>>
        %dma_start3A_70 = arith.constant 0 : i32
        %dma_start3A_71 = arith.constant 0 : i32
        %dma_start3A_72 = tpu.memref_slice %arg9[%dma_start3A_70, %dma_start3A_71] : memref<10240x128xf32, #tpu.memory_space<vmem_shared>> -> memref<10240x128xf32, #tpu.memory_space<vmem_shared>>
        tpu.enqueue_indirect_dma source(%arg8 : memref<128x128xf32, #tpu.memory_space<vmem>>) target(%dma_start3A_72 : memref<10240x128xf32, #tpu.memory_space<vmem_shared>>) offsets(%dma_start3A_69 : memref<128xi32, #tpu.memory_space<vmem>>) semaphore(%run_scoped3A_66 : memref<!tpu.dma_semaphore, #tpu.memory_space<semaphore_mem>>) {add = true}
        %dma_wait3A_73 = arith.constant 0 : i32
        %dma_wait3A_74 = tpu.memref_slice %arg6[%run_scoped3A_64, %run_scoped3A_65, %dma_wait3A_73] : memref<13x1x128xi32, #tpu.memory_space<vmem>> -> memref<1x1x128xi32, #tpu.memory_space<vmem>>
        %dma_wait3A_75 = tpu.memref_squeeze %dma_wait3A_74 : memref<1x1x128xi32, #tpu.memory_space<vmem>> -> memref<128xi32, #tpu.memory_space<vmem>>
        %dma_wait3A_76 = arith.constant 0 : i32
        %dma_wait3A_77 = arith.constant 0 : i32
        %dma_wait3A_78 = tpu.memref_slice %arg9[%dma_wait3A_76, %dma_wait3A_77] : memref<10240x128xf32, #tpu.memory_space<vmem_shared>> -> memref<10240x128xf32, #tpu.memory_space<vmem_shared>>
        tpu.wait_indirect_dma semaphore(%run_scoped3A_66 : memref<!tpu.dma_semaphore, #tpu.memory_space<semaphore_mem>>) src(%arg8 : memref<128x128xf32, #tpu.memory_space<vmem>>) dst(%dma_wait3A_78 : memref<10240x128xf32, #tpu.memory_space<vmem_shared>>)
        tpu.yield
      }) : () -> ()
    } else {
    }
    %ge3A = arith.constant 4 : i32
    %ge3A_26 = arith.cmpi sge, %add3A, %ge3A : i32
    %convert_element_type3A_27 = arith.extui %ge3A_26 : i1 to i32
    %cond3A_28 = arith.constant 0 : i32
    %cond3A_29 = arith.cmpi ne, %convert_element_type3A_27, %cond3A_28 : i32
    scf.if %cond3A_29 {
      %dma_wait3A_36 = arith.constant 0 : i32
      %dma_wait3A_37 = arith.constant 0 : i32
      %dma_wait3A_38 = tpu.memref_slice %arg3[%dma_wait3A_36, %dma_wait3A_37] : memref<10240x128xf32, #tpu.memory_space<hbm>> -> memref<128x128xf32, #tpu.memory_space<hbm>>
      %dma_wait3A_39 = arith.constant 0 : i32
      %dma_wait3A_40 = arith.constant 0 : i32
      %dma_wait3A_41 = tpu.memref_slice %arg3[%dma_wait3A_39, %dma_wait3A_40] : memref<10240x128xf32, #tpu.memory_space<hbm>> -> memref<128x128xf32, #tpu.memory_space<hbm>>
      tpu.wait_dma2 semaphore(%arg13 : memref<!tpu.dma_semaphore, #tpu.memory_space<semaphore_mem>>) src(%dma_wait3A_41 : memref<128x128xf32, #tpu.memory_space<hbm>>) dst(%arg8 : memref<128x128xf32, #tpu.memory_space<vmem>>)
    } else {
    }
    %dma_wait3A = arith.constant 0 : i32
    %dma_wait3A_30 = arith.constant 0 : i32
    %dma_wait3A_31 = tpu.memref_slice %arg3[%dma_wait3A, %dma_wait3A_30] : memref<10240x128xf32, #tpu.memory_space<hbm>> -> memref<128x128xf32, #tpu.memory_space<hbm>>
    %dma_wait3A_32 = arith.constant 0 : i32
    %dma_wait3A_33 = arith.constant 0 : i32
    %dma_wait3A_34 = tpu.memref_slice %arg3[%dma_wait3A_32, %dma_wait3A_33] : memref<10240x128xf32, #tpu.memory_space<hbm>> -> memref<128x128xf32, #tpu.memory_space<hbm>>
    tpu.wait_dma2 semaphore(%arg12 : memref<!tpu.dma_semaphore, #tpu.memory_space<semaphore_mem>>) src(%dma_wait3A_34 : memref<128x128xf32, #tpu.memory_space<hbm>>) dst(%arg7 : memref<128x128xf32, #tpu.memory_space<vmem>>)
    %barrier3A_35 = arith.constant 0 : index
    tpu.barrier barrier_id(%barrier3A_35)
    "tpu.region"() ({
      %run_scoped3A_36 = tpu.sem_alloc : memref<!tpu.dma_semaphore, #tpu.memory_space<semaphore_mem>>
      %dma_start3A_37 = arith.constant 0 : i32
      %dma_start3A_38 = tpu.memref_slice %arg4[%arg0, %mul3A_2, %dma_start3A_37] : memref<2x10240x128xf32, #tpu.memory_space<hbm>> -> memref<1x640x128xf32, #tpu.memory_space<hbm>>
      %dma_start3A_39 = tpu.memref_squeeze %dma_start3A_38 : memref<1x640x128xf32, #tpu.memory_space<hbm>> -> memref<640x128xf32, #tpu.memory_space<hbm>>
      %dma_start3A_40 = arith.constant 0 : i32
      %dma_start3A_41 = tpu.memref_slice %arg9[%mul3A_2, %dma_start3A_40] : memref<10240x128xf32, #tpu.memory_space<vmem_shared>> -> memref<640x128xf32, #tpu.memory_space<vmem_shared>>
      tpu.enqueue_dma source(%dma_start3A_41 : memref<640x128xf32, #tpu.memory_space<vmem_shared>>) target(%dma_start3A_39 : memref<640x128xf32, #tpu.memory_space<hbm>>) target_semaphore(%run_scoped3A_36 : memref<!tpu.dma_semaphore, #tpu.memory_space<semaphore_mem>>)
      %dma_wait3A_42 = arith.constant 0 : i32
      %dma_wait3A_43 = tpu.memref_slice %arg4[%arg0, %mul3A_2, %dma_wait3A_42] : memref<2x10240x128xf32, #tpu.memory_space<hbm>> -> memref<1x640x128xf32, #tpu.memory_space<hbm>>
      %dma_wait3A_44 = tpu.memref_squeeze %dma_wait3A_43 : memref<1x640x128xf32, #tpu.memory_space<hbm>> -> memref<640x128xf32, #tpu.memory_space<hbm>>
      %dma_wait3A_45 = arith.constant 0 : i32
      %dma_wait3A_46 = tpu.memref_slice %arg9[%mul3A_2, %dma_wait3A_45] : memref<10240x128xf32, #tpu.memory_space<vmem_shared>> -> memref<640x128xf32, #tpu.memory_space<vmem_shared>>
      tpu.wait_dma2 semaphore(%run_scoped3A_36 : memref<!tpu.dma_semaphore, #tpu.memory_space<semaphore_mem>>) src(%dma_wait3A_46 : memref<640x128xf32, #tpu.memory_space<vmem_shared>>) dst(%dma_wait3A_44 : memref<640x128xf32, #tpu.memory_space<hbm>>)
      tpu.yield
    }) : () -> ()
    return
  }
}

module attributes {stable_mosaic.version = 14 : i64} {
  func.func @_y_body(%arg0: i32, %arg1: memref<640x1xf32, #tpu.memory_space<vmem>>, %arg2: memref<640x128xf32, #tpu.memory_space<vmem>>, %arg3: memref<128x128xf32, #tpu.memory_space<vmem>>, %arg4: memref<640x128xf32, #tpu.memory_space<vmem>>) attributes {dimension_semantics = [#tpu.dimension_semantics<arbitrary>], iteration_bounds = array<i64: 16>, scalar_prefetch = 0 : i64, scratch_operands = 0 : i64, tpu.core_type = #tpu.core_type<tc>, window_params = [{transform_indices = @transform_0, window_bounds = array<i64: 640, 1>}, {transform_indices = @transform_1, window_bounds = array<i64: 640, 128>}, {pipeline_mode = #tpu.pipeline_mode<synchronous>, transform_indices = @transform_2, window_bounds = array<i64: 128, 128>}, {transform_indices = @transform_3, window_bounds = array<i64: 640, 128>}]} {
    %get3A = arith.constant 0 : index
    %get3A_0 = arith.constant 0 : index
    %get3A_1 = vector.load %arg1[%get3A, %get3A_0] : memref<640x1xf32, #tpu.memory_space<vmem>>, vector<640x1xf32>
    %rsqrt3A = math.rsqrt %get3A_1 : vector<640x1xf32>
    %get3A_2 = arith.constant 0 : index
    %get3A_3 = arith.constant 0 : index
    %get3A_4 = vector.load %arg2[%get3A_2, %get3A_3] : memref<640x128xf32, #tpu.memory_space<vmem>>, vector<640x128xf32>
    %get3A_5 = arith.constant 0 : index
    %get3A_6 = arith.constant 0 : index
    %get3A_7 = vector.load %arg3[%get3A_5, %get3A_6] : memref<128x128xf32, #tpu.memory_space<vmem>>, vector<128x128xf32>
    %dot_general3A = arith.constant dense<0.000000e+00> : vector<640x128xf32>
    %dot_general3A_8 = tpu.matmul %get3A_4, %get3A_7, %dot_general3A {dimension_numbers = #tpu.dot_dimension_numbers<[1], [0], [0], [1], [0, 0, 1, 1], [], []>, transpose_lhs_hint = false} : vector<640x128xf32>, vector<128x128xf32>, vector<640x128xf32> -> vector<640x128xf32>
    %mul3A = vector.broadcast %rsqrt3A : vector<640x1xf32> to vector<640x128xf32>
    %mul3A_9 = arith.mulf %mul3A, %dot_general3A_8 : vector<640x128xf32>
    %swap3A = arith.constant 0 : index
    %swap3A_10 = arith.constant 0 : index
    %swap3A_11 = vector.load %arg4[%swap3A, %swap3A_10] : memref<640x128xf32, #tpu.memory_space<vmem>>, vector<640x128xf32>
    tpu.vector_store %arg4[%swap3A, %swap3A_10], %mul3A_9 {strides = array<i32>} : memref<640x128xf32, #tpu.memory_space<vmem>>, vector<640x128xf32>,
    return
  }
  func.func @transform_0(%arg0: i32) -> (i32, i32) {
    %c0_i32 = arith.constant 0 : i32
    %c0_i32_0 = arith.constant 0 : i32
    return %arg0, %c0_i32 : i32, i32
  }
  func.func @transform_1(%arg0: i32) -> (i32, i32) {
    %c0_i32 = arith.constant 0 : i32
    %c0_i32_0 = arith.constant 0 : i32
    return %arg0, %c0_i32 : i32, i32
  }
  func.func @transform_2(%arg0: i32) -> (i32, i32) {
    %c0_i32 = arith.constant 0 : i32
    %c0_i32_0 = arith.constant 0 : i32
    %c0_i32_1 = arith.constant 0 : i32
    return %c0_i32, %c0_i32_0 : i32, i32
  }
  func.func @transform_3(%arg0: i32) -> (i32, i32) {
    %c0_i32 = arith.constant 0 : i32
    %c0_i32_0 = arith.constant 0 : i32
    return %arg0, %c0_i32 : i32, i32
  }
}

module attributes {stable_mosaic.version = 14 : i64} {
  func.func @_mm_body(%arg0: i32, %arg1: memref<2x10240x128xf32, #tpu.memory_space<vmem>>, %arg2: memref<10240x128xf32, #tpu.memory_space<vmem>>, %arg3: memref<10240x1xf32, #tpu.memory_space<vmem>>, %arg4: memref<1x128xf32, #tpu.memory_space<vmem>>, %arg5: memref<256x10240xf32, #tpu.memory_space<vmem>>, %arg6: memref<10240x128xf32, #tpu.memory_space<vmem>>) attributes {dimension_semantics = [#tpu.dimension_semantics<arbitrary>], iteration_bounds = array<i64: 40>, scalar_prefetch = 0 : i64, scratch_operands = 1 : i64, tpu.core_type = #tpu.core_type<tc>, window_params = [{pipeline_mode = #tpu.pipeline_mode<synchronous>, transform_indices = @transform_0, window_bounds = array<i64: 2, 10240, 128>}, {pipeline_mode = #tpu.pipeline_mode<synchronous>, transform_indices = @transform_1, window_bounds = array<i64: 10240, 128>}, {transform_indices = @transform_2, window_bounds = array<i64: 10240, 1>}, {pipeline_mode = #tpu.pipeline_mode<synchronous>, transform_indices = @transform_3, window_bounds = array<i64: 1, 128>}, {transform_indices = @transform_4, window_bounds = array<i64: 256, 10240>}]} {
    %eq3A = arith.constant 0 : i32
    %eq3A_0 = arith.cmpi eq, %arg0, %eq3A : i32
    %convert_element_type3A = arith.extui %eq3A_0 : i1 to i32
    %cond3A = arith.constant 0 : i32
    %cond3A_1 = arith.cmpi ne, %convert_element_type3A, %cond3A : i32
    scf.if %cond3A_1 {
      %get3A_11 = arith.constant 0 : index
      %get3A_12 = arith.constant 0 : index
      %get3A_13 = vector.load %arg3[%get3A_11, %get3A_12] : memref<10240x1xf32, #tpu.memory_space<vmem>>, vector<640x1xf32>
      %rsqrt3A = math.rsqrt %get3A_13 : vector<640x1xf32>
      %get3A_14 = arith.constant 0 : index
      %get3A_15 = arith.constant 0 : index
      %get3A_16 = arith.constant 0 : index
      %get3A_17 = vector.load %arg1[%get3A_14, %get3A_15, %get3A_16] : memref<2x10240x128xf32, #tpu.memory_space<vmem>>, vector<1x640x128xf32>
      %get3A_18 = vector.shape_cast %get3A_17 : vector<1x640x128xf32> to vector<640x128xf32>
      %get3A_19 = arith.constant 1 : index
      %get3A_20 = arith.constant 0 : index
      %get3A_21 = arith.constant 0 : index
      %get3A_22 = vector.load %arg1[%get3A_19, %get3A_20, %get3A_21] : memref<2x10240x128xf32, #tpu.memory_space<vmem>>, vector<1x640x128xf32>
      %get3A_23 = vector.shape_cast %get3A_22 : vector<1x640x128xf32> to vector<640x128xf32>
      %add3A = arith.addf %get3A_18, %get3A_23 : vector<640x128xf32>
      %get3A_24 = arith.constant 0 : index
      %get3A_25 = arith.constant 0 : index
      %get3A_26 = vector.load %arg2[%get3A_24, %get3A_25] : memref<10240x128xf32, #tpu.memory_space<vmem>>, vector<640x128xf32>
      %sub3A = arith.subf %add3A, %get3A_26 : vector<640x128xf32>
      %mul3A_27 = vector.broadcast %rsqrt3A : vector<640x1xf32> to vector<640x128xf32>
      %mul3A_28 = arith.mulf %sub3A, %mul3A_27 : vector<640x128xf32>
      %get3A_29 = arith.constant 0 : index
      %get3A_30 = arith.constant 0 : index
      %get3A_31 = vector.load %arg4[%get3A_29, %get3A_30] : memref<1x128xf32, #tpu.memory_space<vmem>>, vector<1x128xf32>
      %add3A_32 = vector.broadcast %get3A_31 : vector<1x128xf32> to vector<640x128xf32>
      %add3A_33 = arith.addf %mul3A_28, %add3A_32 : vector<640x128xf32>
      %max3A = arith.constant 0.000000e+00 : f32
      %max3A_34 = vector.broadcast %max3A : f32 to vector<640x128xf32>
      %max3A_35 = arith.maximumf %add3A_33, %max3A_34 : vector<640x128xf32>
      %swap3A_36 = arith.constant 0 : index
      %swap3A_37 = arith.constant 0 : index
      %swap3A_38 = vector.load %arg6[%swap3A_36, %swap3A_37] : memref<10240x128xf32, #tpu.memory_space<vmem>>, vector<640x128xf32>
      tpu.vector_store %arg6[%swap3A_36, %swap3A_37], %max3A_35 {strides = array<i32>} : memref<10240x128xf32, #tpu.memory_space<vmem>>, vector<640x128xf32>,
      %get3A_39 = arith.constant 640 : index
      %get3A_40 = arith.constant 0 : index
      %get3A_41 = vector.load %arg3[%get3A_39, %get3A_40] : memref<10240x1xf32, #tpu.memory_space<vmem>>, vector<640x1xf32>
      %rsqrt3A_42 = math.rsqrt %get3A_41 : vector<640x1xf32>
      %get3A_43 = arith.constant 0 : index
      %get3A_44 = arith.constant 640 : index
      %get3A_45 = arith.constant 0 : index
      %get3A_46 = vector.load %arg1[%get3A_43, %get3A_44, %get3A_45] : memref<2x10240x128xf32, #tpu.memory_space<vmem>>, vector<1x640x128xf32>
      %get3A_47 = vector.shape_cast %get3A_46 : vector<1x640x128xf32> to vector<640x128xf32>
      %get3A_48 = arith.constant 1 : index
      %get3A_49 = arith.constant 640 : index
      %get3A_50 = arith.constant 0 : index
      %get3A_51 = vector.load %arg1[%get3A_48, %get3A_49, %get3A_50] : memref<2x10240x128xf32, #tpu.memory_space<vmem>>, vector<1x640x128xf32>
      %get3A_52 = vector.shape_cast %get3A_51 : vector<1x640x128xf32> to vector<640x128xf32>
      %add3A_53 = arith.addf %get3A_47, %get3A_52 : vector<640x128xf32>
      %get3A_54 = arith.constant 640 : index
      %get3A_55 = arith.constant 0 : index
      %get3A_56 = vector.load %arg2[%get3A_54, %get3A_55] : memref<10240x128xf32, #tpu.memory_space<vmem>>, vector<640x128xf32>
      %sub3A_57 = arith.subf %add3A_53, %get3A_56 : vector<640x128xf32>
      %mul3A_58 = vector.broadcast %rsqrt3A_42 : vector<640x1xf32> to vector<640x128xf32>
      %mul3A_59 = arith.mulf %sub3A_57, %mul3A_58 : vector<640x128xf32>
      %get3A_60 = arith.constant 0 : index
      %get3A_61 = arith.constant 0 : index
      %get3A_62 = vector.load %arg4[%get3A_60, %get3A_61] : memref<1x128xf32, #tpu.memory_space<vmem>>, vector<1x128xf32>
      %add3A_63 = vector.broadcast %get3A_62 : vector<1x128xf32> to vector<640x128xf32>
      %add3A_64 = arith.addf %mul3A_59, %add3A_63 : vector<640x128xf32>
      %max3A_65 = arith.constant 0.000000e+00 : f32
      %max3A_66 = vector.broadcast %max3A_65 : f32 to vector<640x128xf32>
      %max3A_67 = arith.maximumf %add3A_64, %max3A_66 : vector<640x128xf32>
      %swap3A_68 = arith.constant 640 : index
      %swap3A_69 = arith.constant 0 : index
      %swap3A_70 = vector.load %arg6[%swap3A_68, %swap3A_69] : memref<10240x128xf32, #tpu.memory_space<vmem>>, vector<640x128xf32>
      tpu.vector_store %arg6[%swap3A_68, %swap3A_69], %max3A_67 {strides = array<i32>} : memref<10240x128xf32, #tpu.memory_space<vmem>>, vector<640x128xf32>,
      %get3A_71 = arith.constant 1280 : index
      %get3A_72 = arith.constant 0 : index
      %get3A_73 = vector.load %arg3[%get3A_71, %get3A_72] : memref<10240x1xf32, #tpu.memory_space<vmem>>, vector<640x1xf32>
      %rsqrt3A_74 = math.rsqrt %get3A_73 : vector<640x1xf32>
      %get3A_75 = arith.constant 0 : index
      %get3A_76 = arith.constant 1280 : index
      %get3A_77 = arith.constant 0 : index
      %get3A_78 = vector.load %arg1[%get3A_75, %get3A_76, %get3A_77] : memref<2x10240x128xf32, #tpu.memory_space<vmem>>, vector<1x640x128xf32>
      %get3A_79 = vector.shape_cast %get3A_78 : vector<1x640x128xf32> to vector<640x128xf32>
      %get3A_80 = arith.constant 1 : index
      %get3A_81 = arith.constant 1280 : index
      %get3A_82 = arith.constant 0 : index
      %get3A_83 = vector.load %arg1[%get3A_80, %get3A_81, %get3A_82] : memref<2x10240x128xf32, #tpu.memory_space<vmem>>, vector<1x640x128xf32>
      %get3A_84 = vector.shape_cast %get3A_83 : vector<1x640x128xf32> to vector<640x128xf32>
      %add3A_85 = arith.addf %get3A_79, %get3A_84 : vector<640x128xf32>
      %get3A_86 = arith.constant 1280 : index
      %get3A_87 = arith.constant 0 : index
      %get3A_88 = vector.load %arg2[%get3A_86, %get3A_87] : memref<10240x128xf32, #tpu.memory_space<vmem>>, vector<640x128xf32>
      %sub3A_89 = arith.subf %add3A_85, %get3A_88 : vector<640x128xf32>
      %mul3A_90 = vector.broadcast %rsqrt3A_74 : vector<640x1xf32> to vector<640x128xf32>
      %mul3A_91 = arith.mulf %sub3A_89, %mul3A_90 : vector<640x128xf32>
      %get3A_92 = arith.constant 0 : index
      %get3A_93 = arith.constant 0 : index
      %get3A_94 = vector.load %arg4[%get3A_92, %get3A_93] : memref<1x128xf32, #tpu.memory_space<vmem>>, vector<1x128xf32>
      %add3A_95 = vector.broadcast %get3A_94 : vector<1x128xf32> to vector<640x128xf32>
      %add3A_96 = arith.addf %mul3A_91, %add3A_95 : vector<640x128xf32>
      %max3A_97 = arith.constant 0.000000e+00 : f32
      %max3A_98 = vector.broadcast %max3A_97 : f32 to vector<640x128xf32>
      %max3A_99 = arith.maximumf %add3A_96, %max3A_98 : vector<640x128xf32>
      %swap3A_100 = arith.constant 1280 : index
      %swap3A_101 = arith.constant 0 : index
      %swap3A_102 = vector.load %arg6[%swap3A_100, %swap3A_101] : memref<10240x128xf32, #tpu.memory_space<vmem>>, vector<640x128xf32>
      tpu.vector_store %arg6[%swap3A_100, %swap3A_101], %max3A_99 {strides = array<i32>} : memref<10240x128xf32, #tpu.memory_space<vmem>>, vector<640x128xf32>,
      %get3A_103 = arith.constant 1920 : index
      %get3A_104 = arith.constant 0 : index
      %get3A_105 = vector.load %arg3[%get3A_103, %get3A_104] : memref<10240x1xf32, #tpu.memory_space<vmem>>, vector<640x1xf32>
      %rsqrt3A_106 = math.rsqrt %get3A_105 : vector<640x1xf32>
      %get3A_107 = arith.constant 0 : index
      %get3A_108 = arith.constant 1920 : index
      %get3A_109 = arith.constant 0 : index
      %get3A_110 = vector.load %arg1[%get3A_107, %get3A_108, %get3A_109] : memref<2x10240x128xf32, #tpu.memory_space<vmem>>, vector<1x640x128xf32>
      %get3A_111 = vector.shape_cast %get3A_110 : vector<1x640x128xf32> to vector<640x128xf32>
      %get3A_112 = arith.constant 1 : index
      %get3A_113 = arith.constant 1920 : index
      %get3A_114 = arith.constant 0 : index
      %get3A_115 = vector.load %arg1[%get3A_112, %get3A_113, %get3A_114] : memref<2x10240x128xf32, #tpu.memory_space<vmem>>, vector<1x640x128xf32>
      %get3A_116 = vector.shape_cast %get3A_115 : vector<1x640x128xf32> to vector<640x128xf32>
      %add3A_117 = arith.addf %get3A_111, %get3A_116 : vector<640x128xf32>
      %get3A_118 = arith.constant 1920 : index
      %get3A_119 = arith.constant 0 : index
      %get3A_120 = vector.load %arg2[%get3A_118, %get3A_119] : memref<10240x128xf32, #tpu.memory_space<vmem>>, vector<640x128xf32>
      %sub3A_121 = arith.subf %add3A_117, %get3A_120 : vector<640x128xf32>
      %mul3A_122 = vector.broadcast %rsqrt3A_106 : vector<640x1xf32> to vector<640x128xf32>
      %mul3A_123 = arith.mulf %sub3A_121, %mul3A_122 : vector<640x128xf32>
      %get3A_124 = arith.constant 0 : index
      %get3A_125 = arith.constant 0 : index
      %get3A_126 = vector.load %arg4[%get3A_124, %get3A_125] : memref<1x128xf32, #tpu.memory_space<vmem>>, vector<1x128xf32>
      %add3A_127 = vector.broadcast %get3A_126 : vector<1x128xf32> to vector<640x128xf32>
      %add3A_128 = arith.addf %mul3A_123, %add3A_127 : vector<640x128xf32>
      %max3A_129 = arith.constant 0.000000e+00 : f32
      %max3A_130 = vector.broadcast %max3A_129 : f32 to vector<640x128xf32>
      %max3A_131 = arith.maximumf %add3A_128, %max3A_130 : vector<640x128xf32>
      %swap3A_132 = arith.constant 1920 : index
      %swap3A_133 = arith.constant 0 : index
      %swap3A_134 = vector.load %arg6[%swap3A_132, %swap3A_133] : memref<10240x128xf32, #tpu.memory_space<vmem>>, vector<640x128xf32>
      tpu.vector_store %arg6[%swap3A_132, %swap3A_133], %max3A_131 {strides = array<i32>} : memref<10240x128xf32, #tpu.memory_space<vmem>>, vector<640x128xf32>,
      %get3A_135 = arith.constant 2560 : index
      %get3A_136 = arith.constant 0 : index
      %get3A_137 = vector.load %arg3[%get3A_135, %get3A_136] : memref<10240x1xf32, #tpu.memory_space<vmem>>, vector<640x1xf32>
      %rsqrt3A_138 = math.rsqrt %get3A_137 : vector<640x1xf32>
      %get3A_139 = arith.constant 0 : index
      %get3A_140 = arith.constant 2560 : index
      %get3A_141 = arith.constant 0 : index
      %get3A_142 = vector.load %arg1[%get3A_139, %get3A_140, %get3A_141] : memref<2x10240x128xf32, #tpu.memory_space<vmem>>, vector<1x640x128xf32>
      %get3A_143 = vector.shape_cast %get3A_142 : vector<1x640x128xf32> to vector<640x128xf32>
      %get3A_144 = arith.constant 1 : index
      %get3A_145 = arith.constant 2560 : index
      %get3A_146 = arith.constant 0 : index
      %get3A_147 = vector.load %arg1[%get3A_144, %get3A_145, %get3A_146] : memref<2x10240x128xf32, #tpu.memory_space<vmem>>, vector<1x640x128xf32>
      %get3A_148 = vector.shape_cast %get3A_147 : vector<1x640x128xf32> to vector<640x128xf32>
      %add3A_149 = arith.addf %get3A_143, %get3A_148 : vector<640x128xf32>
      %get3A_150 = arith.constant 2560 : index
      %get3A_151 = arith.constant 0 : index
      %get3A_152 = vector.load %arg2[%get3A_150, %get3A_151] : memref<10240x128xf32, #tpu.memory_space<vmem>>, vector<640x128xf32>
      %sub3A_153 = arith.subf %add3A_149, %get3A_152 : vector<640x128xf32>
      %mul3A_154 = vector.broadcast %rsqrt3A_138 : vector<640x1xf32> to vector<640x128xf32>
      %mul3A_155 = arith.mulf %sub3A_153, %mul3A_154 : vector<640x128xf32>
      %get3A_156 = arith.constant 0 : index
      %get3A_157 = arith.constant 0 : index
      %get3A_158 = vector.load %arg4[%get3A_156, %get3A_157] : memref<1x128xf32, #tpu.memory_space<vmem>>, vector<1x128xf32>
      %add3A_159 = vector.broadcast %get3A_158 : vector<1x128xf32> to vector<640x128xf32>
      %add3A_160 = arith.addf %mul3A_155, %add3A_159 : vector<640x128xf32>
      %max3A_161 = arith.constant 0.000000e+00 : f32
      %max3A_162 = vector.broadcast %max3A_161 : f32 to vector<640x128xf32>
      %max3A_163 = arith.maximumf %add3A_160, %max3A_162 : vector<640x128xf32>
      %swap3A_164 = arith.constant 2560 : index
      %swap3A_165 = arith.constant 0 : index
      %swap3A_166 = vector.load %arg6[%swap3A_164, %swap3A_165] : memref<10240x128xf32, #tpu.memory_space<vmem>>, vector<640x128xf32>
      tpu.vector_store %arg6[%swap3A_164, %swap3A_165], %max3A_163 {strides = array<i32>} : memref<10240x128xf32, #tpu.memory_space<vmem>>, vector<640x128xf32>,
      %get3A_167 = arith.constant 3200 : index
      %get3A_168 = arith.constant 0 : index
      %get3A_169 = vector.load %arg3[%get3A_167, %get3A_168] : memref<10240x1xf32, #tpu.memory_space<vmem>>, vector<640x1xf32>
      %rsqrt3A_170 = math.rsqrt %get3A_169 : vector<640x1xf32>
      %get3A_171 = arith.constant 0 : index
      %get3A_172 = arith.constant 3200 : index
      %get3A_173 = arith.constant 0 : index
      %get3A_174 = vector.load %arg1[%get3A_171, %get3A_172, %get3A_173] : memref<2x10240x128xf32, #tpu.memory_space<vmem>>, vector<1x640x128xf32>
      %get3A_175 = vector.shape_cast %get3A_174 : vector<1x640x128xf32> to vector<640x128xf32>
      %get3A_176 = arith.constant 1 : index
      %get3A_177 = arith.constant 3200 : index
      %get3A_178 = arith.constant 0 : index
      %get3A_179 = vector.load %arg1[%get3A_176, %get3A_177, %get3A_178] : memref<2x10240x128xf32, #tpu.memory_space<vmem>>, vector<1x640x128xf32>
      %get3A_180 = vector.shape_cast %get3A_179 : vector<1x640x128xf32> to vector<640x128xf32>
      %add3A_181 = arith.addf %get3A_175, %get3A_180 : vector<640x128xf32>
      %get3A_182 = arith.constant 3200 : index
      %get3A_183 = arith.constant 0 : index
      %get3A_184 = vector.load %arg2[%get3A_182, %get3A_183] : memref<10240x128xf32, #tpu.memory_space<vmem>>, vector<640x128xf32>
      %sub3A_185 = arith.subf %add3A_181, %get3A_184 : vector<640x128xf32>
      %mul3A_186 = vector.broadcast %rsqrt3A_170 : vector<640x1xf32> to vector<640x128xf32>
      %mul3A_187 = arith.mulf %sub3A_185, %mul3A_186 : vector<640x128xf32>
      %get3A_188 = arith.constant 0 : index
      %get3A_189 = arith.constant 0 : index
      %get3A_190 = vector.load %arg4[%get3A_188, %get3A_189] : memref<1x128xf32, #tpu.memory_space<vmem>>, vector<1x128xf32>
      %add3A_191 = vector.broadcast %get3A_190 : vector<1x128xf32> to vector<640x128xf32>
      %add3A_192 = arith.addf %mul3A_187, %add3A_191 : vector<640x128xf32>
      %max3A_193 = arith.constant 0.000000e+00 : f32
      %max3A_194 = vector.broadcast %max3A_193 : f32 to vector<640x128xf32>
      %max3A_195 = arith.maximumf %add3A_192, %max3A_194 : vector<640x128xf32>
      %swap3A_196 = arith.constant 3200 : index
      %swap3A_197 = arith.constant 0 : index
      %swap3A_198 = vector.load %arg6[%swap3A_196, %swap3A_197] : memref<10240x128xf32, #tpu.memory_space<vmem>>, vector<640x128xf32>
      tpu.vector_store %arg6[%swap3A_196, %swap3A_197], %max3A_195 {strides = array<i32>} : memref<10240x128xf32, #tpu.memory_space<vmem>>, vector<640x128xf32>,
      %get3A_199 = arith.constant 3840 : index
      %get3A_200 = arith.constant 0 : index
      %get3A_201 = vector.load %arg3[%get3A_199, %get3A_200] : memref<10240x1xf32, #tpu.memory_space<vmem>>, vector<640x1xf32>
      %rsqrt3A_202 = math.rsqrt %get3A_201 : vector<640x1xf32>
      %get3A_203 = arith.constant 0 : index
      %get3A_204 = arith.constant 3840 : index
      %get3A_205 = arith.constant 0 : index
      %get3A_206 = vector.load %arg1[%get3A_203, %get3A_204, %get3A_205] : memref<2x10240x128xf32, #tpu.memory_space<vmem>>, vector<1x640x128xf32>
      %get3A_207 = vector.shape_cast %get3A_206 : vector<1x640x128xf32> to vector<640x128xf32>
      %get3A_208 = arith.constant 1 : index
      %get3A_209 = arith.constant 3840 : index
      %get3A_210 = arith.constant 0 : index
      %get3A_211 = vector.load %arg1[%get3A_208, %get3A_209, %get3A_210] : memref<2x10240x128xf32, #tpu.memory_space<vmem>>, vector<1x640x128xf32>
      %get3A_212 = vector.shape_cast %get3A_211 : vector<1x640x128xf32> to vector<640x128xf32>
      %add3A_213 = arith.addf %get3A_207, %get3A_212 : vector<640x128xf32>
      %get3A_214 = arith.constant 3840 : index
      %get3A_215 = arith.constant 0 : index
      %get3A_216 = vector.load %arg2[%get3A_214, %get3A_215] : memref<10240x128xf32, #tpu.memory_space<vmem>>, vector<640x128xf32>
      %sub3A_217 = arith.subf %add3A_213, %get3A_216 : vector<640x128xf32>
      %mul3A_218 = vector.broadcast %rsqrt3A_202 : vector<640x1xf32> to vector<640x128xf32>
      %mul3A_219 = arith.mulf %sub3A_217, %mul3A_218 : vector<640x128xf32>
      %get3A_220 = arith.constant 0 : index
      %get3A_221 = arith.constant 0 : index
      %get3A_222 = vector.load %arg4[%get3A_220, %get3A_221] : memref<1x128xf32, #tpu.memory_space<vmem>>, vector<1x128xf32>
      %add3A_223 = vector.broadcast %get3A_222 : vector<1x128xf32> to vector<640x128xf32>
      %add3A_224 = arith.addf %mul3A_219, %add3A_223 : vector<640x128xf32>
      %max3A_225 = arith.constant 0.000000e+00 : f32
      %max3A_226 = vector.broadcast %max3A_225 : f32 to vector<640x128xf32>
      %max3A_227 = arith.maximumf %add3A_224, %max3A_226 : vector<640x128xf32>
      %swap3A_228 = arith.constant 3840 : index
      %swap3A_229 = arith.constant 0 : index
      %swap3A_230 = vector.load %arg6[%swap3A_228, %swap3A_229] : memref<10240x128xf32, #tpu.memory_space<vmem>>, vector<640x128xf32>
      tpu.vector_store %arg6[%swap3A_228, %swap3A_229], %max3A_227 {strides = array<i32>} : memref<10240x128xf32, #tpu.memory_space<vmem>>, vector<640x128xf32>,
      %get3A_231 = arith.constant 4480 : index
      %get3A_232 = arith.constant 0 : index
      %get3A_233 = vector.load %arg3[%get3A_231, %get3A_232] : memref<10240x1xf32, #tpu.memory_space<vmem>>, vector<640x1xf32>
      %rsqrt3A_234 = math.rsqrt %get3A_233 : vector<640x1xf32>
      %get3A_235 = arith.constant 0 : index
      %get3A_236 = arith.constant 4480 : index
      %get3A_237 = arith.constant 0 : index
      %get3A_238 = vector.load %arg1[%get3A_235, %get3A_236, %get3A_237] : memref<2x10240x128xf32, #tpu.memory_space<vmem>>, vector<1x640x128xf32>
      %get3A_239 = vector.shape_cast %get3A_238 : vector<1x640x128xf32> to vector<640x128xf32>
      %get3A_240 = arith.constant 1 : index
      %get3A_241 = arith.constant 4480 : index
      %get3A_242 = arith.constant 0 : index
      %get3A_243 = vector.load %arg1[%get3A_240, %get3A_241, %get3A_242] : memref<2x10240x128xf32, #tpu.memory_space<vmem>>, vector<1x640x128xf32>
      %get3A_244 = vector.shape_cast %get3A_243 : vector<1x640x128xf32> to vector<640x128xf32>
      %add3A_245 = arith.addf %get3A_239, %get3A_244 : vector<640x128xf32>
      %get3A_246 = arith.constant 4480 : index
      %get3A_247 = arith.constant 0 : index
      %get3A_248 = vector.load %arg2[%get3A_246, %get3A_247] : memref<10240x128xf32, #tpu.memory_space<vmem>>, vector<640x128xf32>
      %sub3A_249 = arith.subf %add3A_245, %get3A_248 : vector<640x128xf32>
      %mul3A_250 = vector.broadcast %rsqrt3A_234 : vector<640x1xf32> to vector<640x128xf32>
      %mul3A_251 = arith.mulf %sub3A_249, %mul3A_250 : vector<640x128xf32>
      %get3A_252 = arith.constant 0 : index
      %get3A_253 = arith.constant 0 : index
      %get3A_254 = vector.load %arg4[%get3A_252, %get3A_253] : memref<1x128xf32, #tpu.memory_space<vmem>>, vector<1x128xf32>
      %add3A_255 = vector.broadcast %get3A_254 : vector<1x128xf32> to vector<640x128xf32>
      %add3A_256 = arith.addf %mul3A_251, %add3A_255 : vector<640x128xf32>
      %max3A_257 = arith.constant 0.000000e+00 : f32
      %max3A_258 = vector.broadcast %max3A_257 : f32 to vector<640x128xf32>
      %max3A_259 = arith.maximumf %add3A_256, %max3A_258 : vector<640x128xf32>
      %swap3A_260 = arith.constant 4480 : index
      %swap3A_261 = arith.constant 0 : index
      %swap3A_262 = vector.load %arg6[%swap3A_260, %swap3A_261] : memref<10240x128xf32, #tpu.memory_space<vmem>>, vector<640x128xf32>
      tpu.vector_store %arg6[%swap3A_260, %swap3A_261], %max3A_259 {strides = array<i32>} : memref<10240x128xf32, #tpu.memory_space<vmem>>, vector<640x128xf32>,
      %get3A_263 = arith.constant 5120 : index
      %get3A_264 = arith.constant 0 : index
      %get3A_265 = vector.load %arg3[%get3A_263, %get3A_264] : memref<10240x1xf32, #tpu.memory_space<vmem>>, vector<640x1xf32>
      %rsqrt3A_266 = math.rsqrt %get3A_265 : vector<640x1xf32>
      %get3A_267 = arith.constant 0 : index
      %get3A_268 = arith.constant 5120 : index
      %get3A_269 = arith.constant 0 : index
      %get3A_270 = vector.load %arg1[%get3A_267, %get3A_268, %get3A_269] : memref<2x10240x128xf32, #tpu.memory_space<vmem>>, vector<1x640x128xf32>
      %get3A_271 = vector.shape_cast %get3A_270 : vector<1x640x128xf32> to vector<640x128xf32>
      %get3A_272 = arith.constant 1 : index
      %get3A_273 = arith.constant 5120 : index
      %get3A_274 = arith.constant 0 : index
      %get3A_275 = vector.load %arg1[%get3A_272, %get3A_273, %get3A_274] : memref<2x10240x128xf32, #tpu.memory_space<vmem>>, vector<1x640x128xf32>
      %get3A_276 = vector.shape_cast %get3A_275 : vector<1x640x128xf32> to vector<640x128xf32>
      %add3A_277 = arith.addf %get3A_271, %get3A_276 : vector<640x128xf32>
      %get3A_278 = arith.constant 5120 : index
      %get3A_279 = arith.constant 0 : index
      %get3A_280 = vector.load %arg2[%get3A_278, %get3A_279] : memref<10240x128xf32, #tpu.memory_space<vmem>>, vector<640x128xf32>
      %sub3A_281 = arith.subf %add3A_277, %get3A_280 : vector<640x128xf32>
      %mul3A_282 = vector.broadcast %rsqrt3A_266 : vector<640x1xf32> to vector<640x128xf32>
      %mul3A_283 = arith.mulf %sub3A_281, %mul3A_282 : vector<640x128xf32>
      %get3A_284 = arith.constant 0 : index
      %get3A_285 = arith.constant 0 : index
      %get3A_286 = vector.load %arg4[%get3A_284, %get3A_285] : memref<1x128xf32, #tpu.memory_space<vmem>>, vector<1x128xf32>
      %add3A_287 = vector.broadcast %get3A_286 : vector<1x128xf32> to vector<640x128xf32>
      %add3A_288 = arith.addf %mul3A_283, %add3A_287 : vector<640x128xf32>
      %max3A_289 = arith.constant 0.000000e+00 : f32
      %max3A_290 = vector.broadcast %max3A_289 : f32 to vector<640x128xf32>
      %max3A_291 = arith.maximumf %add3A_288, %max3A_290 : vector<640x128xf32>
      %swap3A_292 = arith.constant 5120 : index
      %swap3A_293 = arith.constant 0 : index
      %swap3A_294 = vector.load %arg6[%swap3A_292, %swap3A_293] : memref<10240x128xf32, #tpu.memory_space<vmem>>, vector<640x128xf32>
      tpu.vector_store %arg6[%swap3A_292, %swap3A_293], %max3A_291 {strides = array<i32>} : memref<10240x128xf32, #tpu.memory_space<vmem>>, vector<640x128xf32>,
      %get3A_295 = arith.constant 5760 : index
      %get3A_296 = arith.constant 0 : index
      %get3A_297 = vector.load %arg3[%get3A_295, %get3A_296] : memref<10240x1xf32, #tpu.memory_space<vmem>>, vector<640x1xf32>
      %rsqrt3A_298 = math.rsqrt %get3A_297 : vector<640x1xf32>
      %get3A_299 = arith.constant 0 : index
      %get3A_300 = arith.constant 5760 : index
      %get3A_301 = arith.constant 0 : index
      %get3A_302 = vector.load %arg1[%get3A_299, %get3A_300, %get3A_301] : memref<2x10240x128xf32, #tpu.memory_space<vmem>>, vector<1x640x128xf32>
      %get3A_303 = vector.shape_cast %get3A_302 : vector<1x640x128xf32> to vector<640x128xf32>
      %get3A_304 = arith.constant 1 : index
      %get3A_305 = arith.constant 5760 : index
      %get3A_306 = arith.constant 0 : index
      %get3A_307 = vector.load %arg1[%get3A_304, %get3A_305, %get3A_306] : memref<2x10240x128xf32, #tpu.memory_space<vmem>>, vector<1x640x128xf32>
      %get3A_308 = vector.shape_cast %get3A_307 : vector<1x640x128xf32> to vector<640x128xf32>
      %add3A_309 = arith.addf %get3A_303, %get3A_308 : vector<640x128xf32>
      %get3A_310 = arith.constant 5760 : index
      %get3A_311 = arith.constant 0 : index
      %get3A_312 = vector.load %arg2[%get3A_310, %get3A_311] : memref<10240x128xf32, #tpu.memory_space<vmem>>, vector<640x128xf32>
      %sub3A_313 = arith.subf %add3A_309, %get3A_312 : vector<640x128xf32>
      %mul3A_314 = vector.broadcast %rsqrt3A_298 : vector<640x1xf32> to vector<640x128xf32>
      %mul3A_315 = arith.mulf %sub3A_313, %mul3A_314 : vector<640x128xf32>
      %get3A_316 = arith.constant 0 : index
      %get3A_317 = arith.constant 0 : index
      %get3A_318 = vector.load %arg4[%get3A_316, %get3A_317] : memref<1x128xf32, #tpu.memory_space<vmem>>, vector<1x128xf32>
      %add3A_319 = vector.broadcast %get3A_318 : vector<1x128xf32> to vector<640x128xf32>
      %add3A_320 = arith.addf %mul3A_315, %add3A_319 : vector<640x128xf32>
      %max3A_321 = arith.constant 0.000000e+00 : f32
      %max3A_322 = vector.broadcast %max3A_321 : f32 to vector<640x128xf32>
      %max3A_323 = arith.maximumf %add3A_320, %max3A_322 : vector<640x128xf32>
      %swap3A_324 = arith.constant 5760 : index
      %swap3A_325 = arith.constant 0 : index
      %swap3A_326 = vector.load %arg6[%swap3A_324, %swap3A_325] : memref<10240x128xf32, #tpu.memory_space<vmem>>, vector<640x128xf32>
      tpu.vector_store %arg6[%swap3A_324, %swap3A_325], %max3A_323 {strides = array<i32>} : memref<10240x128xf32, #tpu.memory_space<vmem>>, vector<640x128xf32>,
      %get3A_327 = arith.constant 6400 : index
      %get3A_328 = arith.constant 0 : index
      %get3A_329 = vector.load %arg3[%get3A_327, %get3A_328] : memref<10240x1xf32, #tpu.memory_space<vmem>>, vector<640x1xf32>
      %rsqrt3A_330 = math.rsqrt %get3A_329 : vector<640x1xf32>
      %get3A_331 = arith.constant 0 : index
      %get3A_332 = arith.constant 6400 : index
      %get3A_333 = arith.constant 0 : index
      %get3A_334 = vector.load %arg1[%get3A_331, %get3A_332, %get3A_333] : memref<2x10240x128xf32, #tpu.memory_space<vmem>>, vector<1x640x128xf32>
      %get3A_335 = vector.shape_cast %get3A_334 : vector<1x640x128xf32> to vector<640x128xf32>
      %get3A_336 = arith.constant 1 : index
      %get3A_337 = arith.constant 6400 : index
      %get3A_338 = arith.constant 0 : index
      %get3A_339 = vector.load %arg1[%get3A_336, %get3A_337, %get3A_338] : memref<2x10240x128xf32, #tpu.memory_space<vmem>>, vector<1x640x128xf32>
      %get3A_340 = vector.shape_cast %get3A_339 : vector<1x640x128xf32> to vector<640x128xf32>
      %add3A_341 = arith.addf %get3A_335, %get3A_340 : vector<640x128xf32>
      %get3A_342 = arith.constant 6400 : index
      %get3A_343 = arith.constant 0 : index
      %get3A_344 = vector.load %arg2[%get3A_342, %get3A_343] : memref<10240x128xf32, #tpu.memory_space<vmem>>, vector<640x128xf32>
      %sub3A_345 = arith.subf %add3A_341, %get3A_344 : vector<640x128xf32>
      %mul3A_346 = vector.broadcast %rsqrt3A_330 : vector<640x1xf32> to vector<640x128xf32>
      %mul3A_347 = arith.mulf %sub3A_345, %mul3A_346 : vector<640x128xf32>
      %get3A_348 = arith.constant 0 : index
      %get3A_349 = arith.constant 0 : index
      %get3A_350 = vector.load %arg4[%get3A_348, %get3A_349] : memref<1x128xf32, #tpu.memory_space<vmem>>, vector<1x128xf32>
      %add3A_351 = vector.broadcast %get3A_350 : vector<1x128xf32> to vector<640x128xf32>
      %add3A_352 = arith.addf %mul3A_347, %add3A_351 : vector<640x128xf32>
      %max3A_353 = arith.constant 0.000000e+00 : f32
      %max3A_354 = vector.broadcast %max3A_353 : f32 to vector<640x128xf32>
      %max3A_355 = arith.maximumf %add3A_352, %max3A_354 : vector<640x128xf32>
      %swap3A_356 = arith.constant 6400 : index
      %swap3A_357 = arith.constant 0 : index
      %swap3A_358 = vector.load %arg6[%swap3A_356, %swap3A_357] : memref<10240x128xf32, #tpu.memory_space<vmem>>, vector<640x128xf32>
      tpu.vector_store %arg6[%swap3A_356, %swap3A_357], %max3A_355 {strides = array<i32>} : memref<10240x128xf32, #tpu.memory_space<vmem>>, vector<640x128xf32>,
      %get3A_359 = arith.constant 7040 : index
      %get3A_360 = arith.constant 0 : index
      %get3A_361 = vector.load %arg3[%get3A_359, %get3A_360] : memref<10240x1xf32, #tpu.memory_space<vmem>>, vector<640x1xf32>
      %rsqrt3A_362 = math.rsqrt %get3A_361 : vector<640x1xf32>
      %get3A_363 = arith.constant 0 : index
      %get3A_364 = arith.constant 7040 : index
      %get3A_365 = arith.constant 0 : index
      %get3A_366 = vector.load %arg1[%get3A_363, %get3A_364, %get3A_365] : memref<2x10240x128xf32, #tpu.memory_space<vmem>>, vector<1x640x128xf32>
      %get3A_367 = vector.shape_cast %get3A_366 : vector<1x640x128xf32> to vector<640x128xf32>
      %get3A_368 = arith.constant 1 : index
      %get3A_369 = arith.constant 7040 : index
      %get3A_370 = arith.constant 0 : index
      %get3A_371 = vector.load %arg1[%get3A_368, %get3A_369, %get3A_370] : memref<2x10240x128xf32, #tpu.memory_space<vmem>>, vector<1x640x128xf32>
      %get3A_372 = vector.shape_cast %get3A_371 : vector<1x640x128xf32> to vector<640x128xf32>
      %add3A_373 = arith.addf %get3A_367, %get3A_372 : vector<640x128xf32>
      %get3A_374 = arith.constant 7040 : index
      %get3A_375 = arith.constant 0 : index
      %get3A_376 = vector.load %arg2[%get3A_374, %get3A_375] : memref<10240x128xf32, #tpu.memory_space<vmem>>, vector<640x128xf32>
      %sub3A_377 = arith.subf %add3A_373, %get3A_376 : vector<640x128xf32>
      %mul3A_378 = vector.broadcast %rsqrt3A_362 : vector<640x1xf32> to vector<640x128xf32>
      %mul3A_379 = arith.mulf %sub3A_377, %mul3A_378 : vector<640x128xf32>
      %get3A_380 = arith.constant 0 : index
      %get3A_381 = arith.constant 0 : index
      %get3A_382 = vector.load %arg4[%get3A_380, %get3A_381] : memref<1x128xf32, #tpu.memory_space<vmem>>, vector<1x128xf32>
      %add3A_383 = vector.broadcast %get3A_382 : vector<1x128xf32> to vector<640x128xf32>
      %add3A_384 = arith.addf %mul3A_379, %add3A_383 : vector<640x128xf32>
      %max3A_385 = arith.constant 0.000000e+00 : f32
      %max3A_386 = vector.broadcast %max3A_385 : f32 to vector<640x128xf32>
      %max3A_387 = arith.maximumf %add3A_384, %max3A_386 : vector<640x128xf32>
      %swap3A_388 = arith.constant 7040 : index
      %swap3A_389 = arith.constant 0 : index
      %swap3A_390 = vector.load %arg6[%swap3A_388, %swap3A_389] : memref<10240x128xf32, #tpu.memory_space<vmem>>, vector<640x128xf32>
      tpu.vector_store %arg6[%swap3A_388, %swap3A_389], %max3A_387 {strides = array<i32>} : memref<10240x128xf32, #tpu.memory_space<vmem>>, vector<640x128xf32>,
      %get3A_391 = arith.constant 7680 : index
      %get3A_392 = arith.constant 0 : index
      %get3A_393 = vector.load %arg3[%get3A_391, %get3A_392] : memref<10240x1xf32, #tpu.memory_space<vmem>>, vector<640x1xf32>
      %rsqrt3A_394 = math.rsqrt %get3A_393 : vector<640x1xf32>
      %get3A_395 = arith.constant 0 : index
      %get3A_396 = arith.constant 7680 : index
      %get3A_397 = arith.constant 0 : index
      %get3A_398 = vector.load %arg1[%get3A_395, %get3A_396, %get3A_397] : memref<2x10240x128xf32, #tpu.memory_space<vmem>>, vector<1x640x128xf32>
      %get3A_399 = vector.shape_cast %get3A_398 : vector<1x640x128xf32> to vector<640x128xf32>
      %get3A_400 = arith.constant 1 : index
      %get3A_401 = arith.constant 7680 : index
      %get3A_402 = arith.constant 0 : index
      %get3A_403 = vector.load %arg1[%get3A_400, %get3A_401, %get3A_402] : memref<2x10240x128xf32, #tpu.memory_space<vmem>>, vector<1x640x128xf32>
      %get3A_404 = vector.shape_cast %get3A_403 : vector<1x640x128xf32> to vector<640x128xf32>
      %add3A_405 = arith.addf %get3A_399, %get3A_404 : vector<640x128xf32>
      %get3A_406 = arith.constant 7680 : index
      %get3A_407 = arith.constant 0 : index
      %get3A_408 = vector.load %arg2[%get3A_406, %get3A_407] : memref<10240x128xf32, #tpu.memory_space<vmem>>, vector<640x128xf32>
      %sub3A_409 = arith.subf %add3A_405, %get3A_408 : vector<640x128xf32>
      %mul3A_410 = vector.broadcast %rsqrt3A_394 : vector<640x1xf32> to vector<640x128xf32>
      %mul3A_411 = arith.mulf %sub3A_409, %mul3A_410 : vector<640x128xf32>
      %get3A_412 = arith.constant 0 : index
      %get3A_413 = arith.constant 0 : index
      %get3A_414 = vector.load %arg4[%get3A_412, %get3A_413] : memref<1x128xf32, #tpu.memory_space<vmem>>, vector<1x128xf32>
      %add3A_415 = vector.broadcast %get3A_414 : vector<1x128xf32> to vector<640x128xf32>
      %add3A_416 = arith.addf %mul3A_411, %add3A_415 : vector<640x128xf32>
      %max3A_417 = arith.constant 0.000000e+00 : f32
      %max3A_418 = vector.broadcast %max3A_417 : f32 to vector<640x128xf32>
      %max3A_419 = arith.maximumf %add3A_416, %max3A_418 : vector<640x128xf32>
      %swap3A_420 = arith.constant 7680 : index
      %swap3A_421 = arith.constant 0 : index
      %swap3A_422 = vector.load %arg6[%swap3A_420, %swap3A_421] : memref<10240x128xf32, #tpu.memory_space<vmem>>, vector<640x128xf32>
      tpu.vector_store %arg6[%swap3A_420, %swap3A_421], %max3A_419 {strides = array<i32>} : memref<10240x128xf32, #tpu.memory_space<vmem>>, vector<640x128xf32>,
      %get3A_423 = arith.constant 8320 : index
      %get3A_424 = arith.constant 0 : index
      %get3A_425 = vector.load %arg3[%get3A_423, %get3A_424] : memref<10240x1xf32, #tpu.memory_space<vmem>>, vector<640x1xf32>
      %rsqrt3A_426 = math.rsqrt %get3A_425 : vector<640x1xf32>
      %get3A_427 = arith.constant 0 : index
      %get3A_428 = arith.constant 8320 : index
      %get3A_429 = arith.constant 0 : index
      %get3A_430 = vector.load %arg1[%get3A_427, %get3A_428, %get3A_429] : memref<2x10240x128xf32, #tpu.memory_space<vmem>>, vector<1x640x128xf32>
      %get3A_431 = vector.shape_cast %get3A_430 : vector<1x640x128xf32> to vector<640x128xf32>
      %get3A_432 = arith.constant 1 : index
      %get3A_433 = arith.constant 8320 : index
      %get3A_434 = arith.constant 0 : index
      %get3A_435 = vector.load %arg1[%get3A_432, %get3A_433, %get3A_434] : memref<2x10240x128xf32, #tpu.memory_space<vmem>>, vector<1x640x128xf32>
      %get3A_436 = vector.shape_cast %get3A_435 : vector<1x640x128xf32> to vector<640x128xf32>
      %add3A_437 = arith.addf %get3A_431, %get3A_436 : vector<640x128xf32>
      %get3A_438 = arith.constant 8320 : index
      %get3A_439 = arith.constant 0 : index
      %get3A_440 = vector.load %arg2[%get3A_438, %get3A_439] : memref<10240x128xf32, #tpu.memory_space<vmem>>, vector<640x128xf32>
      %sub3A_441 = arith.subf %add3A_437, %get3A_440 : vector<640x128xf32>
      %mul3A_442 = vector.broadcast %rsqrt3A_426 : vector<640x1xf32> to vector<640x128xf32>
      %mul3A_443 = arith.mulf %sub3A_441, %mul3A_442 : vector<640x128xf32>
      %get3A_444 = arith.constant 0 : index
      %get3A_445 = arith.constant 0 : index
      %get3A_446 = vector.load %arg4[%get3A_444, %get3A_445] : memref<1x128xf32, #tpu.memory_space<vmem>>, vector<1x128xf32>
      %add3A_447 = vector.broadcast %get3A_446 : vector<1x128xf32> to vector<640x128xf32>
      %add3A_448 = arith.addf %mul3A_443, %add3A_447 : vector<640x128xf32>
      %max3A_449 = arith.constant 0.000000e+00 : f32
      %max3A_450 = vector.broadcast %max3A_449 : f32 to vector<640x128xf32>
      %max3A_451 = arith.maximumf %add3A_448, %max3A_450 : vector<640x128xf32>
      %swap3A_452 = arith.constant 8320 : index
      %swap3A_453 = arith.constant 0 : index
      %swap3A_454 = vector.load %arg6[%swap3A_452, %swap3A_453] : memref<10240x128xf32, #tpu.memory_space<vmem>>, vector<640x128xf32>
      tpu.vector_store %arg6[%swap3A_452, %swap3A_453], %max3A_451 {strides = array<i32>} : memref<10240x128xf32, #tpu.memory_space<vmem>>, vector<640x128xf32>,
      %get3A_455 = arith.constant 8960 : index
      %get3A_456 = arith.constant 0 : index
      %get3A_457 = vector.load %arg3[%get3A_455, %get3A_456] : memref<10240x1xf32, #tpu.memory_space<vmem>>, vector<640x1xf32>
      %rsqrt3A_458 = math.rsqrt %get3A_457 : vector<640x1xf32>
      %get3A_459 = arith.constant 0 : index
      %get3A_460 = arith.constant 8960 : index
      %get3A_461 = arith.constant 0 : index
      %get3A_462 = vector.load %arg1[%get3A_459, %get3A_460, %get3A_461] : memref<2x10240x128xf32, #tpu.memory_space<vmem>>, vector<1x640x128xf32>
      %get3A_463 = vector.shape_cast %get3A_462 : vector<1x640x128xf32> to vector<640x128xf32>
      %get3A_464 = arith.constant 1 : index
      %get3A_465 = arith.constant 8960 : index
      %get3A_466 = arith.constant 0 : index
      %get3A_467 = vector.load %arg1[%get3A_464, %get3A_465, %get3A_466] : memref<2x10240x128xf32, #tpu.memory_space<vmem>>, vector<1x640x128xf32>
      %get3A_468 = vector.shape_cast %get3A_467 : vector<1x640x128xf32> to vector<640x128xf32>
      %add3A_469 = arith.addf %get3A_463, %get3A_468 : vector<640x128xf32>
      %get3A_470 = arith.constant 8960 : index
      %get3A_471 = arith.constant 0 : index
      %get3A_472 = vector.load %arg2[%get3A_470, %get3A_471] : memref<10240x128xf32, #tpu.memory_space<vmem>>, vector<640x128xf32>
      %sub3A_473 = arith.subf %add3A_469, %get3A_472 : vector<640x128xf32>
      %mul3A_474 = vector.broadcast %rsqrt3A_458 : vector<640x1xf32> to vector<640x128xf32>
      %mul3A_475 = arith.mulf %sub3A_473, %mul3A_474 : vector<640x128xf32>
      %get3A_476 = arith.constant 0 : index
      %get3A_477 = arith.constant 0 : index
      %get3A_478 = vector.load %arg4[%get3A_476, %get3A_477] : memref<1x128xf32, #tpu.memory_space<vmem>>, vector<1x128xf32>
      %add3A_479 = vector.broadcast %get3A_478 : vector<1x128xf32> to vector<640x128xf32>
      %add3A_480 = arith.addf %mul3A_475, %add3A_479 : vector<640x128xf32>
      %max3A_481 = arith.constant 0.000000e+00 : f32
      %max3A_482 = vector.broadcast %max3A_481 : f32 to vector<640x128xf32>
      %max3A_483 = arith.maximumf %add3A_480, %max3A_482 : vector<640x128xf32>
      %swap3A_484 = arith.constant 8960 : index
      %swap3A_485 = arith.constant 0 : index
      %swap3A_486 = vector.load %arg6[%swap3A_484, %swap3A_485] : memref<10240x128xf32, #tpu.memory_space<vmem>>, vector<640x128xf32>
      tpu.vector_store %arg6[%swap3A_484, %swap3A_485], %max3A_483 {strides = array<i32>} : memref<10240x128xf32, #tpu.memory_space<vmem>>, vector<640x128xf32>,
      %get3A_487 = arith.constant 9600 : index
      %get3A_488 = arith.constant 0 : index
      %get3A_489 = vector.load %arg3[%get3A_487, %get3A_488] : memref<10240x1xf32, #tpu.memory_space<vmem>>, vector<640x1xf32>
      %rsqrt3A_490 = math.rsqrt %get3A_489 : vector<640x1xf32>
      %get3A_491 = arith.constant 0 : index
      %get3A_492 = arith.constant 9600 : index
      %get3A_493 = arith.constant 0 : index
      %get3A_494 = vector.load %arg1[%get3A_491, %get3A_492, %get3A_493] : memref<2x10240x128xf32, #tpu.memory_space<vmem>>, vector<1x640x128xf32>
      %get3A_495 = vector.shape_cast %get3A_494 : vector<1x640x128xf32> to vector<640x128xf32>
      %get3A_496 = arith.constant 1 : index
      %get3A_497 = arith.constant 9600 : index
      %get3A_498 = arith.constant 0 : index
      %get3A_499 = vector.load %arg1[%get3A_496, %get3A_497, %get3A_498] : memref<2x10240x128xf32, #tpu.memory_space<vmem>>, vector<1x640x128xf32>
      %get3A_500 = vector.shape_cast %get3A_499 : vector<1x640x128xf32> to vector<640x128xf32>
      %add3A_501 = arith.addf %get3A_495, %get3A_500 : vector<640x128xf32>
      %get3A_502 = arith.constant 9600 : index
      %get3A_503 = arith.constant 0 : index
      %get3A_504 = vector.load %arg2[%get3A_502, %get3A_503] : memref<10240x128xf32, #tpu.memory_space<vmem>>, vector<640x128xf32>
      %sub3A_505 = arith.subf %add3A_501, %get3A_504 : vector<640x128xf32>
      %mul3A_506 = vector.broadcast %rsqrt3A_490 : vector<640x1xf32> to vector<640x128xf32>
      %mul3A_507 = arith.mulf %sub3A_505, %mul3A_506 : vector<640x128xf32>
      %get3A_508 = arith.constant 0 : index
      %get3A_509 = arith.constant 0 : index
      %get3A_510 = vector.load %arg4[%get3A_508, %get3A_509] : memref<1x128xf32, #tpu.memory_space<vmem>>, vector<1x128xf32>
      %add3A_511 = vector.broadcast %get3A_510 : vector<1x128xf32> to vector<640x128xf32>
      %add3A_512 = arith.addf %mul3A_507, %add3A_511 : vector<640x128xf32>
      %max3A_513 = arith.constant 0.000000e+00 : f32
      %max3A_514 = vector.broadcast %max3A_513 : f32 to vector<640x128xf32>
      %max3A_515 = arith.maximumf %add3A_512, %max3A_514 : vector<640x128xf32>
      %swap3A_516 = arith.constant 9600 : index
      %swap3A_517 = arith.constant 0 : index
      %swap3A_518 = vector.load %arg6[%swap3A_516, %swap3A_517] : memref<10240x128xf32, #tpu.memory_space<vmem>>, vector<640x128xf32>
      tpu.vector_store %arg6[%swap3A_516, %swap3A_517], %max3A_515 {strides = array<i32>} : memref<10240x128xf32, #tpu.memory_space<vmem>>, vector<640x128xf32>,
    } else {
    }
    %mul3A = arith.constant 256 : i32
    %mul3A_2 = arith.muli %arg0, %mul3A : i32
    %get3A = arith.index_cast %mul3A_2 : i32 to index
    %get3A_3 = arith.constant 0 : index
    %get3A_4 = vector.load %arg6[%get3A, %get3A_3] : memref<10240x128xf32, #tpu.memory_space<vmem>>, vector<256x128xf32>
    %get3A_5 = arith.constant 0 : index
    %get3A_6 = arith.constant 0 : index
    %get3A_7 = vector.load %arg6[%get3A_5, %get3A_6] : memref<10240x128xf32, #tpu.memory_space<vmem>>, vector<10240x128xf32>
    %dot_general3A = arith.constant dense<0.000000e+00> : vector<256x10240xf32>
    %dot_general3A_8 = tpu.matmul %get3A_4, %get3A_7, %dot_general3A {dimension_numbers = #tpu.dot_dimension_numbers<[1], [1], [0], [0], [0, 0, 1, 0], [], []>, transpose_lhs_hint = false} : vector<256x128xf32>, vector<10240x128xf32>, vector<256x10240xf32> -> vector<256x10240xf32>
    %swap3A = arith.constant 0 : index
    %swap3A_9 = arith.constant 0 : index
    %swap3A_10 = vector.load %arg5[%swap3A, %swap3A_9] : memref<256x10240xf32, #tpu.memory_space<vmem>>, vector<256x10240xf32>
    tpu.vector_store %arg5[%swap3A, %swap3A_9], %dot_general3A_8 {strides = array<i32>} : memref<256x10240xf32, #tpu.memory_space<vmem>>, vector<256x10240xf32>,
    return
  }
  func.func @transform_0(%arg0: i32) -> (i32, i32, i32) {
    %c0_i32 = arith.constant 0 : i32
    %c0_i32_0 = arith.constant 0 : i32
    %c0_i32_1 = arith.constant 0 : i32
    %c0_i32_2 = arith.constant 0 : i32
    return %c0_i32, %c0_i32_0, %c0_i32_1 : i32, i32, i32
  }
  func.func @transform_1(%arg0: i32) -> (i32, i32) {
    %c0_i32 = arith.constant 0 : i32
    %c0_i32_0 = arith.constant 0 : i32
    %c0_i32_1 = arith.constant 0 : i32
    return %c0_i32, %c0_i32_0 : i32, i32
  }
  func.func @transform_2(%arg0: i32) -> (i32, i32) {
    %c0_i32 = arith.constant 0 : i32
    %c0_i32_0 = arith.constant 0 : i32
    %c0_i32_1 = arith.constant 0 : i32
    return %c0_i32, %c0_i32_0 : i32, i32
  }
  func.func @transform_3(%arg0: i32) -> (i32, i32) {
    %c0_i32 = arith.constant 0 : i32
    %c0_i32_0 = arith.constant 0 : i32
    %c0_i32_1 = arith.constant 0 : i32
    return %c0_i32, %c0_i32_0 : i32, i32
  }
  func.func @transform_4(%arg0: i32) -> (i32, i32) {
    %c0_i32 = arith.constant 0 : i32
    %c0_i32_0 = arith.constant 0 : i32
    return %arg0, %c0_i32 : i32, i32
  }
}

</mosaic_0001>

<sc_bundles>
// kernel: kernel.6.cloned.1.call-start
scs
__scs_entry_jumppad:
0x0: {  	(pc) =	sbr.rel $0x88, $3  }
0x1: {  	(tag) =	ssettag $0x0;
	lr =	simm.s32 $0x1  }
0x2: {  	[smem:$0x3F9D] =	sst lr;
	_ =	strace $0xD0000000  }
0x3: {  	_ = 	snop  }
0x4: {  	_ = 	snop  }
0x5: {  	_ = 	snop  }
0x6: {  	_ = 	snop  }
0x7: {  	_ = 	snop  }
__scs_overlays_trampoline_lowered:
0x8: {  	[smem:$0x3FAC] =	sst s0  }
0x9: {  	[smem:$0x3FAD] =	sst s1  }
0xa: {  	[smem:$0x3FAE] =	sst s2  }
0xb: {  	[smem:$0x3FAF] =	sst s3  }
0xc: {  	[smem:$0x3FB0] =	sst s4  }
0xd: {  	[smem:$0x3FB1] =	sst s5  }
0xe: {  	[smem:$0x3FB2] =	sst s6  }
0xf: {  	[smem:$0x3FB3] =	sst s7  }
0x10: {  	[smem:$0x3FB4] =	sst s8  }
0x11: {  	[smem:$0x3FB5] =	sst s9;
	s0 =	simm.s32 @!p0 $0x0  }
0x12: {  	s1 =	sld [smem:$0x3F9B];
	s0 =	simm.s32 @p0 $0x1  }
0x13: {  	[smem:$0x3FB6] =	sst s0;
	s0 =	simm.s32 @!p1 $0x0  }
0x14: {  	s2 =	sld [smem:$0x3F9A];
	s0 =	simm.s32 @p1 $0x1  }
0x15: {  	[smem:$0x3FB7] =	sst s0;
	s0 =	simm.s32 @!p2 $0x0  }
0x16: {  	s3 =	sld [smem:$0x3FDB];
	s0 =	simm.s32 @p2 $0x1  }
0x17: {  	s4 =	simm.s32 $0x1BF5;
	[smem:$0x3FB9] =	sst s0  }
0x18: {  	s0 =	sld [smem:$0x3F9C];
	_ =	swait.ge [sflag:s4], $0x0  }
0x19: {  	s7 =	sld [smem:$0x3F9D]  }
0x1a: {  	s8 =	sadd.s32 $0xFFFFE003, lr  }
0x1b: {  	s9 =	sadd.s32 $0xFFFFFEF7, lr;
	s5 =	simm.s32 $0xFFFFFFFF;
	p2 =	slt.u32 s8, $0xFFFFF086  }
0x1c: {  	p1 =	slt.u32 s9, $0xF7A;
	s5 =	simm.s32 @!p2 $0x0  }
0x1d: {  	s5 =	simm.s32 @p1 $0x1;
	p0 =	seq.s32 s7, s2  }
0x1e: {  	s7 =	smul.u32 @!p0 $0xF7A, s2;
	p2 =	seq.s32 @!p0 s5, $0x0  }
0x1f: {  	s9 =	smul.u32 $0xF7A, s1;
	s8 =	simm.s32 @!p0 $0x1BF5;
	p2 =	por !p2, p0  }
0x20: {  	[sflag:s8] =	ssyncset.s32 @!p0 $0xFFFFF086;
	s6 =	sadd.s32 @!p0 s3, s7;
	s7 =	simm.s32 @!p0 $0x108  }
0x21: {  	s3 =	sadd.s32 s3, s9;
	s6 =	sadd.s32 @!p0 $0x88, s6;
	s7 =	simm.s32 @p2 $0x1082  }
0x22: {  	[simem:s7], [sflag:s8] =	dma.local @!p0 [hbm:s6], $0xF7A  }
0x23: {  	s9 =	sor.u32 $0xD0000000, s2;
	s6 =	simm.s32 $0x108;
	_ =	swait.ge @!p0 [sflag:s8], $0x0  }
0x24: {  	s3 =	sadd.s32 $0x88, s3;
	s6 =	simm.s32 @!p1 $0x1082;
	[sflag:s4] =	ssyncset.s32 $0xFFFFF086  }
0x25: {  	[simem:s6], [sflag:s4] =	dma.local [hbm:s3], $0xF7A  }
0x26: {  	[smem:$0x3F9D] =	sst s1;
	(tag) =	ssettag s2;
	_ =	strace s9  }
0x27: {  	s1 =	sld [smem:$0x3FAD]  }
0x28: {  	s2 =	sld [smem:$0x3FAE]  }
0x29: {  	s4 =	sld [smem:$0x3FB0]  }
0x2a: {  	p0 =	seq.s32 s5, $0x0;
	s5 =	sld [smem:$0x3FB1]  }
0x2b: {  	s6 =	sld [smem:$0x3FB2]  }
0x2c: {  	s7 =	sld [smem:$0x3FB3]  }
0x2d: {  	s3 =	simm.s32 $0x108;
	s8 =	sld [smem:$0x3FB4]  }
0x2e: {  	s3 =	simm.s32 @!p0 $0x1082;
	s9 =	sld [smem:$0x3FB5]  }
0x2f: {  	lr =	sadd.s32 s0, s3;
	s0 =	sld [smem:$0x3FAC]  }
0x30: {  	s3 =	sld [smem:$0x3FAF]  }
0x31: {  	[smem:$0x3FB8] =	sst s10  }
0x32: {  	s10 =	sld [smem:$0x3FB6];
	_ =	sdelay $0x3  }
0x33: {  	p0 =	seq.s32 s10, $0x1;
	s10 =	sld [smem:$0x3FB8];
	_ =	sdelay $0x3  }
0x34: {  	[smem:$0x3FB8] =	sst s10  }
0x35: {  	s10 =	sld [smem:$0x3FB7];
	_ =	sdelay $0x3  }
0x36: {  	p1 =	seq.s32 s10, $0x1;
	s10 =	sld [smem:$0x3FB8];
	_ =	sdelay $0x3  }
0x37: {  	[smem:$0x3FB8] =	sst s10  }
0x38: {  	s10 =	sld [smem:$0x3FB9]  }
0x39: {  	_ = 	snop;
	(pc) =	sbr.ind lr, $3  }
0x3a: {  	_ = 	snop  }
0x3b: {  	_ = 	snop  }
0x3c: {  	p2 =	seq.s32 s10, $0x1;
	s10 =	sld [smem:$0x3FB8]  }
0x3d: {  	_ =	shalt  }
0x3e: {  	_ =	shalt  }
0x3f: {  	_ =	shalt  }
0x40: {  	_ =	shalt  }
0x41: {  	_ =	shalt  }
0x42: {  	_ =	shalt  }
0x43: {  	_ =	shalt  }
0x44: {  	_ =	shalt  }
0x45: {  	_ =	shalt  }
0x46: {  	_ =	shalt  }
0x47: {  	_ =	shalt  }
0x48: {  	_ =	shalt  }
0x49: {  	_ =	shalt  }
0x4a: {  	_ =	shalt  }
0x4b: {  	_ =	shalt  }
0x4c: {  	_ =	shalt  }
0x4d: {  	_ =	shalt  }
0x4e: {  	_ =	shalt  }
0x4f: {  	_ =	shalt  }
0x50: {  	_ =	shalt  }
0x51: {  	_ =	shalt  }
0x52: {  	_ =	shalt  }
0x53: {  	_ =	shalt  }
0x54: {  	_ =	shalt  }
0x55: {  	_ =	shalt  }
0x56: {  	_ =	shalt  }
0x57: {  	_ =	shalt  }
0x58: {  	_ =	shalt  }
0x59: {  	_ =	shalt  }
0x5a: {  	_ =	shalt  }
0x5b: {  	_ =	shalt  }
0x5c: {  	_ =	shalt  }
0x5d: {  	_ =	shalt  }
0x5e: {  	_ =	shalt  }
0x5f: {  	_ =	shalt  }
0x60: {  	_ =	shalt  }
0x61: {  	_ =	shalt  }
0x62: {  	_ =	shalt  }
0x63: {  	_ =	shalt  }
0x64: {  	_ =	shalt  }
0x65: {  	_ =	shalt  }
0x66: {  	_ =	shalt  }
0x67: {  	_ =	shalt  }
0x68: {  	_ =	shalt  }
0x69: {  	_ =	shalt  }
0x6a: {  	_ =	shalt  }
0x6b: {  	_ =	shalt  }
0x6c: {  	_ =	shalt  }
0x6d: {  	_ =	shalt  }
0x6e: {  	_ =	shalt  }
0x6f: {  	_ =	shalt  }
0x70: {  	_ =	shalt  }
0x71: {  	_ =	shalt  }
0x72: {  	_ =	shalt  }
0x73: {  	_ =	shalt  }
0x74: {  	_ =	shalt  }
0x75: {  	_ =	shalt  }
0x76: {  	_ =	shalt  }
0x77: {  	_ =	shalt  }
0x78: {  	_ =	shalt  }
0x79: {  	_ =	shalt  }
0x7a: {  	_ =	shalt  }
0x7b: {  	_ =	shalt  }
0x7c: {  	_ =	shalt  }
0x7d: {  	_ =	shalt  }
0x7e: {  	_ =	shalt  }
0x7f: {  	_ =	shalt  }
0x80: {  	_ =	shalt  }
0x81: {  	_ =	shalt  }
0x82: {  	_ =	shalt  }
0x83: {  	_ =	shalt  }
0x84: {  	_ =	shalt  }
0x85: {  	_ =	shalt  }
0x86: {  	_ =	shalt  }
0x87: {  	_ =	shalt  }
.Lfunc_end0:
.L_simem_size_0:
called_computation_lowered:
.L_overlay_start_0:
0x88: {  	s2 =	sld [smem:$0x3FD9]  }
0x89: {  	s3 =	sld [smem:$0x3FFE];
	_ =	sdelay $0x1  }
0x8a: {  	s1 =	srdreg.scid  }
0x8b: {  	s0 =	sand.u32 $0x1, s1  }
0x8c: {  	s17 =	sshll.u32 s0, $0xA;
	s2 =	sadd.s32 s3, s2  }
0x8d: {  	s2 =	sadd.s32 s2, s17  }
0x8e: {  	[smem:$0x3FC4] =	sst s2  }
0x8f: {  	_ = 	snop  }
0x90: {  	s2 =	sld [smem:$0x3FD0];
	(tm) =	ssettm $0x1  }
0x91: {  	s18 =	sld [smem:$0x3FFB];
	_ =	sdelay $0x3  }
0x92: {  	_ =	strace s18  }
0x93: {  	s3 =	sld [smem:$0x3FFC];
	_ =	sdelay $0x3  }
0x94: {  	_ =	strace s3  }
0x95: {  	s3 =	sld [smem:$0x3FFD];
	_ =	sdelay $0x3  }
0x96: {  	_ =	strace s3  }
0x97: {  	_ =	strace $0x8FFFFFFF  }
0x98: {  	s19 =	sld [smem:$0x3FDB];
	_ =	sdelay $0x1  }
0x99: {  	s4 =	simm.s32 $_scs_section_size  }
0x9a: {  	s5 =	simm.s32 $_size__tile_overlayer_lowered;
	s6 =	simm.s32 $_tile_overlayer_lowered  }
0x9b: {  	s22 =	simm.s32 $0x1BFF;
	s21 =	sshll.u32 s6, $0x1;
	s3 =	sadd.s32 s4, s19  }
0x9c: {  	s7 =	simm.s32 $0x0;
	s20 =	sshll.u32 s5, $0x1;
	s5 =	sadd.s32 s21, s3  }
0x9d: {  	[timem:s7], [sflag:s22] =	dma.local [hbm:s5], s20  }
0x9e: {  	_ =	swait.ge [sflag:s22], s20  }
0x9f: {  	s4 =	ssub.s32 $0x0, s20;
	[sflag:s22] =	ssyncset.done $0x0  }
0xa0: {  	[sflag:s22] =	ssyncadd.s32 s4;
	_ =	sdelay $0x1  }
0xa1: {  	s23 =	simm.s32 $0x1B8B  }
0xa2: {  	_ =	swait.ge [sflag:s23], $0x1  }
0xa3: {  	[sflag:s23] =	ssyncset.done $0x0  }
0xa4: {  	s25 =	simm.s32 $0x1B8E;
	s24 =	sld [smem:$0x3FFE];
	[sflag:s23] =	ssyncadd.s32 $0xFFFFFFFF  }
0xa5: {  	s26 =	simm.s32 $execute0_lowered;
	[smem:$0x3FD2] =	sst s25  }
0xa6: {  	s5 =	sshll.u32 s26, $0x1;
	_ =	strace $0x80000046;
	[dreg:$0x1] =	wrdreg $0xFFFFFFFF  }
0xa7: {  	s28 =	simm.s32 $_size_execute0_lowered;
	s3 =	sadd.s32 s3, s5;
	[dreg:$0x0] =	wrdreg $0x0  }
0xa8: {  	s5 =	sshll.u32 s28, $0x1;
	[dreg:$0x2] =	wrdreg s3  }
0xa9: {  	[dreg:$0x3] =	wrdreg s5  }
0xaa: {  	[dreg:$0x4] =	wrdreg $0xC0  }
0xab: {  	_ =	task [dreg:s7], $0x5FFFF  }
0xac: {  	[dreg:$0x1] =	wrdreg $0xFFFFFFFF  }
0xad: {  	[dreg:$0x0] =	wrdreg $0x60  }
0xae: {  	[dreg:$0x2] =	wrdreg s24  }
0xaf: {  	[dreg:$0x3] =	wrdreg s2  }
0xb0: {  	[dreg:$0x4] =	wrdreg $0x66800  }
0xb1: {  	[dreg:$0x5] =	wrdreg $0x9  }
0xb2: {  	_ =	task.clear_ibuf [dreg:s7], $0x6FFFF;
	_ =	strace $0x90000046  }
0xb3: {  	s29 =	simm.s32 $0x9;
	_ =	strace $0x80000048  }
0xb4: {  	_ =	swait.ge [sflag:s29], $0x1  }
0xb5: {  	[sflag:s29] =	ssyncadd.s32 $0xFFFFFFFF  }
0xb6: {  	_ =	strace $0x90000048  }
0xb7: {  	_ =	sfence  }
0xb8: {  	s30 =	sld [smem:$0x0];
	_ =	sdelay $0x2  }
0xb9: {  	s31 =	sshll.u32 s1, $0xD;
	s1 =	sshrl.u32 s1, $0x2  }
0xba: {  	s3 =	sand.u32 $0x4000, s31;
	s1 =	sadd.s32 s1, s30  }
0xbb: {  	s0 =	sor.u32 s3, s0;
	s1 =	sshll.u32 s1, $0x11  }
0xbc: {  	s0 =	sor.u32 s1, s0  }
0xbd: {  	s0 =	sadd.s32 $0x8F2B, s0  }
0xbe: {  	[sflag:s0] =	ssyncadd.remote.s32 $0x1  }
0xbf: {  	_ =	sfence.sel $0xFFFF  }
0xc0: {  	[dreg:$0x0] =	wrdreg $0xFFFFFFFF;
	(pc) =	sbr.abs _section_cstart, $3  }
0xc1: {  	[dreg:$0x1] =	wrdreg $0xFFFFFFFF  }
0xc2: {  	_ =	task.clear_ibuf [dreg:s7], $0x2FFFF;
	_ =	strace $0x9FFFFFFF  }
0xc3: {  	(tm) =	ssettm $0x7FFFFFFF  }
tec
execute0_lowered:
.L_overlay_start_1:
0x0: {  	(tag) =	ssettag $0x1  }
0x1: {  	s3 =	rddreg [dreg:$0x0]  }
0x2: {  	s8 =	rddreg [dreg:$0x1]  }
0x3: {  	s7 =	rddreg [dreg:$0x2]  }
0x4: {  	s0 =	rddreg [dreg:$0x3];
	s2 =	simm.s32 $0x0;
	s4 =	srdreg.scid  }
0x5: {  	s1 =	stileid.u32;
	s13 =	simm.s32 $0x400;
	s14 =	simm.s32 $0xC00  }
0x6: {  	s15 =	simm.s32 $0xC000;
	s17 =	simm.s32 $0x9680;
	s18 =	simm.s32 $0x0  }
0x7: {  	[smem:$0x7FF] =	sst s2;
	s4 =	sand.u32 $0x1, s4;
	s6 =	smul.u32 $0x4E00, s1  }
0x8: {  	s9 =	sadd.s32 $0x1A00, s3;
	s3 =	sadd.s32 $0x15400, s3;
	s28 =	sshrl.u32 s1, $0x3  }
0x9: {  	s29 =	sshll.u32 s1, $0x4;
	s11 =	smul.u32 $0x3000, s1;
	s30 =	sshll.u32 s1, $0x7  }
0xa: {  	s12 =	smul.u32 $0x180, s1;
	p0 =	sgt.u32 s1, $0x3;
	s5 =	ssub.s32 $0x2, s4  }
0xb: {  	_ =	strace $0x80000047;
	s16 =	smul.u32 $0x1800, s4;
	s10 =	sshrl.u32 s5, $0x1  }
0xc: {  	s26 =	sshrl.u32 s6, $0x3;
	s6 =	smul.u32 $0x30000, s28;
	s11 =	sshrl.u32 s11, $0x2  }
0xd: {  	s10 =	ssub.s32 s5, s10;
	s4 =	sadd.s32 s9, s26;
	s5 =	sadd.s32 s29, s9  }
0xe: {  	s9 =	sand.u32 $0x380, s30;
	s12 =	sadd.s32 s12, s16;
	v0 =	vmov s16;
	s16 =	simm.s32 $0x7E80  }
0xf: {  	s4 =	sadd.s32 $0x9C40, s4;
	s5 =	sadd.s32 $0x13840, s5;
	s6 =	sshrl.u32 s6, $0x2  }
0x10: {  	s31 =	sshrl.u32 s12, $0x3;
	s12 =	simm.s32 $0x80;
	s6 =	sadd.s32 s6, s7  }
0x11: {  	s7 =	sadd.s32 s11, s7;
	s8 =	sadd.s32 s8, s31;
	s11 =	simm.s32 $0x1  }
0x12: {  	v1 =	vimm.f32 $1.000000000e+00;
	s6 =	sadd.s32 s9, s6;
	s9 =	smax.u32 s10, $0x1;
	s10 =	simm.s32 $0x4E80  }
.LBB2_1:
0x13: {  	[tilespmem:s10], [sflag:$0x1] =	stream.linear.gather [hbm4b:s3+s2], $0x1800, $0x38;
	[tilespmem:$0x9800] =	vst v63  }
0x14: {  	_ =	swait.ge [sflag:s11], $0x1800  }
0x15: {  	[sflag:s11] =	ssyncset.done $0x0  }
0x16: {  	[sflag:s11] =	ssyncadd.s32 $0xFFFFE800  }
0x17: {  	[tilespmem:s2], [sflag:$0x1] =	stream.linear.gather [hbm4b:s4+s2], $0x4E00, $0x38;
	[tilespmem:$0x9800] =	vst v63  }
0x18: {  	_ =	swait.ge [sflag:s11], $0x4E00  }
0x19: {  	[sflag:s11] =	ssyncset.done $0x0  }
0x1a: {  	s19 =	simm.s32 @!p0 $0x0;
	s20 =	simm.s32 @!p0 $0x4E00;
	[sflag:s11] =	ssyncadd.s32 $0xFFFFB200  }
0x1b: {  	[tilespmem:s20], [sflag:$0x1] =	stream.linear.gather @!p0 [hbm4b:s5+s19], $0x80, $0x38;
	[tilespmem:$0x9800] =	vst v63  }
0x1c: {  	s20 =	simm.s32 @!p0 $0x1  }
0x1d: {  	_ =	swait.ge @!p0 [sflag:s20], $0x80  }
0x1e: {  	s19 =	simm.s32 @!p0 $0x9D;
	[sflag:s20] =	ssyncset.done @!p0 $0x0  }
0x1f: {  	s19 =	simm.s32 @p0 $0x9C;
	[sflag:s20] =	ssyncadd.s32 @!p0 $0xFFFFFF80;
	s20 =	simm.s32 $0x40  }
.LBB2_2:
0x20: {  	v2 =	vld [tilespmem:s20+$0xFFFFFFC0];
	_ =	sdelay $0x4  }
0x21: {  	v2 =	vsub.s32 v2, v0  }
0x22: {  	vm0 =	vgt.s32 v2, $0x0  }
0x23: {  	vm1 =	vlt.u32 v2, $0x1800;
	v2 =	vnsel vm0, $0x0, v2  }
0x24: {  	v2 =	vmin.u32 v2, $0x17FF;
	_ =	sdelay $0x4  }
0x25: {  	[tilespmem:v2+s10+$0x0] =	vst.idx.add.f32.msk vm1, v1  }
0x26: {  	v2 =	vld [tilespmem:s20+$0xFFFFFFD0];
	_ =	sdelay $0x4  }
0x27: {  	v2 =	vsub.s32 v2, v0  }
0x28: {  	vm14 =	vgt.s32 v2, $0x0  }
0x29: {  	vm15 =	vlt.u32 v2, $0x1800;
	v2 =	vnsel vm14, $0x0, v2  }
0x2a: {  	v2 =	vmin.u32 v2, $0x17FF;
	_ =	sdelay $0x4  }
0x2b: {  	[tilespmem:v2+s10+$0x0] =	vst.idx.add.f32.msk vm15, v1  }
0x2c: {  	v2 =	vld [tilespmem:s20+$0xFFFFFFE0];
	_ =	sdelay $0x4  }
0x2d: {  	v2 =	vsub.s32 v2, v0  }
0x2e: {  	vm4 =	vgt.s32 v2, $0x0  }
0x2f: {  	vm5 =	vlt.u32 v2, $0x1800;
	v2 =	vnsel vm4, $0x0, v2  }
0x30: {  	v2 =	vmin.u32 v2, $0x17FF;
	_ =	sdelay $0x4  }
0x31: {  	[tilespmem:v2+s10+$0x0] =	vst.idx.add.f32.msk vm5, v1  }
0x32: {  	v2 =	vld [tilespmem:s20+$0xFFFFFFF0];
	_ =	sdelay $0x4  }
0x33: {  	v2 =	vsub.s32 v2, v0  }
0x34: {  	vm6 =	vgt.s32 v2, $0x0  }
0x35: {  	vm7 =	vlt.u32 v2, $0x1800;
	v2 =	vnsel vm6, $0x0, v2  }
0x36: {  	v2 =	vmin.u32 v2, $0x17FF;
	_ =	sdelay $0x4  }
0x37: {  	[tilespmem:v2+s10+$0x0] =	vst.idx.add.f32.msk vm7, v1  }
0x38: {  	v2 =	vld [tilespmem:s20+$0x0];
	_ =	sdelay $0x4  }
0x39: {  	v2 =	vsub.s32 v2, v0  }
0x3a: {  	vm8 =	vgt.s32 v2, $0x0  }
0x3b: {  	vm9 =	vlt.u32 v2, $0x1800;
	v2 =	vnsel vm8, $0x0, v2  }
0x3c: {  	v2 =	vmin.u32 v2, $0x17FF;
	_ =	sdelay $0x4  }
0x3d: {  	[tilespmem:v2+s10+$0x0] =	vst.idx.add.f32.msk vm9, v1  }
0x3e: {  	v2 =	vld [tilespmem:s20+$0x10];
	_ =	sdelay $0x4  }
0x3f: {  	v2 =	vsub.s32 v2, v0  }
0x40: {  	vm10 =	vgt.s32 v2, $0x0  }
0x41: {  	vm11 =	vlt.u32 v2, $0x1800;
	v2 =	vnsel vm10, $0x0, v2  }
0x42: {  	v2 =	vmin.u32 v2, $0x17FF;
	_ =	sdelay $0x4  }
0x43: {  	[tilespmem:v2+s10+$0x0] =	vst.idx.add.f32.msk vm11, v1  }
0x44: {  	v2 =	vld [tilespmem:s20+$0x20];
	_ =	sdelay $0x4  }
0x45: {  	v2 =	vsub.s32 v2, v0  }
0x46: {  	vm12 =	vgt.s32 v2, $0x0  }
0x47: {  	vm13 =	vlt.u32 v2, $0x1800;
	v2 =	vnsel vm12, $0x0, v2  }
0x48: {  	v2 =	vmin.u32 v2, $0x17FF;
	_ =	sdelay $0x4  }
0x49: {  	[tilespmem:v2+s10+$0x0] =	vst.idx.add.f32.msk vm13, v1  }
0x4a: {  	v2 =	vld [tilespmem:s20+$0x30];
	_ =	sdelay $0x4  }
0x4b: {  	v2 =	vsub.s32 v2, v0  }
0x4c: {  	vm14 =	vgt.s32 v2, $0x0  }
0x4d: {  	vm15 =	vlt.u32 v2, $0x1800;
	v2 =	vnsel vm14, $0x0, v2  }
0x4e: {  	p1 =	sne.s32 s19, $0x1;
	v2 =	vmin.u32 v2, $0x17FF  }
.Ltmp0:
0x4f: {  	_ = 	snop;
	(pc) =	sbr.rel @p1 .LBB2_2-.Ltmp0, $2  }
0x50: {  	_ =	sdelay $0x2  }
0x51: {  	s19 =	sadd.s32 $0xFFFFFFFF, s19;
	s20 =	sadd.s32 $0x80, s20;
	[tilespmem:v2+s10+$0x0] =	vst.idx.add.f32.msk vm15, v1  }
0x52: {  	[spmem:s6] =	stream.strided.scatter [tilespmem:s10], [sflag:$0x1], $0x1800, s13, s12, $0x38;
	[tilespmem:$0x9800] =	vst v63  }
0x53: {  	_ =	swait.ge [sflag:s11], $0x1800  }
0x54: {  	[sflag:s11] =	ssyncset.done $0x0  }
0x55: {  	[sflag:s11] =	ssyncadd.s32 $0xFFFFE800  }
0x56: {  	[bflag:$0x0] =	sbarrier.arrive $0xFFFF  }
0x57: {  	[tilespmem:s16], [sflag:$0x1] =	stream.strided.gather [spmem:s7], $0x1800, s15, s14, $0x38;
	[tilespmem:$0x9800] =	vst v63  }
0x58: {  	_ =	swait.ge [sflag:s11], $0x1800  }
0x59: {  	[sflag:s11] =	ssyncset.done $0x0  }
0x5a: {  	[sflag:s11] =	ssyncadd.s32 $0xFFFFE800  }
0x5b: {  	v14 =	vld [tilespmem:$0x7E80]  }
0x5c: {  	v12 =	vld [tilespmem:$0x7F00]  }
0x5d: {  	v17 =	vld [tilespmem:$0x7F80]  }
0x5e: {  	v22 =	vld [tilespmem:$0x8000]  }
0x5f: {  	v25 =	vld [tilespmem:$0x8080]  }
0x60: {  	v29 =	vld [tilespmem:$0x8100]  }
0x61: {  	v35 =	vld [tilespmem:$0x8180]  }
0x62: {  	v39 =	vld [tilespmem:$0x8200]  }
0x63: {  	v46 =	vld [tilespmem:$0x8A80]  }
0x64: {  	v51 =	vld [tilespmem:$0x8B00]  }
0x65: {  	v54 =	vld [tilespmem:$0x8B80]  }
0x66: {  	v62 =	vld [tilespmem:$0x8C00]  }
0x67: {  	v61 =	vld [tilespmem:$0x8D30]  }
0x68: {  	v2 =	vld [tilespmem:$0x8C80]  }
0x69: {  	v3 =	vld [tilespmem:$0x7E90]  }
0x6a: {  	v4 =	vld [tilespmem:$0x7F90]  }
0x6b: {  	v6 =	vld [tilespmem:$0x8010]  }
0x6c: {  	[tilespmem:$0x1F660] =	vst v61;
	v61 =	vld [tilespmem:$0x8CD0]  }
0x6d: {  	v8 =	vld [tilespmem:$0x8090]  }
0x6e: {  	v10 =	vld [tilespmem:$0x8110]  }
0x6f: {  	v15 =	vld [tilespmem:$0x8190]  }
0x70: {  	v18 =	vld [tilespmem:$0x8210]  }
0x71: {  	[tilespmem:$0x1F730] =	vst v61;
	v61 =	vld [tilespmem:$0x7F60]  }
0x72: {  	v24 =	vld [tilespmem:$0x8A90]  }
0x73: {  	v26 =	vld [tilespmem:$0x8B10]  }
0x74: {  	v31 =	vld [tilespmem:$0x8B90]  }
0x75: {  	v37 =	vld [tilespmem:$0x8C10]  }
0x76: {  	[tilespmem:$0x1F720] =	vst v61;
	v61 =	vld [tilespmem:$0x81E0]  }
0x77: {  	v43 =	vld [tilespmem:$0x8C90]  }
0x78: {  	v53 =	vld [tilespmem:$0x8D10]  }
0x79: {  	v5 =	vld [tilespmem:$0x8D90]  }
0x7a: {  	v28 =	vld [tilespmem:$0x8E10]  }
0x7b: {  	[tilespmem:$0x1F840] =	vst v61;
	v61 =	vld [tilespmem:$0x8C60]  }
0x7c: {  	v33 =	vld [tilespmem:$0x7EA0]  }
0x7d: {  	v32 =	vld [tilespmem:$0x7F20]  }
0x7e: {  	v40 =	vld [tilespmem:$0x7FA0]  }
0x7f: {  	v48 =	vld [tilespmem:$0x8020]  }
0x80: {  	[tilespmem:$0x1F960] =	vst v61;
	v61 =	vld [tilespmem:$0x7FF0]  }
0x81: {  	v59 =	vld [tilespmem:$0x80A0]  }
0x82: {  	v30 =	vld [tilespmem:$0x8120]  }
0x83: {  	v34 =	vld [tilespmem:$0x81A0]  }
0x84: {  	v36 =	vld [tilespmem:$0x8220]  }
0x85: {  	[tilespmem:$0x1F770] =	vst v61;
	v61 =	vld [tilespmem:$0x8170]  }
0x86: {  	v38 =	vld [tilespmem:$0x8AA0]  }
0x87: {  	v41 =	vld [tilespmem:$0x8B20]  }
0x88: {  	v42 =	vld [tilespmem:$0x8BA0]  }
0x89: {  	v44 =	vld [tilespmem:$0x8C20]  }
0x8a: {  	[tilespmem:$0x1F830] =	vst v61;
	v61 =	vld [tilespmem:$0x8AF0]  }
0x8b: {  	v45 =	vld [tilespmem:$0x8CA0]  }
0x8c: {  	v47 =	vld [tilespmem:$0x8D20]  }
0x8d: {  	v49 =	vld [tilespmem:$0x8DA0]  }
0x8e: {  	v50 =	vld [tilespmem:$0x8E20]  }
0x8f: {  	[tilespmem:$0x1F8C0] =	vst v61;
	v61 =	vld [tilespmem:$0x8C70]  }
0x90: {  	v13 =	vld [tilespmem:$0x7EB0]  }
0x91: {  	v11 =	vld [tilespmem:$0x7F30]  }
0x92: {  	v20 =	vld [tilespmem:$0x7FB0]  }
0x93: {  	v27 =	vld [tilespmem:$0x8030]  }
0x94: {  	[tilespmem:$0x1F980] =	vst v61;
	v61 =	vld [tilespmem:$0x8DF0]  }
0x95: {  	v60 =	vld [tilespmem:$0x8230]  }
0x96: {  	v52 =	vld [tilespmem:$0x8AB0]  }
0x97: {  	v55 =	vld [tilespmem:$0x8B30]  }
0x98: {  	v56 =	vld [tilespmem:$0x8BB0]  }
0x99: {  	[tilespmem:$0x1FA40] =	vst v61;
	v61 =	vld [tilespmem:$0x8300]  }
0x9a: {  	v57 =	vld [tilespmem:$0x8C30]  }
0x9b: {  	v58 =	vld [tilespmem:$0x8CB0]  }
0x9c: {  	v63 =	vld [tilespmem:$0x8DB0]  }
0x9d: {  	v9 =	vld [tilespmem:$0x8E30]  }
0x9e: {  	[tilespmem:$0x1F820] =	vst v61;
	v61 =	vld [tilespmem:$0x8480]  }
0x9f: {  	v21 =	vld [tilespmem:$0x7EC0]  }
0xa0: {  	v19 =	vld [tilespmem:$0x7F40]  }
0xa1: {  	v16 =	vld [tilespmem:$0x8240]  }
0xa2: {  	v23 =	vld [tilespmem:$0x8AC0]  }
0xa3: {  	[tilespmem:$0x1F8B0] =	vst v61;
	v61 =	vld [tilespmem:$0x8600]  }
0xa4: {  	v7 =	vld [tilespmem:$0x7ED0];
	[tilespmem:$0x1F4F0] =	vst v2  }
0xa5: {  	v2 =	vld [tilespmem:$0x8D00];
	[tilespmem:$0x1F520] =	vst v5  }
0xa6: {  	[tilespmem:$0x1F570] =	vst v36;
	v36 =	vld [tilespmem:$0x80B0]  }
0xa7: {  	[tilespmem:$0x1F5A0] =	vst v41;
	v41 =	vld [tilespmem:$0x8130]  }
0xa8: {  	[tilespmem:$0x1F970] =	vst v61;
	v61 =	vld [tilespmem:$0x8F80]  }
0xa9: {  	[tilespmem:$0x1F6C0] =	vst v50;
	v50 =	vld [tilespmem:$0x81B0]  }
0xaa: {  	[tilespmem:$0x1F540] =	vst v28;
	v28 =	vld [tilespmem:$0x7FC0]  }
0xab: {  	[tilespmem:$0x1F560] =	vst v34;
	v34 =	vld [tilespmem:$0x8040]  }
0xac: {  	[tilespmem:$0x1F610] =	vst v45;
	v45 =	vld [tilespmem:$0x80C0]  }
0xad: {  	[tilespmem:$0x1FA30] =	vst v61;
	v61 =	vld [tilespmem:$0x9100]  }
0xae: {  	[tilespmem:$0x1F590] =	vst v52;
	v52 =	vld [tilespmem:$0x8140]  }
0xaf: {  	[tilespmem:$0x1F6A0] =	vst v63;
	v63 =	vld [tilespmem:$0x81C0]  }
0xb0: {  	[tilespmem:$0x1F680] =	vst v49;
	v49 =	vld [tilespmem:$0x8DC0]  }
0xb1: {  	[tilespmem:$0x1F630] =	vst v58;
	v58 =	vld [tilespmem:$0x8C50]  }
0xb2: {  	[tilespmem:$0x1FB00] =	vst v61;
	v61 =	vld [tilespmem:$0x8490]  }
0xb3: {  	[tilespmem:$0x1F550] =	vst v30;
	v30 =	vld [tilespmem:$0x8B40]  }
0xb4: {  	[tilespmem:$0x1F580] =	vst v38;
	v38 =	vld [tilespmem:$0x8BC0]  }
0xb5: {  	[tilespmem:$0x1F780] =	vst v49;
	v49 =	vld [tilespmem:$0x8D50]  }
0xb6: {  	[tilespmem:$0x1F6F0] =	vst v58;
	v58 =	vld [tilespmem:$0x7EE0]  }
0xb7: {  	[tilespmem:$0x1F8D0] =	vst v61;
	v61 =	vld [tilespmem:$0x8510]  }
0xb8: {  	[tilespmem:$0x1F5C0] =	vst v42;
	v42 =	vld [tilespmem:$0x8C40]  }
0xb9: {  	[tilespmem:$0x1F5E0] =	vst v44;
	v44 =	vld [tilespmem:$0x8CC0]  }
0xba: {  	[tilespmem:$0x1F760] =	vst v49;
	v49 =	vld [tilespmem:$0x7FE0]  }
0xbb: {  	[tilespmem:$0x1F710] =	vst v58;
	v58 =	vld [tilespmem:$0x8160]  }
0xbc: {  	[tilespmem:$0x1F910] =	vst v61;
	v61 =	vld [tilespmem:$0x8590]  }
0xbd: {  	[tilespmem:$0x1F640] =	vst v47;
	v47 =	vld [tilespmem:$0x8D40]  }
0xbe: {  	[tilespmem:$0x1F5B0] =	vst v55;
	v55 =	vld [tilespmem:$0x8E40]  }
0xbf: {  	[tilespmem:$0x1F750] =	vst v49;
	v49 =	vld [tilespmem:$0x8260]  }
0xc0: {  	[tilespmem:$0x1F800] =	vst v58;
	v58 =	vld [tilespmem:$0x8BE0]  }
0xc1: {  	[tilespmem:$0x1F950] =	vst v61;
	v61 =	vld [tilespmem:$0x8610]  }
0xc2: {  	[tilespmem:$0x1F5D0] =	vst v56;
	v5 =	vld [tilespmem:$0x7F50]  }
0xc3: {  	[tilespmem:$0x1F6E0] =	vst v9;
	v9 =	vld [tilespmem:$0x7FD0]  }
0xc4: {  	[tilespmem:$0x1F870] =	vst v49;
	v49 =	vld [tilespmem:$0x8CE0]  }
0xc5: {  	[tilespmem:$0x1F920] =	vst v58;
	v58 =	vld [tilespmem:$0x8E60]  }
0xc6: {  	[tilespmem:$0x1F990] =	vst v61;
	v61 =	vld [tilespmem:$0x8E90]  }
0xc7: {  	[tilespmem:$0x1F5F0] =	vst v16;
	v16 =	vld [tilespmem:$0x8050]  }
0xc8: {  	[tilespmem:$0x1F620] =	vst v23;
	v23 =	vld [tilespmem:$0x80D0]  }
0xc9: {  	[tilespmem:$0x1F9A0] =	vst v49;
	v49 =	vld [tilespmem:$0x8070]  }
0xca: {  	[tilespmem:$0x1FA60] =	vst v58;
	v58 =	vld [tilespmem:$0x80F0]  }
0xcb: {  	[tilespmem:$0x1F9D0] =	vst v61;
	v61 =	vld [tilespmem:$0x8F10]  }
0xcc: {  	[tilespmem:$0x1F600] =	vst v57;
	v57 =	vld [tilespmem:$0x8AD0]  }
0xcd: {  	v56 =	vld [tilespmem:$0x8BD0];
	[tilespmem:$0x1F500] =	vst v2  }
0xce: {  	[tilespmem:$0x1F7B0] =	vst v49;
	v49 =	vld [tilespmem:$0x81F0]  }
0xcf: {  	[tilespmem:$0x1F7F0] =	vst v58;
	v58 =	vld [tilespmem:$0x8270]  }
0xd0: {  	[tilespmem:$0x1FA10] =	vst v61;
	v61 =	vld [tilespmem:$0x8F90]  }
0xd1: {  	v2 =	vld [tilespmem:$0x8D80];
	[tilespmem:$0x1F650] =	vst v30  }
0xd2: {  	[tilespmem:$0x1F690] =	vst v38;
	v30 =	vld [tilespmem:$0x8150]  }
0xd3: {  	[tilespmem:$0x1F860] =	vst v49;
	v49 =	vld [tilespmem:$0x8B70]  }
0xd4: {  	[tilespmem:$0x1F890] =	vst v58;
	v58 =	vld [tilespmem:$0x8BF0]  }
0xd5: {  	[tilespmem:$0x1FA50] =	vst v61;
	v61 =	vld [tilespmem:$0x9010]  }
0xd6: {  	[tilespmem:$0x1F6D0] =	vst v42;
	v38 =	vld [tilespmem:$0x81D0]  }
0xd7: {  	[tilespmem:$0x1F740] =	vst v47;
	v47 =	vld [tilespmem:$0x8250]  }
0xd8: {  	[tilespmem:$0x1F900] =	vst v49;
	v49 =	vld [tilespmem:$0x8CF0]  }
0xd9: {  	[tilespmem:$0x1F940] =	vst v58;
	v58 =	vld [tilespmem:$0x8D70]  }
0xda: {  	[tilespmem:$0x1FA90] =	vst v61;
	v61 =	vld [tilespmem:$0x9090]  }
0xdb: {  	[tilespmem:$0x1F700] =	vst v44;
	v42 =	vld [tilespmem:$0x8B50]  }
0xdc: {  	[tilespmem:$0x1F7C0] =	vst v55;
	v55 =	vld [tilespmem:$0x8DD0]  }
0xdd: {  	[tilespmem:$0x1F9C0] =	vst v49;
	v49 =	vld [tilespmem:$0x8E70]  }
0xde: {  	[tilespmem:$0x1FA00] =	vst v58;
	v58 =	vld [tilespmem:$0x8280]  }
0xdf: {  	[tilespmem:$0x1FAD0] =	vst v61;
	v61 =	vld [tilespmem:$0x9110]  }
0xe0: {  	[tilespmem:$0x1F6B0] =	vst v56;
	v56 =	vld [tilespmem:$0x8E50]  }
0xe1: {  	v44 =	vld [tilespmem:$0x8290];
	[tilespmem:$0x1F510] =	vst v2  }
0xe2: {  	[tilespmem:$0x1FA80] =	vst v49;
	v49 =	vld [tilespmem:$0x8380]  }
0xe3: {  	[tilespmem:$0x1F810] =	vst v58;
	v58 =	vld [tilespmem:$0x8400]  }
0xe4: {  	[tilespmem:$0x1FB20] =	vst v61;
	v61 =	vld [tilespmem:$0x9190]  }
0xe5: {  	v2 =	vld [tilespmem:$0x8E00];
	[tilespmem:$0x1F670] =	vst v42  }
0xe6: {  	[tilespmem:$0x1F7A0] =	vst v55;
	v55 =	vld [tilespmem:$0x8060]  }
0xe7: {  	[tilespmem:$0x1F850] =	vst v49;
	v49 =	vld [tilespmem:$0x8500]  }
0xe8: {  	[tilespmem:$0x1F880] =	vst v58;
	v58 =	vld [tilespmem:$0x8580]  }
0xe9: {  	[tilespmem:$0x1FB60] =	vst v61;
	v61 =	vld [tilespmem:$0x9210]  }
0xea: {  	[tilespmem:$0x1F7E0] =	vst v56;
	v56 =	vld [tilespmem:$0x80E0]  }
0xeb: {  	v42 =	vld [tilespmem:$0x8310];
	[tilespmem:$0x1F530] =	vst v2  }
0xec: {  	[tilespmem:$0x1F8F0] =	vst v49;
	v49 =	vld [tilespmem:$0x8E80]  }
0xed: {  	[tilespmem:$0x1F930] =	vst v58;
	v58 =	vld [tilespmem:$0x8F00]  }
0xee: {  	[tilespmem:$0x1FBA0] =	vst v61;
	v61 =	vld [tilespmem:$0x82A0]  }
0xef: {  	[tilespmem:$0x1F790] =	vst v55;
	v55 =	vld [tilespmem:$0x8AE0]  }
0xf0: {  	[tilespmem:$0x1F7D0] =	vst v56;
	v56 =	vld [tilespmem:$0x8B60]  }
0xf1: {  	[tilespmem:$0x1F9B0] =	vst v49;
	v49 =	vld [tilespmem:$0x9000]  }
0xf2: {  	[tilespmem:$0x1F9F0] =	vst v58;
	v58 =	vld [tilespmem:$0x9080]  }
0xf3: {  	[tilespmem:$0x1FAB0] =	vst v61;
	v61 =	vld [tilespmem:$0x8320]  }
0xf4: {  	[tilespmem:$0x1F8A0] =	vst v55;
	v55 =	vld [tilespmem:$0x8D60]  }
0xf5: {  	[tilespmem:$0x1F8E0] =	vst v56;
	v56 =	vld [tilespmem:$0x8DE0]  }
0xf6: {  	[tilespmem:$0x1FA70] =	vst v49;
	v49 =	vld [tilespmem:$0x9180]  }
0xf7: {  	[tilespmem:$0x1FAA0] =	vst v58;
	v58 =	vld [tilespmem:$0x9200]  }
0xf8: {  	[tilespmem:$0x1FAC0] =	vst v61;
	v61 =	vld [tilespmem:$0x83A0]  }
0xf9: {  	v2 =	vld [tilespmem:$0x7F10];
	[tilespmem:$0x1F9E0] =	vst v55  }
0xfa: {  	[tilespmem:$0x1FA20] =	vst v56;
	v56 =	vld [tilespmem:$0x7EF0]  }
0xfb: {  	v55 =	vld [tilespmem:$0x7F70];
	[tilespmem:$0x1FB40] =	vst v49  }
0xfc: {  	[tilespmem:$0x1FB80] =	vst v58;
	v49 =	vld [tilespmem:$0x8390]  }
0xfd: {  	v58 =	vld [tilespmem:$0x8410];
	[tilespmem:$0x1FB10] =	vst v61  }
0xfe: {  	v61 =	vld [tilespmem:$0x8420];
	_ =	sdelay $0x4  }
0xff: {  	[tilespmem:$0x1FB50] =	vst v61;
	v61 =	vld [tilespmem:$0x84A0];
	_ =	sdelay $0x4  }
0x100: {  	[tilespmem:$0x1FB90] =	vst v61;
	v61 =	vld [tilespmem:$0x8520];
	_ =	sdelay $0x4  }
0x101: {  	[tilespmem:$0x1FBC0] =	vst v61;
	v61 =	vld [tilespmem:$0x85A0];
	_ =	sdelay $0x4  }
0x102: {  	[tilespmem:$0x1FBF0] =	vst v61;
	v61 =	vld [tilespmem:$0x8620];
	_ =	sdelay $0x4  }
0x103: {  	[tilespmem:$0x1FC10] =	vst v61;
	v61 =	vld [tilespmem:$0x8EA0];
	_ =	sdelay $0x4  }
0x104: {  	[tilespmem:$0x1FC40] =	vst v61;
	v61 =	vld [tilespmem:$0x8F20];
	_ =	sdelay $0x4  }
0x105: {  	[tilespmem:$0x1FC70] =	vst v61;
	v61 =	vld [tilespmem:$0x8FA0];
	_ =	sdelay $0x4  }
0x106: {  	[tilespmem:$0x1FCA0] =	vst v61;
	v61 =	vld [tilespmem:$0x9020];
	_ =	sdelay $0x4  }
0x107: {  	[tilespmem:$0x1FCD0] =	vst v61;
	v61 =	vld [tilespmem:$0x90A0];
	_ =	sdelay $0x2  }
0x108: {  	v2 =	vadd.f32 v2, v3;
	_ =	sdelay $0x1  }
0x109: {  	v2 =	vadd.f32 v4, v2;
	[tilespmem:$0x1FCF0] =	vst v61;
	v61 =	vld [tilespmem:$0x9120];
	_ =	sdelay $0x1  }
0x10a: {  	v2 =	vadd.f32 v6, v2;
	_ =	sdelay $0x1  }
0x10b: {  	v2 =	vadd.f32 v8, v2  }
0x10c: {  	[tilespmem:$0x1FD10] =	vst v61;
	v61 =	vld [tilespmem:$0x91A0]  }
0x10d: {  	v2 =	vadd.f32 v10, v2;
	_ =	sdelay $0x1  }
0x10e: {  	v2 =	vadd.f32 v15, v2;
	v3 =	vld [tilespmem:$0x90B0]  }
0x10f: {  	v12 =	vadd.f32 v12, v14;
	v14 =	vld [tilespmem:$0x82C0]  }
0x110: {  	v2 =	vadd.f32 v18, v2;
	[tilespmem:$0x1FD40] =	vst v61;
	v61 =	vld [tilespmem:$0x9220]  }
0x111: {  	v8 =	vld [tilespmem:$0x8440]  }
0x112: {  	v2 =	vadd.f32 v24, v2;
	v10 =	vld [tilespmem:$0x84C0]  }
0x113: {  	v15 =	vld [tilespmem:$0x8640]  }
0x114: {  	v2 =	vadd.f32 v26, v2;
	v18 =	vld [tilespmem:$0x8F40]  }
0x115: {  	[tilespmem:$0x1FD70] =	vst v61;
	v61 =	vld [tilespmem:$0x82B0]  }
0x116: {  	v2 =	vadd.f32 v31, v2;
	v24 =	vld [tilespmem:$0x8FC0]  }
0x117: {  	v5 =	vadd.f32 v5, v7;
	v26 =	vld [tilespmem:$0x90C0]  }
0x118: {  	v2 =	vadd.f32 v37, v2;
	v31 =	vld [tilespmem:$0x91C0]  }
0x119: {  	v5 =	vadd.f32 v9, v5;
	v37 =	vld [tilespmem:$0x1F4F0]  }
0x11a: {  	v2 =	vadd.f32 v43, v2;
	[tilespmem:$0x1FAE0] =	vst v61;
	v61 =	vld [tilespmem:$0x8330]  }
0x11b: {  	v5 =	vadd.f32 v16, v5;
	v43 =	vld [tilespmem:$0x91D0]  }
0x11c: {  	v2 =	vadd.f32 v53, v2;
	v53 =	vld [tilespmem:$0x1F5A0]  }
0x11d: {  	v5 =	vadd.f32 v23, v5;
	v23 =	vld [tilespmem:$0x8360]  }
0x11e: {  	v9 =	vld [tilespmem:$0x1F5D0]  }
0x11f: {  	v5 =	vadd.f32 v30, v5;
	[tilespmem:$0x1FAF0] =	vst v61;
	v61 =	vld [tilespmem:$0x83B0]  }
0x120: {  	v16 =	vld [tilespmem:$0x8560]  }
0x121: {  	v5 =	vadd.f32 v38, v5;
	v30 =	vld [tilespmem:$0x8EE0]  }
0x122: {  	v38 =	vld [tilespmem:$0x1F670]  }
0x123: {  	v5 =	vadd.f32 v47, v5;
	v47 =	vld [tilespmem:$0x9060]  }
0x124: {  	[tilespmem:$0x1FB30] =	vst v61;
	v61 =	vld [tilespmem:$0x8430]  }
0x125: {  	v5 =	vadd.f32 v57, v5;
	v57 =	vld [tilespmem:$0x1F6E0]  }
0x126: {  	v42 =	vadd.f32 v42, v44;
	v44 =	vld [tilespmem:$0x1F840]  }
0x127: {  	v7 =	vld [tilespmem:$0x8790]  }
0x128: {  	[tilespmem:$0x1FD00] =	vst v3;
	v3 =	vadd.f32 v17, v12;
	v17 =	vld [tilespmem:$0x91B0]  }
0x129: {  	[tilespmem:$0x1FB70] =	vst v61;
	v61 =	vld [tilespmem:$0x84B0]  }
0x12a: {  	v12 =	vld [tilespmem:$0x83C0]  }
0x12b: {  	[tilespmem:$0x1FD50] =	vst v24;
	v24 =	vld [tilespmem:$0x84D0]  }
0x12c: {  	[tilespmem:$0x1FDB0] =	vst v26;
	v26 =	vld [tilespmem:$0x1F550]  }
0x12d: {  	[tilespmem:$0x1FDF0] =	vst v31;
	v31 =	vld [tilespmem:$0x8F50]  }
0x12e: {  	[tilespmem:$0x1FBB0] =	vst v61;
	v61 =	vld [tilespmem:$0x8530]  }
0x12f: {  	[tilespmem:$0x1FC50] =	vst v10;
	v10 =	vld [tilespmem:$0x84E0]  }
0x130: {  	[tilespmem:$0x1FE00] =	vst v43;
	v43 =	vld [tilespmem:$0x1F690]  }
0x131: {  	[tilespmem:$0x1FC20] =	vst v8;
	v8 =	vld [tilespmem:$0x1F720]  }
0x132: {  	[tilespmem:$0x1FE40] =	vst v16;
	v16 =	vld [tilespmem:$0x1F750]  }
0x133: {  	[tilespmem:$0x1FBE0] =	vst v61;
	v61 =	vld [tilespmem:$0x85B0]  }
0x134: {  	[tilespmem:$0x1FE70] =	vst v30;
	v30 =	vld [tilespmem:$0x1F7C0]  }
0x135: {  	v5 =	vadd.f32 v38, v5;
	v38 =	vld [tilespmem:$0x1F820]  }
0x136: {  	[tilespmem:$0x1FEA0] =	vst v47;
	v47 =	vld [tilespmem:$0x1F850]  }
0x137: {  	v3 =	vadd.f32 v22, v3;
	v22 =	vld [tilespmem:$0x9230]  }
0x138: {  	[tilespmem:$0x1FC00] =	vst v61;
	v61 =	vld [tilespmem:$0x8630]  }
0x139: {  	v3 =	vadd.f32 v25, v3;
	v25 =	vld [tilespmem:$0x9040]  }
0x13a: {  	[tilespmem:$0x1FD60] =	vst v17;
	v17 =	vld [tilespmem:$0x8540]  }
0x13b: {  	[tilespmem:$0x1FD30] =	vst v31;
	v31 =	vld [tilespmem:$0x1F640]  }
0x13c: {  	[tilespmem:$0x1FE20] =	vst v10;
	v10 =	vld [tilespmem:$0x1F730]  }
0x13d: {  	[tilespmem:$0x1FC30] =	vst v61;
	v61 =	vld [tilespmem:$0x8EB0]  }
0x13e: {  	v3 =	vadd.f32 v29, v3;
	v29 =	vld [tilespmem:$0x9140]  }
0x13f: {  	[tilespmem:$0x1FD90] =	vst v22;
	v22 =	vld [tilespmem:$0x85C0]  }
0x140: {  	v3 =	vadd.f32 v35, v3;
	v35 =	vld [tilespmem:$0x9240]  }
0x141: {  	[tilespmem:$0x1FD80] =	vst v25;
	v25 =	vld [tilespmem:$0x1F540]  }
0x142: {  	[tilespmem:$0x1FC60] =	vst v61;
	v61 =	vld [tilespmem:$0x8F30]  }
0x143: {  	[tilespmem:$0x1FC80] =	vst v17;
	v17 =	vld [tilespmem:$0x8EC0]  }
0x144: {  	v3 =	vadd.f32 v39, v3;
	v39 =	vadd.f32 v32, v33;
	v32 =	vld [tilespmem:$0x8650]  }
0x145: {  	v33 =	vld [tilespmem:$0x8ED0]  }
0x146: {  	[tilespmem:$0x1FDD0] =	vst v29;
	v29 =	vld [tilespmem:$0x8550]  }
0x147: {  	[tilespmem:$0x1FC90] =	vst v61;
	v61 =	vld [tilespmem:$0x8FB0]  }
0x148: {  	v3 =	vadd.f32 v46, v3;
	v46 =	vld [tilespmem:$0x8350]  }
0x149: {  	[tilespmem:$0x1FCB0] =	vst v22;
	v22 =	vld [tilespmem:$0x1F530]  }
0x14a: {  	v4 =	vadd.f32 v40, v39;
	v39 =	vld [tilespmem:$0x90D0]  }
0x14b: {  	v40 =	vld [tilespmem:$0x1F570]  }
0x14c: {  	[tilespmem:$0x1FCC0] =	vst v61;
	v61 =	vld [tilespmem:$0x9030]  }
0x14d: {  	[tilespmem:$0x1FE10] =	vst v35;
	v35 =	vld [tilespmem:$0x82D0]  }
0x14e: {  	v3 =	vadd.f32 v51, v3;
	v51 =	vadd.f32 v11, v13;
	v13 =	vld [tilespmem:$0x1F510]  }
0x14f: {  	v4 =	vadd.f32 v48, v4;
	v48 =	vld [tilespmem:$0x1F580]  }
0x150: {  	v11 =	vld [tilespmem:$0x1F5E0]  }
0x151: {  	[tilespmem:$0x1FCE0] =	vst v61;
	v61 =	vld [tilespmem:$0x9130]  }
0x152: {  	v3 =	vadd.f32 v54, v3;
	v54 =	vld [tilespmem:$0x8450]  }
0x153: {  	v6 =	vadd.f32 v20, v51;
	v20 =	vld [tilespmem:$0x1F520]  }
0x154: {  	v51 =	vld [tilespmem:$0x1F590]  }
0x155: {  	[tilespmem:$0x1FDC0] =	vst v39;
	v39 =	vld [tilespmem:$0x8FE0]  }
0x156: {  	[tilespmem:$0x1FD20] =	vst v61;
	v61 =	vld [tilespmem:$0x8340]  }
0x157: {  	v3 =	vadd.f32 v62, v3;
	v62 =	vld [tilespmem:$0x83D0]  }
0x158: {  	v6 =	vadd.f32 v27, v6;
	v27 =	vadd.f32 v19, v21;
	v19 =	vld [tilespmem:$0x1F600]  }
0x159: {  	v21 =	vld [tilespmem:$0x85E0]  }
0x15a: {  	v3 =	vadd.f32 v37, v3;
	v37 =	vld [tilespmem:$0x9050]  }
0x15b: {  	[tilespmem:$0x1FBD0] =	vst v61;
	v61 =	vld [tilespmem:$0x1F500]  }
0x15c: {  	v2 =	vadd.f32 v20, v2;
	v20 =	vld [tilespmem:$0x8FD0]  }
0x15d: {  	v35 =	vadd.f32 v46, v35;
	[tilespmem:$0x1FE90] =	vst v39;
	v39 =	vld [tilespmem:$0x1F830]  }
0x15e: {  	v2 =	vadd.f32 v25, v2;
	v25 =	vld [tilespmem:$0x1F620]  }
0x15f: {  	[tilespmem:$0x1FE50] =	vst v21;
	v21 =	vld [tilespmem:$0x1F770];
	v35 =	vadd.f32 v62, v35  }
0x160: {  	v62 =	vld [tilespmem:$0x1FC10];
	[tilespmem:$0x1FF40] =	vst v2;
	v2 =	vadd.f32 v36, v6;
	v3 =	vadd.f32 v61, v3  }
0x161: {  	v36 =	vld [tilespmem:$0x1F560]  }
0x162: {  	[tilespmem:$0x1FDA0] =	vst v37;
	v37 =	vld [tilespmem:$0x1F660];
	v2 =	vadd.f32 v41, v2;
	v3 =	vadd.f32 v13, v3  }
0x163: {  	v41 =	vld [tilespmem:$0x9150]  }
0x164: {  	v2 =	vadd.f32 v50, v2;
	v50 =	vld [tilespmem:$0x9250];
	v3 =	vadd.f32 v22, v3  }
0x165: {  	v6 =	vld [tilespmem:$0x8690]  }
0x166: {  	v35 =	vadd.f32 v54, v35;
	v54 =	vld [tilespmem:$0x9510];
	[tilespmem:$0x1FF30] =	vst v3;
	v3 =	vadd.f32 v59, v4  }
0x167: {  	v2 =	vadd.f32 v60, v2;
	v60 =	vld [tilespmem:$0x1F5C0]  }
0x168: {  	[tilespmem:$0x1FDE0] =	vst v41;
	v41 =	vld [tilespmem:$0x1F680];
	v3 =	vadd.f32 v26, v3  }
0x169: {  	[tilespmem:$0x1FE30] =	vst v50;
	v50 =	vld [tilespmem:$0x1F6B0]  }
0x16a: {  	v13 =	vld [tilespmem:$0x1F5F0];
	v3 =	vadd.f32 v36, v3  }
0x16b: {  	v4 =	vadd.f32 v28, v27;
	v59 =	vld [tilespmem:$0x1F5B0]  }
0x16c: {  	v22 =	vld [tilespmem:$0x1F610];
	v3 =	vadd.f32 v40, v3  }
0x16d: {  	v27 =	vld [tilespmem:$0x1F630];
	v4 =	vadd.f32 v34, v4  }
0x16e: {  	v2 =	vadd.f32 v51, v2;
	v26 =	vld [tilespmem:$0x8660];
	v3 =	vadd.f32 v48, v3  }
0x16f: {  	v34 =	vld [tilespmem:$0x1F650];
	v4 =	vadd.f32 v45, v4  }
0x170: {  	v36 =	vld [tilespmem:$0x8F60];
	v2 =	vadd.f32 v59, v2;
	v3 =	vadd.f32 v53, v3  }
0x171: {  	v4 =	vadd.f32 v52, v4;
	v52 =	vld [tilespmem:$0x1F6C0]  }
0x172: {  	v2 =	vadd.f32 v9, v2;
	v9 =	vld [tilespmem:$0x9260];
	v3 =	vadd.f32 v60, v3  }
0x173: {  	[tilespmem:$0x1FE60] =	vst v26;
	v26 =	vld [tilespmem:$0x1F7A0]  }
0x174: {  	v48 =	vld [tilespmem:$0x1F6A0];
	v3 =	vadd.f32 v11, v3  }
0x175: {  	v4 =	vadd.f32 v63, v4;
	v63 =	vld [tilespmem:$0x1F710]  }
0x176: {  	v2 =	vadd.f32 v19, v2;
	v19 =	vld [tilespmem:$0x1F760];
	v3 =	vadd.f32 v22, v3  }
0x177: {  	[tilespmem:$0x1FE80] =	vst v36;
	v36 =	vld [tilespmem:$0x1F810]  }
0x178: {  	v53 =	vld [tilespmem:$0x9160];
	v3 =	vadd.f32 v31, v3  }
0x179: {  	v4 =	vadd.f32 v13, v4;
	v13 =	vld [tilespmem:$0x1F740];
	v2 =	vadd.f32 v27, v2  }
0x17a: {  	v27 =	vld [tilespmem:$0x1F7B0];
	v3 =	vadd.f32 v41, v3  }
0x17b: {  	v60 =	vld [tilespmem:$0x1F700];
	v2 =	vadd.f32 v37, v2  }
0x17c: {  	v4 =	vadd.f32 v25, v4;
	v25 =	vld [tilespmem:$0x1F790];
	v3 =	vadd.f32 v52, v3  }
0x17d: {  	[tilespmem:$0x1FF10] =	vst v9;
	v9 =	vld [tilespmem:$0x1F8B0];
	v2 =	vadd.f32 v48, v2  }
0x17e: {  	[tilespmem:$0x1FF50] =	vst v3;
	v3 =	vld [tilespmem:$0x1F6D0]  }
0x17f: {  	v4 =	vadd.f32 v34, v4;
	v34 =	vld [tilespmem:$0x1F800];
	v2 =	vadd.f32 v57, v2  }
0x180: {  	v11 =	vadd.f32 v55, v56;
	v55 =	vld [tilespmem:$0x1F870]  }
0x181: {  	v4 =	vadd.f32 v43, v4;
	[tilespmem:$0x1FF60] =	vst v2;
	v2 =	vld [tilespmem:$0x1F6F0]  }
0x182: {  	v56 =	vld [tilespmem:$0x1F880]  }
0x183: {  	[tilespmem:$0x1FED0] =	vst v53;
	v53 =	vld [tilespmem:$0x1F860];
	v3 =	vadd.f32 v3, v4  }
0x184: {  	v5 =	vadd.f32 v50, v5;
	v22 =	vld [tilespmem:$0x1F780]  }
0x185: {  	v57 =	vld [tilespmem:$0x1F890];
	v3 =	vadd.f32 v60, v3  }
0x186: {  	v31 =	vld [tilespmem:$0x1F7E0];
	v2 =	vadd.f32 v2, v5  }
0x187: {  	v5 =	vadd.f32 v21, v11;
	v11 =	vld [tilespmem:$0x1F8C0];
	v3 =	vadd.f32 v13, v3  }
0x188: {  	v21 =	vld [tilespmem:$0x1F8F0];
	v2 =	vadd.f32 v10, v2  }
0x189: {  	v10 =	vld [tilespmem:$0x9170];
	v3 =	vadd.f32 v22, v3  }
0x18a: {  	v5 =	vadd.f32 v27, v5;
	v27 =	vld [tilespmem:$0x1F910];
	v2 =	vadd.f32 v19, v2  }
0x18b: {  	v19 =	vld [tilespmem:$0x1F8E0];
	v3 =	vadd.f32 v30, v3  }
0x18c: {  	v4 =	vadd.f32 v8, v63;
	v63 =	vld [tilespmem:$0x1F8A0];
	v2 =	vadd.f32 v26, v2  }
0x18d: {  	[tilespmem:$0x1FF70] =	vst v3;
	v3 =	vld [tilespmem:$0x1F7D0]  }
0x18e: {  	v8 =	vld [tilespmem:$0x1F9C0];
	v4 =	vadd.f32 v16, v4;
	v2 =	vadd.f32 v31, v2  }
0x18f: {  	v16 =	vld [tilespmem:$0x91F0]  }
0x190: {  	v4 =	vadd.f32 v25, v4;
	[tilespmem:$0x1FF80] =	vst v2;
	v2 =	vld [tilespmem:$0x1F7F0]  }
0x191: {  	[tilespmem:$0x1FEE0] =	vst v10;
	v10 =	vld [tilespmem:$0x1F9E0]  }
0x192: {  	v13 =	vld [tilespmem:$0x1F8D0];
	v3 =	vadd.f32 v3, v4  }
0x193: {  	v25 =	vld [tilespmem:$0x1F900]  }
0x194: {  	[tilespmem:$0x1FF00] =	vst v16;
	v16 =	vld [tilespmem:$0x1FA10];
	v3 =	vadd.f32 v34, v3  }
0x195: {  	v2 =	vadd.f32 v2, v5;
	v5 =	vadd.f32 v49, v42;
	v42 =	vld [tilespmem:$0x1F940]  }
0x196: {  	v49 =	vld [tilespmem:$0x1F960];
	v3 =	vadd.f32 v44, v3  }
0x197: {  	v2 =	vadd.f32 v39, v2;
	v39 =	vld [tilespmem:$0x1F930]  }
0x198: {  	v5 =	vadd.f32 v58, v5;
	v58 =	vld [tilespmem:$0x1F9B0];
	v3 =	vadd.f32 v55, v3  }
0x199: {  	v2 =	vadd.f32 v53, v2;
	v4 =	vadd.f32 v38, v36;
	v38 =	vld [tilespmem:$0x1F920]  }
0x19a: {  	v53 =	vld [tilespmem:$0x1F970];
	v3 =	vadd.f32 v63, v3  }
0x19b: {  	v5 =	vadd.f32 v13, v5;
	v13 =	vld [tilespmem:$0x1FA00];
	v2 =	vadd.f32 v57, v2  }
0x19c: {  	v57 =	vld [tilespmem:$0x1F9A0];
	v4 =	vadd.f32 v47, v4;
	v3 =	vadd.f32 v19, v3  }
0x19d: {  	v2 =	vadd.f32 v11, v2;
	v44 =	vld [tilespmem:$0x1F950]  }
0x19e: {  	v4 =	vadd.f32 v56, v4;
	v55 =	vld [tilespmem:$0x1F980];
	v3 =	vadd.f32 v38, v3  }
0x19f: {  	v11 =	vld [tilespmem:$0x1F9F0];
	v2 =	vadd.f32 v25, v2  }
0x1a0: {  	v56 =	vld [tilespmem:$0x1F990];
	v4 =	vadd.f32 v9, v4;
	v3 =	vadd.f32 v49, v3  }
0x1a1: {  	v30 =	vadd.f32 v27, v5;
	v2 =	vadd.f32 v42, v2;
	v19 =	vld [tilespmem:$0x1FA20]  }
0x1a2: {  	v9 =	vld [tilespmem:$0x1F9D0];
	v4 =	vadd.f32 v21, v4;
	v3 =	vadd.f32 v57, v3  }
0x1a3: {  	v47 =	vadd.f32 v44, v30;
	v44 =	vld [tilespmem:$0x1FA60];
	v2 =	vadd.f32 v55, v2  }
0x1a4: {  	v4 =	vadd.f32 v39, v4;
	v39 =	vld [tilespmem:$0x1FA40];
	v3 =	vadd.f32 v10, v3  }
0x1a5: {  	v42 =	vld [tilespmem:$0x1FA50];
	v2 =	vadd.f32 v8, v2  }
0x1a6: {  	v49 =	vld [tilespmem:$0x1FA80];
	v3 =	vadd.f32 v19, v3  }
0x1a7: {  	v55 =	vld [tilespmem:$0x1FAA0];
	v4 =	vadd.f32 v53, v4;
	v2 =	vadd.f32 v13, v2  }
0x1a8: {  	v38 =	vld [tilespmem:$0x1FA30];
	v3 =	vadd.f32 v44, v3  }
0x1a9: {  	v8 =	vld [tilespmem:$0x1FAB0];
	v4 =	vadd.f32 v58, v4;
	v2 =	vadd.f32 v39, v2  }
0x1aa: {  	v27 =	vadd.f32 v56, v47;
	[tilespmem:$0x1FF90] =	vst v3;
	v3 =	vld [tilespmem:$0x1FA70]  }
0x1ab: {  	v13 =	vld [tilespmem:$0x1FAF0];
	v4 =	vadd.f32 v11, v4;
	v2 =	vadd.f32 v49, v2  }
0x1ac: {  	v27 =	vadd.f32 v9, v27;
	v11 =	vld [tilespmem:$0x1FAE0]  }
0x1ad: {  	v4 =	vadd.f32 v38, v4;
	[tilespmem:$0x1FFA0] =	vst v2;
	v2 =	vld [tilespmem:$0x1FA90]  }
0x1ae: {  	v9 =	vld [tilespmem:$0x1FAC0];
	v27 =	vadd.f32 v16, v27  }
0x1af: {  	v10 =	vld [tilespmem:$0x1FAD0];
	v3 =	vadd.f32 v3, v4  }
0x1b0: {  	v27 =	vadd.f32 v42, v27;
	v19 =	vld [tilespmem:$0x1FB00]  }
0x1b1: {  	v3 =	vadd.f32 v55, v3;
	v55 =	vld [tilespmem:$0x1FB20]  }
0x1b2: {  	v16 =	vadd.f32 v13, v11;
	v11 =	vld [tilespmem:$0x1FB60];
	v2 =	vadd.f32 v2, v27  }
0x1b3: {  	v4 =	vadd.f32 v9, v8;
	v8 =	vld [tilespmem:$0x1FB30]  }
0x1b4: {  	v51 =	vld [tilespmem:$0x90E0];
	v2 =	vadd.f32 v10, v2  }
0x1b5: {  	v24 =	vadd.f32 v24, v35;
	v3 =	vadd.f32 v19, v3;
	v19 =	vld [tilespmem:$0x1FBA0]  }
0x1b6: {  	v9 =	vld [tilespmem:$0x1FB40];
	v2 =	vadd.f32 v55, v2  }
0x1b7: {  	v24 =	vadd.f32 v29, v24;
	v29 =	vld [tilespmem:$0x1FCA0]  }
0x1b8: {  	v49 =	vadd.f32 v8, v16;
	v16 =	vld [tilespmem:$0x1FB80];
	v2 =	vadd.f32 v11, v2  }
0x1b9: {  	v61 =	vld [tilespmem:$0x85D0]  }
0x1ba: {  	v13 =	vld [tilespmem:$0x1FB70];
	v2 =	vadd.f32 v19, v2  }
0x1bb: {  	v27 =	vld [tilespmem:$0x1FB10];
	v3 =	vadd.f32 v9, v3  }
0x1bc: {  	[tilespmem:$0x1FFC0] =	vst v2;
	v2 =	vld [tilespmem:$0x1FBB0]  }
0x1bd: {  	v10 =	vld [tilespmem:$0x1FB50];
	v3 =	vadd.f32 v16, v3  }
0x1be: {  	[tilespmem:$0x1FEB0] =	vst v51;
	v51 =	vld [tilespmem:$0x83F0]  }
0x1bf: {  	v49 =	vadd.f32 v13, v49;
	[tilespmem:$0x1FFB0] =	vst v3;
	v3 =	vld [tilespmem:$0x1FB90]  }
0x1c0: {  	v50 =	vld [tilespmem:$0x82F0];
	v4 =	vadd.f32 v27, v4  }
0x1c1: {  	v2 =	vadd.f32 v2, v49;
	v49 =	vld [tilespmem:$0x1FBC0]  }
0x1c2: {  	v24 =	vadd.f32 v61, v24;
	v61 =	vld [tilespmem:$0x1FCE0];
	v4 =	vadd.f32 v10, v4  }
0x1c3: {  	v16 =	vld [tilespmem:$0x1FBF0]  }
0x1c4: {  	v28 =	vld [tilespmem:$0x82E0];
	v3 =	vadd.f32 v3, v4  }
0x1c5: {  	v24 =	vadd.f32 v32, v24;
	v32 =	vld [tilespmem:$0x1FD00]  }
0x1c6: {  	v55 =	vld [tilespmem:$0x1FBD0];
	v3 =	vadd.f32 v49, v3  }
0x1c7: {  	v45 =	vld [tilespmem:$0x8460]  }
0x1c8: {  	v59 =	vld [tilespmem:$0x91E0];
	v3 =	vadd.f32 v16, v3  }
0x1c9: {  	v40 =	vld [tilespmem:$0x83E0]  }
0x1ca: {  	v10 =	vadd.f32 v62, v3;
	v3 =	vld [tilespmem:$0x1FC20]  }
0x1cb: {  	v13 =	vadd.f32 v55, v14;
	v14 =	vld [tilespmem:$0x1FBE0]  }
0x1cc: {  	v23 =	vadd.f32 v23, v28;
	v28 =	vld [tilespmem:$0x9420]  }
0x1cd: {  	v19 =	vadd.f32 v12, v13;
	v49 =	vld [tilespmem:$0x1FC00]  }
0x1ce: {  	[tilespmem:$0x1FEF0] =	vst v59;
	v59 =	vld [tilespmem:$0x9070]  }
0x1cf: {  	v46 =	vadd.f32 v3, v19;
	v3 =	vld [tilespmem:$0x1FC30]  }
0x1d0: {  	v23 =	vadd.f32 v40, v23;
	v40 =	vld [tilespmem:$0x9520];
	v2 =	vadd.f32 v14, v2  }
0x1d1: {  	v37 =	vld [tilespmem:$0x85F0]  }
0x1d2: {  	v23 =	vadd.f32 v45, v23;
	v45 =	vld [tilespmem:$0x9620];
	v2 =	vadd.f32 v49, v2  }
0x1d3: {  	v52 =	vld [tilespmem:$0x8370]  }
0x1d4: {  	v2 =	vadd.f32 v3, v2;
	v3 =	vld [tilespmem:$0x1FC40]  }
0x1d5: {  	v48 =	vld [tilespmem:$0x8470]  }
0x1d6: {  	v43 =	vld [tilespmem:$0x84F0]  }
0x1d7: {  	v41 =	vld [tilespmem:$0x8570]  }
0x1d8: {  	v52 =	vadd.f32 v52, v50;
	v50 =	vld [tilespmem:$0x94A0]  }
0x1d9: {  	v11 =	vadd.f32 v3, v10;
	v3 =	vld [tilespmem:$0x1FC50]  }
0x1da: {  	v51 =	vadd.f32 v51, v52;
	v52 =	vld [tilespmem:$0x95A0]  }
0x1db: {  	v26 =	vld [tilespmem:$0x8FF0]  }
0x1dc: {  	v60 =	vld [tilespmem:$0x90F0]  }
0x1dd: {  	v48 =	vadd.f32 v48, v51;
	v51 =	vld [tilespmem:$0x86B0]  }
0x1de: {  	v46 =	vadd.f32 v3, v46;
	v3 =	vld [tilespmem:$0x1FC60]  }
0x1df: {  	v31 =	vld [tilespmem:$0x8EF0]  }
0x1e0: {  	v43 =	vadd.f32 v43, v48;
	v48 =	vld [tilespmem:$0x87B0]  }
0x1e1: {  	v22 =	vld [tilespmem:$0x9270]  }
0x1e2: {  	v41 =	vadd.f32 v41, v43;
	v43 =	vld [tilespmem:$0x88B0]  }
0x1e3: {  	v2 =	vadd.f32 v3, v2;
	v3 =	vld [tilespmem:$0x1FC70]  }
0x1e4: {  	v13 =	vld [tilespmem:$0x1FC90]  }
0x1e5: {  	[tilespmem:$0x1FEC0] =	vst v60;
	v60 =	vld [tilespmem:$0x8880]  }
0x1e6: {  	[tilespmem:$0x1FF20] =	vst v22;
	v22 =	vld [tilespmem:$0x8680]  }
0x1e7: {  	v36 =	vld [tilespmem:$0x8670]  }
0x1e8: {  	v35 =	vadd.f32 v3, v11;
	v3 =	vld [tilespmem:$0x1FC80]  }
0x1e9: {  	v2 =	vadd.f32 v13, v2;
	v13 =	vld [tilespmem:$0x1FCC0]  }
0x1ea: {  	v29 =	vadd.f32 v29, v35;
	v35 =	vld [tilespmem:$0x1FCB0]  }
0x1eb: {  	v5 =	vld [tilespmem:$0x8710]  }
0x1ec: {  	v34 =	vld [tilespmem:$0x8F70]  }
0x1ed: {  	v25 =	vld [tilespmem:$0x8780];
	v3 =	vadd.f32 v3, v46  }
0x1ee: {  	v2 =	vadd.f32 v13, v2;
	v13 =	vld [tilespmem:$0x1FCD0]  }
0x1ef: {  	v21 =	vld [tilespmem:$0x8700];
	v3 =	vadd.f32 v35, v3  }
0x1f0: {  	v2 =	vadd.f32 v61, v2;
	v61 =	vld [tilespmem:$0x1FCF0]  }
0x1f1: {  	v63 =	vld [tilespmem:$0x8800];
	v3 =	vadd.f32 v15, v3  }
0x1f2: {  	v30 =	vld [tilespmem:$0x9280];
	v32 =	vadd.f32 v32, v2  }
0x1f3: {  	v2 =	vld [tilespmem:$0x1FD10];
	v29 =	vadd.f32 v13, v29;
	v3 =	vadd.f32 v17, v3  }
0x1f4: {  	v56 =	vld [tilespmem:$0x8A00]  }
0x1f5: {  	v29 =	vadd.f32 v61, v29;
	v61 =	vadd.f32 v18, v3;
	v3 =	vld [tilespmem:$0x1FD40]  }
0x1f6: {  	v47 =	vld [tilespmem:$0x9380]  }
0x1f7: {  	v24 =	vadd.f32 v33, v24;
	v53 =	vld [tilespmem:$0x9300]  }
0x1f8: {  	v21 =	vadd.f32 v21, v22;
	v22 =	vld [tilespmem:$0x8830];
	v33 =	vadd.f32 v2, v29  }
0x1f9: {  	v58 =	vld [tilespmem:$0x8900]  }
0x1fa: {  	v33 =	vadd.f32 v3, v33;
	v3 =	vld [tilespmem:$0x1FD50]  }
0x1fb: {  	v21 =	vadd.f32 v25, v21;
	v25 =	vadd.f32 v37, v41;
	v37 =	vld [tilespmem:$0x89B0]  }
0x1fc: {  	v57 =	vld [tilespmem:$0x8980]  }
0x1fd: {  	v2 =	vld [tilespmem:$0x1FD20]  }
0x1fe: {  	v42 =	vld [tilespmem:$0x9480]  }
0x1ff: {  	v61 =	vadd.f32 v3, v61;
	v3 =	vld [tilespmem:$0x1FD60]  }
0x200: {  	v39 =	vld [tilespmem:$0x9500]  }
0x201: {  	v41 =	vadd.f32 v63, v21;
	v21 =	vld [tilespmem:$0x8A30]  }
0x202: {  	v25 =	vadd.f32 v36, v25;
	v36 =	vld [tilespmem:$0x9330];
	v32 =	vadd.f32 v2, v32  }
0x203: {  	v63 =	vld [tilespmem:$0x1FE80]  }
0x204: {  	v32 =	vadd.f32 v3, v32;
	v3 =	vld [tilespmem:$0x1FD70]  }
0x205: {  	v5 =	vadd.f32 v5, v6;
	v38 =	vld [tilespmem:$0x9580]  }
0x206: {  	v25 =	vadd.f32 v31, v25;
	v31 =	vld [tilespmem:$0x9430]  }
0x207: {  	v5 =	vadd.f32 v7, v5;
	v7 =	vadd.f32 v60, v41;
	v41 =	vld [tilespmem:$0x1FE90]  }
0x208: {  	v60 =	vld [tilespmem:$0x1FEA0]  }
0x209: {  	v25 =	vadd.f32 v34, v25;
	v34 =	vld [tilespmem:$0x94B0];
	v3 =	vadd.f32 v3, v33  }
0x20a: {  	v7 =	vadd.f32 v58, v7;
	v44 =	vld [tilespmem:$0x9400]  }
0x20b: {  	[tilespmem:$0x1FFD0] =	vst v3;
	v3 =	vld [tilespmem:$0x1FD80]  }
0x20c: {  	v7 =	vadd.f32 v57, v7;
	v58 =	vadd.f32 v26, v25;
	v25 =	vld [tilespmem:$0x95B0]  }
0x20d: {  	v26 =	vld [tilespmem:$0x9630]  }
0x20e: {  	v57 =	vld [tilespmem:$0x1FED0];
	v7 =	vadd.f32 v56, v7  }
0x20f: {  	v56 =	vld [tilespmem:$0x89C0]  }
0x210: {  	v7 =	vadd.f32 v30, v7;
	v61 =	vadd.f32 v3, v61;
	v3 =	vld [tilespmem:$0x1FD90]  }
0x211: {  	v30 =	vld [tilespmem:$0x8740]  }
0x212: {  	v7 =	vadd.f32 v53, v7;
	v53 =	vld [tilespmem:$0x8840]  }
0x213: {  	v2 =	vld [tilespmem:$0x1FD30]  }
0x214: {  	v27 =	vld [tilespmem:$0x9600]  }
0x215: {  	v8 =	vld [tilespmem:$0x8890];
	v3 =	vadd.f32 v3, v32  }
0x216: {  	v4 =	vld [tilespmem:$0x8810]  }
0x217: {  	[tilespmem:$0x1FFE0] =	vst v3;
	v3 =	vld [tilespmem:$0x1FDA0]  }
0x218: {  	v9 =	vld [tilespmem:$0x8910];
	v2 =	vadd.f32 v2, v24  }
0x219: {  	v55 =	vld [tilespmem:$0x8990]  }
0x21a: {  	v12 =	vld [tilespmem:$0x8A10];
	v2 =	vadd.f32 v20, v2  }
0x21b: {  	v14 =	vld [tilespmem:$0x9290];
	v4 =	vadd.f32 v4, v5  }
0x21c: {  	v2 =	vadd.f32 v3, v2;
	v3 =	vld [tilespmem:$0x1FDB0]  }
0x21d: {  	v5 =	vld [tilespmem:$0x92B0];
	v4 =	vadd.f32 v8, v4  }
0x21e: {  	v8 =	vld [tilespmem:$0x93B0]  }
0x21f: {  	v16 =	vld [tilespmem:$0x9310];
	v4 =	vadd.f32 v9, v4  }
0x220: {  	v9 =	vadd.f32 v59, v58;
	v58 =	vld [tilespmem:$0x1FEE0]  }
0x221: {  	v4 =	vadd.f32 v55, v4;
	v61 =	vadd.f32 v3, v61;
	v3 =	vld [tilespmem:$0x1FDC0]  }
0x222: {  	v59 =	vld [tilespmem:$0x1FEF0]  }
0x223: {  	v4 =	vadd.f32 v12, v4;
	v12 =	vld [tilespmem:$0x86C0]  }
0x224: {  	v19 =	vld [tilespmem:$0x9390]  }
0x225: {  	v4 =	vadd.f32 v14, v4;
	v14 =	vld [tilespmem:$0x87C0]  }
0x226: {  	v2 =	vadd.f32 v3, v2;
	v3 =	vld [tilespmem:$0x1FDD0]  }
0x227: {  	v62 =	vld [tilespmem:$0x9490]  }
0x228: {  	v49 =	vld [tilespmem:$0x9410];
	v4 =	vadd.f32 v16, v4  }
0x229: {  	v55 =	vld [tilespmem:$0x8940];
	v12 =	vadd.f32 v30, v12  }
0x22a: {  	v16 =	vld [tilespmem:$0x88C0];
	v19 =	vadd.f32 v19, v4  }
0x22b: {  	v12 =	vadd.f32 v14, v12;
	v61 =	vadd.f32 v3, v61;
	v3 =	vld [tilespmem:$0x1FDE0]  }
0x22c: {  	v30 =	vld [tilespmem:$0x89D0]  }
0x22d: {  	v49 =	vadd.f32 v49, v19;
	v19 =	vld [tilespmem:$0x92C0];
	v12 =	vadd.f32 v53, v12  }
0x22e: {  	v53 =	vld [tilespmem:$0x8760]  }
0x22f: {  	v12 =	vadd.f32 v16, v12;
	v10 =	vld [tilespmem:$0x8720]  }
0x230: {  	v2 =	vadd.f32 v3, v2;
	v3 =	vld [tilespmem:$0x1FDF0]  }
0x231: {  	v12 =	vadd.f32 v55, v12;
	v55 =	vld [tilespmem:$0x8770]  }
0x232: {  	v11 =	vld [tilespmem:$0x86A0]  }
0x233: {  	v12 =	vadd.f32 v56, v12;
	v56 =	vld [tilespmem:$0x87E0]  }
0x234: {  	v13 =	vld [tilespmem:$0x87A0]  }
0x235: {  	v61 =	vadd.f32 v3, v61;
	v3 =	vld [tilespmem:$0x1FE00]  }
0x236: {  	v15 =	vld [tilespmem:$0x8820]  }
0x237: {  	v46 =	vld [tilespmem:$0x9590];
	v10 =	vadd.f32 v10, v11  }
0x238: {  	v17 =	vld [tilespmem:$0x88A0]  }
0x239: {  	v10 =	vadd.f32 v13, v10;
	v18 =	vld [tilespmem:$0x8920]  }
0x23a: {  	v2 =	vadd.f32 v3, v2;
	v3 =	vld [tilespmem:$0x1FE10]  }
0x23b: {  	v11 =	vld [tilespmem:$0x9340];
	v10 =	vadd.f32 v15, v10  }
0x23c: {  	v29 =	vld [tilespmem:$0x89A0]  }
0x23d: {  	v35 =	vld [tilespmem:$0x9610];
	v10 =	vadd.f32 v17, v10  }
0x23e: {  	v24 =	vld [tilespmem:$0x8A20]  }
0x23f: {  	v10 =	vadd.f32 v18, v10;
	v3 =	vadd.f32 v3, v61;
	v61 =	vld [tilespmem:$0x1FE30]  }
0x240: {  	v20 =	vld [tilespmem:$0x92A0]  }
0x241: {  	v10 =	vadd.f32 v29, v10;
	v33 =	vld [tilespmem:$0x9320]  }
0x242: {  	[tilespmem:$0x1FFF0] =	vst v3;
	v3 =	vld [tilespmem:$0x1FE20]  }
0x243: {  	v10 =	vadd.f32 v24, v10;
	v32 =	vld [tilespmem:$0x93A0]  }
0x244: {  	v2 =	vadd.f32 v61, v2;
	v61 =	vld [tilespmem:$0x1FE40]  }
0x245: {  	v13 =	vld [tilespmem:$0x9440];
	v10 =	vadd.f32 v20, v10  }
0x246: {  	v17 =	vld [tilespmem:$0x9640]  }
0x247: {  	v10 =	vadd.f32 v33, v10;
	v23 =	vadd.f32 v3, v23;
	v3 =	vld [tilespmem:$0x8730]  }
0x248: {  	v29 =	vld [tilespmem:$0x8950]  }
0x249: {  	v10 =	vadd.f32 v32, v10;
	v23 =	vadd.f32 v61, v23;
	v61 =	vld [tilespmem:$0x1FE50]  }
0x24a: {  	v24 =	vld [tilespmem:$0x89F0]  }
0x24b: {  	v33 =	vld [tilespmem:$0x9360];
	v10 =	vadd.f32 v28, v10  }
0x24c: {  	v32 =	vld [tilespmem:$0x1FF60];
	v3 =	vadd.f32 v3, v51  }
0x24d: {  	v28 =	vld [tilespmem:$0x1FF40];
	v10 =	vadd.f32 v50, v10  }
0x24e: {  	v3 =	vadd.f32 v48, v3;
	v6 =	vadd.f32 v61, v23;
	v61 =	vld [tilespmem:$0x1FE60]  }
0x24f: {  	v23 =	vld [tilespmem:$0x8930]  }
0x250: {  	v50 =	vld [tilespmem:$0x9650];
	v10 =	vadd.f32 v40, v10;
	v3 =	vadd.f32 v22, v3  }
0x251: {  	v40 =	vld [tilespmem:$0x1FFA0]  }
0x252: {  	v10 =	vadd.f32 v52, v10;
	v52 =	vld [tilespmem:$0x95E0];
	v3 =	vadd.f32 v43, v3  }
0x253: {  	v6 =	vadd.f32 v61, v6;
	v61 =	vld [tilespmem:$0x1FE70]  }
0x254: {  	v10 =	vadd.f32 v45, v10;
	v45 =	vld [tilespmem:$0x94E0];
	v3 =	vadd.f32 v23, v3  }
0x255: {  	v51 =	vld [tilespmem:$0x86E0]  }
0x256: {  	v48 =	vld [tilespmem:$0x9550];
	v3 =	vadd.f32 v37, v3  }
0x257: {  	v22 =	vld [tilespmem:$0x8970]  }
0x258: {  	v43 =	vld [tilespmem:$0x93D0];
	v3 =	vadd.f32 v21, v3;
	v6 =	vadd.f32 v61, v6  }
0x259: {  	v23 =	vld [tilespmem:$0x95C0]  }
0x25a: {  	v3 =	vadd.f32 v5, v3;
	v6 =	vadd.f32 v63, v6;
	v63 =	vld [tilespmem:$0x1FEC0]  }
0x25b: {  	v61 =	vld [tilespmem:$0x1FEB0]  }
0x25c: {  	v3 =	vadd.f32 v36, v3;
	v36 =	vld [tilespmem:$0x1FF80];
	v6 =	vadd.f32 v41, v6  }
0x25d: {  	v47 =	vadd.f32 v47, v7;
	v41 =	vld [tilespmem:$0x9530]  }
0x25e: {  	v3 =	vadd.f32 v8, v3;
	v6 =	vadd.f32 v60, v6;
	v60 =	vld [tilespmem:$0x1FF00]  }
0x25f: {  	v9 =	vadd.f32 v63, v9;
	v63 =	vadd.f32 v44, v47;
	v44 =	vld [tilespmem:$0x8A40]  }
0x260: {  	v47 =	vld [tilespmem:$0x1FF20]  }
0x261: {  	v3 =	vadd.f32 v31, v3;
	v31 =	vld [tilespmem:$0x92F0]  }
0x262: {  	v6 =	vadd.f32 v61, v6;
	v61 =	vld [tilespmem:$0x1FF10]  }
0x263: {  	v9 =	vadd.f32 v58, v9;
	v58 =	vld [tilespmem:$0x8750]  }
0x264: {  	v3 =	vadd.f32 v34, v3;
	v34 =	vld [tilespmem:$0x1FF70]  }
0x265: {  	v6 =	vadd.f32 v57, v6;
	v57 =	vld [tilespmem:$0x86D0]  }
0x266: {  	v9 =	vadd.f32 v60, v9;
	v60 =	vld [tilespmem:$0x94C0]  }
0x267: {  	v3 =	vadd.f32 v41, v3;
	v41 =	vld [tilespmem:$0x9460]  }
0x268: {  	v6 =	vadd.f32 v59, v6;
	v12 =	vadd.f32 v44, v12;
	v44 =	vld [tilespmem:$0x1FFC0]  }
0x269: {  	v4 =	vadd.f32 v47, v9;
	v9 =	vadd.f32 v62, v49;
	v62 =	vld [tilespmem:$0x8850]  }
0x26a: {  	v2 =	vadd.f32 $1.000000000e+00, v2;
	v47 =	vld [tilespmem:$0x94D0]  }
0x26b: {  	v49 =	vld [tilespmem:$0x95D0];
	v3 =	vadd.f32 v25, v3;
	v7 =	vadd.f32 v61, v6  }
0x26c: {  	v25 =	vld [tilespmem:$0x8A60];
	v6 =	vadd.f32 v42, v63;
	v12 =	vadd.f32 v19, v12  }
0x26d: {  	v61 =	vld [tilespmem:$0x87D0];
	v19 =	vadd.f32 $1.000000000e+00, v28;
	v9 =	vadd.f32 v54, v9  }
0x26e: {  	v42 =	vld [tilespmem:$0x93C0];
	v15 =	vadd.f32 v58, v57;
	v3 =	vadd.f32 v26, v3  }
0x26f: {  	[tilespmem:$0x9750] =	vst v2;
	v63 =	vld [tilespmem:$0x88D0];
	v2 =	vadd.f32 $1.000000000e+00, v4;
	v6 =	vadd.f32 v39, v6  }
0x270: {  	v54 =	vld [tilespmem:$0x86F0];
	v11 =	vadd.f32 v11, v12;
	v12 =	vadd.f32 v53, v51  }
0x271: {  	v57 =	vld [tilespmem:$0x87F0];
	[tilespmem:$0x9690] =	vst v19;
	v19 =	vadd.f32 $1.000000000e+00, v32;
	v7 =	vadd.f32 $1.000000000e+00, v7  }
0x272: {  	v58 =	vld [tilespmem:$0x8860];
	v59 =	vadd.f32 v46, v9;
	v15 =	vadd.f32 v61, v15  }
0x273: {  	v26 =	vld [tilespmem:$0x1FF30];
	v6 =	vadd.f32 v38, v6;
	v11 =	vadd.f32 v42, v11  }
0x274: {  	v39 =	vld [tilespmem:$0x9350];
	v3 =	vadd.f32 $1.000000000e+00, v3;
	v15 =	vadd.f32 v62, v15  }
0x275: {  	v9 =	vadd.f32 v27, v6;
	v27 =	vld [tilespmem:$0x9540];
	v11 =	vadd.f32 v13, v11  }
0x276: {  	v6 =	vadd.f32 v35, v59;
	v59 =	vld [tilespmem:$0x8870];
	v37 =	vadd.f32 v63, v15  }
0x277: {  	v35 =	vld [tilespmem:$0x8A50];
	v11 =	vadd.f32 v60, v11;
	v60 =	vadd.f32 v55, v54  }
0x278: {  	v12 =	vadd.f32 v56, v12;
	[tilespmem:$0x96B0] =	vst v19;
	v19 =	vadd.f32 $1.000000000e+00, v36;
	v62 =	vld [tilespmem:$0x88F0]  }
0x279: {  	v61 =	vld [tilespmem:$0x88E0];
	v5 =	vadd.f32 v29, v37;
	v8 =	vadd.f32 v57, v60  }
0x27a: {  	v38 =	vld [tilespmem:$0x92D0];
	v12 =	vadd.f32 v58, v12;
	v11 =	vadd.f32 v27, v11  }
0x27b: {  	v63 =	vld [tilespmem:$0x8960];
	v5 =	vadd.f32 v30, v5;
	v8 =	vadd.f32 v59, v8  }
0x27c: {  	v51 =	vld [tilespmem:$0x9570];
	[tilespmem:$0x96D0] =	vst v19;
	v19 =	vadd.f32 $1.000000000e+00, v40;
	v11 =	vadd.f32 v23, v11  }
0x27d: {  	v23 =	vld [tilespmem:$0x89E0];
	v5 =	vadd.f32 v35, v5;
	v8 =	vadd.f32 v62, v8  }
0x27e: {  	[tilespmem:$0x96F0] =	vst v19;
	v19 =	vadd.f32 $1.000000000e+00, v44;
	v12 =	vadd.f32 v61, v12;
	v27 =	vld [tilespmem:$0x8A70]  }
0x27f: {  	v53 =	vld [tilespmem:$0x95F0];
	v5 =	vadd.f32 v38, v5;
	v8 =	vadd.f32 v22, v8  }
0x280: {  	v46 =	vld [tilespmem:$0x9450];
	v56 =	vadd.f32 $1.000000000e+00, v9;
	v12 =	vadd.f32 v63, v12  }
0x281: {  	v29 =	vld [tilespmem:$0x92E0];
	v5 =	vadd.f32 v39, v5;
	v8 =	vadd.f32 v24, v8  }
0x282: {  	v61 =	vadd.f32 $1.000000000e+00, v10;
	v35 =	vld [tilespmem:$0x9370];
	v12 =	vadd.f32 v23, v12  }
0x283: {  	v30 =	vld [tilespmem:$0x1FF50];
	v5 =	vadd.f32 v43, v5;
	v8 =	vadd.f32 v27, v8  }
0x284: {  	v11 =	vadd.f32 v17, v11;
	v39 =	vld [tilespmem:$0x93F0];
	v12 =	vadd.f32 v25, v12  }
0x285: {  	v37 =	vld [tilespmem:$0x93E0];
	v5 =	vadd.f32 v46, v5;
	v8 =	vadd.f32 v31, v8  }
0x286: {  	[tilespmem:$0x9770] =	vst v2;
	v17 =	vadd.f32 $1.000000000e+00, v26;
	v43 =	vld [tilespmem:$0x9470];
	v12 =	vadd.f32 v29, v12  }
0x287: {  	[tilespmem:$0x9760] =	vst v7;
	v38 =	vld [tilespmem:$0x1FF90];
	v5 =	vadd.f32 v47, v5;
	v8 =	vadd.f32 v35, v8  }
0x288: {  	[tilespmem:$0x9680] =	vst v17;
	v17 =	vadd.f32 $1.000000000e+00, v30;
	v12 =	vadd.f32 v33, v12;
	v47 =	vld [tilespmem:$0x94F0]  }
0x289: {  	v42 =	vld [tilespmem:$0x1FFB0];
	[tilespmem:$0x97B0] =	vst v3;
	v5 =	vadd.f32 v48, v5;
	v8 =	vadd.f32 v39, v8  }
0x28a: {  	v58 =	vld [tilespmem:$0x9670];
	[tilespmem:$0x96A0] =	vst v17;
	v17 =	vadd.f32 $1.000000000e+00, v34;
	v12 =	vadd.f32 v37, v12  }
0x28b: {  	[tilespmem:$0x9710] =	vst v19;
	v5 =	vadd.f32 v49, v5;
	v49 =	vld [tilespmem:$0x9560];
	v8 =	vadd.f32 v43, v8  }
0x28c: {  	[tilespmem:$0x96C0] =	vst v17;
	v17 =	vadd.f32 $1.000000000e+00, v38;
	v46 =	vld [tilespmem:$0x1FFD0];
	v12 =	vadd.f32 v41, v12  }
0x28d: {  	[tilespmem:$0x9780] =	vst v56;
	v59 =	vadd.f32 $1.000000000e+00, v6;
	v48 =	vld [tilespmem:$0x1FFE0];
	v54 =	vadd.f32 v47, v8  }
0x28e: {  	v55 =	vld [tilespmem:$0x9660];
	[tilespmem:$0x96E0] =	vst v17;
	v17 =	vadd.f32 $1.000000000e+00, v42;
	v12 =	vadd.f32 v45, v12  }
0x28f: {  	[tilespmem:$0x97A0] =	vst v61;
	v5 =	vadd.f32 v50, v5;
	v50 =	vld [tilespmem:$0x1FFF0];
	v2 =	vadd.f32 v51, v54  }
0x290: {  	[tilespmem:$0x9790] =	vst v59;
	v63 =	vadd.f32 $1.000000000e+00, v11;
	v57 =	vadd.f32 v49, v12  }
0x291: {  	[tilespmem:$0x9700] =	vst v17;
	v17 =	vadd.f32 $1.000000000e+00, v46;
	v2 =	vadd.f32 v53, v2  }
0x292: {  	[tilespmem:$0x97C0] =	vst v63;
	v19 =	vadd.f32 $1.000000000e+00, v48;
	v60 =	vadd.f32 v52, v57  }
0x293: {  	[tilespmem:$0x9720] =	vst v17;
	v3 =	vadd.f32 $1.000000000e+00, v5;
	v2 =	vadd.f32 v58, v2  }
0x294: {  	[tilespmem:$0x9730] =	vst v19;
	v17 =	vadd.f32 $1.000000000e+00, v50;
	v62 =	vadd.f32 v55, v60  }
0x295: {  	[tilespmem:$0x97D0] =	vst v3;
	v2 =	vadd.f32 $1.000000000e+00, v2  }
0x296: {  	s18 =	sadd.s32 $0x1, s18;
	[tilespmem:$0x9740] =	vst v17;
	v4 =	vadd.f32 $1.000000000e+00, v62  }
0x297: {  	p1 =	sne.s32 s18, s9;
	[tilespmem:$0x97F0] =	vst v2  }
.Ltmp1:
0x298: {  	[tilespmem:$0x97E0] =	vst v4;
	(pc) =	sbr.rel @p1 .LBB2_1-.Ltmp1, $4  }
0x299: {  	[hbm4b:s8+s2] =	stream.linear.scatter [tilespmem:s17], [sflag:$0x1], $0x180, $0x38;
	[tilespmem:$0x9800] =	vst v63  }
0x29a: {  	_ =	swait.ge [sflag:s11], $0x180  }
0x29b: {  	[sflag:s11] =	ssyncset.done $0x0  }
0x29c: {  	[sflag:s11] =	ssyncadd.s32 $0xFFFFFE80  }
0x29d: {  	_ =	sfence.sel $0x180000  }
0x29e: {  	[bflag:$0x0] =	sbarrier.arrive $0xFFFF  }
0x29f: {  	p0 =	sne.s32 s1, $0x0;
	_ =	strace $0x90000047  }
0x2a0: {  	s0 =	sadd.s32 @!p0 $0x100000, s0;
	[bflag:$0x2] =	sbarrier.arrive $0xFFFF  }
0x2a1: {  	[sflag:s0] =	ssyncadd.tile.s32 @!p0 $0x1;
	_ =	shalt  }
.Lfunc_end2:
_tile_overlayer_lowered:
.L_overlay_start_2:
0x2a2: {  	(tag) =	ssettag $0x2  }
0x2a3: {  	s0 =	rddreg [dreg:$0x0];
	s2 =	stileid.u32  }
0x2a4: {  	s1 =	rddreg [dreg:$0x1];
	p0 =	sne.s32 s2, $0x0  }
0x2a5: {  	s3 =	rddreg [dreg:$0x2];
	[bflag:$0x3] =	sbarrier.arrive $0xFFFF;
	s2 =	simm.s32 @!p0 $0x1C01  }
0x2a6: {  	[timem:s3], [sflag:s2] =	dma.local @!p0 [hbm:s0], s1  }
0x2a7: {  	s0 =	simm.s32 @!p0 $0x1  }
0x2a8: {  	_ =	swait.ge @!p0 [sflag:s0], s1  }
0x2a9: {  	s1 =	ssub.s32 @!p0 $0x0, s1;
	[sflag:s0] =	ssyncset.done @!p0 $0x0  }
0x2aa: {  	[sflag:s0] =	ssyncadd.s32 @!p0 s1  }
0x2ab: {  	[bflag:$0x3] =	sbarrier.arrive $0xFFFF  }
0x2ac: {  	_ =	shalt  }

// kernel: kernel.9.cloned.1.call-start
scs
__scs_entry_jumppad:
0x0: {  	(pc) =	sbr.rel $0x88, $3  }
0x1: {  	(tag) =	ssettag $0x0;
	lr =	simm.s32 $0x1  }
0x2: {  	[smem:$0x3F9D] =	sst lr;
	_ =	strace $0xD0000000  }
0x3: {  	_ = 	snop  }
0x4: {  	_ = 	snop  }
0x5: {  	_ = 	snop  }
0x6: {  	_ = 	snop  }
0x7: {  	_ = 	snop  }
__scs_overlays_trampoline_lowered:
0x8: {  	[smem:$0x3FAC] =	sst s0  }
0x9: {  	[smem:$0x3FAD] =	sst s1  }
0xa: {  	[smem:$0x3FAE] =	sst s2  }
0xb: {  	[smem:$0x3FAF] =	sst s3  }
0xc: {  	[smem:$0x3FB0] =	sst s4  }
0xd: {  	[smem:$0x3FB1] =	sst s5  }
0xe: {  	[smem:$0x3FB2] =	sst s6  }
0xf: {  	[smem:$0x3FB3] =	sst s7  }
0x10: {  	[smem:$0x3FB4] =	sst s8  }
0x11: {  	[smem:$0x3FB5] =	sst s9;
	s0 =	simm.s32 @!p0 $0x0  }
0x12: {  	s1 =	sld [smem:$0x3F9B];
	s0 =	simm.s32 @p0 $0x1  }
0x13: {  	[smem:$0x3FB6] =	sst s0;
	s0 =	simm.s32 @!p1 $0x0  }
0x14: {  	s2 =	sld [smem:$0x3F9A];
	s0 =	simm.s32 @p1 $0x1  }
0x15: {  	[smem:$0x3FB7] =	sst s0;
	s0 =	simm.s32 @!p2 $0x0  }
0x16: {  	s3 =	sld [smem:$0x3FDB];
	s0 =	simm.s32 @p2 $0x1  }
0x17: {  	s4 =	simm.s32 $0x1BF5;
	[smem:$0x3FB9] =	sst s0  }
0x18: {  	s0 =	sld [smem:$0x3F9C];
	_ =	swait.ge [sflag:s4], $0x0  }
0x19: {  	s7 =	sld [smem:$0x3F9D]  }
0x1a: {  	s8 =	sadd.s32 $0xFFFFE003, lr  }
0x1b: {  	s9 =	sadd.s32 $0xFFFFFEF7, lr;
	s5 =	simm.s32 $0xFFFFFFFF;
	p2 =	slt.u32 s8, $0xFFFFF086  }
0x1c: {  	p1 =	slt.u32 s9, $0xF7A;
	s5 =	simm.s32 @!p2 $0x0  }
0x1d: {  	s5 =	simm.s32 @p1 $0x1;
	p0 =	seq.s32 s7, s2  }
0x1e: {  	s7 =	smul.u32 @!p0 $0xF7A, s2;
	p2 =	seq.s32 @!p0 s5, $0x0  }
0x1f: {  	s9 =	smul.u32 $0xF7A, s1;
	s8 =	simm.s32 @!p0 $0x1BF5;
	p2 =	por !p2, p0  }
0x20: {  	[sflag:s8] =	ssyncset.s32 @!p0 $0xFFFFF086;
	s6 =	sadd.s32 @!p0 s3, s7;
	s7 =	simm.s32 @!p0 $0x108  }
0x21: {  	s3 =	sadd.s32 s3, s9;
	s6 =	sadd.s32 @!p0 $0x88, s6;
	s7 =	simm.s32 @p2 $0x1082  }
0x22: {  	[simem:s7], [sflag:s8] =	dma.local @!p0 [hbm:s6], $0xF7A  }
0x23: {  	s9 =	sor.u32 $0xD0000000, s2;
	s6 =	simm.s32 $0x108;
	_ =	swait.ge @!p0 [sflag:s8], $0x0  }
0x24: {  	s3 =	sadd.s32 $0x88, s3;
	s6 =	simm.s32 @!p1 $0x1082;
	[sflag:s4] =	ssyncset.s32 $0xFFFFF086  }
0x25: {  	[simem:s6], [sflag:s4] =	dma.local [hbm:s3], $0xF7A  }
0x26: {  	[smem:$0x3F9D] =	sst s1;
	(tag) =	ssettag s2;
	_ =	strace s9  }
0x27: {  	s1 =	sld [smem:$0x3FAD]  }
0x28: {  	s2 =	sld [smem:$0x3FAE]  }
0x29: {  	s4 =	sld [smem:$0x3FB0]  }
0x2a: {  	p0 =	seq.s32 s5, $0x0;
	s5 =	sld [smem:$0x3FB1]  }
0x2b: {  	s6 =	sld [smem:$0x3FB2]  }
0x2c: {  	s7 =	sld [smem:$0x3FB3]  }
0x2d: {  	s3 =	simm.s32 $0x108;
	s8 =	sld [smem:$0x3FB4]  }
0x2e: {  	s3 =	simm.s32 @!p0 $0x1082;
	s9 =	sld [smem:$0x3FB5]  }
0x2f: {  	lr =	sadd.s32 s0, s3;
	s0 =	sld [smem:$0x3FAC]  }
0x30: {  	s3 =	sld [smem:$0x3FAF]  }
0x31: {  	[smem:$0x3FB8] =	sst s10  }
0x32: {  	s10 =	sld [smem:$0x3FB6];
	_ =	sdelay $0x3  }
0x33: {  	p0 =	seq.s32 s10, $0x1;
	s10 =	sld [smem:$0x3FB8];
	_ =	sdelay $0x3  }
0x34: {  	[smem:$0x3FB8] =	sst s10  }
0x35: {  	s10 =	sld [smem:$0x3FB7];
	_ =	sdelay $0x3  }
0x36: {  	p1 =	seq.s32 s10, $0x1;
	s10 =	sld [smem:$0x3FB8];
	_ =	sdelay $0x3  }
0x37: {  	[smem:$0x3FB8] =	sst s10  }
0x38: {  	s10 =	sld [smem:$0x3FB9]  }
0x39: {  	_ = 	snop;
	(pc) =	sbr.ind lr, $3  }
0x3a: {  	_ = 	snop  }
0x3b: {  	_ = 	snop  }
0x3c: {  	p2 =	seq.s32 s10, $0x1;
	s10 =	sld [smem:$0x3FB8]  }
0x3d: {  	_ =	shalt  }
0x3e: {  	_ =	shalt  }
0x3f: {  	_ =	shalt  }
0x40: {  	_ =	shalt  }
0x41: {  	_ =	shalt  }
0x42: {  	_ =	shalt  }
0x43: {  	_ =	shalt  }
0x44: {  	_ =	shalt  }
0x45: {  	_ =	shalt  }
0x46: {  	_ =	shalt  }
0x47: {  	_ =	shalt  }
0x48: {  	_ =	shalt  }
0x49: {  	_ =	shalt  }
0x4a: {  	_ =	shalt  }
0x4b: {  	_ =	shalt  }
0x4c: {  	_ =	shalt  }
0x4d: {  	_ =	shalt  }
0x4e: {  	_ =	shalt  }
0x4f: {  	_ =	shalt  }
0x50: {  	_ =	shalt  }
0x51: {  	_ =	shalt  }
0x52: {  	_ =	shalt  }
0x53: {  	_ =	shalt  }
0x54: {  	_ =	shalt  }
0x55: {  	_ =	shalt  }
0x56: {  	_ =	shalt  }
0x57: {  	_ =	shalt  }
0x58: {  	_ =	shalt  }
0x59: {  	_ =	shalt  }
0x5a: {  	_ =	shalt  }
0x5b: {  	_ =	shalt  }
0x5c: {  	_ =	shalt  }
0x5d: {  	_ =	shalt  }
0x5e: {  	_ =	shalt  }
0x5f: {  	_ =	shalt  }
0x60: {  	_ =	shalt  }
0x61: {  	_ =	shalt  }
0x62: {  	_ =	shalt  }
0x63: {  	_ =	shalt  }
0x64: {  	_ =	shalt  }
0x65: {  	_ =	shalt  }
0x66: {  	_ =	shalt  }
0x67: {  	_ =	shalt  }
0x68: {  	_ =	shalt  }
0x69: {  	_ =	shalt  }
0x6a: {  	_ =	shalt  }
0x6b: {  	_ =	shalt  }
0x6c: {  	_ =	shalt  }
0x6d: {  	_ =	shalt  }
0x6e: {  	_ =	shalt  }
0x6f: {  	_ =	shalt  }
0x70: {  	_ =	shalt  }
0x71: {  	_ =	shalt  }
0x72: {  	_ =	shalt  }
0x73: {  	_ =	shalt  }
0x74: {  	_ =	shalt  }
0x75: {  	_ =	shalt  }
0x76: {  	_ =	shalt  }
0x77: {  	_ =	shalt  }
0x78: {  	_ =	shalt  }
0x79: {  	_ =	shalt  }
0x7a: {  	_ =	shalt  }
0x7b: {  	_ =	shalt  }
0x7c: {  	_ =	shalt  }
0x7d: {  	_ =	shalt  }
0x7e: {  	_ =	shalt  }
0x7f: {  	_ =	shalt  }
0x80: {  	_ =	shalt  }
0x81: {  	_ =	shalt  }
0x82: {  	_ =	shalt  }
0x83: {  	_ =	shalt  }
0x84: {  	_ =	shalt  }
0x85: {  	_ =	shalt  }
0x86: {  	_ =	shalt  }
0x87: {  	_ =	shalt  }
.Lfunc_end0:
.L_simem_size_0:
called_computation.1_lowered:
.L_overlay_start_0:
0x88: {  	s2 =	sld [smem:$0x3FD9]  }
0x89: {  	s3 =	sld [smem:$0x3FFE];
	_ =	sdelay $0x1  }
0x8a: {  	s1 =	srdreg.scid  }
0x8b: {  	s0 =	sand.u32 $0x1, s1  }
0x8c: {  	s17 =	sshll.u32 s0, $0xA;
	s2 =	sadd.s32 s3, s2  }
0x8d: {  	s2 =	sadd.s32 s2, s17  }
0x8e: {  	[smem:$0x3FC4] =	sst s2  }
0x8f: {  	_ = 	snop  }
0x90: {  	s2 =	sld [smem:$0x3FD0];
	(tm) =	ssettm $0x1  }
0x91: {  	s18 =	sld [smem:$0x3FFB];
	_ =	sdelay $0x3  }
0x92: {  	_ =	strace s18  }
0x93: {  	s3 =	sld [smem:$0x3FFC];
	_ =	sdelay $0x3  }
0x94: {  	_ =	strace s3  }
0x95: {  	s3 =	sld [smem:$0x3FFD];
	_ =	sdelay $0x3  }
0x96: {  	_ =	strace s3  }
0x97: {  	_ =	strace $0x8FFFFFFF  }
0x98: {  	s19 =	sld [smem:$0x3FDB];
	_ =	sdelay $0x1  }
0x99: {  	s4 =	simm.s32 $_scs_section_size  }
0x9a: {  	s5 =	simm.s32 $_size__tile_overlayer_lowered;
	s6 =	simm.s32 $_tile_overlayer_lowered  }
0x9b: {  	s22 =	simm.s32 $0x1BFF;
	s21 =	sshll.u32 s6, $0x1;
	s3 =	sadd.s32 s4, s19  }
0x9c: {  	s7 =	simm.s32 $0x0;
	s20 =	sshll.u32 s5, $0x1;
	s5 =	sadd.s32 s21, s3  }
0x9d: {  	[timem:s7], [sflag:s22] =	dma.local [hbm:s5], s20  }
0x9e: {  	_ =	swait.ge [sflag:s22], s20  }
0x9f: {  	s4 =	ssub.s32 $0x0, s20;
	[sflag:s22] =	ssyncset.done $0x0  }
0xa0: {  	[sflag:s22] =	ssyncadd.s32 s4;
	_ =	sdelay $0x1  }
0xa1: {  	s23 =	simm.s32 $0x1B8B  }
0xa2: {  	_ =	swait.ge [sflag:s23], $0x1  }
0xa3: {  	[sflag:s23] =	ssyncset.done $0x0  }
0xa4: {  	s25 =	simm.s32 $0x1B8E;
	s24 =	sld [smem:$0x3FFE];
	[sflag:s23] =	ssyncadd.s32 $0xFFFFFFFF  }
0xa5: {  	s26 =	simm.s32 $execute0_lowered;
	[smem:$0x3FD2] =	sst s25  }
0xa6: {  	s5 =	sshll.u32 s26, $0x1;
	_ =	strace $0x80000049;
	[dreg:$0x1] =	wrdreg $0xFFFFFFFF  }
0xa7: {  	s28 =	simm.s32 $_size_execute0_lowered;
	s3 =	sadd.s32 s3, s5;
	[dreg:$0x0] =	wrdreg $0x0  }
0xa8: {  	s5 =	sshll.u32 s28, $0x1;
	[dreg:$0x2] =	wrdreg s3  }
0xa9: {  	[dreg:$0x3] =	wrdreg s5  }
0xaa: {  	[dreg:$0x4] =	wrdreg $0xC0  }
0xab: {  	_ =	task [dreg:s7], $0x5FFFF  }
0xac: {  	[dreg:$0x1] =	wrdreg $0xFFFFFFFF  }
0xad: {  	[dreg:$0x0] =	wrdreg $0x60  }
0xae: {  	[dreg:$0x2] =	wrdreg s24  }
0xaf: {  	[dreg:$0x3] =	wrdreg s2  }
0xb0: {  	[dreg:$0x4] =	wrdreg $0x8D000  }
0xb1: {  	[dreg:$0x5] =	wrdreg $0x9  }
0xb2: {  	_ =	task.clear_ibuf [dreg:s7], $0x6FFFF;
	_ =	strace $0x90000049  }
0xb3: {  	s29 =	simm.s32 $0x9;
	_ =	strace $0x8000004B  }
0xb4: {  	_ =	swait.ge [sflag:s29], $0x1  }
0xb5: {  	[sflag:s29] =	ssyncadd.s32 $0xFFFFFFFF  }
0xb6: {  	_ =	strace $0x9000004B  }
0xb7: {  	_ =	sfence  }
0xb8: {  	s30 =	sld [smem:$0x0];
	_ =	sdelay $0x2  }
0xb9: {  	s31 =	sshll.u32 s1, $0xD;
	s1 =	sshrl.u32 s1, $0x2  }
0xba: {  	s3 =	sand.u32 $0x4000, s31;
	s1 =	sadd.s32 s1, s30  }
0xbb: {  	s0 =	sor.u32 s3, s0;
	s1 =	sshll.u32 s1, $0x11  }
0xbc: {  	s0 =	sor.u32 s1, s0  }
0xbd: {  	s0 =	sadd.s32 $0x8F2B, s0  }
0xbe: {  	[sflag:s0] =	ssyncadd.remote.s32 $0x1  }
0xbf: {  	_ =	sfence.sel $0xFFFF  }
0xc0: {  	[dreg:$0x0] =	wrdreg $0xFFFFFFFF;
	(pc) =	sbr.abs _section_cstart, $3  }
0xc1: {  	[dreg:$0x1] =	wrdreg $0xFFFFFFFF  }
0xc2: {  	_ =	task.clear_ibuf [dreg:s7], $0x2FFFF;
	_ =	strace $0x9FFFFFFF  }
0xc3: {  	(tm) =	ssettm $0x7FFFFFFF  }
tec
execute0_lowered:
.L_overlay_start_1:
0x0: {  	(tag) =	ssettag $0x1  }
0x1: {  	s0 =	rddreg [dreg:$0x0]  }
0x2: {  	s3 =	rddreg [dreg:$0x1]  }
0x3: {  	s1 =	rddreg [dreg:$0x2]  }
0x4: {  	s2 =	simm.s32 $0x0;
	s6 =	srdreg.scid;
	s13 =	stileid.u32  }
0x5: {  	s16 =	simm.s32 $0x5;
	s15 =	simm.s32 $0x500;
	s28 =	simm.s32 $0xC00  }
0x6: {  	s29 =	simm.s32 $0x600;
	s30 =	simm.s32 $0xC80;
	[smem:$0x7FF] =	sst s2  }
0x7: {  	s5 =	sadd.s32 $0x1A00, s0;
	s4 =	sadd.s32 $0x15400, s0;
	s8 =	smul.u32 $0x50000, s13  }
0x8: {  	s17 =	sand.u32 $0x1, s6;
	s10 =	smul.u32 $0x14000, s13;
	s12 =	sshll.u32 s13, $0x6  }
0x9: {  	s20 =	sshll.u32 s13, $0x4;
	s22 =	sadd.s32 $0x13C000, s1;
	s25 =	smul.u32 $0x4E0, s13  }
0xa: {  	_ =	strace $0x8000004A;
	s6 =	ssub.s32 $0x2, s17;
	s7 =	sshll.u32 s17, $0x4  }
0xb: {  	s31 =	sor.u32 $0x1C05, s12;
	s21 =	smul.u32 $0x140000, s17;
	[dreg:$0x8] =	wrdreg s22  }
0xc: {  	s0 =	smul.u32 $0x4E00, s17;
	s17 =	simm.s32 $0x680;
	s22 =	simm.s32 $0x4  }
0xd: {  	s9 =	sshrl.u32 s6, $0x1;
	s7 =	sor.u32 s13, s7;
	s8 =	sshrl.u32 s8, $0x2  }
0xe: {  	s11 =	sshrl.u32 s10, $0x3;
	s13 =	simm.s32 $0x480;
	[dreg:$0x5] =	wrdreg s31  }
0xf: {  	s6 =	ssub.s32 s6, s9;
	s18 =	smul.u32 $0x2700, s7;
	s8 =	sadd.s32 s8, s1  }
0x10: {  	s11 =	sadd.s32 s4, s11;
	s10 =	sadd.s32 s10, s21;
	s0 =	sadd.s32 s0, s5  }
0x11: {  	s21 =	simm.s32 $0x1;
	p0 =	sgt.u32 s7, $0x3;
	s7 =	simm.s32 $0xA00  }
0x12: {  	[dreg:$0x4] =	wrdreg s11;
	s24 =	sshrl.u32 s10, $0x3;
	s26 =	smax.u32 s6, $0x1  }
0x13: {  	s14 =	sadd.s32 s25, s0;
	s25 =	simm.s32 $0x3;
	s10 =	simm.s32 $0x380  }
0x14: {  	s11 =	simm.s32 $0x400;
	s6 =	simm.s32 $0xB00;
	s0 =	simm.s32 $0x0  }
0x15: {  	s9 =	sshrl.u32 s18, $0x3;
	s3 =	sadd.s32 s3, s24;
	[dreg:$0xc] =	wrdreg s26  }
0x16: {  	s18 =	simm.s32 $0x4D00;
	s24 =	simm.s32 $0xB80;
	[dreg:$0xe] =	wrdreg s0  }
0x17: {  	s26 =	simm.s32 $0x580;
	s19 =	sadd.s32 s5, s9;
	[dreg:$0xb] =	wrdreg s3  }
0x18: {  	s9 =	sadd.s32 s20, s5;
	s3 =	sshrl.u32 s8, $0x3;
	[dreg:$0x6] =	wrdreg s19  }
.Ltmp0:
0x19: {  	s12 =	sadd.s32 $0x9C40, s19;
	[dreg:$0xd] =	wrdreg s3;
	(pc) =	sbr.rel .LBB2_1-.Ltmp0, $4  }
0x1a: {  	s20 =	simm.s32 $0xD00;
	s23 =	sadd.s32 $0x9C00, s9;
	[dreg:$0x7] =	wrdreg s12  }
0x1b: {  	s5 =	simm.s32 $0x900;
	s9 =	sadd.s32 $0x13840, s9;
	[dreg:$0x9] =	wrdreg s23  }
0x1c: {  	s8 =	simm.s32 $0x300;
	s19 =	simm.s32 $0x80;
	[dreg:$0xa] =	wrdreg s9  }
0x1d: {  	s23 =	simm.s32 $0x2;
	s9 =	simm.s32 $0x980;
	s12 =	simm.s32 $0xA80  }
.LBB2_4:
0x1e: {  	s31 =	simm.s32 @!p0 $0x0;
	s0 =	rddreg [dreg:$0x9];
	s3 =	simm.s32 @!p0 $0x5  }
0x1f: {  	[tilespmem:s31], [sflag:$0x5] =	stream.linear.gather @!p0 [hbm4b:s0+s31], $0x80, $0x38;
	[tilespmem:$0x1CD00] =	vst v63  }
0x20: {  	_ =	swait.ge @!p0 [sflag:s3], $0x80  }
0x21: {  	[sflag:s3] =	ssyncset.done @!p0 $0x0  }
0x22: {  	s5 =	simm.s32 @!p0 $0x680;
	s0 =	rddreg [dreg:$0xa];
	[sflag:s3] =	ssyncadd.s32 @!p0 $0xFFFFFF80  }
0x23: {  	[tilespmem:s5], [sflag:$0x5] =	stream.linear.gather @!p0 [hbm4b:s0+s31], $0x80, $0x38;
	[tilespmem:$0x1CD00] =	vst v63  }
0x24: {  	_ =	swait.ge @!p0 [sflag:s3], $0x80  }
0x25: {  	[sflag:s3] =	ssyncset.done @!p0 $0x0  }
0x26: {  	s0 =	simm.s32 @!p0 $0x4;
	[sflag:s3] =	ssyncadd.s32 @!p0 $0xFFFFFF80  }
0x27: {  	_ =	swait.ge @!p0 [sflag:s0], $0x4000  }
0x28: {  	[sflag:s0] =	ssyncset.done @!p0 $0x0  }
0x29: {  	s5 =	simm.s32 @!p0 $0x80;
	[sflag:s0] =	ssyncadd.s32 @!p0 $0xFFFFC000;
	s0 =	simm.s32 @!p0 $0x4D00  }
0x2a: {  	[tilespmem:s0], [sflag:$0x2] =	stream.indirect.gather @!p0 [hbm4b:s4+s5], $0x80, s31, s5, $0xb8;
	[tilespmem:$0x1CD00] =	vst v63  }
0x2b: {  	s31 =	simm.s32 @!p0 $0x2  }
0x2c: {  	_ =	swait.ge @!p0 [sflag:s31], $0x4000  }
0x2d: {  	s3 =	simm.s32 @p0 $0x4;
	[sflag:s31] =	ssyncset.done @!p0 $0x0  }
0x2e: {  	s5 =	simm.s32 @!p0 $0x80;
	[sflag:s31] =	ssyncadd.s32 @!p0 $0xFFFFC000;
	s31 =	simm.s32 @!p0 $0x680  }
0x2f: {  	[spmem:s1] =	stream.indirect.scatter.add.f32 @!p0 [tilespmem:s0], [sflag:$0x5], $0x80, s31, s5, $0xb8;
	[tilespmem:$0x1CD00] =	vst v63  }
0x30: {  	_ =	swait.ge [sflag:s3], $0x4000  }
0x31: {  	[sflag:s3] =	ssyncset.done $0x0  }
0x32: {  	[sflag:s3] =	ssyncadd.s32 $0xFFFFC000  }
0x33: {  	_ =	swait.ge [sflag:s25], $0x4000  }
0x34: {  	[sflag:s25] =	ssyncset.done $0x0  }
0x35: {  	[sflag:s25] =	ssyncadd.s32 $0xFFFFC000  }
0x36: {  	[bflag:$0x0] =	sbarrier.arrive $0xFFFF  }
0x37: {  	s5 =	rddreg [dreg:$0x5]  }
0x38: {  	s0 =	rddreg [dreg:$0xb]  }
0x39: {  	s3 =	rddreg [dreg:$0xd]  }
0x3a: {  	[hbm:s0], [sflag:s5] =	dma.local [spmem:s3], $0x2800  }
0x3b: {  	_ =	swait.ge [sflag:s16], $0x2800  }
0x3c: {  	s31 =	rddreg [dreg:$0xe]  }
0x3d: {  	s0 =	rddreg [dreg:$0xc];
	s31 =	sadd.s32 $0x1, s31  }
0x3e: {  	p1 =	sne.s32 s31, s0  }
.Ltmp1:
0x3f: {  	_ = 	snop;
	(pc) =	sbr.rel @!p1 .LBB2_5-.Ltmp1, $4  }
0x40: {  	_ = 	snop  }
0x41: {  	[sflag:s16] =	ssyncset.done $0x0  }
0x42: {  	[sflag:s16] =	ssyncadd.s32 $0xFFFFD800  }
0x43: {  	[dreg:$0xe] =	wrdreg s31;
	s31 =	smov.u32 s5;
	s5 =	simm.s32 $0x900  }
.LBB2_1:
0x44: {  	s0 =	rddreg [dreg:$0x4]  }
0x45: {  	[spmem:s3], [sflag:s31] =	dma.local [hbm:s0], $0x2800  }
0x46: {  	_ =	swait.ge [sflag:s16], $0x2800  }
0x47: {  	[sflag:s16] =	ssyncset.done $0x0  }
0x48: {  	s3 =	rddreg [dreg:$0x6];
	[sflag:s16] =	ssyncadd.s32 $0xFFFFD800  }
0x49: {  	[tilespmem:s2], [sflag:$0x5] =	stream.linear.gather [hbm4b:s3+s2], $0x680, $0x38;
	[tilespmem:$0x1CD00] =	vst v63  }
0x4a: {  	_ =	swait.ge [sflag:s16], $0x680  }
0x4b: {  	[sflag:s16] =	ssyncset.done $0x0  }
0x4c: {  	s3 =	rddreg [dreg:$0x7];
	[sflag:s16] =	ssyncadd.s32 $0xFFFFF980  }
0x4d: {  	[tilespmem:s17], [sflag:$0x5] =	stream.linear.gather [hbm4b:s3+s2], $0x680, $0x38;
	[tilespmem:$0x1CD00] =	vst v63  }
0x4e: {  	_ =	swait.ge [sflag:s16], $0x680  }
0x4f: {  	[sflag:s16] =	ssyncset.done $0x0  }
0x50: {  	[sflag:s16] =	ssyncadd.s32 $0xFFFFF980  }
0x51: {  	[bflag:$0x0] =	sbarrier.arrive $0xFFFF  }
0x52: {  	s3 =	rddreg [dreg:$0x8]  }
0x53: {  	[spmem:s3] =	stream.linear.scatter [tilespmem:s18], [sflag:$0x4], $0x4000, $0x38;
	[tilespmem:$0x1CD00] =	vst v63  }
0x54: {  	s31 =	simm.s32 $0xFFFFFBF0  }
0x55: {  	[tilespmem:s20], [sflag:$0x1] =	stream.indirect.gather [hbm4b:s4+s19], $0x80, s2, s19, $0xb8;
	[tilespmem:$0x1CD00] =	vst v63  }
.LBB2_2:
0x56: {  	_ =	swait.ge [sflag:s21], $0x4000  }
0x57: {  	[sflag:s21] =	ssyncset.done $0x0  }
0x58: {  	[sflag:s21] =	ssyncadd.s32 $0xFFFFC000  }
0x59: {  	[spmem:s1] =	stream.indirect.scatter.add.f32 [tilespmem:s20], [sflag:$0x3], $0x80, s17, s19, $0xb8;
	[tilespmem:$0x1CD00] =	vst v63  }
0x5a: {  	_ =	swait.ge [sflag:s22], $0x4000  }
0x5b: {  	[sflag:s22] =	ssyncset.done $0x0  }
0x5c: {  	[sflag:s22] =	ssyncadd.s32 $0xFFFFC000  }
0x5d: {  	[tilespmem:s18], [sflag:$0x2] =	stream.indirect.gather [hbm4b:s4+s19], $0x80, s19, s19, $0xb8;
	[tilespmem:$0x1CD00] =	vst v63  }
0x5e: {  	_ =	swait.ge [sflag:s23], $0x4000  }
0x5f: {  	[sflag:s23] =	ssyncset.done $0x0  }
0x60: {  	s0 =	simm.s32 $0x700;
	[sflag:s23] =	ssyncadd.s32 $0xFFFFC000  }
0x61: {  	[spmem:s1] =	stream.indirect.scatter.add.f32 [tilespmem:s18], [sflag:$0x4], $0x80, s0, s19, $0xb8;
	[tilespmem:$0x1CD00] =	vst v63  }
0x62: {  	_ =	swait.ge [sflag:s25], $0x4000  }
0x63: {  	[sflag:s25] =	ssyncset.done $0x0  }
0x64: {  	s3 =	simm.s32 $0x100;
	[sflag:s25] =	ssyncadd.s32 $0xFFFFC000  }
0x65: {  	[tilespmem:s20], [sflag:$0x1] =	stream.indirect.gather [hbm4b:s4+s19], $0x80, s3, s19, $0xb8;
	[tilespmem:$0x1CD00] =	vst v63  }
0x66: {  	_ =	swait.ge [sflag:s21], $0x4000  }
0x67: {  	[sflag:s21] =	ssyncset.done $0x0  }
0x68: {  	s3 =	simm.s32 $0x780;
	[sflag:s21] =	ssyncadd.s32 $0xFFFFC000  }
0x69: {  	[spmem:s1] =	stream.indirect.scatter.add.f32 [tilespmem:s20], [sflag:$0x3], $0x80, s3, s19, $0xb8;
	[tilespmem:$0x1CD00] =	vst v63  }
0x6a: {  	_ =	swait.ge [sflag:s22], $0x4000  }
0x6b: {  	[sflag:s22] =	ssyncset.done $0x0  }
0x6c: {  	s3 =	simm.s32 $0x180;
	[sflag:s22] =	ssyncadd.s32 $0xFFFFC000  }
0x6d: {  	[tilespmem:s18], [sflag:$0x2] =	stream.indirect.gather [hbm4b:s4+s19], $0x80, s3, s19, $0xb8;
	[tilespmem:$0x1CD00] =	vst v63  }
0x6e: {  	_ =	swait.ge [sflag:s23], $0x4000  }
0x6f: {  	[sflag:s23] =	ssyncset.done $0x0  }
0x70: {  	s3 =	simm.s32 $0x800;
	[sflag:s23] =	ssyncadd.s32 $0xFFFFC000  }
0x71: {  	[spmem:s1] =	stream.indirect.scatter.add.f32 [tilespmem:s18], [sflag:$0x4], $0x80, s3, s19, $0xb8;
	[tilespmem:$0x1CD00] =	vst v63  }
0x72: {  	_ =	swait.ge [sflag:s25], $0x4000  }
0x73: {  	[sflag:s25] =	ssyncset.done $0x0  }
0x74: {  	s3 =	simm.s32 $0x200;
	[sflag:s25] =	ssyncadd.s32 $0xFFFFC000  }
0x75: {  	[tilespmem:s20], [sflag:$0x1] =	stream.indirect.gather [hbm4b:s4+s19], $0x80, s3, s19, $0xb8;
	[tilespmem:$0x1CD00] =	vst v63  }
0x76: {  	_ =	swait.ge [sflag:s21], $0x4000  }
0x77: {  	[sflag:s21] =	ssyncset.done $0x0  }
0x78: {  	s3 =	simm.s32 $0x880;
	[sflag:s21] =	ssyncadd.s32 $0xFFFFC000  }
0x79: {  	[spmem:s1] =	stream.indirect.scatter.add.f32 [tilespmem:s20], [sflag:$0x3], $0x80, s3, s19, $0xb8;
	[tilespmem:$0x1CD00] =	vst v63  }
0x7a: {  	_ =	swait.ge [sflag:s22], $0x4000  }
0x7b: {  	[sflag:s22] =	ssyncset.done $0x0  }
0x7c: {  	s3 =	simm.s32 $0x280;
	[sflag:s22] =	ssyncadd.s32 $0xFFFFC000  }
0x7d: {  	[tilespmem:s18], [sflag:$0x2] =	stream.indirect.gather [hbm4b:s4+s19], $0x80, s3, s19, $0xb8;
	[tilespmem:$0x1CD00] =	vst v63  }
0x7e: {  	_ =	swait.ge [sflag:s23], $0x4000  }
0x7f: {  	[sflag:s23] =	ssyncset.done $0x0  }
0x80: {  	[sflag:s23] =	ssyncadd.s32 $0xFFFFC000  }
0x81: {  	[spmem:s1] =	stream.indirect.scatter.add.f32 [tilespmem:s18], [sflag:$0x4], $0x80, s5, s19, $0xb8;
	[tilespmem:$0x1CD00] =	vst v63  }
0x82: {  	_ =	swait.ge [sflag:s25], $0x4000  }
0x83: {  	[sflag:s25] =	ssyncset.done $0x0  }
0x84: {  	[sflag:s25] =	ssyncadd.s32 $0xFFFFC000  }
0x85: {  	[tilespmem:s20], [sflag:$0x1] =	stream.indirect.gather [hbm4b:s4+s19], $0x80, s8, s19, $0xb8;
	[tilespmem:$0x1CD00] =	vst v63  }
0x86: {  	_ =	swait.ge [sflag:s21], $0x4000  }
0x87: {  	[sflag:s21] =	ssyncset.done $0x0  }
0x88: {  	[sflag:s21] =	ssyncadd.s32 $0xFFFFC000  }
0x89: {  	[spmem:s1] =	stream.indirect.scatter.add.f32 [tilespmem:s20], [sflag:$0x3], $0x80, s9, s19, $0xb8;
	[tilespmem:$0x1CD00] =	vst v63  }
0x8a: {  	_ =	swait.ge [sflag:s22], $0x4000  }
0x8b: {  	[sflag:s22] =	ssyncset.done $0x0  }
0x8c: {  	[sflag:s22] =	ssyncadd.s32 $0xFFFFC000  }
0x8d: {  	[tilespmem:s18], [sflag:$0x2] =	stream.indirect.gather [hbm4b:s4+s19], $0x80, s10, s19, $0xb8;
	[tilespmem:$0x1CD00] =	vst v63  }
0x8e: {  	_ =	swait.ge [sflag:s23], $0x4000  }
0x8f: {  	[sflag:s23] =	ssyncset.done $0x0  }
0x90: {  	[sflag:s23] =	ssyncadd.s32 $0xFFFFC000  }
0x91: {  	[spmem:s1] =	stream.indirect.scatter.add.f32 [tilespmem:s18], [sflag:$0x4], $0x80, s7, s19, $0xb8;
	[tilespmem:$0x1CD00] =	vst v63  }
0x92: {  	_ =	swait.ge [sflag:s25], $0x4000  }
0x93: {  	[sflag:s25] =	ssyncset.done $0x0  }
0x94: {  	[sflag:s25] =	ssyncadd.s32 $0xFFFFC000  }
0x95: {  	[tilespmem:s20], [sflag:$0x1] =	stream.indirect.gather [hbm4b:s4+s19], $0x80, s11, s19, $0xb8;
	[tilespmem:$0x1CD00] =	vst v63  }
0x96: {  	_ =	swait.ge [sflag:s21], $0x4000  }
0x97: {  	[sflag:s21] =	ssyncset.done $0x0  }
0x98: {  	[sflag:s21] =	ssyncadd.s32 $0xFFFFC000  }
0x99: {  	[spmem:s1] =	stream.indirect.scatter.add.f32 [tilespmem:s20], [sflag:$0x3], $0x80, s12, s19, $0xb8;
	[tilespmem:$0x1CD00] =	vst v63  }
0x9a: {  	_ =	swait.ge [sflag:s22], $0x4000  }
0x9b: {  	[sflag:s22] =	ssyncset.done $0x0  }
0x9c: {  	[sflag:s22] =	ssyncadd.s32 $0xFFFFC000  }
0x9d: {  	[tilespmem:s18], [sflag:$0x2] =	stream.indirect.gather [hbm4b:s4+s19], $0x80, s13, s19, $0xb8;
	[tilespmem:$0x1CD00] =	vst v63  }
0x9e: {  	_ =	swait.ge [sflag:s23], $0x4000  }
0x9f: {  	[sflag:s23] =	ssyncset.done $0x0  }
0xa0: {  	[sflag:s23] =	ssyncadd.s32 $0xFFFFC000  }
0xa1: {  	[spmem:s1] =	stream.indirect.scatter.add.f32 [tilespmem:s18], [sflag:$0x4], $0x80, s6, s19, $0xb8;
	[tilespmem:$0x1CD00] =	vst v63  }
0xa2: {  	_ =	swait.ge [sflag:s25], $0x4000  }
0xa3: {  	[sflag:s25] =	ssyncset.done $0x0  }
0xa4: {  	[sflag:s25] =	ssyncadd.s32 $0xFFFFC000  }
0xa5: {  	[tilespmem:s20], [sflag:$0x1] =	stream.indirect.gather [hbm4b:s4+s19], $0x80, s15, s19, $0xb8;
	[tilespmem:$0x1CD00] =	vst v63  }
0xa6: {  	_ =	swait.ge [sflag:s21], $0x4000  }
0xa7: {  	[sflag:s21] =	ssyncset.done $0x0  }
0xa8: {  	[sflag:s21] =	ssyncadd.s32 $0xFFFFC000  }
0xa9: {  	[spmem:s1] =	stream.indirect.scatter.add.f32 [tilespmem:s20], [sflag:$0x3], $0x80, s24, s19, $0xb8;
	[tilespmem:$0x1CD00] =	vst v63  }
0xaa: {  	_ =	swait.ge [sflag:s22], $0x4000  }
0xab: {  	[sflag:s22] =	ssyncset.done $0x0  }
0xac: {  	[sflag:s22] =	ssyncadd.s32 $0xFFFFC000  }
0xad: {  	[tilespmem:s18], [sflag:$0x2] =	stream.indirect.gather [hbm4b:s4+s19], $0x80, s26, s19, $0xb8;
	[tilespmem:$0x1CD00] =	vst v63  }
0xae: {  	_ =	swait.ge [sflag:s23], $0x4000  }
0xaf: {  	[sflag:s23] =	ssyncset.done $0x0  }
0xb0: {  	[sflag:s23] =	ssyncadd.s32 $0xFFFFC000  }
0xb1: {  	[spmem:s1] =	stream.indirect.scatter.add.f32 [tilespmem:s18], [sflag:$0x4], $0x80, s28, s19, $0xb8;
	[tilespmem:$0x1CD00] =	vst v63  }
0xb2: {  	_ =	swait.ge [sflag:s25], $0x4000  }
0xb3: {  	[sflag:s25] =	ssyncset.done $0x0  }
0xb4: {  	p1 =	seq.s32 s31, $0x0;
	[sflag:s25] =	ssyncadd.s32 $0xFFFFC000  }
0xb5: {  	[tilespmem:s20], [sflag:$0x1] =	stream.indirect.gather [hbm4b:s4+s19], $0x80, s29, s19, $0xb8;
	[tilespmem:$0x1CD00] =	vst v63  }
.Ltmp2:
0xb6: {  	_ = 	snop;
	(pc) =	sbr.rel @p1 .LBB2_4-.Ltmp2, $4  }
0xb7: {  	_ =	swait.ge [sflag:s21], $0x4000  }
0xb8: {  	[sflag:s21] =	ssyncset.done $0x0  }
0xb9: {  	[sflag:s21] =	ssyncadd.s32 $0xFFFFC000  }
0xba: {  	[spmem:s1] =	stream.indirect.scatter.add.f32 [tilespmem:s20], [sflag:$0x3], $0x80, s30, s19, $0xb8;
	[tilespmem:$0x1CD00] =	vst v63  }
0xbb: {  	s0 =	sadd.s32 s31, s14  }
0xbc: {  	s3 =	sadd.s32 $0x4E0, s0  }
0xbd: {  	[tilespmem:s2], [sflag:$0x5] =	stream.linear.gather [hbm4b:s3+s2], $0x680, $0x38;
	[tilespmem:$0x1CD00] =	vst v63  }
0xbe: {  	_ =	swait.ge [sflag:s16], $0x680  }
0xbf: {  	[sflag:s16] =	ssyncset.done $0x0  }
0xc0: {  	s0 =	sadd.s32 $0xA120, s0;
	[sflag:s16] =	ssyncadd.s32 $0xFFFFF980  }
0xc1: {  	[tilespmem:s17], [sflag:$0x5] =	stream.linear.gather [hbm4b:s0+s2], $0x680, $0x38;
	[tilespmem:$0x1CD00] =	vst v63  }
0xc2: {  	_ =	swait.ge [sflag:s16], $0x680  }
0xc3: {  	[sflag:s16] =	ssyncset.done $0x0  }
.Ltmp3:
0xc4: {  	[sflag:s16] =	ssyncadd.s32 $0xFFFFF980;
	(pc) =	sbr.rel .LBB2_2-.Ltmp3, $4  }
0xc5: {  	_ =	swait.ge [sflag:s25], $0x4000  }
0xc6: {  	[sflag:s25] =	ssyncset.done $0x0  }
0xc7: {  	s31 =	sadd.s32 $0xD0, s31;
	[sflag:s25] =	ssyncadd.s32 $0xFFFFC000  }
0xc8: {  	[tilespmem:s20], [sflag:$0x1] =	stream.indirect.gather [hbm4b:s4+s19], $0x80, s2, s19, $0xb8;
	[tilespmem:$0x1CD00] =	vst v63  }
.LBB2_5:
0xc9: {  	_ =	sfence.sel $0x180000  }
0xca: {  	[bflag:$0x0] =	sbarrier.arrive $0xFFFF  }
0xcb: {  	_ =	strace $0x9000004A  }
0xcc: {  	s0 =	stileid.u32;
	[bflag:$0x2] =	sbarrier.arrive $0xFFFF  }
0xcd: {  	p0 =	sne.s32 s0, $0x0;
	s0 =	rddreg [dreg:$0x3]  }
0xce: {  	s0 =	sadd.s32 @!p0 $0x100000, s0  }
0xcf: {  	[sflag:s0] =	ssyncadd.tile.s32 @!p0 $0x1;
	_ =	shalt  }
.Lfunc_end2:
_tile_overlayer_lowered:
.L_overlay_start_2:
0xd0: {  	(tag) =	ssettag $0x2  }
0xd1: {  	s0 =	rddreg [dreg:$0x0];
	s2 =	stileid.u32  }
0xd2: {  	s1 =	rddreg [dreg:$0x1];
	p0 =	sne.s32 s2, $0x0  }
0xd3: {  	s3 =	rddreg [dreg:$0x2];
	[bflag:$0x3] =	sbarrier.arrive $0xFFFF;
	s2 =	simm.s32 @!p0 $0x1C05  }
0xd4: {  	[timem:s3], [sflag:s2] =	dma.local @!p0 [hbm:s0], s1  }
0xd5: {  	s0 =	simm.s32 @!p0 $0x5  }
0xd6: {  	_ =	swait.ge @!p0 [sflag:s0], s1  }
0xd7: {  	s1 =	ssub.s32 @!p0 $0x0, s1;
	[sflag:s0] =	ssyncset.done @!p0 $0x0  }
0xd8: {  	[sflag:s0] =	ssyncadd.s32 @!p0 s1  }
0xd9: {  	[bflag:$0x3] =	sbarrier.arrive $0xFFFF  }
0xda: {  	_ =	shalt  }

</sc_bundles>
